<compile_context>
chip_gen: v7x
topology: tpu7x:2x2x1
jax: 0.10.2.dev20260603
libtpu: 0.0.44.dev20260713+nightly
codegen_flags: <defaults>
</compile_context>

<pallas_src>
import functools

import jax
import jax.numpy as jnp
from jax import lax
from jax.experimental import pallas as pl
from jax.experimental.pallas import tpu as pltpu
from jax.experimental.pallas import tpu_sc as plsc

N = 10000
E = 320000
D = 128
H = 128
C = 32

NPAD = 10240
NC = 2
NS = 16
NW = NC * NS
EPW = E // NW
K = 80
NCHUNK = 126
NBUF = 3
EPW_PAD = NCHUNK * K
IDXSHIFT = 14
PADVAL = (NPAD - 1) << IDXSHIFT
RPT = NPAD // NS

BR = 1024



def _make_sc_agg(d, with_deg):
  mesh = plsc.VectorSubcoreMesh(core_axis_name="c", subcore_axis_name="s")

  out_type = [jax.ShapeDtypeStruct((NC, NPAD, d), jnp.float32)]
  scratch = (
      [pltpu.VMEM((NCHUNK, K), jnp.int32)]
      + [pltpu.VMEM((K,), jnp.int32) for _ in range(NBUF)]
      + [pltpu.VMEM((K,), jnp.int32) for _ in range(NBUF)]
      + [pltpu.VMEM((K, d), jnp.float32) for _ in range(NBUF)]
      + [pltpu.VMEM_SHARED((NPAD, d), jnp.float32)]
      + [pltpu.SemaphoreType.DMA for _ in range(NBUF)]
  )
  if with_deg:
    out_type.append(jax.ShapeDtypeStruct((NC, NPAD), jnp.float32))
    scratch += [
        pltpu.VMEM((K,), jnp.float32),
        pltpu.VMEM_SHARED((NPAD,), jnp.float32),
    ]

  NGRP = NCHUNK // NBUF - 1

  def _pipeline(h_hbm, packedall, srcb, dstb, rows, sems, acc,
                deg_scatter):
    def unpack(i, b):
      for j in range(K // 16):
        v = packedall[i, pl.ds(j * 16, 16)]
        srcb[b][pl.ds(j * 16, 16)] = lax.bitwise_and(v, (1 << IDXSHIFT) - 1)
        dstb[b][pl.ds(j * 16, 16)] = lax.shift_right_logical(v, IDXSHIFT)

    def gather_start(b):
      pltpu.make_async_copy(h_hbm.at[srcb[b]], rows[b], sems[b]).start()

    def gather_wait(b):
      pltpu.make_async_copy(h_hbm.at[srcb[b]], rows[b], sems[b]).wait()

    def scatter(b):
      pltpu.sync_copy(rows[b], acc.at[dstb[b]], add=True)
      deg_scatter(dstb[b])

    for b in range(NBUF - 1):
      unpack(b, b)
      gather_start(b)

    def grp(p, carry):
      i = NBUF * p
      for j in range(NBUF):
        gather_wait(j)
        unpack(i + NBUF - 1 + j, (NBUF - 1 + j) % NBUF)
        gather_start((NBUF - 1 + j) % NBUF)
        scatter(j)
      return carry

    lax.fori_loop(0, NGRP, grp, 0)
    base = NGRP * NBUF
    gather_wait(0)
    unpack(base + NBUF - 1, NBUF - 1)
    gather_start(NBUF - 1)
    scatter(0)
    for j in range(1, NBUF):
      gather_wait(j)
      scatter(j)

  if with_deg:
    @functools.partial(pl.kernel, mesh=mesh, out_type=out_type,
                       scratch_types=scratch)
    def k(pk_hbm, h_hbm, zrows_hbm, zvec_hbm, ones_hbm,
          out_hbm, deg_hbm,
          packedall, src0, src1, src2, dst0, dst1, dst2,
          rows0, rows1, rows2, acc,
          sem0, sem1, sem2, onesv, dacc):
      cid = lax.axis_index("c")
      sid = lax.axis_index("s")
      wid = cid * NS + sid
      pltpu.sync_copy(zrows_hbm, acc.at[pl.ds(sid * RPT, RPT)])
      pltpu.sync_copy(ones_hbm, onesv)
      pltpu.sync_copy(zvec_hbm, dacc.at[pl.ds(sid * RPT, RPT)])
      pltpu.sync_copy(pk_hbm.at[wid], packedall)
      plsc.subcore_barrier()

      def deg_scatter(dref):
        pltpu.sync_copy(onesv, dacc.at[dref], add=True)

      _pipeline(h_hbm, packedall, (src0, src1, src2),
                (dst0, dst1, dst2), (rows0, rows1, rows2),
                (sem0, sem1, sem2), acc, deg_scatter)
      plsc.subcore_barrier()
      pltpu.sync_copy(acc.at[pl.ds(sid * RPT, RPT)],
                      out_hbm.at[cid, pl.ds(sid * RPT, RPT)])
      pltpu.sync_copy(dacc.at[pl.ds(sid * RPT, RPT)],
                      deg_hbm.at[cid, pl.ds(sid * RPT, RPT)])
  else:
    @functools.partial(pl.kernel, mesh=mesh, out_type=out_type,
                       scratch_types=scratch)
    def k(pk_hbm, h_hbm, zrows_hbm,
          out_hbm,
          packedall, src0, src1, src2, dst0, dst1, dst2,
          rows0, rows1, rows2, acc,
          sem0, sem1, sem2):
      cid = lax.axis_index("c")
      sid = lax.axis_index("s")
      wid = cid * NS + sid
      pltpu.sync_copy(zrows_hbm, acc.at[pl.ds(sid * RPT, RPT)])
      pltpu.sync_copy(pk_hbm.at[wid], packedall)
      plsc.subcore_barrier()
      _pipeline(h_hbm, packedall, (src0, src1, src2),
                (dst0, dst1, dst2), (rows0, rows1, rows2),
                (sem0, sem1, sem2), acc, lambda dref: None)
      plsc.subcore_barrier()
      pltpu.sync_copy(acc.at[pl.ds(sid * RPT, RPT)],
                      out_hbm.at[cid, pl.ds(sid * RPT, RPT)])

  return k


_sc_agg_deg = _make_sc_agg(D, with_deg=True)
_sc_agg_h = _make_sc_agg(H, with_deg=False)



def _row_spec(d):
  return pl.BlockSpec((BR, d), lambda i: (i, 0))


def _full_spec(shape):
  nd = len(shape)
  return pl.BlockSpec(shape, lambda i: (0,) * nd)


def _dense1_body(h_ref, a0_ref, a1_ref, d0_ref, d1_ref, ws_ref, wn_ref,
                 b_ref, o_ref):
  inv = 1.0 / jnp.maximum(d0_ref[...] + d1_ref[...], 1.0)
  mean = (a0_ref[...] + a1_ref[...]) * inv
  acc = jnp.dot(h_ref[...], ws_ref[...], preferred_element_type=jnp.float32)
  acc += jnp.dot(mean, wn_ref[...], preferred_element_type=jnp.float32)
  acc += b_ref[...]
  acc = jnp.maximum(acc, 0.0)
  nrm = jnp.sqrt(jnp.sum(acc * acc, axis=1, keepdims=True))
  o_ref[...] = acc / (nrm + 1e-12)


def _dense1(h, a0, a1, d0, d1, ws, wn, b):
  return pl.pallas_call(
      _dense1_body,
      grid=(NPAD // BR,),
      in_specs=[
          _row_spec(D), _row_spec(D), _row_spec(D),
          _row_spec(1), _row_spec(1),
          _full_spec((D, H)), _full_spec((D, H)), _full_spec((1, H)),
      ],
      out_specs=_row_spec(H),
      out_shape=jax.ShapeDtypeStruct((NPAD, H), jnp.float32),
  )(h, a0, a1, d0, d1, ws, wn, b)


def _dense2_body(h_ref, a0_ref, a1_ref, d0_ref, d1_ref, ws_ref, wn_ref,
                 b_ref, ws3_ref, b3_ref, hs_ref, hn_ref):
  inv = 1.0 / jnp.maximum(d0_ref[...] + d1_ref[...], 1.0)
  mean = (a0_ref[...] + a1_ref[...]) * inv
  acc = jnp.dot(h_ref[...], ws_ref[...], preferred_element_type=jnp.float32)
  acc += jnp.dot(mean, wn_ref[...], preferred_element_type=jnp.float32)
  acc += b_ref[...]
  acc = jnp.maximum(acc, 0.0)
  nrm = jnp.sqrt(jnp.sum(acc * acc, axis=1, keepdims=True))
  h2 = acc / (nrm + 1e-12)
  hs_ref[...] = (jnp.dot(h2, ws3_ref[...], preferred_element_type=jnp.float32)
                 + b3_ref[...])
  hn_ref[...] = h2


def _dense2(h, a0, a1, d0, d1, ws, wn, b, ws3, b3):
  return pl.pallas_call(
      _dense2_body,
      grid=(NPAD // BR,),
      in_specs=[
          _row_spec(H), _row_spec(H), _row_spec(H),
          _row_spec(1), _row_spec(1),
          _full_spec((H, H)), _full_spec((H, H)), _full_spec((1, H)),
          _full_spec((H, C)), _full_spec((1, C)),
      ],
      out_specs=[_row_spec(C), _row_spec(H)],
      out_shape=[jax.ShapeDtypeStruct((NPAD, C), jnp.float32),
                 jax.ShapeDtypeStruct((NPAD, H), jnp.float32)],
  )(h, a0, a1, d0, d1, ws, wn, b, ws3, b3)


def _post3_body(hs_ref, a0_ref, a1_ref, d0_ref, d1_ref, wn3_ref, o_ref):
  inv = 1.0 / jnp.maximum(d0_ref[...] + d1_ref[...], 1.0)
  mean = (a0_ref[...] + a1_ref[...]) * inv
  z = hs_ref[...] + jnp.dot(mean, wn3_ref[...],
                            preferred_element_type=jnp.float32)
  m = jnp.max(z, axis=1, keepdims=True)
  e = jnp.exp(z - m)
  o_ref[...] = e / jnp.sum(e, axis=1, keepdims=True)


def _post3(hs, a0, a1, d0, d1, wn3):
  return pl.pallas_call(
      _post3_body,
      grid=(NPAD // BR,),
      in_specs=[
          _row_spec(C), _row_spec(H), _row_spec(H),
          _row_spec(1), _row_spec(1),
          _full_spec((H, C)),
      ],
      out_specs=_row_spec(C),
      out_shape=jax.ShapeDtypeStruct((NPAD, C), jnp.float32),
  )(hs, a0, a1, d0, d1, wn3)



def kernel(x, edge_index, W_self1, W_neigh1, b1, W_self2, W_neigh2, b2,
           W_self3, W_neigh3, b3):
  packed = edge_index[0] + (edge_index[1] << IDXSHIFT)
  packed = jnp.pad(packed, (0, NW * EPW_PAD - E),
                   constant_values=PADVAL).reshape(NW, NCHUNK, K)
  x_pad = jnp.pad(x, ((0, NPAD - N), (0, 0)))

  zrows = jnp.zeros((RPT, D), jnp.float32)
  zvec = jnp.zeros((RPT,), jnp.float32)
  ones = jnp.ones((K,), jnp.float32)

  agg1, deg = _sc_agg_deg(packed, x_pad, zrows, zvec, ones)
  d0 = deg[0].reshape(NPAD, 1)
  d1 = deg[1].reshape(NPAD, 1)

  h1 = _dense1(x_pad, agg1[0], agg1[1], d0, d1,
               W_self1, W_neigh1, b1.reshape(1, H))

  agg2, = _sc_agg_h(packed, h1, zrows)
  hs3, h2 = _dense2(h1, agg2[0], agg2[1], d0, d1,
                    W_self2, W_neigh2, b2.reshape(1, H),
                    W_self3, b3.reshape(1, C))

  agg3, = _sc_agg_h(packed, h2, zrows)
  out = _post3(hs3, agg3[0], agg3[1], d0, d1, W_neigh3)
  return out[:N]

# --- scband reference (transcript-rebuilt; emitter-appended) ---
"""Pipeline reference for scband-graph-sage-11751030522721 (READ-ONLY COPY).

The authoritative reference and input builder live on the scoring server;
editing this copy changes nothing except your own understanding.
"""

import jax, jax.numpy as jnp
import numpy as np

N = 10000
E = 320000
D = 128
H = 128
C = 32


def setup_inputs(seed: int = 0) -> dict:
    key = jax.random.key(seed)
    ks = jax.random.split(key, 16)
    x = jax.random.normal(ks[0], (N, D), dtype=jnp.float32)
    edge_index = jax.random.randint(ks[1], (2, E), 0, N, dtype=jnp.int32)

    def glorot(k, shape):
        fan_in = shape[0]
        return jax.random.normal(k, shape, dtype=jnp.float32) * (1.0 / np.sqrt(fan_in))

    params = {
        'W_self1': glorot(ks[2], (D, H)),
        'W_neigh1': glorot(ks[3], (D, H)),
        'b1': jnp.zeros((H,), jnp.float32),
        'W_self2': glorot(ks[4], (H, H)),
        'W_neigh2': glorot(ks[5], (H, H)),
        'b2': jnp.zeros((H,), jnp.float32),
        'W_self3': glorot(ks[6], (H, C)),
        'W_neigh3': glorot(ks[7], (H, C)),
        'b3': jnp.zeros((C,), jnp.float32),
    }
    out = {'x': x, 'edge_index': edge_index}
    out.update(params)
    return out


def _sage_conv(h_src, h_dst, src, dst, W_self, W_neigh, b):
    # DGL SAGEConv with 'mean' aggregator:
    #   rst = fc_self(h_dst) + fc_neigh(mean_{u in N(v)} h_src[u]) + bias
    d = h_src.shape[1]
    deg = jnp.zeros((N,), jnp.float32).at[dst].add(1.0)
    agg = jnp.zeros((N, d), jnp.float32).at[dst].add(h_src[src])
    mean = agg / jnp.maximum(deg, 1.0)[:, None]
    return h_dst @ W_self + mean @ W_neigh + b


def reference(x, edge_index, W_self1, W_neigh1, b1, W_self2, W_neigh2, b2, W_self3, W_neigh3, b3):
    src = edge_index[0]
    dst = edge_index[1]
    h = x
    # layer 0
    h = _sage_conv(h, h, src, dst, W_self1, W_neigh1, b1)
    # dropout is identity in eval mode
    h = jax.nn.relu(h)
    norm = jnp.linalg.norm(h, ord=2, axis=1, keepdims=True)
    h = h / (norm + 1e-12)
    # layer 1
    h = _sage_conv(h, h, src, dst, W_self2, W_neigh2, b2)
    h = jax.nn.relu(h)
    norm = jnp.linalg.norm(h, ord=2, axis=1, keepdims=True)
    h = h / (norm + 1e-12)
    # last layer + softmax (n_classes > 1)
    h = _sage_conv(h, h, src, dst, W_self3, W_neigh3, b3)
    h = jax.nn.softmax(h, axis=1)
    return h

if __name__ == "__main__":
    import jax
    _d = setup_inputs()
    print(jax.jit(kernel)(*tuple(_d.values())))

</pallas_src>

<mosaic_0001>
#map = affine_map<(d0, d1) -> (0, 0, 0)>
#map1 = affine_map<(d0, d1) -> (0, 0)>
module attributes {stable_mosaic.version = 14 : i64} {
  func.func @k(%arg0: i32, %arg1: i32, %arg2: memref<32x126x80xi32, #tpu.memory_space<hbm>>, %arg3: memref<10240x128xf32, #tpu.memory_space<hbm>>, %arg4: memref<640x128xf32, #tpu.memory_space<hbm>>, %arg5: memref<2x10240x128xf32, #tpu.memory_space<hbm>>, %arg6: memref<126x80xi32, #tpu.memory_space<vmem>>, %arg7: memref<80xi32, #tpu.memory_space<vmem>>, %arg8: memref<80xi32, #tpu.memory_space<vmem>>, %arg9: memref<80xi32, #tpu.memory_space<vmem>>, %arg10: memref<80xi32, #tpu.memory_space<vmem>>, %arg11: memref<80xi32, #tpu.memory_space<vmem>>, %arg12: memref<80xi32, #tpu.memory_space<vmem>>, %arg13: memref<80x128xf32, #tpu.memory_space<vmem>>, %arg14: memref<80x128xf32, #tpu.memory_space<vmem>>, %arg15: memref<80x128xf32, #tpu.memory_space<vmem>>, %arg16: memref<10240x128xf32, #tpu.memory_space<vmem_shared>>, %arg17: memref<!tpu.dma_semaphore, #tpu.memory_space<semaphore_mem>>, %arg18: memref<!tpu.dma_semaphore, #tpu.memory_space<semaphore_mem>>, %arg19: memref<!tpu.dma_semaphore, #tpu.memory_space<semaphore_mem>>) attributes {dimension_semantics = [#tpu.dimension_semantics<core_parallel>, #tpu.dimension_semantics<subcore_parallel>], iteration_bounds = array<i64: 2, 16>, scalar_prefetch = 0 : i64, scratch_operands = 14 : i64, tpu.core_type = #tpu.core_type<sc_vector_subcore>, window_params = [{transform_indices = #map}, {transform_indices = #map1}, {transform_indices = #map1}, {transform_indices = #map}]} {
    %mul3A = arith.constant 16 : i32
    %mul3A_0 = arith.muli %arg0, %mul3A : i32
    %add3A = arith.addi %mul3A_0, %arg1 : i32
    %mul3A_1 = arith.constant 640 : i32
    %mul3A_2 = arith.muli %arg1, %mul3A_1 : i32
    "tpu.region"() ({
      %run_scoped3A = tpu.sem_alloc : memref<!tpu.dma_semaphore, #tpu.memory_space<semaphore_mem>>
      %dma_start3A_310 = arith.constant 0 : i32
      %dma_start3A_311 = tpu.memref_slice %arg16[%mul3A_2, %dma_start3A_310] : memref<10240x128xf32, #tpu.memory_space<vmem_shared>> -> memref<640x128xf32, #tpu.memory_space<vmem_shared>>
      tpu.enqueue_dma source(%arg4 : memref<640x128xf32, #tpu.memory_space<hbm>>) target(%dma_start3A_311 : memref<640x128xf32, #tpu.memory_space<vmem_shared>>) target_semaphore(%run_scoped3A : memref<!tpu.dma_semaphore, #tpu.memory_space<semaphore_mem>>)
      %dma_wait3A_312 = arith.constant 0 : i32
      %dma_wait3A_313 = tpu.memref_slice %arg16[%mul3A_2, %dma_wait3A_312] : memref<10240x128xf32, #tpu.memory_space<vmem_shared>> -> memref<640x128xf32, #tpu.memory_space<vmem_shared>>
      tpu.wait_dma2 semaphore(%run_scoped3A : memref<!tpu.dma_semaphore, #tpu.memory_space<semaphore_mem>>) src(%arg4 : memref<640x128xf32, #tpu.memory_space<hbm>>) dst(%dma_wait3A_313 : memref<640x128xf32, #tpu.memory_space<vmem_shared>>)
      tpu.yield
    }) : () -> ()
    "tpu.region"() ({
      %run_scoped3A = tpu.sem_alloc : memref<!tpu.dma_semaphore, #tpu.memory_space<semaphore_mem>>
      %dma_start3A_310 = arith.constant 0 : i32
      %dma_start3A_311 = arith.constant 0 : i32
      %dma_start3A_312 = tpu.memref_slice %arg2[%add3A, %dma_start3A_310, %dma_start3A_311] : memref<32x126x80xi32, #tpu.memory_space<hbm>> -> memref<1x126x80xi32, #tpu.memory_space<hbm>>
      %dma_start3A_313 = tpu.memref_squeeze %dma_start3A_312 : memref<1x126x80xi32, #tpu.memory_space<hbm>> -> memref<126x80xi32, #tpu.memory_space<hbm>>
      %dma_start3A_314 = arith.constant 0 : i32
      %dma_start3A_315 = arith.constant 0 : i32
      %dma_start3A_316 = tpu.memref_slice %arg2[%add3A, %dma_start3A_314, %dma_start3A_315] : memref<32x126x80xi32, #tpu.memory_space<hbm>> -> memref<1x126x80xi32, #tpu.memory_space<hbm>>
      %dma_start3A_317 = tpu.memref_squeeze %dma_start3A_316 : memref<1x126x80xi32, #tpu.memory_space<hbm>> -> memref<126x80xi32, #tpu.memory_space<hbm>>
      tpu.enqueue_dma source(%dma_start3A_317 : memref<126x80xi32, #tpu.memory_space<hbm>>) target(%arg6 : memref<126x80xi32, #tpu.memory_space<vmem>>) target_semaphore(%run_scoped3A : memref<!tpu.dma_semaphore, #tpu.memory_space<semaphore_mem>>)
      %dma_wait3A_318 = arith.constant 0 : i32
      %dma_wait3A_319 = arith.constant 0 : i32
      %dma_wait3A_320 = tpu.memref_slice %arg2[%add3A, %dma_wait3A_318, %dma_wait3A_319] : memref<32x126x80xi32, #tpu.memory_space<hbm>> -> memref<1x126x80xi32, #tpu.memory_space<hbm>>
      %dma_wait3A_321 = tpu.memref_squeeze %dma_wait3A_320 : memref<1x126x80xi32, #tpu.memory_space<hbm>> -> memref<126x80xi32, #tpu.memory_space<hbm>>
      %dma_wait3A_322 = arith.constant 0 : i32
      %dma_wait3A_323 = arith.constant 0 : i32
      %dma_wait3A_324 = tpu.memref_slice %arg2[%add3A, %dma_wait3A_322, %dma_wait3A_323] : memref<32x126x80xi32, #tpu.memory_space<hbm>> -> memref<1x126x80xi32, #tpu.memory_space<hbm>>
      %dma_wait3A_325 = tpu.memref_squeeze %dma_wait3A_324 : memref<1x126x80xi32, #tpu.memory_space<hbm>> -> memref<126x80xi32, #tpu.memory_space<hbm>>
      tpu.wait_dma2 semaphore(%run_scoped3A : memref<!tpu.dma_semaphore, #tpu.memory_space<semaphore_mem>>) src(%dma_wait3A_325 : memref<126x80xi32, #tpu.memory_space<hbm>>) dst(%arg6 : memref<126x80xi32, #tpu.memory_space<vmem>>)
      tpu.yield
    }) : () -> ()
    %barrier3A = arith.constant 0 : index
    tpu.barrier barrier_id(%barrier3A)
    %get3A = arith.constant 0 : i32
    %get3A_3 = arith.index_cast %get3A : i32 to index
    %get3A_4 = arith.constant 0 : index
    %get3A_5 = tpu.vector_load %arg6[%get3A_3, %get3A_4] {strides = array<i32>} : memref<126x80xi32, #tpu.memory_space<vmem>>, vector<1x16xi32>,
    %get3A_6 = vector.shape_cast %get3A_5 : vector<1x16xi32> to vector<16xi32>
    %and3A = arith.constant 16383 : i32
    %and3A_7 = vector.broadcast %and3A : i32 to vector<16xi32>
    %and3A_8 = arith.andi %get3A_6, %and3A_7 : vector<16xi32>
    %swap3A = arith.constant 0 : index
    %swap3A_9 = tpu.vector_load %arg7[%swap3A] {strides = array<i32>} : memref<80xi32, #tpu.memory_space<vmem>>, vector<16xi32>,
    %swap3A_10 = vector.shape_cast %swap3A_9 : vector<16xi32> to vector<16xi32>
    %swap3A_11 = vector.shape_cast %and3A_8 : vector<16xi32> to vector<16xi32>
    tpu.vector_store %arg7[%swap3A], %swap3A_11 {strides = array<i32>} : memref<80xi32, #tpu.memory_space<vmem>>, vector<16xi32>,
    %shift_right_logical3A = arith.constant 14 : i32
    %shift_right_logical3A_12 = vector.broadcast %shift_right_logical3A : i32 to vector<16xi32>
    %shift_right_logical3A_13 = arith.shrui %get3A_6, %shift_right_logical3A_12 : vector<16xi32>
    %swap3A_14 = arith.constant 0 : index
    %swap3A_15 = tpu.vector_load %arg10[%swap3A_14] {strides = array<i32>} : memref<80xi32, #tpu.memory_space<vmem>>, vector<16xi32>,
    %swap3A_16 = vector.shape_cast %swap3A_15 : vector<16xi32> to vector<16xi32>
    %swap3A_17 = vector.shape_cast %shift_right_logical3A_13 : vector<16xi32> to vector<16xi32>
    tpu.vector_store %arg10[%swap3A_14], %swap3A_17 {strides = array<i32>} : memref<80xi32, #tpu.memory_space<vmem>>, vector<16xi32>,
    %get3A_18 = arith.constant 0 : i32
    %get3A_19 = arith.index_cast %get3A_18 : i32 to index
    %get3A_20 = arith.constant 16 : index
    %get3A_21 = tpu.vector_load %arg6[%get3A_19, %get3A_20] {strides = array<i32>} : memref<126x80xi32, #tpu.memory_space<vmem>>, vector<1x16xi32>,
    %get3A_22 = vector.shape_cast %get3A_21 : vector<1x16xi32> to vector<16xi32>
    %and3A_23 = arith.constant 16383 : i32
    %and3A_24 = vector.broadcast %and3A_23 : i32 to vector<16xi32>
    %and3A_25 = arith.andi %get3A_22, %and3A_24 : vector<16xi32>
    %swap3A_26 = arith.constant 16 : index
    %swap3A_27 = tpu.vector_load %arg7[%swap3A_26] {strides = array<i32>} : memref<80xi32, #tpu.memory_space<vmem>>, vector<16xi32>,
    %swap3A_28 = vector.shape_cast %swap3A_27 : vector<16xi32> to vector<16xi32>
    %swap3A_29 = vector.shape_cast %and3A_25 : vector<16xi32> to vector<16xi32>
    tpu.vector_store %arg7[%swap3A_26], %swap3A_29 {strides = array<i32>} : memref<80xi32, #tpu.memory_space<vmem>>, vector<16xi32>,
    %shift_right_logical3A_30 = arith.constant 14 : i32
    %shift_right_logical3A_31 = vector.broadcast %shift_right_logical3A_30 : i32 to vector<16xi32>
    %shift_right_logical3A_32 = arith.shrui %get3A_22, %shift_right_logical3A_31 : vector<16xi32>
    %swap3A_33 = arith.constant 16 : index
    %swap3A_34 = tpu.vector_load %arg10[%swap3A_33] {strides = array<i32>} : memref<80xi32, #tpu.memory_space<vmem>>, vector<16xi32>,
    %swap3A_35 = vector.shape_cast %swap3A_34 : vector<16xi32> to vector<16xi32>
    %swap3A_36 = vector.shape_cast %shift_right_logical3A_32 : vector<16xi32> to vector<16xi32>
    tpu.vector_store %arg10[%swap3A_33], %swap3A_36 {strides = array<i32>} : memref<80xi32, #tpu.memory_space<vmem>>, vector<16xi32>,
    %get3A_37 = arith.constant 0 : i32
    %get3A_38 = arith.index_cast %get3A_37 : i32 to index
    %get3A_39 = arith.constant 32 : index
    %get3A_40 = tpu.vector_load %arg6[%get3A_38, %get3A_39] {strides = array<i32>} : memref<126x80xi32, #tpu.memory_space<vmem>>, vector<1x16xi32>,
    %get3A_41 = vector.shape_cast %get3A_40 : vector<1x16xi32> to vector<16xi32>
    %and3A_42 = arith.constant 16383 : i32
    %and3A_43 = vector.broadcast %and3A_42 : i32 to vector<16xi32>
    %and3A_44 = arith.andi %get3A_41, %and3A_43 : vector<16xi32>
    %swap3A_45 = arith.constant 32 : index
    %swap3A_46 = tpu.vector_load %arg7[%swap3A_45] {strides = array<i32>} : memref<80xi32, #tpu.memory_space<vmem>>, vector<16xi32>,
    %swap3A_47 = vector.shape_cast %swap3A_46 : vector<16xi32> to vector<16xi32>
    %swap3A_48 = vector.shape_cast %and3A_44 : vector<16xi32> to vector<16xi32>
    tpu.vector_store %arg7[%swap3A_45], %swap3A_48 {strides = array<i32>} : memref<80xi32, #tpu.memory_space<vmem>>, vector<16xi32>,
    %shift_right_logical3A_49 = arith.constant 14 : i32
    %shift_right_logical3A_50 = vector.broadcast %shift_right_logical3A_49 : i32 to vector<16xi32>
    %shift_right_logical3A_51 = arith.shrui %get3A_41, %shift_right_logical3A_50 : vector<16xi32>
    %swap3A_52 = arith.constant 32 : index
    %swap3A_53 = tpu.vector_load %arg10[%swap3A_52] {strides = array<i32>} : memref<80xi32, #tpu.memory_space<vmem>>, vector<16xi32>,
    %swap3A_54 = vector.shape_cast %swap3A_53 : vector<16xi32> to vector<16xi32>
    %swap3A_55 = vector.shape_cast %shift_right_logical3A_51 : vector<16xi32> to vector<16xi32>
    tpu.vector_store %arg10[%swap3A_52], %swap3A_55 {strides = array<i32>} : memref<80xi32, #tpu.memory_space<vmem>>, vector<16xi32>,
    %get3A_56 = arith.constant 0 : i32
    %get3A_57 = arith.index_cast %get3A_56 : i32 to index
    %get3A_58 = arith.constant 48 : index
    %get3A_59 = tpu.vector_load %arg6[%get3A_57, %get3A_58] {strides = array<i32>} : memref<126x80xi32, #tpu.memory_space<vmem>>, vector<1x16xi32>,
    %get3A_60 = vector.shape_cast %get3A_59 : vector<1x16xi32> to vector<16xi32>
    %and3A_61 = arith.constant 16383 : i32
    %and3A_62 = vector.broadcast %and3A_61 : i32 to vector<16xi32>
    %and3A_63 = arith.andi %get3A_60, %and3A_62 : vector<16xi32>
    %swap3A_64 = arith.constant 48 : index
    %swap3A_65 = tpu.vector_load %arg7[%swap3A_64] {strides = array<i32>} : memref<80xi32, #tpu.memory_space<vmem>>, vector<16xi32>,
    %swap3A_66 = vector.shape_cast %swap3A_65 : vector<16xi32> to vector<16xi32>
    %swap3A_67 = vector.shape_cast %and3A_63 : vector<16xi32> to vector<16xi32>
    tpu.vector_store %arg7[%swap3A_64], %swap3A_67 {strides = array<i32>} : memref<80xi32, #tpu.memory_space<vmem>>, vector<16xi32>,
    %shift_right_logical3A_68 = arith.constant 14 : i32
    %shift_right_logical3A_69 = vector.broadcast %shift_right_logical3A_68 : i32 to vector<16xi32>
    %shift_right_logical3A_70 = arith.shrui %get3A_60, %shift_right_logical3A_69 : vector<16xi32>
    %swap3A_71 = arith.constant 48 : index
    %swap3A_72 = tpu.vector_load %arg10[%swap3A_71] {strides = array<i32>} : memref<80xi32, #tpu.memory_space<vmem>>, vector<16xi32>,
    %swap3A_73 = vector.shape_cast %swap3A_72 : vector<16xi32> to vector<16xi32>
    %swap3A_74 = vector.shape_cast %shift_right_logical3A_70 : vector<16xi32> to vector<16xi32>
    tpu.vector_store %arg10[%swap3A_71], %swap3A_74 {strides = array<i32>} : memref<80xi32, #tpu.memory_space<vmem>>, vector<16xi32>,
    %get3A_75 = arith.constant 0 : i32
    %get3A_76 = arith.index_cast %get3A_75 : i32 to index
    %get3A_77 = arith.constant 64 : index
    %get3A_78 = tpu.vector_load %arg6[%get3A_76, %get3A_77] {strides = array<i32>} : memref<126x80xi32, #tpu.memory_space<vmem>>, vector<1x16xi32>,
    %get3A_79 = vector.shape_cast %get3A_78 : vector<1x16xi32> to vector<16xi32>
    %and3A_80 = arith.constant 16383 : i32
    %and3A_81 = vector.broadcast %and3A_80 : i32 to vector<16xi32>
    %and3A_82 = arith.andi %get3A_79, %and3A_81 : vector<16xi32>
    %swap3A_83 = arith.constant 64 : index
    %swap3A_84 = tpu.vector_load %arg7[%swap3A_83] {strides = array<i32>} : memref<80xi32, #tpu.memory_space<vmem>>, vector<16xi32>,
    %swap3A_85 = vector.shape_cast %swap3A_84 : vector<16xi32> to vector<16xi32>
    %swap3A_86 = vector.shape_cast %and3A_82 : vector<16xi32> to vector<16xi32>
    tpu.vector_store %arg7[%swap3A_83], %swap3A_86 {strides = array<i32>} : memref<80xi32, #tpu.memory_space<vmem>>, vector<16xi32>,
    %shift_right_logical3A_87 = arith.constant 14 : i32
    %shift_right_logical3A_88 = vector.broadcast %shift_right_logical3A_87 : i32 to vector<16xi32>
    %shift_right_logical3A_89 = arith.shrui %get3A_79, %shift_right_logical3A_88 : vector<16xi32>
    %swap3A_90 = arith.constant 64 : index
    %swap3A_91 = tpu.vector_load %arg10[%swap3A_90] {strides = array<i32>} : memref<80xi32, #tpu.memory_space<vmem>>, vector<16xi32>,
    %swap3A_92 = vector.shape_cast %swap3A_91 : vector<16xi32> to vector<16xi32>
    %swap3A_93 = vector.shape_cast %shift_right_logical3A_89 : vector<16xi32> to vector<16xi32>
    tpu.vector_store %arg10[%swap3A_90], %swap3A_93 {strides = array<i32>} : memref<80xi32, #tpu.memory_space<vmem>>, vector<16xi32>,
    %dma_start3A = arith.constant 0 : i32
    %dma_start3A_94 = arith.constant 0 : i32
    %dma_start3A_95 = tpu.memref_slice %arg3[%dma_start3A, %dma_start3A_94] : memref<10240x128xf32, #tpu.memory_space<hbm>> -> memref<10240x128xf32, #tpu.memory_space<hbm>>
    tpu.enqueue_indirect_dma source(%dma_start3A_95 : memref<10240x128xf32, #tpu.memory_space<hbm>>) target(%arg13 : memref<80x128xf32, #tpu.memory_space<vmem>>) offsets(%arg7 : memref<80xi32, #tpu.memory_space<vmem>>) semaphore(%arg17 : memref<!tpu.dma_semaphore, #tpu.memory_space<semaphore_mem>>)
    %get3A_96 = arith.constant 1 : i32
    %get3A_97 = arith.index_cast %get3A_96 : i32 to index
    %get3A_98 = arith.constant 0 : index
    %get3A_99 = tpu.vector_load %arg6[%get3A_97, %get3A_98] {strides = array<i32>} : memref<126x80xi32, #tpu.memory_space<vmem>>, vector<1x16xi32>,
    %get3A_100 = vector.shape_cast %get3A_99 : vector<1x16xi32> to vector<16xi32>
    %and3A_101 = arith.constant 16383 : i32
    %and3A_102 = vector.broadcast %and3A_101 : i32 to vector<16xi32>
    %and3A_103 = arith.andi %get3A_100, %and3A_102 : vector<16xi32>
    %swap3A_104 = arith.constant 0 : index
    %swap3A_105 = tpu.vector_load %arg8[%swap3A_104] {strides = array<i32>} : memref<80xi32, #tpu.memory_space<vmem>>, vector<16xi32>,
    %swap3A_106 = vector.shape_cast %swap3A_105 : vector<16xi32> to vector<16xi32>
    %swap3A_107 = vector.shape_cast %and3A_103 : vector<16xi32> to vector<16xi32>
    tpu.vector_store %arg8[%swap3A_104], %swap3A_107 {strides = array<i32>} : memref<80xi32, #tpu.memory_space<vmem>>, vector<16xi32>,
    %shift_right_logical3A_108 = arith.constant 14 : i32
    %shift_right_logical3A_109 = vector.broadcast %shift_right_logical3A_108 : i32 to vector<16xi32>
    %shift_right_logical3A_110 = arith.shrui %get3A_100, %shift_right_logical3A_109 : vector<16xi32>
    %swap3A_111 = arith.constant 0 : index
    %swap3A_112 = tpu.vector_load %arg11[%swap3A_111] {strides = array<i32>} : memref<80xi32, #tpu.memory_space<vmem>>, vector<16xi32>,
    %swap3A_113 = vector.shape_cast %swap3A_112 : vector<16xi32> to vector<16xi32>
    %swap3A_114 = vector.shape_cast %shift_right_logical3A_110 : vector<16xi32> to vector<16xi32>
    tpu.vector_store %arg11[%swap3A_111], %swap3A_114 {strides = array<i32>} : memref<80xi32, #tpu.memory_space<vmem>>, vector<16xi32>,
    %get3A_115 = arith.constant 1 : i32
    %get3A_116 = arith.index_cast %get3A_115 : i32 to index
    %get3A_117 = arith.constant 16 : index
    %get3A_118 = tpu.vector_load %arg6[%get3A_116, %get3A_117] {strides = array<i32>} : memref<126x80xi32, #tpu.memory_space<vmem>>, vector<1x16xi32>,
    %get3A_119 = vector.shape_cast %get3A_118 : vector<1x16xi32> to vector<16xi32>
    %and3A_120 = arith.constant 16383 : i32
    %and3A_121 = vector.broadcast %and3A_120 : i32 to vector<16xi32>
    %and3A_122 = arith.andi %get3A_119, %and3A_121 : vector<16xi32>
    %swap3A_123 = arith.constant 16 : index
    %swap3A_124 = tpu.vector_load %arg8[%swap3A_123] {strides = array<i32>} : memref<80xi32, #tpu.memory_space<vmem>>, vector<16xi32>,
    %swap3A_125 = vector.shape_cast %swap3A_124 : vector<16xi32> to vector<16xi32>
    %swap3A_126 = vector.shape_cast %and3A_122 : vector<16xi32> to vector<16xi32>
    tpu.vector_store %arg8[%swap3A_123], %swap3A_126 {strides = array<i32>} : memref<80xi32, #tpu.memory_space<vmem>>, vector<16xi32>,
    %shift_right_logical3A_127 = arith.constant 14 : i32
    %shift_right_logical3A_128 = vector.broadcast %shift_right_logical3A_127 : i32 to vector<16xi32>
    %shift_right_logical3A_129 = arith.shrui %get3A_119, %shift_right_logical3A_128 : vector<16xi32>
    %swap3A_130 = arith.constant 16 : index
    %swap3A_131 = tpu.vector_load %arg11[%swap3A_130] {strides = array<i32>} : memref<80xi32, #tpu.memory_space<vmem>>, vector<16xi32>,
    %swap3A_132 = vector.shape_cast %swap3A_131 : vector<16xi32> to vector<16xi32>
    %swap3A_133 = vector.shape_cast %shift_right_logical3A_129 : vector<16xi32> to vector<16xi32>
    tpu.vector_store %arg11[%swap3A_130], %swap3A_133 {strides = array<i32>} : memref<80xi32, #tpu.memory_space<vmem>>, vector<16xi32>,
    %get3A_134 = arith.constant 1 : i32
    %get3A_135 = arith.index_cast %get3A_134 : i32 to index
    %get3A_136 = arith.constant 32 : index
    %get3A_137 = tpu.vector_load %arg6[%get3A_135, %get3A_136] {strides = array<i32>} : memref<126x80xi32, #tpu.memory_space<vmem>>, vector<1x16xi32>,
    %get3A_138 = vector.shape_cast %get3A_137 : vector<1x16xi32> to vector<16xi32>
    %and3A_139 = arith.constant 16383 : i32
    %and3A_140 = vector.broadcast %and3A_139 : i32 to vector<16xi32>
    %and3A_141 = arith.andi %get3A_138, %and3A_140 : vector<16xi32>
    %swap3A_142 = arith.constant 32 : index
    %swap3A_143 = tpu.vector_load %arg8[%swap3A_142] {strides = array<i32>} : memref<80xi32, #tpu.memory_space<vmem>>, vector<16xi32>,
    %swap3A_144 = vector.shape_cast %swap3A_143 : vector<16xi32> to vector<16xi32>
    %swap3A_145 = vector.shape_cast %and3A_141 : vector<16xi32> to vector<16xi32>
    tpu.vector_store %arg8[%swap3A_142], %swap3A_145 {strides = array<i32>} : memref<80xi32, #tpu.memory_space<vmem>>, vector<16xi32>,
    %shift_right_logical3A_146 = arith.constant 14 : i32
    %shift_right_logical3A_147 = vector.broadcast %shift_right_logical3A_146 : i32 to vector<16xi32>
    %shift_right_logical3A_148 = arith.shrui %get3A_138, %shift_right_logical3A_147 : vector<16xi32>
    %swap3A_149 = arith.constant 32 : index
    %swap3A_150 = tpu.vector_load %arg11[%swap3A_149] {strides = array<i32>} : memref<80xi32, #tpu.memory_space<vmem>>, vector<16xi32>,
    %swap3A_151 = vector.shape_cast %swap3A_150 : vector<16xi32> to vector<16xi32>
    %swap3A_152 = vector.shape_cast %shift_right_logical3A_148 : vector<16xi32> to vector<16xi32>
    tpu.vector_store %arg11[%swap3A_149], %swap3A_152 {strides = array<i32>} : memref<80xi32, #tpu.memory_space<vmem>>, vector<16xi32>,
    %get3A_153 = arith.constant 1 : i32
    %get3A_154 = arith.index_cast %get3A_153 : i32 to index
    %get3A_155 = arith.constant 48 : index
    %get3A_156 = tpu.vector_load %arg6[%get3A_154, %get3A_155] {strides = array<i32>} : memref<126x80xi32, #tpu.memory_space<vmem>>, vector<1x16xi32>,
    %get3A_157 = vector.shape_cast %get3A_156 : vector<1x16xi32> to vector<16xi32>
    %and3A_158 = arith.constant 16383 : i32
    %and3A_159 = vector.broadcast %and3A_158 : i32 to vector<16xi32>
    %and3A_160 = arith.andi %get3A_157, %and3A_159 : vector<16xi32>
    %swap3A_161 = arith.constant 48 : index
    %swap3A_162 = tpu.vector_load %arg8[%swap3A_161] {strides = array<i32>} : memref<80xi32, #tpu.memory_space<vmem>>, vector<16xi32>,
    %swap3A_163 = vector.shape_cast %swap3A_162 : vector<16xi32> to vector<16xi32>
    %swap3A_164 = vector.shape_cast %and3A_160 : vector<16xi32> to vector<16xi32>
    tpu.vector_store %arg8[%swap3A_161], %swap3A_164 {strides = array<i32>} : memref<80xi32, #tpu.memory_space<vmem>>, vector<16xi32>,
    %shift_right_logical3A_165 = arith.constant 14 : i32
    %shift_right_logical3A_166 = vector.broadcast %shift_right_logical3A_165 : i32 to vector<16xi32>
    %shift_right_logical3A_167 = arith.shrui %get3A_157, %shift_right_logical3A_166 : vector<16xi32>
    %swap3A_168 = arith.constant 48 : index
    %swap3A_169 = tpu.vector_load %arg11[%swap3A_168] {strides = array<i32>} : memref<80xi32, #tpu.memory_space<vmem>>, vector<16xi32>,
    %swap3A_170 = vector.shape_cast %swap3A_169 : vector<16xi32> to vector<16xi32>
    %swap3A_171 = vector.shape_cast %shift_right_logical3A_167 : vector<16xi32> to vector<16xi32>
    tpu.vector_store %arg11[%swap3A_168], %swap3A_171 {strides = array<i32>} : memref<80xi32, #tpu.memory_space<vmem>>, vector<16xi32>,
    %get3A_172 = arith.constant 1 : i32
    %get3A_173 = arith.index_cast %get3A_172 : i32 to index
    %get3A_174 = arith.constant 64 : index
    %get3A_175 = tpu.vector_load %arg6[%get3A_173, %get3A_174] {strides = array<i32>} : memref<126x80xi32, #tpu.memory_space<vmem>>, vector<1x16xi32>,
    %get3A_176 = vector.shape_cast %get3A_175 : vector<1x16xi32> to vector<16xi32>
    %and3A_177 = arith.constant 16383 : i32
    %and3A_178 = vector.broadcast %and3A_177 : i32 to vector<16xi32>
    %and3A_179 = arith.andi %get3A_176, %and3A_178 : vector<16xi32>
    %swap3A_180 = arith.constant 64 : index
    %swap3A_181 = tpu.vector_load %arg8[%swap3A_180] {strides = array<i32>} : memref<80xi32, #tpu.memory_space<vmem>>, vector<16xi32>,
    %swap3A_182 = vector.shape_cast %swap3A_181 : vector<16xi32> to vector<16xi32>
    %swap3A_183 = vector.shape_cast %and3A_179 : vector<16xi32> to vector<16xi32>
    tpu.vector_store %arg8[%swap3A_180], %swap3A_183 {strides = array<i32>} : memref<80xi32, #tpu.memory_space<vmem>>, vector<16xi32>,
    %shift_right_logical3A_184 = arith.constant 14 : i32
    %shift_right_logical3A_185 = vector.broadcast %shift_right_logical3A_184 : i32 to vector<16xi32>
    %shift_right_logical3A_186 = arith.shrui %get3A_176, %shift_right_logical3A_185 : vector<16xi32>
    %swap3A_187 = arith.constant 64 : index
    %swap3A_188 = tpu.vector_load %arg11[%swap3A_187] {strides = array<i32>} : memref<80xi32, #tpu.memory_space<vmem>>, vector<16xi32>,
    %swap3A_189 = vector.shape_cast %swap3A_188 : vector<16xi32> to vector<16xi32>
    %swap3A_190 = vector.shape_cast %shift_right_logical3A_186 : vector<16xi32> to vector<16xi32>
    tpu.vector_store %arg11[%swap3A_187], %swap3A_190 {strides = array<i32>} : memref<80xi32, #tpu.memory_space<vmem>>, vector<16xi32>,
    %dma_start3A_191 = arith.constant 0 : i32
    %dma_start3A_192 = arith.constant 0 : i32
    %dma_start3A_193 = tpu.memref_slice %arg3[%dma_start3A_191, %dma_start3A_192] : memref<10240x128xf32, #tpu.memory_space<hbm>> -> memref<10240x128xf32, #tpu.memory_space<hbm>>
    tpu.enqueue_indirect_dma source(%dma_start3A_193 : memref<10240x128xf32, #tpu.memory_space<hbm>>) target(%arg14 : memref<80x128xf32, #tpu.memory_space<vmem>>) offsets(%arg8 : memref<80xi32, #tpu.memory_space<vmem>>) semaphore(%arg18 : memref<!tpu.dma_semaphore, #tpu.memory_space<semaphore_mem>>)
    %scan3A = arith.constant 0 : i32
    %scan3A_194 = arith.constant 0 : i32
    %scan3A_195 = arith.constant 41 : i32
    %scan3A_196 = arith.addi %scan3A_194, %scan3A_195 : i32
    %scan3A_197 = arith.constant 1 : i32
    scf.for %scan3A_310 = %scan3A_194 to %scan3A_196 step %scan3A_197  : i32 {
      %mul3A_311 = arith.constant 3 : i32
      %mul3A_312 = arith.muli %mul3A_311, %scan3A_310 : i32
      %dma_wait3A_313 = arith.constant 0 : i32
      %dma_wait3A_314 = arith.constant 0 : i32
      %dma_wait3A_315 = tpu.memref_slice %arg3[%dma_wait3A_313, %dma_wait3A_314] : memref<10240x128xf32, #tpu.memory_space<hbm>> -> memref<10240x128xf32, #tpu.memory_space<hbm>>
      tpu.wait_indirect_dma semaphore(%arg17 : memref<!tpu.dma_semaphore, #tpu.memory_space<semaphore_mem>>) src(%dma_wait3A_315 : memref<10240x128xf32, #tpu.memory_space<hbm>>) dst(%arg13 : memref<80x128xf32, #tpu.memory_space<vmem>>)
      %add3A_316 = arith.constant 3 : i32
      %add3A_317 = arith.addi %mul3A_312, %add3A_316 : i32
      %sub3A = arith.constant 1 : i32
      %sub3A_318 = arith.subi %add3A_317, %sub3A : i32
      %add3A_319 = arith.constant 0 : i32
      %add3A_320 = arith.addi %sub3A_318, %add3A_319 : i32
      %get3A_321 = arith.index_cast %add3A_320 : i32 to index
      %get3A_322 = arith.constant 0 : index
      %get3A_323 = tpu.vector_load %arg6[%get3A_321, %get3A_322] {strides = array<i32>} : memref<126x80xi32, #tpu.memory_space<vmem>>, vector<1x16xi32>,
      %get3A_324 = vector.shape_cast %get3A_323 : vector<1x16xi32> to vector<16xi32>
      %and3A_325 = arith.constant 16383 : i32
      %and3A_326 = vector.broadcast %and3A_325 : i32 to vector<16xi32>
      %and3A_327 = arith.andi %get3A_324, %and3A_326 : vector<16xi32>
      %swap3A_328 = arith.constant 0 : index
      %swap3A_329 = tpu.vector_load %arg9[%swap3A_328] {strides = array<i32>} : memref<80xi32, #tpu.memory_space<vmem>>, vector<16xi32>,
      %swap3A_330 = vector.shape_cast %swap3A_329 : vector<16xi32> to vector<16xi32>
      %swap3A_331 = vector.shape_cast %and3A_327 : vector<16xi32> to vector<16xi32>
      tpu.vector_store %arg9[%swap3A_328], %swap3A_331 {strides = array<i32>} : memref<80xi32, #tpu.memory_space<vmem>>, vector<16xi32>,
      %shift_right_logical3A_332 = arith.constant 14 : i32
      %shift_right_logical3A_333 = vector.broadcast %shift_right_logical3A_332 : i32 to vector<16xi32>
      %shift_right_logical3A_334 = arith.shrui %get3A_324, %shift_right_logical3A_333 : vector<16xi32>
      %swap3A_335 = arith.constant 0 : index
      %swap3A_336 = tpu.vector_load %arg12[%swap3A_335] {strides = array<i32>} : memref<80xi32, #tpu.memory_space<vmem>>, vector<16xi32>,
      %swap3A_337 = vector.shape_cast %swap3A_336 : vector<16xi32> to vector<16xi32>
      %swap3A_338 = vector.shape_cast %shift_right_logical3A_334 : vector<16xi32> to vector<16xi32>
      tpu.vector_store %arg12[%swap3A_335], %swap3A_338 {strides = array<i32>} : memref<80xi32, #tpu.memory_space<vmem>>, vector<16xi32>,
      %get3A_339 = arith.index_cast %add3A_320 : i32 to index
      %get3A_340 = arith.constant 16 : index
      %get3A_341 = tpu.vector_load %arg6[%get3A_339, %get3A_340] {strides = array<i32>} : memref<126x80xi32, #tpu.memory_space<vmem>>, vector<1x16xi32>,
      %get3A_342 = vector.shape_cast %get3A_341 : vector<1x16xi32> to vector<16xi32>
      %and3A_343 = arith.constant 16383 : i32
      %and3A_344 = vector.broadcast %and3A_343 : i32 to vector<16xi32>
      %and3A_345 = arith.andi %get3A_342, %and3A_344 : vector<16xi32>
      %swap3A_346 = arith.constant 16 : index
      %swap3A_347 = tpu.vector_load %arg9[%swap3A_346] {strides = array<i32>} : memref<80xi32, #tpu.memory_space<vmem>>, vector<16xi32>,
      %swap3A_348 = vector.shape_cast %swap3A_347 : vector<16xi32> to vector<16xi32>
      %swap3A_349 = vector.shape_cast %and3A_345 : vector<16xi32> to vector<16xi32>
      tpu.vector_store %arg9[%swap3A_346], %swap3A_349 {strides = array<i32>} : memref<80xi32, #tpu.memory_space<vmem>>, vector<16xi32>,
      %shift_right_logical3A_350 = arith.constant 14 : i32
      %shift_right_logical3A_351 = vector.broadcast %shift_right_logical3A_350 : i32 to vector<16xi32>
      %shift_right_logical3A_352 = arith.shrui %get3A_342, %shift_right_logical3A_351 : vector<16xi32>
      %swap3A_353 = arith.constant 16 : index
      %swap3A_354 = tpu.vector_load %arg12[%swap3A_353] {strides = array<i32>} : memref<80xi32, #tpu.memory_space<vmem>>, vector<16xi32>,
      %swap3A_355 = vector.shape_cast %swap3A_354 : vector<16xi32> to vector<16xi32>
      %swap3A_356 = vector.shape_cast %shift_right_logical3A_352 : vector<16xi32> to vector<16xi32>
      tpu.vector_store %arg12[%swap3A_353], %swap3A_356 {strides = array<i32>} : memref<80xi32, #tpu.memory_space<vmem>>, vector<16xi32>,
      %get3A_357 = arith.index_cast %add3A_320 : i32 to index
      %get3A_358 = arith.constant 32 : index
      %get3A_359 = tpu.vector_load %arg6[%get3A_357, %get3A_358] {strides = array<i32>} : memref<126x80xi32, #tpu.memory_space<vmem>>, vector<1x16xi32>,
      %get3A_360 = vector.shape_cast %get3A_359 : vector<1x16xi32> to vector<16xi32>
      %and3A_361 = arith.constant 16383 : i32
      %and3A_362 = vector.broadcast %and3A_361 : i32 to vector<16xi32>
      %and3A_363 = arith.andi %get3A_360, %and3A_362 : vector<16xi32>
      %swap3A_364 = arith.constant 32 : index
      %swap3A_365 = tpu.vector_load %arg9[%swap3A_364] {strides = array<i32>} : memref<80xi32, #tpu.memory_space<vmem>>, vector<16xi32>,
      %swap3A_366 = vector.shape_cast %swap3A_365 : vector<16xi32> to vector<16xi32>
      %swap3A_367 = vector.shape_cast %and3A_363 : vector<16xi32> to vector<16xi32>
      tpu.vector_store %arg9[%swap3A_364], %swap3A_367 {strides = array<i32>} : memref<80xi32, #tpu.memory_space<vmem>>, vector<16xi32>,
      %shift_right_logical3A_368 = arith.constant 14 : i32
      %shift_right_logical3A_369 = vector.broadcast %shift_right_logical3A_368 : i32 to vector<16xi32>
      %shift_right_logical3A_370 = arith.shrui %get3A_360, %shift_right_logical3A_369 : vector<16xi32>
      %swap3A_371 = arith.constant 32 : index
      %swap3A_372 = tpu.vector_load %arg12[%swap3A_371] {strides = array<i32>} : memref<80xi32, #tpu.memory_space<vmem>>, vector<16xi32>,
      %swap3A_373 = vector.shape_cast %swap3A_372 : vector<16xi32> to vector<16xi32>
      %swap3A_374 = vector.shape_cast %shift_right_logical3A_370 : vector<16xi32> to vector<16xi32>
      tpu.vector_store %arg12[%swap3A_371], %swap3A_374 {strides = array<i32>} : memref<80xi32, #tpu.memory_space<vmem>>, vector<16xi32>,
      %get3A_375 = arith.index_cast %add3A_320 : i32 to index
      %get3A_376 = arith.constant 48 : index
      %get3A_377 = tpu.vector_load %arg6[%get3A_375, %get3A_376] {strides = array<i32>} : memref<126x80xi32, #tpu.memory_space<vmem>>, vector<1x16xi32>,
      %get3A_378 = vector.shape_cast %get3A_377 : vector<1x16xi32> to vector<16xi32>
      %and3A_379 = arith.constant 16383 : i32
      %and3A_380 = vector.broadcast %and3A_379 : i32 to vector<16xi32>
      %and3A_381 = arith.andi %get3A_378, %and3A_380 : vector<16xi32>
      %swap3A_382 = arith.constant 48 : index
      %swap3A_383 = tpu.vector_load %arg9[%swap3A_382] {strides = array<i32>} : memref<80xi32, #tpu.memory_space<vmem>>, vector<16xi32>,
      %swap3A_384 = vector.shape_cast %swap3A_383 : vector<16xi32> to vector<16xi32>
      %swap3A_385 = vector.shape_cast %and3A_381 : vector<16xi32> to vector<16xi32>
      tpu.vector_store %arg9[%swap3A_382], %swap3A_385 {strides = array<i32>} : memref<80xi32, #tpu.memory_space<vmem>>, vector<16xi32>,
      %shift_right_logical3A_386 = arith.constant 14 : i32
      %shift_right_logical3A_387 = vector.broadcast %shift_right_logical3A_386 : i32 to vector<16xi32>
      %shift_right_logical3A_388 = arith.shrui %get3A_378, %shift_right_logical3A_387 : vector<16xi32>
      %swap3A_389 = arith.constant 48 : index
      %swap3A_390 = tpu.vector_load %arg12[%swap3A_389] {strides = array<i32>} : memref<80xi32, #tpu.memory_space<vmem>>, vector<16xi32>,
      %swap3A_391 = vector.shape_cast %swap3A_390 : vector<16xi32> to vector<16xi32>
      %swap3A_392 = vector.shape_cast %shift_right_logical3A_388 : vector<16xi32> to vector<16xi32>
      tpu.vector_store %arg12[%swap3A_389], %swap3A_392 {strides = array<i32>} : memref<80xi32, #tpu.memory_space<vmem>>, vector<16xi32>,
      %get3A_393 = arith.index_cast %add3A_320 : i32 to index
      %get3A_394 = arith.constant 64 : index
      %get3A_395 = tpu.vector_load %arg6[%get3A_393, %get3A_394] {strides = array<i32>} : memref<126x80xi32, #tpu.memory_space<vmem>>, vector<1x16xi32>,
      %get3A_396 = vector.shape_cast %get3A_395 : vector<1x16xi32> to vector<16xi32>
      %and3A_397 = arith.constant 16383 : i32
      %and3A_398 = vector.broadcast %and3A_397 : i32 to vector<16xi32>
      %and3A_399 = arith.andi %get3A_396, %and3A_398 : vector<16xi32>
      %swap3A_400 = arith.constant 64 : index
      %swap3A_401 = tpu.vector_load %arg9[%swap3A_400] {strides = array<i32>} : memref<80xi32, #tpu.memory_space<vmem>>, vector<16xi32>,
      %swap3A_402 = vector.shape_cast %swap3A_401 : vector<16xi32> to vector<16xi32>
      %swap3A_403 = vector.shape_cast %and3A_399 : vector<16xi32> to vector<16xi32>
      tpu.vector_store %arg9[%swap3A_400], %swap3A_403 {strides = array<i32>} : memref<80xi32, #tpu.memory_space<vmem>>, vector<16xi32>,
      %shift_right_logical3A_404 = arith.constant 14 : i32
      %shift_right_logical3A_405 = vector.broadcast %shift_right_logical3A_404 : i32 to vector<16xi32>
      %shift_right_logical3A_406 = arith.shrui %get3A_396, %shift_right_logical3A_405 : vector<16xi32>
      %swap3A_407 = arith.constant 64 : index
      %swap3A_408 = tpu.vector_load %arg12[%swap3A_407] {strides = array<i32>} : memref<80xi32, #tpu.memory_space<vmem>>, vector<16xi32>,
      %swap3A_409 = vector.shape_cast %swap3A_408 : vector<16xi32> to vector<16xi32>
      %swap3A_410 = vector.shape_cast %shift_right_logical3A_406 : vector<16xi32> to vector<16xi32>
      tpu.vector_store %arg12[%swap3A_407], %swap3A_410 {strides = array<i32>} : memref<80xi32, #tpu.memory_space<vmem>>, vector<16xi32>,
      %dma_start3A_411 = arith.constant 0 : i32
      %dma_start3A_412 = arith.constant 0 : i32
      %dma_start3A_413 = tpu.memref_slice %arg3[%dma_start3A_411, %dma_start3A_412] : memref<10240x128xf32, #tpu.memory_space<hbm>> -> memref<10240x128xf32, #tpu.memory_space<hbm>>
      tpu.enqueue_indirect_dma source(%dma_start3A_413 : memref<10240x128xf32, #tpu.memory_space<hbm>>) target(%arg15 : memref<80x128xf32, #tpu.memory_space<vmem>>) offsets(%arg9 : memref<80xi32, #tpu.memory_space<vmem>>) semaphore(%arg19 : memref<!tpu.dma_semaphore, #tpu.memory_space<semaphore_mem>>)
      "tpu.region"() ({
        %run_scoped3A = tpu.sem_alloc : memref<!tpu.dma_semaphore, #tpu.memory_space<semaphore_mem>>
        %dma_start3A_618 = arith.constant 0 : i32
        %dma_start3A_619 = arith.constant 0 : i32
        %dma_start3A_620 = tpu.memref_slice %arg16[%dma_start3A_618, %dma_start3A_619] : memref<10240x128xf32, #tpu.memory_space<vmem_shared>> -> memref<10240x128xf32, #tpu.memory_space<vmem_shared>>
        tpu.enqueue_indirect_dma source(%arg13 : memref<80x128xf32, #tpu.memory_space<vmem>>) target(%dma_start3A_620 : memref<10240x128xf32, #tpu.memory_space<vmem_shared>>) offsets(%arg10 : memref<80xi32, #tpu.memory_space<vmem>>) semaphore(%run_scoped3A : memref<!tpu.dma_semaphore, #tpu.memory_space<semaphore_mem>>) {add = true}
        %dma_wait3A_621 = arith.constant 0 : i32
        %dma_wait3A_622 = arith.constant 0 : i32
        %dma_wait3A_623 = tpu.memref_slice %arg16[%dma_wait3A_621, %dma_wait3A_622] : memref<10240x128xf32, #tpu.memory_space<vmem_shared>> -> memref<10240x128xf32, #tpu.memory_space<vmem_shared>>
        tpu.wait_indirect_dma semaphore(%run_scoped3A : memref<!tpu.dma_semaphore, #tpu.memory_space<semaphore_mem>>) src(%arg13 : memref<80x128xf32, #tpu.memory_space<vmem>>) dst(%dma_wait3A_623 : memref<10240x128xf32, #tpu.memory_space<vmem_shared>>)
        tpu.yield
      }) : () -> ()
      %dma_wait3A_414 = arith.constant 0 : i32
      %dma_wait3A_415 = arith.constant 0 : i32
      %dma_wait3A_416 = tpu.memref_slice %arg3[%dma_wait3A_414, %dma_wait3A_415] : memref<10240x128xf32, #tpu.memory_space<hbm>> -> memref<10240x128xf32, #tpu.memory_space<hbm>>
      tpu.wait_indirect_dma semaphore(%arg18 : memref<!tpu.dma_semaphore, #tpu.memory_space<semaphore_mem>>) src(%dma_wait3A_416 : memref<10240x128xf32, #tpu.memory_space<hbm>>) dst(%arg14 : memref<80x128xf32, #tpu.memory_space<vmem>>)
      %add3A_417 = arith.constant 3 : i32
      %add3A_418 = arith.addi %mul3A_312, %add3A_417 : i32
      %sub3A_419 = arith.constant 1 : i32
      %sub3A_420 = arith.subi %add3A_418, %sub3A_419 : i32
      %add3A_421 = arith.constant 1 : i32
      %add3A_422 = arith.addi %sub3A_420, %add3A_421 : i32
      %get3A_423 = arith.index_cast %add3A_422 : i32 to index
      %get3A_424 = arith.constant 0 : index
      %get3A_425 = tpu.vector_load %arg6[%get3A_423, %get3A_424] {strides = array<i32>} : memref<126x80xi32, #tpu.memory_space<vmem>>, vector<1x16xi32>,
      %get3A_426 = vector.shape_cast %get3A_425 : vector<1x16xi32> to vector<16xi32>
      %and3A_427 = arith.constant 16383 : i32
      %and3A_428 = vector.broadcast %and3A_427 : i32 to vector<16xi32>
      %and3A_429 = arith.andi %get3A_426, %and3A_428 : vector<16xi32>
      %swap3A_430 = arith.constant 0 : index
      %swap3A_431 = tpu.vector_load %arg7[%swap3A_430] {strides = array<i32>} : memref<80xi32, #tpu.memory_space<vmem>>, vector<16xi32>,
      %swap3A_432 = vector.shape_cast %swap3A_431 : vector<16xi32> to vector<16xi32>
      %swap3A_433 = vector.shape_cast %and3A_429 : vector<16xi32> to vector<16xi32>
      tpu.vector_store %arg7[%swap3A_430], %swap3A_433 {strides = array<i32>} : memref<80xi32, #tpu.memory_space<vmem>>, vector<16xi32>,
      %shift_right_logical3A_434 = arith.constant 14 : i32
      %shift_right_logical3A_435 = vector.broadcast %shift_right_logical3A_434 : i32 to vector<16xi32>
      %shift_right_logical3A_436 = arith.shrui %get3A_426, %shift_right_logical3A_435 : vector<16xi32>
      %swap3A_437 = arith.constant 0 : index
      %swap3A_438 = tpu.vector_load %arg10[%swap3A_437] {strides = array<i32>} : memref<80xi32, #tpu.memory_space<vmem>>, vector<16xi32>,
      %swap3A_439 = vector.shape_cast %swap3A_438 : vector<16xi32> to vector<16xi32>
      %swap3A_440 = vector.shape_cast %shift_right_logical3A_436 : vector<16xi32> to vector<16xi32>
      tpu.vector_store %arg10[%swap3A_437], %swap3A_440 {strides = array<i32>} : memref<80xi32, #tpu.memory_space<vmem>>, vector<16xi32>,
      %get3A_441 = arith.index_cast %add3A_422 : i32 to index
      %get3A_442 = arith.constant 16 : index
      %get3A_443 = tpu.vector_load %arg6[%get3A_441, %get3A_442] {strides = array<i32>} : memref<126x80xi32, #tpu.memory_space<vmem>>, vector<1x16xi32>,
      %get3A_444 = vector.shape_cast %get3A_443 : vector<1x16xi32> to vector<16xi32>
      %and3A_445 = arith.constant 16383 : i32
      %and3A_446 = vector.broadcast %and3A_445 : i32 to vector<16xi32>
      %and3A_447 = arith.andi %get3A_444, %and3A_446 : vector<16xi32>
      %swap3A_448 = arith.constant 16 : index
      %swap3A_449 = tpu.vector_load %arg7[%swap3A_448] {strides = array<i32>} : memref<80xi32, #tpu.memory_space<vmem>>, vector<16xi32>,
      %swap3A_450 = vector.shape_cast %swap3A_449 : vector<16xi32> to vector<16xi32>
      %swap3A_451 = vector.shape_cast %and3A_447 : vector<16xi32> to vector<16xi32>
      tpu.vector_store %arg7[%swap3A_448], %swap3A_451 {strides = array<i32>} : memref<80xi32, #tpu.memory_space<vmem>>, vector<16xi32>,
      %shift_right_logical3A_452 = arith.constant 14 : i32
      %shift_right_logical3A_453 = vector.broadcast %shift_right_logical3A_452 : i32 to vector<16xi32>
      %shift_right_logical3A_454 = arith.shrui %get3A_444, %shift_right_logical3A_453 : vector<16xi32>
      %swap3A_455 = arith.constant 16 : index
      %swap3A_456 = tpu.vector_load %arg10[%swap3A_455] {strides = array<i32>} : memref<80xi32, #tpu.memory_space<vmem>>, vector<16xi32>,
      %swap3A_457 = vector.shape_cast %swap3A_456 : vector<16xi32> to vector<16xi32>
      %swap3A_458 = vector.shape_cast %shift_right_logical3A_454 : vector<16xi32> to vector<16xi32>
      tpu.vector_store %arg10[%swap3A_455], %swap3A_458 {strides = array<i32>} : memref<80xi32, #tpu.memory_space<vmem>>, vector<16xi32>,
      %get3A_459 = arith.index_cast %add3A_422 : i32 to index
      %get3A_460 = arith.constant 32 : index
      %get3A_461 = tpu.vector_load %arg6[%get3A_459, %get3A_460] {strides = array<i32>} : memref<126x80xi32, #tpu.memory_space<vmem>>, vector<1x16xi32>,
      %get3A_462 = vector.shape_cast %get3A_461 : vector<1x16xi32> to vector<16xi32>
      %and3A_463 = arith.constant 16383 : i32
      %and3A_464 = vector.broadcast %and3A_463 : i32 to vector<16xi32>
      %and3A_465 = arith.andi %get3A_462, %and3A_464 : vector<16xi32>
      %swap3A_466 = arith.constant 32 : index
      %swap3A_467 = tpu.vector_load %arg7[%swap3A_466] {strides = array<i32>} : memref<80xi32, #tpu.memory_space<vmem>>, vector<16xi32>,
      %swap3A_468 = vector.shape_cast %swap3A_467 : vector<16xi32> to vector<16xi32>
      %swap3A_469 = vector.shape_cast %and3A_465 : vector<16xi32> to vector<16xi32>
      tpu.vector_store %arg7[%swap3A_466], %swap3A_469 {strides = array<i32>} : memref<80xi32, #tpu.memory_space<vmem>>, vector<16xi32>,
      %shift_right_logical3A_470 = arith.constant 14 : i32
      %shift_right_logical3A_471 = vector.broadcast %shift_right_logical3A_470 : i32 to vector<16xi32>
      %shift_right_logical3A_472 = arith.shrui %get3A_462, %shift_right_logical3A_471 : vector<16xi32>
      %swap3A_473 = arith.constant 32 : index
      %swap3A_474 = tpu.vector_load %arg10[%swap3A_473] {strides = array<i32>} : memref<80xi32, #tpu.memory_space<vmem>>, vector<16xi32>,
      %swap3A_475 = vector.shape_cast %swap3A_474 : vector<16xi32> to vector<16xi32>
      %swap3A_476 = vector.shape_cast %shift_right_logical3A_472 : vector<16xi32> to vector<16xi32>
      tpu.vector_store %arg10[%swap3A_473], %swap3A_476 {strides = array<i32>} : memref<80xi32, #tpu.memory_space<vmem>>, vector<16xi32>,
      %get3A_477 = arith.index_cast %add3A_422 : i32 to index
      %get3A_478 = arith.constant 48 : index
      %get3A_479 = tpu.vector_load %arg6[%get3A_477, %get3A_478] {strides = array<i32>} : memref<126x80xi32, #tpu.memory_space<vmem>>, vector<1x16xi32>,
      %get3A_480 = vector.shape_cast %get3A_479 : vector<1x16xi32> to vector<16xi32>
      %and3A_481 = arith.constant 16383 : i32
      %and3A_482 = vector.broadcast %and3A_481 : i32 to vector<16xi32>
      %and3A_483 = arith.andi %get3A_480, %and3A_482 : vector<16xi32>
      %swap3A_484 = arith.constant 48 : index
      %swap3A_485 = tpu.vector_load %arg7[%swap3A_484] {strides = array<i32>} : memref<80xi32, #tpu.memory_space<vmem>>, vector<16xi32>,
      %swap3A_486 = vector.shape_cast %swap3A_485 : vector<16xi32> to vector<16xi32>
      %swap3A_487 = vector.shape_cast %and3A_483 : vector<16xi32> to vector<16xi32>
      tpu.vector_store %arg7[%swap3A_484], %swap3A_487 {strides = array<i32>} : memref<80xi32, #tpu.memory_space<vmem>>, vector<16xi32>,
      %shift_right_logical3A_488 = arith.constant 14 : i32
      %shift_right_logical3A_489 = vector.broadcast %shift_right_logical3A_488 : i32 to vector<16xi32>
      %shift_right_logical3A_490 = arith.shrui %get3A_480, %shift_right_logical3A_489 : vector<16xi32>
      %swap3A_491 = arith.constant 48 : index
      %swap3A_492 = tpu.vector_load %arg10[%swap3A_491] {strides = array<i32>} : memref<80xi32, #tpu.memory_space<vmem>>, vector<16xi32>,
      %swap3A_493 = vector.shape_cast %swap3A_492 : vector<16xi32> to vector<16xi32>
      %swap3A_494 = vector.shape_cast %shift_right_logical3A_490 : vector<16xi32> to vector<16xi32>
      tpu.vector_store %arg10[%swap3A_491], %swap3A_494 {strides = array<i32>} : memref<80xi32, #tpu.memory_space<vmem>>, vector<16xi32>,
      %get3A_495 = arith.index_cast %add3A_422 : i32 to index
      %get3A_496 = arith.constant 64 : index
      %get3A_497 = tpu.vector_load %arg6[%get3A_495, %get3A_496] {strides = array<i32>} : memref<126x80xi32, #tpu.memory_space<vmem>>, vector<1x16xi32>,
      %get3A_498 = vector.shape_cast %get3A_497 : vector<1x16xi32> to vector<16xi32>
      %and3A_499 = arith.constant 16383 : i32
      %and3A_500 = vector.broadcast %and3A_499 : i32 to vector<16xi32>
      %and3A_501 = arith.andi %get3A_498, %and3A_500 : vector<16xi32>
      %swap3A_502 = arith.constant 64 : index
      %swap3A_503 = tpu.vector_load %arg7[%swap3A_502] {strides = array<i32>} : memref<80xi32, #tpu.memory_space<vmem>>, vector<16xi32>,
      %swap3A_504 = vector.shape_cast %swap3A_503 : vector<16xi32> to vector<16xi32>
      %swap3A_505 = vector.shape_cast %and3A_501 : vector<16xi32> to vector<16xi32>
      tpu.vector_store %arg7[%swap3A_502], %swap3A_505 {strides = array<i32>} : memref<80xi32, #tpu.memory_space<vmem>>, vector<16xi32>,
      %shift_right_logical3A_506 = arith.constant 14 : i32
      %shift_right_logical3A_507 = vector.broadcast %shift_right_logical3A_506 : i32 to vector<16xi32>
      %shift_right_logical3A_508 = arith.shrui %get3A_498, %shift_right_logical3A_507 : vector<16xi32>
      %swap3A_509 = arith.constant 64 : index
      %swap3A_510 = tpu.vector_load %arg10[%swap3A_509] {strides = array<i32>} : memref<80xi32, #tpu.memory_space<vmem>>, vector<16xi32>,
      %swap3A_511 = vector.shape_cast %swap3A_510 : vector<16xi32> to vector<16xi32>
      %swap3A_512 = vector.shape_cast %shift_right_logical3A_508 : vector<16xi32> to vector<16xi32>
      tpu.vector_store %arg10[%swap3A_509], %swap3A_512 {strides = array<i32>} : memref<80xi32, #tpu.memory_space<vmem>>, vector<16xi32>,
      %dma_start3A_513 = arith.constant 0 : i32
      %dma_start3A_514 = arith.constant 0 : i32
      %dma_start3A_515 = tpu.memref_slice %arg3[%dma_start3A_513, %dma_start3A_514] : memref<10240x128xf32, #tpu.memory_space<hbm>> -> memref<10240x128xf32, #tpu.memory_space<hbm>>
      tpu.enqueue_indirect_dma source(%dma_start3A_515 : memref<10240x128xf32, #tpu.memory_space<hbm>>) target(%arg13 : memref<80x128xf32, #tpu.memory_space<vmem>>) offsets(%arg7 : memref<80xi32, #tpu.memory_space<vmem>>) semaphore(%arg17 : memref<!tpu.dma_semaphore, #tpu.memory_space<semaphore_mem>>)
      "tpu.region"() ({
        %run_scoped3A = tpu.sem_alloc : memref<!tpu.dma_semaphore, #tpu.memory_space<semaphore_mem>>
        %dma_start3A_618 = arith.constant 0 : i32
        %dma_start3A_619 = arith.constant 0 : i32
        %dma_start3A_620 = tpu.memref_slice %arg16[%dma_start3A_618, %dma_start3A_619] : memref<10240x128xf32, #tpu.memory_space<vmem_shared>> -> memref<10240x128xf32, #tpu.memory_space<vmem_shared>>
        tpu.enqueue_indirect_dma source(%arg14 : memref<80x128xf32, #tpu.memory_space<vmem>>) target(%dma_start3A_620 : memref<10240x128xf32, #tpu.memory_space<vmem_shared>>) offsets(%arg11 : memref<80xi32, #tpu.memory_space<vmem>>) semaphore(%run_scoped3A : memref<!tpu.dma_semaphore, #tpu.memory_space<semaphore_mem>>) {add = true}
        %dma_wait3A_621 = arith.constant 0 : i32
        %dma_wait3A_622 = arith.constant 0 : i32
        %dma_wait3A_623 = tpu.memref_slice %arg16[%dma_wait3A_621, %dma_wait3A_622] : memref<10240x128xf32, #tpu.memory_space<vmem_shared>> -> memref<10240x128xf32, #tpu.memory_space<vmem_shared>>
        tpu.wait_indirect_dma semaphore(%run_scoped3A : memref<!tpu.dma_semaphore, #tpu.memory_space<semaphore_mem>>) src(%arg14 : memref<80x128xf32, #tpu.memory_space<vmem>>) dst(%dma_wait3A_623 : memref<10240x128xf32, #tpu.memory_space<vmem_shared>>)
        tpu.yield
      }) : () -> ()
      %dma_wait3A_516 = arith.constant 0 : i32
      %dma_wait3A_517 = arith.constant 0 : i32
      %dma_wait3A_518 = tpu.memref_slice %arg3[%dma_wait3A_516, %dma_wait3A_517] : memref<10240x128xf32, #tpu.memory_space<hbm>> -> memref<10240x128xf32, #tpu.memory_space<hbm>>
      tpu.wait_indirect_dma semaphore(%arg19 : memref<!tpu.dma_semaphore, #tpu.memory_space<semaphore_mem>>) src(%dma_wait3A_518 : memref<10240x128xf32, #tpu.memory_space<hbm>>) dst(%arg15 : memref<80x128xf32, #tpu.memory_space<vmem>>)
      %add3A_519 = arith.constant 3 : i32
      %add3A_520 = arith.addi %mul3A_312, %add3A_519 : i32
      %sub3A_521 = arith.constant 1 : i32
      %sub3A_522 = arith.subi %add3A_520, %sub3A_521 : i32
      %add3A_523 = arith.constant 2 : i32
      %add3A_524 = arith.addi %sub3A_522, %add3A_523 : i32
      %get3A_525 = arith.index_cast %add3A_524 : i32 to index
      %get3A_526 = arith.constant 0 : index
      %get3A_527 = tpu.vector_load %arg6[%get3A_525, %get3A_526] {strides = array<i32>} : memref<126x80xi32, #tpu.memory_space<vmem>>, vector<1x16xi32>,
      %get3A_528 = vector.shape_cast %get3A_527 : vector<1x16xi32> to vector<16xi32>
      %and3A_529 = arith.constant 16383 : i32
      %and3A_530 = vector.broadcast %and3A_529 : i32 to vector<16xi32>
      %and3A_531 = arith.andi %get3A_528, %and3A_530 : vector<16xi32>
      %swap3A_532 = arith.constant 0 : index
      %swap3A_533 = tpu.vector_load %arg8[%swap3A_532] {strides = array<i32>} : memref<80xi32, #tpu.memory_space<vmem>>, vector<16xi32>,
      %swap3A_534 = vector.shape_cast %swap3A_533 : vector<16xi32> to vector<16xi32>
      %swap3A_535 = vector.shape_cast %and3A_531 : vector<16xi32> to vector<16xi32>
      tpu.vector_store %arg8[%swap3A_532], %swap3A_535 {strides = array<i32>} : memref<80xi32, #tpu.memory_space<vmem>>, vector<16xi32>,
      %shift_right_logical3A_536 = arith.constant 14 : i32
      %shift_right_logical3A_537 = vector.broadcast %shift_right_logical3A_536 : i32 to vector<16xi32>
      %shift_right_logical3A_538 = arith.shrui %get3A_528, %shift_right_logical3A_537 : vector<16xi32>
      %swap3A_539 = arith.constant 0 : index
      %swap3A_540 = tpu.vector_load %arg11[%swap3A_539] {strides = array<i32>} : memref<80xi32, #tpu.memory_space<vmem>>, vector<16xi32>,
      %swap3A_541 = vector.shape_cast %swap3A_540 : vector<16xi32> to vector<16xi32>
      %swap3A_542 = vector.shape_cast %shift_right_logical3A_538 : vector<16xi32> to vector<16xi32>
      tpu.vector_store %arg11[%swap3A_539], %swap3A_542 {strides = array<i32>} : memref<80xi32, #tpu.memory_space<vmem>>, vector<16xi32>,
      %get3A_543 = arith.index_cast %add3A_524 : i32 to index
      %get3A_544 = arith.constant 16 : index
      %get3A_545 = tpu.vector_load %arg6[%get3A_543, %get3A_544] {strides = array<i32>} : memref<126x80xi32, #tpu.memory_space<vmem>>, vector<1x16xi32>,
      %get3A_546 = vector.shape_cast %get3A_545 : vector<1x16xi32> to vector<16xi32>
      %and3A_547 = arith.constant 16383 : i32
      %and3A_548 = vector.broadcast %and3A_547 : i32 to vector<16xi32>
      %and3A_549 = arith.andi %get3A_546, %and3A_548 : vector<16xi32>
      %swap3A_550 = arith.constant 16 : index
      %swap3A_551 = tpu.vector_load %arg8[%swap3A_550] {strides = array<i32>} : memref<80xi32, #tpu.memory_space<vmem>>, vector<16xi32>,
      %swap3A_552 = vector.shape_cast %swap3A_551 : vector<16xi32> to vector<16xi32>
      %swap3A_553 = vector.shape_cast %and3A_549 : vector<16xi32> to vector<16xi32>
      tpu.vector_store %arg8[%swap3A_550], %swap3A_553 {strides = array<i32>} : memref<80xi32, #tpu.memory_space<vmem>>, vector<16xi32>,
      %shift_right_logical3A_554 = arith.constant 14 : i32
      %shift_right_logical3A_555 = vector.broadcast %shift_right_logical3A_554 : i32 to vector<16xi32>
      %shift_right_logical3A_556 = arith.shrui %get3A_546, %shift_right_logical3A_555 : vector<16xi32>
      %swap3A_557 = arith.constant 16 : index
      %swap3A_558 = tpu.vector_load %arg11[%swap3A_557] {strides = array<i32>} : memref<80xi32, #tpu.memory_space<vmem>>, vector<16xi32>,
      %swap3A_559 = vector.shape_cast %swap3A_558 : vector<16xi32> to vector<16xi32>
      %swap3A_560 = vector.shape_cast %shift_right_logical3A_556 : vector<16xi32> to vector<16xi32>
      tpu.vector_store %arg11[%swap3A_557], %swap3A_560 {strides = array<i32>} : memref<80xi32, #tpu.memory_space<vmem>>, vector<16xi32>,
      %get3A_561 = arith.index_cast %add3A_524 : i32 to index
      %get3A_562 = arith.constant 32 : index
      %get3A_563 = tpu.vector_load %arg6[%get3A_561, %get3A_562] {strides = array<i32>} : memref<126x80xi32, #tpu.memory_space<vmem>>, vector<1x16xi32>,
      %get3A_564 = vector.shape_cast %get3A_563 : vector<1x16xi32> to vector<16xi32>
      %and3A_565 = arith.constant 16383 : i32
      %and3A_566 = vector.broadcast %and3A_565 : i32 to vector<16xi32>
      %and3A_567 = arith.andi %get3A_564, %and3A_566 : vector<16xi32>
      %swap3A_568 = arith.constant 32 : index
      %swap3A_569 = tpu.vector_load %arg8[%swap3A_568] {strides = array<i32>} : memref<80xi32, #tpu.memory_space<vmem>>, vector<16xi32>,
      %swap3A_570 = vector.shape_cast %swap3A_569 : vector<16xi32> to vector<16xi32>
      %swap3A_571 = vector.shape_cast %and3A_567 : vector<16xi32> to vector<16xi32>
      tpu.vector_store %arg8[%swap3A_568], %swap3A_571 {strides = array<i32>} : memref<80xi32, #tpu.memory_space<vmem>>, vector<16xi32>,
      %shift_right_logical3A_572 = arith.constant 14 : i32
      %shift_right_logical3A_573 = vector.broadcast %shift_right_logical3A_572 : i32 to vector<16xi32>
      %shift_right_logical3A_574 = arith.shrui %get3A_564, %shift_right_logical3A_573 : vector<16xi32>
      %swap3A_575 = arith.constant 32 : index
      %swap3A_576 = tpu.vector_load %arg11[%swap3A_575] {strides = array<i32>} : memref<80xi32, #tpu.memory_space<vmem>>, vector<16xi32>,
      %swap3A_577 = vector.shape_cast %swap3A_576 : vector<16xi32> to vector<16xi32>
      %swap3A_578 = vector.shape_cast %shift_right_logical3A_574 : vector<16xi32> to vector<16xi32>
      tpu.vector_store %arg11[%swap3A_575], %swap3A_578 {strides = array<i32>} : memref<80xi32, #tpu.memory_space<vmem>>, vector<16xi32>,
      %get3A_579 = arith.index_cast %add3A_524 : i32 to index
      %get3A_580 = arith.constant 48 : index
      %get3A_581 = tpu.vector_load %arg6[%get3A_579, %get3A_580] {strides = array<i32>} : memref<126x80xi32, #tpu.memory_space<vmem>>, vector<1x16xi32>,
      %get3A_582 = vector.shape_cast %get3A_581 : vector<1x16xi32> to vector<16xi32>
      %and3A_583 = arith.constant 16383 : i32
      %and3A_584 = vector.broadcast %and3A_583 : i32 to vector<16xi32>
      %and3A_585 = arith.andi %get3A_582, %and3A_584 : vector<16xi32>
      %swap3A_586 = arith.constant 48 : index
      %swap3A_587 = tpu.vector_load %arg8[%swap3A_586] {strides = array<i32>} : memref<80xi32, #tpu.memory_space<vmem>>, vector<16xi32>,
      %swap3A_588 = vector.shape_cast %swap3A_587 : vector<16xi32> to vector<16xi32>
      %swap3A_589 = vector.shape_cast %and3A_585 : vector<16xi32> to vector<16xi32>
      tpu.vector_store %arg8[%swap3A_586], %swap3A_589 {strides = array<i32>} : memref<80xi32, #tpu.memory_space<vmem>>, vector<16xi32>,
      %shift_right_logical3A_590 = arith.constant 14 : i32
      %shift_right_logical3A_591 = vector.broadcast %shift_right_logical3A_590 : i32 to vector<16xi32>
      %shift_right_logical3A_592 = arith.shrui %get3A_582, %shift_right_logical3A_591 : vector<16xi32>
      %swap3A_593 = arith.constant 48 : index
      %swap3A_594 = tpu.vector_load %arg11[%swap3A_593] {strides = array<i32>} : memref<80xi32, #tpu.memory_space<vmem>>, vector<16xi32>,
      %swap3A_595 = vector.shape_cast %swap3A_594 : vector<16xi32> to vector<16xi32>
      %swap3A_596 = vector.shape_cast %shift_right_logical3A_592 : vector<16xi32> to vector<16xi32>
      tpu.vector_store %arg11[%swap3A_593], %swap3A_596 {strides = array<i32>} : memref<80xi32, #tpu.memory_space<vmem>>, vector<16xi32>,
      %get3A_597 = arith.index_cast %add3A_524 : i32 to index
      %get3A_598 = arith.constant 64 : index
      %get3A_599 = tpu.vector_load %arg6[%get3A_597, %get3A_598] {strides = array<i32>} : memref<126x80xi32, #tpu.memory_space<vmem>>, vector<1x16xi32>,
      %get3A_600 = vector.shape_cast %get3A_599 : vector<1x16xi32> to vector<16xi32>
      %and3A_601 = arith.constant 16383 : i32
      %and3A_602 = vector.broadcast %and3A_601 : i32 to vector<16xi32>
      %and3A_603 = arith.andi %get3A_600, %and3A_602 : vector<16xi32>
      %swap3A_604 = arith.constant 64 : index
      %swap3A_605 = tpu.vector_load %arg8[%swap3A_604] {strides = array<i32>} : memref<80xi32, #tpu.memory_space<vmem>>, vector<16xi32>,
      %swap3A_606 = vector.shape_cast %swap3A_605 : vector<16xi32> to vector<16xi32>
      %swap3A_607 = vector.shape_cast %and3A_603 : vector<16xi32> to vector<16xi32>
      tpu.vector_store %arg8[%swap3A_604], %swap3A_607 {strides = array<i32>} : memref<80xi32, #tpu.memory_space<vmem>>, vector<16xi32>,
      %shift_right_logical3A_608 = arith.constant 14 : i32
      %shift_right_logical3A_609 = vector.broadcast %shift_right_logical3A_608 : i32 to vector<16xi32>
      %shift_right_logical3A_610 = arith.shrui %get3A_600, %shift_right_logical3A_609 : vector<16xi32>
      %swap3A_611 = arith.constant 64 : index
      %swap3A_612 = tpu.vector_load %arg11[%swap3A_611] {strides = array<i32>} : memref<80xi32, #tpu.memory_space<vmem>>, vector<16xi32>,
      %swap3A_613 = vector.shape_cast %swap3A_612 : vector<16xi32> to vector<16xi32>
      %swap3A_614 = vector.shape_cast %shift_right_logical3A_610 : vector<16xi32> to vector<16xi32>
      tpu.vector_store %arg11[%swap3A_611], %swap3A_614 {strides = array<i32>} : memref<80xi32, #tpu.memory_space<vmem>>, vector<16xi32>,
      %dma_start3A_615 = arith.constant 0 : i32
      %dma_start3A_616 = arith.constant 0 : i32
      %dma_start3A_617 = tpu.memref_slice %arg3[%dma_start3A_615, %dma_start3A_616] : memref<10240x128xf32, #tpu.memory_space<hbm>> -> memref<10240x128xf32, #tpu.memory_space<hbm>>
      tpu.enqueue_indirect_dma source(%dma_start3A_617 : memref<10240x128xf32, #tpu.memory_space<hbm>>) target(%arg14 : memref<80x128xf32, #tpu.memory_space<vmem>>) offsets(%arg8 : memref<80xi32, #tpu.memory_space<vmem>>) semaphore(%arg18 : memref<!tpu.dma_semaphore, #tpu.memory_space<semaphore_mem>>)
      "tpu.region"() ({
        %run_scoped3A = tpu.sem_alloc : memref<!tpu.dma_semaphore, #tpu.memory_space<semaphore_mem>>
        %dma_start3A_618 = arith.constant 0 : i32
        %dma_start3A_619 = arith.constant 0 : i32
        %dma_start3A_620 = tpu.memref_slice %arg16[%dma_start3A_618, %dma_start3A_619] : memref<10240x128xf32, #tpu.memory_space<vmem_shared>> -> memref<10240x128xf32, #tpu.memory_space<vmem_shared>>
        tpu.enqueue_indirect_dma source(%arg15 : memref<80x128xf32, #tpu.memory_space<vmem>>) target(%dma_start3A_620 : memref<10240x128xf32, #tpu.memory_space<vmem_shared>>) offsets(%arg12 : memref<80xi32, #tpu.memory_space<vmem>>) semaphore(%run_scoped3A : memref<!tpu.dma_semaphore, #tpu.memory_space<semaphore_mem>>) {add = true}
        %dma_wait3A_621 = arith.constant 0 : i32
        %dma_wait3A_622 = arith.constant 0 : i32
        %dma_wait3A_623 = tpu.memref_slice %arg16[%dma_wait3A_621, %dma_wait3A_622] : memref<10240x128xf32, #tpu.memory_space<vmem_shared>> -> memref<10240x128xf32, #tpu.memory_space<vmem_shared>>
        tpu.wait_indirect_dma semaphore(%run_scoped3A : memref<!tpu.dma_semaphore, #tpu.memory_space<semaphore_mem>>) src(%arg15 : memref<80x128xf32, #tpu.memory_space<vmem>>) dst(%dma_wait3A_623 : memref<10240x128xf32, #tpu.memory_space<vmem_shared>>)
        tpu.yield
      }) : () -> ()
    }
    %scan3A_198 = arith.constant 41 : i32
    %dma_wait3A = arith.constant 0 : i32
    %dma_wait3A_199 = arith.constant 0 : i32
    %dma_wait3A_200 = tpu.memref_slice %arg3[%dma_wait3A, %dma_wait3A_199] : memref<10240x128xf32, #tpu.memory_space<hbm>> -> memref<10240x128xf32, #tpu.memory_space<hbm>>
    tpu.wait_indirect_dma semaphore(%arg17 : memref<!tpu.dma_semaphore, #tpu.memory_space<semaphore_mem>>) src(%dma_wait3A_200 : memref<10240x128xf32, #tpu.memory_space<hbm>>) dst(%arg13 : memref<80x128xf32, #tpu.memory_space<vmem>>)
    %get3A_201 = arith.constant 125 : i32
    %get3A_202 = arith.index_cast %get3A_201 : i32 to index
    %get3A_203 = arith.constant 0 : index
    %get3A_204 = tpu.vector_load %arg6[%get3A_202, %get3A_203] {strides = array<i32>} : memref<126x80xi32, #tpu.memory_space<vmem>>, vector<1x16xi32>,
    %get3A_205 = vector.shape_cast %get3A_204 : vector<1x16xi32> to vector<16xi32>
    %and3A_206 = arith.constant 16383 : i32
    %and3A_207 = vector.broadcast %and3A_206 : i32 to vector<16xi32>
    %and3A_208 = arith.andi %get3A_205, %and3A_207 : vector<16xi32>
    %swap3A_209 = arith.constant 0 : index
    %swap3A_210 = tpu.vector_load %arg9[%swap3A_209] {strides = array<i32>} : memref<80xi32, #tpu.memory_space<vmem>>, vector<16xi32>,
    %swap3A_211 = vector.shape_cast %swap3A_210 : vector<16xi32> to vector<16xi32>
    %swap3A_212 = vector.shape_cast %and3A_208 : vector<16xi32> to vector<16xi32>
    tpu.vector_store %arg9[%swap3A_209], %swap3A_212 {strides = array<i32>} : memref<80xi32, #tpu.memory_space<vmem>>, vector<16xi32>,
    %shift_right_logical3A_213 = arith.constant 14 : i32
    %shift_right_logical3A_214 = vector.broadcast %shift_right_logical3A_213 : i32 to vector<16xi32>
    %shift_right_logical3A_215 = arith.shrui %get3A_205, %shift_right_logical3A_214 : vector<16xi32>
    %swap3A_216 = arith.constant 0 : index
    %swap3A_217 = tpu.vector_load %arg12[%swap3A_216] {strides = array<i32>} : memref<80xi32, #tpu.memory_space<vmem>>, vector<16xi32>,
    %swap3A_218 = vector.shape_cast %swap3A_217 : vector<16xi32> to vector<16xi32>
    %swap3A_219 = vector.shape_cast %shift_right_logical3A_215 : vector<16xi32> to vector<16xi32>
    tpu.vector_store %arg12[%swap3A_216], %swap3A_219 {strides = array<i32>} : memref<80xi32, #tpu.memory_space<vmem>>, vector<16xi32>,
    %get3A_220 = arith.constant 125 : i32
    %get3A_221 = arith.index_cast %get3A_220 : i32 to index
    %get3A_222 = arith.constant 16 : index
    %get3A_223 = tpu.vector_load %arg6[%get3A_221, %get3A_222] {strides = array<i32>} : memref<126x80xi32, #tpu.memory_space<vmem>>, vector<1x16xi32>,
    %get3A_224 = vector.shape_cast %get3A_223 : vector<1x16xi32> to vector<16xi32>
    %and3A_225 = arith.constant 16383 : i32
    %and3A_226 = vector.broadcast %and3A_225 : i32 to vector<16xi32>
    %and3A_227 = arith.andi %get3A_224, %and3A_226 : vector<16xi32>
    %swap3A_228 = arith.constant 16 : index
    %swap3A_229 = tpu.vector_load %arg9[%swap3A_228] {strides = array<i32>} : memref<80xi32, #tpu.memory_space<vmem>>, vector<16xi32>,
    %swap3A_230 = vector.shape_cast %swap3A_229 : vector<16xi32> to vector<16xi32>
    %swap3A_231 = vector.shape_cast %and3A_227 : vector<16xi32> to vector<16xi32>
    tpu.vector_store %arg9[%swap3A_228], %swap3A_231 {strides = array<i32>} : memref<80xi32, #tpu.memory_space<vmem>>, vector<16xi32>,
    %shift_right_logical3A_232 = arith.constant 14 : i32
    %shift_right_logical3A_233 = vector.broadcast %shift_right_logical3A_232 : i32 to vector<16xi32>
    %shift_right_logical3A_234 = arith.shrui %get3A_224, %shift_right_logical3A_233 : vector<16xi32>
    %swap3A_235 = arith.constant 16 : index
    %swap3A_236 = tpu.vector_load %arg12[%swap3A_235] {strides = array<i32>} : memref<80xi32, #tpu.memory_space<vmem>>, vector<16xi32>,
    %swap3A_237 = vector.shape_cast %swap3A_236 : vector<16xi32> to vector<16xi32>
    %swap3A_238 = vector.shape_cast %shift_right_logical3A_234 : vector<16xi32> to vector<16xi32>
    tpu.vector_store %arg12[%swap3A_235], %swap3A_238 {strides = array<i32>} : memref<80xi32, #tpu.memory_space<vmem>>, vector<16xi32>,
    %get3A_239 = arith.constant 125 : i32
    %get3A_240 = arith.index_cast %get3A_239 : i32 to index
    %get3A_241 = arith.constant 32 : index
    %get3A_242 = tpu.vector_load %arg6[%get3A_240, %get3A_241] {strides = array<i32>} : memref<126x80xi32, #tpu.memory_space<vmem>>, vector<1x16xi32>,
    %get3A_243 = vector.shape_cast %get3A_242 : vector<1x16xi32> to vector<16xi32>
    %and3A_244 = arith.constant 16383 : i32
    %and3A_245 = vector.broadcast %and3A_244 : i32 to vector<16xi32>
    %and3A_246 = arith.andi %get3A_243, %and3A_245 : vector<16xi32>
    %swap3A_247 = arith.constant 32 : index
    %swap3A_248 = tpu.vector_load %arg9[%swap3A_247] {strides = array<i32>} : memref<80xi32, #tpu.memory_space<vmem>>, vector<16xi32>,
    %swap3A_249 = vector.shape_cast %swap3A_248 : vector<16xi32> to vector<16xi32>
    %swap3A_250 = vector.shape_cast %and3A_246 : vector<16xi32> to vector<16xi32>
    tpu.vector_store %arg9[%swap3A_247], %swap3A_250 {strides = array<i32>} : memref<80xi32, #tpu.memory_space<vmem>>, vector<16xi32>,
    %shift_right_logical3A_251 = arith.constant 14 : i32
    %shift_right_logical3A_252 = vector.broadcast %shift_right_logical3A_251 : i32 to vector<16xi32>
    %shift_right_logical3A_253 = arith.shrui %get3A_243, %shift_right_logical3A_252 : vector<16xi32>
    %swap3A_254 = arith.constant 32 : index
    %swap3A_255 = tpu.vector_load %arg12[%swap3A_254] {strides = array<i32>} : memref<80xi32, #tpu.memory_space<vmem>>, vector<16xi32>,
    %swap3A_256 = vector.shape_cast %swap3A_255 : vector<16xi32> to vector<16xi32>
    %swap3A_257 = vector.shape_cast %shift_right_logical3A_253 : vector<16xi32> to vector<16xi32>
    tpu.vector_store %arg12[%swap3A_254], %swap3A_257 {strides = array<i32>} : memref<80xi32, #tpu.memory_space<vmem>>, vector<16xi32>,
    %get3A_258 = arith.constant 125 : i32
    %get3A_259 = arith.index_cast %get3A_258 : i32 to index
    %get3A_260 = arith.constant 48 : index
    %get3A_261 = tpu.vector_load %arg6[%get3A_259, %get3A_260] {strides = array<i32>} : memref<126x80xi32, #tpu.memory_space<vmem>>, vector<1x16xi32>,
    %get3A_262 = vector.shape_cast %get3A_261 : vector<1x16xi32> to vector<16xi32>
    %and3A_263 = arith.constant 16383 : i32
    %and3A_264 = vector.broadcast %and3A_263 : i32 to vector<16xi32>
    %and3A_265 = arith.andi %get3A_262, %and3A_264 : vector<16xi32>
    %swap3A_266 = arith.constant 48 : index
    %swap3A_267 = tpu.vector_load %arg9[%swap3A_266] {strides = array<i32>} : memref<80xi32, #tpu.memory_space<vmem>>, vector<16xi32>,
    %swap3A_268 = vector.shape_cast %swap3A_267 : vector<16xi32> to vector<16xi32>
    %swap3A_269 = vector.shape_cast %and3A_265 : vector<16xi32> to vector<16xi32>
    tpu.vector_store %arg9[%swap3A_266], %swap3A_269 {strides = array<i32>} : memref<80xi32, #tpu.memory_space<vmem>>, vector<16xi32>,
    %shift_right_logical3A_270 = arith.constant 14 : i32
    %shift_right_logical3A_271 = vector.broadcast %shift_right_logical3A_270 : i32 to vector<16xi32>
    %shift_right_logical3A_272 = arith.shrui %get3A_262, %shift_right_logical3A_271 : vector<16xi32>
    %swap3A_273 = arith.constant 48 : index
    %swap3A_274 = tpu.vector_load %arg12[%swap3A_273] {strides = array<i32>} : memref<80xi32, #tpu.memory_space<vmem>>, vector<16xi32>,
    %swap3A_275 = vector.shape_cast %swap3A_274 : vector<16xi32> to vector<16xi32>
    %swap3A_276 = vector.shape_cast %shift_right_logical3A_272 : vector<16xi32> to vector<16xi32>
    tpu.vector_store %arg12[%swap3A_273], %swap3A_276 {strides = array<i32>} : memref<80xi32, #tpu.memory_space<vmem>>, vector<16xi32>,
    %get3A_277 = arith.constant 125 : i32
    %get3A_278 = arith.index_cast %get3A_277 : i32 to index
    %get3A_279 = arith.constant 64 : index
    %get3A_280 = tpu.vector_load %arg6[%get3A_278, %get3A_279] {strides = array<i32>} : memref<126x80xi32, #tpu.memory_space<vmem>>, vector<1x16xi32>,
    %get3A_281 = vector.shape_cast %get3A_280 : vector<1x16xi32> to vector<16xi32>
    %and3A_282 = arith.constant 16383 : i32
    %and3A_283 = vector.broadcast %and3A_282 : i32 to vector<16xi32>
    %and3A_284 = arith.andi %get3A_281, %and3A_283 : vector<16xi32>
    %swap3A_285 = arith.constant 64 : index
    %swap3A_286 = tpu.vector_load %arg9[%swap3A_285] {strides = array<i32>} : memref<80xi32, #tpu.memory_space<vmem>>, vector<16xi32>,
    %swap3A_287 = vector.shape_cast %swap3A_286 : vector<16xi32> to vector<16xi32>
    %swap3A_288 = vector.shape_cast %and3A_284 : vector<16xi32> to vector<16xi32>
    tpu.vector_store %arg9[%swap3A_285], %swap3A_288 {strides = array<i32>} : memref<80xi32, #tpu.memory_space<vmem>>, vector<16xi32>,
    %shift_right_logical3A_289 = arith.constant 14 : i32
    %shift_right_logical3A_290 = vector.broadcast %shift_right_logical3A_289 : i32 to vector<16xi32>
    %shift_right_logical3A_291 = arith.shrui %get3A_281, %shift_right_logical3A_290 : vector<16xi32>
    %swap3A_292 = arith.constant 64 : index
    %swap3A_293 = tpu.vector_load %arg12[%swap3A_292] {strides = array<i32>} : memref<80xi32, #tpu.memory_space<vmem>>, vector<16xi32>,
    %swap3A_294 = vector.shape_cast %swap3A_293 : vector<16xi32> to vector<16xi32>
    %swap3A_295 = vector.shape_cast %shift_right_logical3A_291 : vector<16xi32> to vector<16xi32>
    tpu.vector_store %arg12[%swap3A_292], %swap3A_295 {strides = array<i32>} : memref<80xi32, #tpu.memory_space<vmem>>, vector<16xi32>,
    %dma_start3A_296 = arith.constant 0 : i32
    %dma_start3A_297 = arith.constant 0 : i32
    %dma_start3A_298 = tpu.memref_slice %arg3[%dma_start3A_296, %dma_start3A_297] : memref<10240x128xf32, #tpu.memory_space<hbm>> -> memref<10240x128xf32, #tpu.memory_space<hbm>>
    tpu.enqueue_indirect_dma source(%dma_start3A_298 : memref<10240x128xf32, #tpu.memory_space<hbm>>) target(%arg15 : memref<80x128xf32, #tpu.memory_space<vmem>>) offsets(%arg9 : memref<80xi32, #tpu.memory_space<vmem>>) semaphore(%arg19 : memref<!tpu.dma_semaphore, #tpu.memory_space<semaphore_mem>>)
    "tpu.region"() ({
      %run_scoped3A = tpu.sem_alloc : memref<!tpu.dma_semaphore, #tpu.memory_space<semaphore_mem>>
      %dma_start3A_310 = arith.constant 0 : i32
      %dma_start3A_311 = arith.constant 0 : i32
      %dma_start3A_312 = tpu.memref_slice %arg16[%dma_start3A_310, %dma_start3A_311] : memref<10240x128xf32, #tpu.memory_space<vmem_shared>> -> memref<10240x128xf32, #tpu.memory_space<vmem_shared>>
      tpu.enqueue_indirect_dma source(%arg13 : memref<80x128xf32, #tpu.memory_space<vmem>>) target(%dma_start3A_312 : memref<10240x128xf32, #tpu.memory_space<vmem_shared>>) offsets(%arg10 : memref<80xi32, #tpu.memory_space<vmem>>) semaphore(%run_scoped3A : memref<!tpu.dma_semaphore, #tpu.memory_space<semaphore_mem>>) {add = true}
      %dma_wait3A_313 = arith.constant 0 : i32
      %dma_wait3A_314 = arith.constant 0 : i32
      %dma_wait3A_315 = tpu.memref_slice %arg16[%dma_wait3A_313, %dma_wait3A_314] : memref<10240x128xf32, #tpu.memory_space<vmem_shared>> -> memref<10240x128xf32, #tpu.memory_space<vmem_shared>>
      tpu.wait_indirect_dma semaphore(%run_scoped3A : memref<!tpu.dma_semaphore, #tpu.memory_space<semaphore_mem>>) src(%arg13 : memref<80x128xf32, #tpu.memory_space<vmem>>) dst(%dma_wait3A_315 : memref<10240x128xf32, #tpu.memory_space<vmem_shared>>)
      tpu.yield
    }) : () -> ()
    %dma_wait3A_299 = arith.constant 0 : i32
    %dma_wait3A_300 = arith.constant 0 : i32
    %dma_wait3A_301 = tpu.memref_slice %arg3[%dma_wait3A_299, %dma_wait3A_300] : memref<10240x128xf32, #tpu.memory_space<hbm>> -> memref<10240x128xf32, #tpu.memory_space<hbm>>
    tpu.wait_indirect_dma semaphore(%arg18 : memref<!tpu.dma_semaphore, #tpu.memory_space<semaphore_mem>>) src(%dma_wait3A_301 : memref<10240x128xf32, #tpu.memory_space<hbm>>) dst(%arg14 : memref<80x128xf32, #tpu.memory_space<vmem>>)
    "tpu.region"() ({
      %run_scoped3A = tpu.sem_alloc : memref<!tpu.dma_semaphore, #tpu.memory_space<semaphore_mem>>
      %dma_start3A_310 = arith.constant 0 : i32
      %dma_start3A_311 = arith.constant 0 : i32
      %dma_start3A_312 = tpu.memref_slice %arg16[%dma_start3A_310, %dma_start3A_311] : memref<10240x128xf32, #tpu.memory_space<vmem_shared>> -> memref<10240x128xf32, #tpu.memory_space<vmem_shared>>
      tpu.enqueue_indirect_dma source(%arg14 : memref<80x128xf32, #tpu.memory_space<vmem>>) target(%dma_start3A_312 : memref<10240x128xf32, #tpu.memory_space<vmem_shared>>) offsets(%arg11 : memref<80xi32, #tpu.memory_space<vmem>>) semaphore(%run_scoped3A : memref<!tpu.dma_semaphore, #tpu.memory_space<semaphore_mem>>) {add = true}
      %dma_wait3A_313 = arith.constant 0 : i32
      %dma_wait3A_314 = arith.constant 0 : i32
      %dma_wait3A_315 = tpu.memref_slice %arg16[%dma_wait3A_313, %dma_wait3A_314] : memref<10240x128xf32, #tpu.memory_space<vmem_shared>> -> memref<10240x128xf32, #tpu.memory_space<vmem_shared>>
      tpu.wait_indirect_dma semaphore(%run_scoped3A : memref<!tpu.dma_semaphore, #tpu.memory_space<semaphore_mem>>) src(%arg14 : memref<80x128xf32, #tpu.memory_space<vmem>>) dst(%dma_wait3A_315 : memref<10240x128xf32, #tpu.memory_space<vmem_shared>>)
      tpu.yield
    }) : () -> ()
    %dma_wait3A_302 = arith.constant 0 : i32
    %dma_wait3A_303 = arith.constant 0 : i32
    %dma_wait3A_304 = tpu.memref_slice %arg3[%dma_wait3A_302, %dma_wait3A_303] : memref<10240x128xf32, #tpu.memory_space<hbm>> -> memref<10240x128xf32, #tpu.memory_space<hbm>>
    tpu.wait_indirect_dma semaphore(%arg19 : memref<!tpu.dma_semaphore, #tpu.memory_space<semaphore_mem>>) src(%dma_wait3A_304 : memref<10240x128xf32, #tpu.memory_space<hbm>>) dst(%arg15 : memref<80x128xf32, #tpu.memory_space<vmem>>)
    "tpu.region"() ({
      %run_scoped3A = tpu.sem_alloc : memref<!tpu.dma_semaphore, #tpu.memory_space<semaphore_mem>>
      %dma_start3A_310 = arith.constant 0 : i32
      %dma_start3A_311 = arith.constant 0 : i32
      %dma_start3A_312 = tpu.memref_slice %arg16[%dma_start3A_310, %dma_start3A_311] : memref<10240x128xf32, #tpu.memory_space<vmem_shared>> -> memref<10240x128xf32, #tpu.memory_space<vmem_shared>>
      tpu.enqueue_indirect_dma source(%arg15 : memref<80x128xf32, #tpu.memory_space<vmem>>) target(%dma_start3A_312 : memref<10240x128xf32, #tpu.memory_space<vmem_shared>>) offsets(%arg12 : memref<80xi32, #tpu.memory_space<vmem>>) semaphore(%run_scoped3A : memref<!tpu.dma_semaphore, #tpu.memory_space<semaphore_mem>>) {add = true}
      %dma_wait3A_313 = arith.constant 0 : i32
      %dma_wait3A_314 = arith.constant 0 : i32
      %dma_wait3A_315 = tpu.memref_slice %arg16[%dma_wait3A_313, %dma_wait3A_314] : memref<10240x128xf32, #tpu.memory_space<vmem_shared>> -> memref<10240x128xf32, #tpu.memory_space<vmem_shared>>
      tpu.wait_indirect_dma semaphore(%run_scoped3A : memref<!tpu.dma_semaphore, #tpu.memory_space<semaphore_mem>>) src(%arg15 : memref<80x128xf32, #tpu.memory_space<vmem>>) dst(%dma_wait3A_315 : memref<10240x128xf32, #tpu.memory_space<vmem_shared>>)
      tpu.yield
    }) : () -> ()
    %barrier3A_305 = arith.constant 0 : index
    tpu.barrier barrier_id(%barrier3A_305)
    %mul3A_306 = arith.constant 640 : i32
    %mul3A_307 = arith.muli %arg1, %mul3A_306 : i32
    %mul3A_308 = arith.constant 640 : i32
    %mul3A_309 = arith.muli %arg1, %mul3A_308 : i32
    "tpu.region"() ({
      %run_scoped3A = tpu.sem_alloc : memref<!tpu.dma_semaphore, #tpu.memory_space<semaphore_mem>>
      %dma_start3A_310 = arith.constant 0 : i32
      %dma_start3A_311 = tpu.memref_slice %arg5[%arg0, %mul3A_309, %dma_start3A_310] : memref<2x10240x128xf32, #tpu.memory_space<hbm>> -> memref<1x640x128xf32, #tpu.memory_space<hbm>>
      %dma_start3A_312 = tpu.memref_squeeze %dma_start3A_311 : memref<1x640x128xf32, #tpu.memory_space<hbm>> -> memref<640x128xf32, #tpu.memory_space<hbm>>
      %dma_start3A_313 = arith.constant 0 : i32
      %dma_start3A_314 = tpu.memref_slice %arg16[%mul3A_307, %dma_start3A_313] : memref<10240x128xf32, #tpu.memory_space<vmem_shared>> -> memref<640x128xf32, #tpu.memory_space<vmem_shared>>
      tpu.enqueue_dma source(%dma_start3A_314 : memref<640x128xf32, #tpu.memory_space<vmem_shared>>) target(%dma_start3A_312 : memref<640x128xf32, #tpu.memory_space<hbm>>) target_semaphore(%run_scoped3A : memref<!tpu.dma_semaphore, #tpu.memory_space<semaphore_mem>>)
      %dma_wait3A_315 = arith.constant 0 : i32
      %dma_wait3A_316 = tpu.memref_slice %arg5[%arg0, %mul3A_309, %dma_wait3A_315] : memref<2x10240x128xf32, #tpu.memory_space<hbm>> -> memref<1x640x128xf32, #tpu.memory_space<hbm>>
      %dma_wait3A_317 = tpu.memref_squeeze %dma_wait3A_316 : memref<1x640x128xf32, #tpu.memory_space<hbm>> -> memref<640x128xf32, #tpu.memory_space<hbm>>
      %dma_wait3A_318 = arith.constant 0 : i32
      %dma_wait3A_319 = tpu.memref_slice %arg16[%mul3A_307, %dma_wait3A_318] : memref<10240x128xf32, #tpu.memory_space<vmem_shared>> -> memref<640x128xf32, #tpu.memory_space<vmem_shared>>
      tpu.wait_dma2 semaphore(%run_scoped3A : memref<!tpu.dma_semaphore, #tpu.memory_space<semaphore_mem>>) src(%dma_wait3A_319 : memref<640x128xf32, #tpu.memory_space<vmem_shared>>) dst(%dma_wait3A_317 : memref<640x128xf32, #tpu.memory_space<hbm>>)
      tpu.yield
    }) : () -> ()
    return
  }
}

#map = affine_map<(d0, d1) -> (0, 0, 0)>
#map1 = affine_map<(d0, d1) -> (0, 0)>
#map2 = affine_map<(d0, d1) -> (0)>
module attributes {stable_mosaic.version = 14 : i64} {
  func.func @k(%arg0: i32, %arg1: i32, %arg2: memref<32x126x80xi32, #tpu.memory_space<hbm>>, %arg3: memref<10240x128xf32, #tpu.memory_space<hbm>>, %arg4: memref<640x128xf32, #tpu.memory_space<hbm>>, %arg5: memref<640xf32, #tpu.memory_space<hbm>>, %arg6: memref<80xf32, #tpu.memory_space<hbm>>, %arg7: memref<2x10240x128xf32, #tpu.memory_space<hbm>>, %arg8: memref<2x10240xf32, #tpu.memory_space<hbm>>, %arg9: memref<126x80xi32, #tpu.memory_space<vmem>>, %arg10: memref<80xi32, #tpu.memory_space<vmem>>, %arg11: memref<80xi32, #tpu.memory_space<vmem>>, %arg12: memref<80xi32, #tpu.memory_space<vmem>>, %arg13: memref<80xi32, #tpu.memory_space<vmem>>, %arg14: memref<80xi32, #tpu.memory_space<vmem>>, %arg15: memref<80xi32, #tpu.memory_space<vmem>>, %arg16: memref<80x128xf32, #tpu.memory_space<vmem>>, %arg17: memref<80x128xf32, #tpu.memory_space<vmem>>, %arg18: memref<80x128xf32, #tpu.memory_space<vmem>>, %arg19: memref<10240x128xf32, #tpu.memory_space<vmem_shared>>, %arg20: memref<!tpu.dma_semaphore, #tpu.memory_space<semaphore_mem>>, %arg21: memref<!tpu.dma_semaphore, #tpu.memory_space<semaphore_mem>>, %arg22: memref<!tpu.dma_semaphore, #tpu.memory_space<semaphore_mem>>, %arg23: memref<80xf32, #tpu.memory_space<vmem>>, %arg24: memref<10240xf32, #tpu.memory_space<vmem_shared>>) attributes {dimension_semantics = [#tpu.dimension_semantics<core_parallel>, #tpu.dimension_semantics<subcore_parallel>], iteration_bounds = array<i64: 2, 16>, scalar_prefetch = 0 : i64, scratch_operands = 16 : i64, tpu.core_type = #tpu.core_type<sc_vector_subcore>, window_params = [{transform_indices = #map}, {transform_indices = #map1}, {transform_indices = #map1}, {transform_indices = #map2}, {transform_indices = #map2}, {transform_indices = #map}, {transform_indices = #map1}]} {
    %mul3A = arith.constant 16 : i32
    %mul3A_0 = arith.muli %arg0, %mul3A : i32
    %add3A = arith.addi %mul3A_0, %arg1 : i32
    %mul3A_1 = arith.constant 640 : i32
    %mul3A_2 = arith.muli %arg1, %mul3A_1 : i32
    "tpu.region"() ({
      %run_scoped3A = tpu.sem_alloc : memref<!tpu.dma_semaphore, #tpu.memory_space<semaphore_mem>>
      %dma_start3A_316 = arith.constant 0 : i32
      %dma_start3A_317 = tpu.memref_slice %arg19[%mul3A_2, %dma_start3A_316] : memref<10240x128xf32, #tpu.memory_space<vmem_shared>> -> memref<640x128xf32, #tpu.memory_space<vmem_shared>>
      tpu.enqueue_dma source(%arg4 : memref<640x128xf32, #tpu.memory_space<hbm>>) target(%dma_start3A_317 : memref<640x128xf32, #tpu.memory_space<vmem_shared>>) target_semaphore(%run_scoped3A : memref<!tpu.dma_semaphore, #tpu.memory_space<semaphore_mem>>)
      %dma_wait3A_318 = arith.constant 0 : i32
      %dma_wait3A_319 = tpu.memref_slice %arg19[%mul3A_2, %dma_wait3A_318] : memref<10240x128xf32, #tpu.memory_space<vmem_shared>> -> memref<640x128xf32, #tpu.memory_space<vmem_shared>>
      tpu.wait_dma2 semaphore(%run_scoped3A : memref<!tpu.dma_semaphore, #tpu.memory_space<semaphore_mem>>) src(%arg4 : memref<640x128xf32, #tpu.memory_space<hbm>>) dst(%dma_wait3A_319 : memref<640x128xf32, #tpu.memory_space<vmem_shared>>)
      tpu.yield
    }) : () -> ()
    "tpu.region"() ({
      %run_scoped3A = tpu.sem_alloc : memref<!tpu.dma_semaphore, #tpu.memory_space<semaphore_mem>>
      tpu.enqueue_dma source(%arg6 : memref<80xf32, #tpu.memory_space<hbm>>) target(%arg23 : memref<80xf32, #tpu.memory_space<vmem>>) target_semaphore(%run_scoped3A : memref<!tpu.dma_semaphore, #tpu.memory_space<semaphore_mem>>)
      tpu.wait_dma2 semaphore(%run_scoped3A : memref<!tpu.dma_semaphore, #tpu.memory_space<semaphore_mem>>) src(%arg6 : memref<80xf32, #tpu.memory_space<hbm>>) dst(%arg23 : memref<80xf32, #tpu.memory_space<vmem>>)
      tpu.yield
    }) : () -> ()
    %mul3A_3 = arith.constant 640 : i32
    %mul3A_4 = arith.muli %arg1, %mul3A_3 : i32
    "tpu.region"() ({
      %run_scoped3A = tpu.sem_alloc : memref<!tpu.dma_semaphore, #tpu.memory_space<semaphore_mem>>
      %dma_start3A_316 = tpu.memref_slice %arg24[%mul3A_4] : memref<10240xf32, #tpu.memory_space<vmem_shared>> -> memref<640xf32, #tpu.memory_space<vmem_shared>>
      tpu.enqueue_dma source(%arg5 : memref<640xf32, #tpu.memory_space<hbm>>) target(%dma_start3A_316 : memref<640xf32, #tpu.memory_space<vmem_shared>>) target_semaphore(%run_scoped3A : memref<!tpu.dma_semaphore, #tpu.memory_space<semaphore_mem>>)
      %dma_wait3A_317 = tpu.memref_slice %arg24[%mul3A_4] : memref<10240xf32, #tpu.memory_space<vmem_shared>> -> memref<640xf32, #tpu.memory_space<vmem_shared>>
      tpu.wait_dma2 semaphore(%run_scoped3A : memref<!tpu.dma_semaphore, #tpu.memory_space<semaphore_mem>>) src(%arg5 : memref<640xf32, #tpu.memory_space<hbm>>) dst(%dma_wait3A_317 : memref<640xf32, #tpu.memory_space<vmem_shared>>)
      tpu.yield
    }) : () -> ()
    "tpu.region"() ({
      %run_scoped3A = tpu.sem_alloc : memref<!tpu.dma_semaphore, #tpu.memory_space<semaphore_mem>>
      %dma_start3A_316 = arith.constant 0 : i32
      %dma_start3A_317 = arith.constant 0 : i32
      %dma_start3A_318 = tpu.memref_slice %arg2[%add3A, %dma_start3A_316, %dma_start3A_317] : memref<32x126x80xi32, #tpu.memory_space<hbm>> -> memref<1x126x80xi32, #tpu.memory_space<hbm>>
      %dma_start3A_319 = tpu.memref_squeeze %dma_start3A_318 : memref<1x126x80xi32, #tpu.memory_space<hbm>> -> memref<126x80xi32, #tpu.memory_space<hbm>>
      %dma_start3A_320 = arith.constant 0 : i32
      %dma_start3A_321 = arith.constant 0 : i32
      %dma_start3A_322 = tpu.memref_slice %arg2[%add3A, %dma_start3A_320, %dma_start3A_321] : memref<32x126x80xi32, #tpu.memory_space<hbm>> -> memref<1x126x80xi32, #tpu.memory_space<hbm>>
      %dma_start3A_323 = tpu.memref_squeeze %dma_start3A_322 : memref<1x126x80xi32, #tpu.memory_space<hbm>> -> memref<126x80xi32, #tpu.memory_space<hbm>>
      tpu.enqueue_dma source(%dma_start3A_323 : memref<126x80xi32, #tpu.memory_space<hbm>>) target(%arg9 : memref<126x80xi32, #tpu.memory_space<vmem>>) target_semaphore(%run_scoped3A : memref<!tpu.dma_semaphore, #tpu.memory_space<semaphore_mem>>)
      %dma_wait3A_324 = arith.constant 0 : i32
      %dma_wait3A_325 = arith.constant 0 : i32
      %dma_wait3A_326 = tpu.memref_slice %arg2[%add3A, %dma_wait3A_324, %dma_wait3A_325] : memref<32x126x80xi32, #tpu.memory_space<hbm>> -> memref<1x126x80xi32, #tpu.memory_space<hbm>>
      %dma_wait3A_327 = tpu.memref_squeeze %dma_wait3A_326 : memref<1x126x80xi32, #tpu.memory_space<hbm>> -> memref<126x80xi32, #tpu.memory_space<hbm>>
      %dma_wait3A_328 = arith.constant 0 : i32
      %dma_wait3A_329 = arith.constant 0 : i32
      %dma_wait3A_330 = tpu.memref_slice %arg2[%add3A, %dma_wait3A_328, %dma_wait3A_329] : memref<32x126x80xi32, #tpu.memory_space<hbm>> -> memref<1x126x80xi32, #tpu.memory_space<hbm>>
      %dma_wait3A_331 = tpu.memref_squeeze %dma_wait3A_330 : memref<1x126x80xi32, #tpu.memory_space<hbm>> -> memref<126x80xi32, #tpu.memory_space<hbm>>
      tpu.wait_dma2 semaphore(%run_scoped3A : memref<!tpu.dma_semaphore, #tpu.memory_space<semaphore_mem>>) src(%dma_wait3A_331 : memref<126x80xi32, #tpu.memory_space<hbm>>) dst(%arg9 : memref<126x80xi32, #tpu.memory_space<vmem>>)
      tpu.yield
    }) : () -> ()
    %barrier3A = arith.constant 0 : index
    tpu.barrier barrier_id(%barrier3A)
    %get3A = arith.constant 0 : i32
    %get3A_5 = arith.index_cast %get3A : i32 to index
    %get3A_6 = arith.constant 0 : index
    %get3A_7 = tpu.vector_load %arg9[%get3A_5, %get3A_6] {strides = array<i32>} : memref<126x80xi32, #tpu.memory_space<vmem>>, vector<1x16xi32>,
    %get3A_8 = vector.shape_cast %get3A_7 : vector<1x16xi32> to vector<16xi32>
    %and3A = arith.constant 16383 : i32
    %and3A_9 = vector.broadcast %and3A : i32 to vector<16xi32>
    %and3A_10 = arith.andi %get3A_8, %and3A_9 : vector<16xi32>
    %swap3A = arith.constant 0 : index
    %swap3A_11 = tpu.vector_load %arg10[%swap3A] {strides = array<i32>} : memref<80xi32, #tpu.memory_space<vmem>>, vector<16xi32>,
    %swap3A_12 = vector.shape_cast %swap3A_11 : vector<16xi32> to vector<16xi32>
    %swap3A_13 = vector.shape_cast %and3A_10 : vector<16xi32> to vector<16xi32>
    tpu.vector_store %arg10[%swap3A], %swap3A_13 {strides = array<i32>} : memref<80xi32, #tpu.memory_space<vmem>>, vector<16xi32>,
    %shift_right_logical3A = arith.constant 14 : i32
    %shift_right_logical3A_14 = vector.broadcast %shift_right_logical3A : i32 to vector<16xi32>
    %shift_right_logical3A_15 = arith.shrui %get3A_8, %shift_right_logical3A_14 : vector<16xi32>
    %swap3A_16 = arith.constant 0 : index
    %swap3A_17 = tpu.vector_load %arg13[%swap3A_16] {strides = array<i32>} : memref<80xi32, #tpu.memory_space<vmem>>, vector<16xi32>,
    %swap3A_18 = vector.shape_cast %swap3A_17 : vector<16xi32> to vector<16xi32>
    %swap3A_19 = vector.shape_cast %shift_right_logical3A_15 : vector<16xi32> to vector<16xi32>
    tpu.vector_store %arg13[%swap3A_16], %swap3A_19 {strides = array<i32>} : memref<80xi32, #tpu.memory_space<vmem>>, vector<16xi32>,
    %get3A_20 = arith.constant 0 : i32
    %get3A_21 = arith.index_cast %get3A_20 : i32 to index
    %get3A_22 = arith.constant 16 : index
    %get3A_23 = tpu.vector_load %arg9[%get3A_21, %get3A_22] {strides = array<i32>} : memref<126x80xi32, #tpu.memory_space<vmem>>, vector<1x16xi32>,
    %get3A_24 = vector.shape_cast %get3A_23 : vector<1x16xi32> to vector<16xi32>
    %and3A_25 = arith.constant 16383 : i32
    %and3A_26 = vector.broadcast %and3A_25 : i32 to vector<16xi32>
    %and3A_27 = arith.andi %get3A_24, %and3A_26 : vector<16xi32>
    %swap3A_28 = arith.constant 16 : index
    %swap3A_29 = tpu.vector_load %arg10[%swap3A_28] {strides = array<i32>} : memref<80xi32, #tpu.memory_space<vmem>>, vector<16xi32>,
    %swap3A_30 = vector.shape_cast %swap3A_29 : vector<16xi32> to vector<16xi32>
    %swap3A_31 = vector.shape_cast %and3A_27 : vector<16xi32> to vector<16xi32>
    tpu.vector_store %arg10[%swap3A_28], %swap3A_31 {strides = array<i32>} : memref<80xi32, #tpu.memory_space<vmem>>, vector<16xi32>,
    %shift_right_logical3A_32 = arith.constant 14 : i32
    %shift_right_logical3A_33 = vector.broadcast %shift_right_logical3A_32 : i32 to vector<16xi32>
    %shift_right_logical3A_34 = arith.shrui %get3A_24, %shift_right_logical3A_33 : vector<16xi32>
    %swap3A_35 = arith.constant 16 : index
    %swap3A_36 = tpu.vector_load %arg13[%swap3A_35] {strides = array<i32>} : memref<80xi32, #tpu.memory_space<vmem>>, vector<16xi32>,
    %swap3A_37 = vector.shape_cast %swap3A_36 : vector<16xi32> to vector<16xi32>
    %swap3A_38 = vector.shape_cast %shift_right_logical3A_34 : vector<16xi32> to vector<16xi32>
    tpu.vector_store %arg13[%swap3A_35], %swap3A_38 {strides = array<i32>} : memref<80xi32, #tpu.memory_space<vmem>>, vector<16xi32>,
    %get3A_39 = arith.constant 0 : i32
    %get3A_40 = arith.index_cast %get3A_39 : i32 to index
    %get3A_41 = arith.constant 32 : index
    %get3A_42 = tpu.vector_load %arg9[%get3A_40, %get3A_41] {strides = array<i32>} : memref<126x80xi32, #tpu.memory_space<vmem>>, vector<1x16xi32>,
    %get3A_43 = vector.shape_cast %get3A_42 : vector<1x16xi32> to vector<16xi32>
    %and3A_44 = arith.constant 16383 : i32
    %and3A_45 = vector.broadcast %and3A_44 : i32 to vector<16xi32>
    %and3A_46 = arith.andi %get3A_43, %and3A_45 : vector<16xi32>
    %swap3A_47 = arith.constant 32 : index
    %swap3A_48 = tpu.vector_load %arg10[%swap3A_47] {strides = array<i32>} : memref<80xi32, #tpu.memory_space<vmem>>, vector<16xi32>,
    %swap3A_49 = vector.shape_cast %swap3A_48 : vector<16xi32> to vector<16xi32>
    %swap3A_50 = vector.shape_cast %and3A_46 : vector<16xi32> to vector<16xi32>
    tpu.vector_store %arg10[%swap3A_47], %swap3A_50 {strides = array<i32>} : memref<80xi32, #tpu.memory_space<vmem>>, vector<16xi32>,
    %shift_right_logical3A_51 = arith.constant 14 : i32
    %shift_right_logical3A_52 = vector.broadcast %shift_right_logical3A_51 : i32 to vector<16xi32>
    %shift_right_logical3A_53 = arith.shrui %get3A_43, %shift_right_logical3A_52 : vector<16xi32>
    %swap3A_54 = arith.constant 32 : index
    %swap3A_55 = tpu.vector_load %arg13[%swap3A_54] {strides = array<i32>} : memref<80xi32, #tpu.memory_space<vmem>>, vector<16xi32>,
    %swap3A_56 = vector.shape_cast %swap3A_55 : vector<16xi32> to vector<16xi32>
    %swap3A_57 = vector.shape_cast %shift_right_logical3A_53 : vector<16xi32> to vector<16xi32>
    tpu.vector_store %arg13[%swap3A_54], %swap3A_57 {strides = array<i32>} : memref<80xi32, #tpu.memory_space<vmem>>, vector<16xi32>,
    %get3A_58 = arith.constant 0 : i32
    %get3A_59 = arith.index_cast %get3A_58 : i32 to index
    %get3A_60 = arith.constant 48 : index
    %get3A_61 = tpu.vector_load %arg9[%get3A_59, %get3A_60] {strides = array<i32>} : memref<126x80xi32, #tpu.memory_space<vmem>>, vector<1x16xi32>,
    %get3A_62 = vector.shape_cast %get3A_61 : vector<1x16xi32> to vector<16xi32>
    %and3A_63 = arith.constant 16383 : i32
    %and3A_64 = vector.broadcast %and3A_63 : i32 to vector<16xi32>
    %and3A_65 = arith.andi %get3A_62, %and3A_64 : vector<16xi32>
    %swap3A_66 = arith.constant 48 : index
    %swap3A_67 = tpu.vector_load %arg10[%swap3A_66] {strides = array<i32>} : memref<80xi32, #tpu.memory_space<vmem>>, vector<16xi32>,
    %swap3A_68 = vector.shape_cast %swap3A_67 : vector<16xi32> to vector<16xi32>
    %swap3A_69 = vector.shape_cast %and3A_65 : vector<16xi32> to vector<16xi32>
    tpu.vector_store %arg10[%swap3A_66], %swap3A_69 {strides = array<i32>} : memref<80xi32, #tpu.memory_space<vmem>>, vector<16xi32>,
    %shift_right_logical3A_70 = arith.constant 14 : i32
    %shift_right_logical3A_71 = vector.broadcast %shift_right_logical3A_70 : i32 to vector<16xi32>
    %shift_right_logical3A_72 = arith.shrui %get3A_62, %shift_right_logical3A_71 : vector<16xi32>
    %swap3A_73 = arith.constant 48 : index
    %swap3A_74 = tpu.vector_load %arg13[%swap3A_73] {strides = array<i32>} : memref<80xi32, #tpu.memory_space<vmem>>, vector<16xi32>,
    %swap3A_75 = vector.shape_cast %swap3A_74 : vector<16xi32> to vector<16xi32>
    %swap3A_76 = vector.shape_cast %shift_right_logical3A_72 : vector<16xi32> to vector<16xi32>
    tpu.vector_store %arg13[%swap3A_73], %swap3A_76 {strides = array<i32>} : memref<80xi32, #tpu.memory_space<vmem>>, vector<16xi32>,
    %get3A_77 = arith.constant 0 : i32
    %get3A_78 = arith.index_cast %get3A_77 : i32 to index
    %get3A_79 = arith.constant 64 : index
    %get3A_80 = tpu.vector_load %arg9[%get3A_78, %get3A_79] {strides = array<i32>} : memref<126x80xi32, #tpu.memory_space<vmem>>, vector<1x16xi32>,
    %get3A_81 = vector.shape_cast %get3A_80 : vector<1x16xi32> to vector<16xi32>
    %and3A_82 = arith.constant 16383 : i32
    %and3A_83 = vector.broadcast %and3A_82 : i32 to vector<16xi32>
    %and3A_84 = arith.andi %get3A_81, %and3A_83 : vector<16xi32>
    %swap3A_85 = arith.constant 64 : index
    %swap3A_86 = tpu.vector_load %arg10[%swap3A_85] {strides = array<i32>} : memref<80xi32, #tpu.memory_space<vmem>>, vector<16xi32>,
    %swap3A_87 = vector.shape_cast %swap3A_86 : vector<16xi32> to vector<16xi32>
    %swap3A_88 = vector.shape_cast %and3A_84 : vector<16xi32> to vector<16xi32>
    tpu.vector_store %arg10[%swap3A_85], %swap3A_88 {strides = array<i32>} : memref<80xi32, #tpu.memory_space<vmem>>, vector<16xi32>,
    %shift_right_logical3A_89 = arith.constant 14 : i32
    %shift_right_logical3A_90 = vector.broadcast %shift_right_logical3A_89 : i32 to vector<16xi32>
    %shift_right_logical3A_91 = arith.shrui %get3A_81, %shift_right_logical3A_90 : vector<16xi32>
    %swap3A_92 = arith.constant 64 : index
    %swap3A_93 = tpu.vector_load %arg13[%swap3A_92] {strides = array<i32>} : memref<80xi32, #tpu.memory_space<vmem>>, vector<16xi32>,
    %swap3A_94 = vector.shape_cast %swap3A_93 : vector<16xi32> to vector<16xi32>
    %swap3A_95 = vector.shape_cast %shift_right_logical3A_91 : vector<16xi32> to vector<16xi32>
    tpu.vector_store %arg13[%swap3A_92], %swap3A_95 {strides = array<i32>} : memref<80xi32, #tpu.memory_space<vmem>>, vector<16xi32>,
    %dma_start3A = arith.constant 0 : i32
    %dma_start3A_96 = arith.constant 0 : i32
    %dma_start3A_97 = tpu.memref_slice %arg3[%dma_start3A, %dma_start3A_96] : memref<10240x128xf32, #tpu.memory_space<hbm>> -> memref<10240x128xf32, #tpu.memory_space<hbm>>
    tpu.enqueue_indirect_dma source(%dma_start3A_97 : memref<10240x128xf32, #tpu.memory_space<hbm>>) target(%arg16 : memref<80x128xf32, #tpu.memory_space<vmem>>) offsets(%arg10 : memref<80xi32, #tpu.memory_space<vmem>>) semaphore(%arg20 : memref<!tpu.dma_semaphore, #tpu.memory_space<semaphore_mem>>)
    %get3A_98 = arith.constant 1 : i32
    %get3A_99 = arith.index_cast %get3A_98 : i32 to index
    %get3A_100 = arith.constant 0 : index
    %get3A_101 = tpu.vector_load %arg9[%get3A_99, %get3A_100] {strides = array<i32>} : memref<126x80xi32, #tpu.memory_space<vmem>>, vector<1x16xi32>,
    %get3A_102 = vector.shape_cast %get3A_101 : vector<1x16xi32> to vector<16xi32>
    %and3A_103 = arith.constant 16383 : i32
    %and3A_104 = vector.broadcast %and3A_103 : i32 to vector<16xi32>
    %and3A_105 = arith.andi %get3A_102, %and3A_104 : vector<16xi32>
    %swap3A_106 = arith.constant 0 : index
    %swap3A_107 = tpu.vector_load %arg11[%swap3A_106] {strides = array<i32>} : memref<80xi32, #tpu.memory_space<vmem>>, vector<16xi32>,
    %swap3A_108 = vector.shape_cast %swap3A_107 : vector<16xi32> to vector<16xi32>
    %swap3A_109 = vector.shape_cast %and3A_105 : vector<16xi32> to vector<16xi32>
    tpu.vector_store %arg11[%swap3A_106], %swap3A_109 {strides = array<i32>} : memref<80xi32, #tpu.memory_space<vmem>>, vector<16xi32>,
    %shift_right_logical3A_110 = arith.constant 14 : i32
    %shift_right_logical3A_111 = vector.broadcast %shift_right_logical3A_110 : i32 to vector<16xi32>
    %shift_right_logical3A_112 = arith.shrui %get3A_102, %shift_right_logical3A_111 : vector<16xi32>
    %swap3A_113 = arith.constant 0 : index
    %swap3A_114 = tpu.vector_load %arg14[%swap3A_113] {strides = array<i32>} : memref<80xi32, #tpu.memory_space<vmem>>, vector<16xi32>,
    %swap3A_115 = vector.shape_cast %swap3A_114 : vector<16xi32> to vector<16xi32>
    %swap3A_116 = vector.shape_cast %shift_right_logical3A_112 : vector<16xi32> to vector<16xi32>
    tpu.vector_store %arg14[%swap3A_113], %swap3A_116 {strides = array<i32>} : memref<80xi32, #tpu.memory_space<vmem>>, vector<16xi32>,
    %get3A_117 = arith.constant 1 : i32
    %get3A_118 = arith.index_cast %get3A_117 : i32 to index
    %get3A_119 = arith.constant 16 : index
    %get3A_120 = tpu.vector_load %arg9[%get3A_118, %get3A_119] {strides = array<i32>} : memref<126x80xi32, #tpu.memory_space<vmem>>, vector<1x16xi32>,
    %get3A_121 = vector.shape_cast %get3A_120 : vector<1x16xi32> to vector<16xi32>
    %and3A_122 = arith.constant 16383 : i32
    %and3A_123 = vector.broadcast %and3A_122 : i32 to vector<16xi32>
    %and3A_124 = arith.andi %get3A_121, %and3A_123 : vector<16xi32>
    %swap3A_125 = arith.constant 16 : index
    %swap3A_126 = tpu.vector_load %arg11[%swap3A_125] {strides = array<i32>} : memref<80xi32, #tpu.memory_space<vmem>>, vector<16xi32>,
    %swap3A_127 = vector.shape_cast %swap3A_126 : vector<16xi32> to vector<16xi32>
    %swap3A_128 = vector.shape_cast %and3A_124 : vector<16xi32> to vector<16xi32>
    tpu.vector_store %arg11[%swap3A_125], %swap3A_128 {strides = array<i32>} : memref<80xi32, #tpu.memory_space<vmem>>, vector<16xi32>,
    %shift_right_logical3A_129 = arith.constant 14 : i32
    %shift_right_logical3A_130 = vector.broadcast %shift_right_logical3A_129 : i32 to vector<16xi32>
    %shift_right_logical3A_131 = arith.shrui %get3A_121, %shift_right_logical3A_130 : vector<16xi32>
    %swap3A_132 = arith.constant 16 : index
    %swap3A_133 = tpu.vector_load %arg14[%swap3A_132] {strides = array<i32>} : memref<80xi32, #tpu.memory_space<vmem>>, vector<16xi32>,
    %swap3A_134 = vector.shape_cast %swap3A_133 : vector<16xi32> to vector<16xi32>
    %swap3A_135 = vector.shape_cast %shift_right_logical3A_131 : vector<16xi32> to vector<16xi32>
    tpu.vector_store %arg14[%swap3A_132], %swap3A_135 {strides = array<i32>} : memref<80xi32, #tpu.memory_space<vmem>>, vector<16xi32>,
    %get3A_136 = arith.constant 1 : i32
    %get3A_137 = arith.index_cast %get3A_136 : i32 to index
    %get3A_138 = arith.constant 32 : index
    %get3A_139 = tpu.vector_load %arg9[%get3A_137, %get3A_138] {strides = array<i32>} : memref<126x80xi32, #tpu.memory_space<vmem>>, vector<1x16xi32>,
    %get3A_140 = vector.shape_cast %get3A_139 : vector<1x16xi32> to vector<16xi32>
    %and3A_141 = arith.constant 16383 : i32
    %and3A_142 = vector.broadcast %and3A_141 : i32 to vector<16xi32>
    %and3A_143 = arith.andi %get3A_140, %and3A_142 : vector<16xi32>
    %swap3A_144 = arith.constant 32 : index
    %swap3A_145 = tpu.vector_load %arg11[%swap3A_144] {strides = array<i32>} : memref<80xi32, #tpu.memory_space<vmem>>, vector<16xi32>,
    %swap3A_146 = vector.shape_cast %swap3A_145 : vector<16xi32> to vector<16xi32>
    %swap3A_147 = vector.shape_cast %and3A_143 : vector<16xi32> to vector<16xi32>
    tpu.vector_store %arg11[%swap3A_144], %swap3A_147 {strides = array<i32>} : memref<80xi32, #tpu.memory_space<vmem>>, vector<16xi32>,
    %shift_right_logical3A_148 = arith.constant 14 : i32
    %shift_right_logical3A_149 = vector.broadcast %shift_right_logical3A_148 : i32 to vector<16xi32>
    %shift_right_logical3A_150 = arith.shrui %get3A_140, %shift_right_logical3A_149 : vector<16xi32>
    %swap3A_151 = arith.constant 32 : index
    %swap3A_152 = tpu.vector_load %arg14[%swap3A_151] {strides = array<i32>} : memref<80xi32, #tpu.memory_space<vmem>>, vector<16xi32>,
    %swap3A_153 = vector.shape_cast %swap3A_152 : vector<16xi32> to vector<16xi32>
    %swap3A_154 = vector.shape_cast %shift_right_logical3A_150 : vector<16xi32> to vector<16xi32>
    tpu.vector_store %arg14[%swap3A_151], %swap3A_154 {strides = array<i32>} : memref<80xi32, #tpu.memory_space<vmem>>, vector<16xi32>,
    %get3A_155 = arith.constant 1 : i32
    %get3A_156 = arith.index_cast %get3A_155 : i32 to index
    %get3A_157 = arith.constant 48 : index
    %get3A_158 = tpu.vector_load %arg9[%get3A_156, %get3A_157] {strides = array<i32>} : memref<126x80xi32, #tpu.memory_space<vmem>>, vector<1x16xi32>,
    %get3A_159 = vector.shape_cast %get3A_158 : vector<1x16xi32> to vector<16xi32>
    %and3A_160 = arith.constant 16383 : i32
    %and3A_161 = vector.broadcast %and3A_160 : i32 to vector<16xi32>
    %and3A_162 = arith.andi %get3A_159, %and3A_161 : vector<16xi32>
    %swap3A_163 = arith.constant 48 : index
    %swap3A_164 = tpu.vector_load %arg11[%swap3A_163] {strides = array<i32>} : memref<80xi32, #tpu.memory_space<vmem>>, vector<16xi32>,
    %swap3A_165 = vector.shape_cast %swap3A_164 : vector<16xi32> to vector<16xi32>
    %swap3A_166 = vector.shape_cast %and3A_162 : vector<16xi32> to vector<16xi32>
    tpu.vector_store %arg11[%swap3A_163], %swap3A_166 {strides = array<i32>} : memref<80xi32, #tpu.memory_space<vmem>>, vector<16xi32>,
    %shift_right_logical3A_167 = arith.constant 14 : i32
    %shift_right_logical3A_168 = vector.broadcast %shift_right_logical3A_167 : i32 to vector<16xi32>
    %shift_right_logical3A_169 = arith.shrui %get3A_159, %shift_right_logical3A_168 : vector<16xi32>
    %swap3A_170 = arith.constant 48 : index
    %swap3A_171 = tpu.vector_load %arg14[%swap3A_170] {strides = array<i32>} : memref<80xi32, #tpu.memory_space<vmem>>, vector<16xi32>,
    %swap3A_172 = vector.shape_cast %swap3A_171 : vector<16xi32> to vector<16xi32>
    %swap3A_173 = vector.shape_cast %shift_right_logical3A_169 : vector<16xi32> to vector<16xi32>
    tpu.vector_store %arg14[%swap3A_170], %swap3A_173 {strides = array<i32>} : memref<80xi32, #tpu.memory_space<vmem>>, vector<16xi32>,
    %get3A_174 = arith.constant 1 : i32
    %get3A_175 = arith.index_cast %get3A_174 : i32 to index
    %get3A_176 = arith.constant 64 : index
    %get3A_177 = tpu.vector_load %arg9[%get3A_175, %get3A_176] {strides = array<i32>} : memref<126x80xi32, #tpu.memory_space<vmem>>, vector<1x16xi32>,
    %get3A_178 = vector.shape_cast %get3A_177 : vector<1x16xi32> to vector<16xi32>
    %and3A_179 = arith.constant 16383 : i32
    %and3A_180 = vector.broadcast %and3A_179 : i32 to vector<16xi32>
    %and3A_181 = arith.andi %get3A_178, %and3A_180 : vector<16xi32>
    %swap3A_182 = arith.constant 64 : index
    %swap3A_183 = tpu.vector_load %arg11[%swap3A_182] {strides = array<i32>} : memref<80xi32, #tpu.memory_space<vmem>>, vector<16xi32>,
    %swap3A_184 = vector.shape_cast %swap3A_183 : vector<16xi32> to vector<16xi32>
    %swap3A_185 = vector.shape_cast %and3A_181 : vector<16xi32> to vector<16xi32>
    tpu.vector_store %arg11[%swap3A_182], %swap3A_185 {strides = array<i32>} : memref<80xi32, #tpu.memory_space<vmem>>, vector<16xi32>,
    %shift_right_logical3A_186 = arith.constant 14 : i32
    %shift_right_logical3A_187 = vector.broadcast %shift_right_logical3A_186 : i32 to vector<16xi32>
    %shift_right_logical3A_188 = arith.shrui %get3A_178, %shift_right_logical3A_187 : vector<16xi32>
    %swap3A_189 = arith.constant 64 : index
    %swap3A_190 = tpu.vector_load %arg14[%swap3A_189] {strides = array<i32>} : memref<80xi32, #tpu.memory_space<vmem>>, vector<16xi32>,
    %swap3A_191 = vector.shape_cast %swap3A_190 : vector<16xi32> to vector<16xi32>
    %swap3A_192 = vector.shape_cast %shift_right_logical3A_188 : vector<16xi32> to vector<16xi32>
    tpu.vector_store %arg14[%swap3A_189], %swap3A_192 {strides = array<i32>} : memref<80xi32, #tpu.memory_space<vmem>>, vector<16xi32>,
    %dma_start3A_193 = arith.constant 0 : i32
    %dma_start3A_194 = arith.constant 0 : i32
    %dma_start3A_195 = tpu.memref_slice %arg3[%dma_start3A_193, %dma_start3A_194] : memref<10240x128xf32, #tpu.memory_space<hbm>> -> memref<10240x128xf32, #tpu.memory_space<hbm>>
    tpu.enqueue_indirect_dma source(%dma_start3A_195 : memref<10240x128xf32, #tpu.memory_space<hbm>>) target(%arg17 : memref<80x128xf32, #tpu.memory_space<vmem>>) offsets(%arg11 : memref<80xi32, #tpu.memory_space<vmem>>) semaphore(%arg21 : memref<!tpu.dma_semaphore, #tpu.memory_space<semaphore_mem>>)
    %scan3A = arith.constant 0 : i32
    %scan3A_196 = arith.constant 0 : i32
    %scan3A_197 = arith.constant 41 : i32
    %scan3A_198 = arith.addi %scan3A_196, %scan3A_197 : i32
    %scan3A_199 = arith.constant 1 : i32
    scf.for %scan3A_316 = %scan3A_196 to %scan3A_198 step %scan3A_199  : i32 {
      %mul3A_317 = arith.constant 3 : i32
      %mul3A_318 = arith.muli %mul3A_317, %scan3A_316 : i32
      %dma_wait3A_319 = arith.constant 0 : i32
      %dma_wait3A_320 = arith.constant 0 : i32
      %dma_wait3A_321 = tpu.memref_slice %arg3[%dma_wait3A_319, %dma_wait3A_320] : memref<10240x128xf32, #tpu.memory_space<hbm>> -> memref<10240x128xf32, #tpu.memory_space<hbm>>
      tpu.wait_indirect_dma semaphore(%arg20 : memref<!tpu.dma_semaphore, #tpu.memory_space<semaphore_mem>>) src(%dma_wait3A_321 : memref<10240x128xf32, #tpu.memory_space<hbm>>) dst(%arg16 : memref<80x128xf32, #tpu.memory_space<vmem>>)
      %add3A_322 = arith.constant 3 : i32
      %add3A_323 = arith.addi %mul3A_318, %add3A_322 : i32
      %sub3A = arith.constant 1 : i32
      %sub3A_324 = arith.subi %add3A_323, %sub3A : i32
      %add3A_325 = arith.constant 0 : i32
      %add3A_326 = arith.addi %sub3A_324, %add3A_325 : i32
      %get3A_327 = arith.index_cast %add3A_326 : i32 to index
      %get3A_328 = arith.constant 0 : index
      %get3A_329 = tpu.vector_load %arg9[%get3A_327, %get3A_328] {strides = array<i32>} : memref<126x80xi32, #tpu.memory_space<vmem>>, vector<1x16xi32>,
      %get3A_330 = vector.shape_cast %get3A_329 : vector<1x16xi32> to vector<16xi32>
      %and3A_331 = arith.constant 16383 : i32
      %and3A_332 = vector.broadcast %and3A_331 : i32 to vector<16xi32>
      %and3A_333 = arith.andi %get3A_330, %and3A_332 : vector<16xi32>
      %swap3A_334 = arith.constant 0 : index
      %swap3A_335 = tpu.vector_load %arg12[%swap3A_334] {strides = array<i32>} : memref<80xi32, #tpu.memory_space<vmem>>, vector<16xi32>,
      %swap3A_336 = vector.shape_cast %swap3A_335 : vector<16xi32> to vector<16xi32>
      %swap3A_337 = vector.shape_cast %and3A_333 : vector<16xi32> to vector<16xi32>
      tpu.vector_store %arg12[%swap3A_334], %swap3A_337 {strides = array<i32>} : memref<80xi32, #tpu.memory_space<vmem>>, vector<16xi32>,
      %shift_right_logical3A_338 = arith.constant 14 : i32
      %shift_right_logical3A_339 = vector.broadcast %shift_right_logical3A_338 : i32 to vector<16xi32>
      %shift_right_logical3A_340 = arith.shrui %get3A_330, %shift_right_logical3A_339 : vector<16xi32>
      %swap3A_341 = arith.constant 0 : index
      %swap3A_342 = tpu.vector_load %arg15[%swap3A_341] {strides = array<i32>} : memref<80xi32, #tpu.memory_space<vmem>>, vector<16xi32>,
      %swap3A_343 = vector.shape_cast %swap3A_342 : vector<16xi32> to vector<16xi32>
      %swap3A_344 = vector.shape_cast %shift_right_logical3A_340 : vector<16xi32> to vector<16xi32>
      tpu.vector_store %arg15[%swap3A_341], %swap3A_344 {strides = array<i32>} : memref<80xi32, #tpu.memory_space<vmem>>, vector<16xi32>,
      %get3A_345 = arith.index_cast %add3A_326 : i32 to index
      %get3A_346 = arith.constant 16 : index
      %get3A_347 = tpu.vector_load %arg9[%get3A_345, %get3A_346] {strides = array<i32>} : memref<126x80xi32, #tpu.memory_space<vmem>>, vector<1x16xi32>,
      %get3A_348 = vector.shape_cast %get3A_347 : vector<1x16xi32> to vector<16xi32>
      %and3A_349 = arith.constant 16383 : i32
      %and3A_350 = vector.broadcast %and3A_349 : i32 to vector<16xi32>
      %and3A_351 = arith.andi %get3A_348, %and3A_350 : vector<16xi32>
      %swap3A_352 = arith.constant 16 : index
      %swap3A_353 = tpu.vector_load %arg12[%swap3A_352] {strides = array<i32>} : memref<80xi32, #tpu.memory_space<vmem>>, vector<16xi32>,
      %swap3A_354 = vector.shape_cast %swap3A_353 : vector<16xi32> to vector<16xi32>
      %swap3A_355 = vector.shape_cast %and3A_351 : vector<16xi32> to vector<16xi32>
      tpu.vector_store %arg12[%swap3A_352], %swap3A_355 {strides = array<i32>} : memref<80xi32, #tpu.memory_space<vmem>>, vector<16xi32>,
      %shift_right_logical3A_356 = arith.constant 14 : i32
      %shift_right_logical3A_357 = vector.broadcast %shift_right_logical3A_356 : i32 to vector<16xi32>
      %shift_right_logical3A_358 = arith.shrui %get3A_348, %shift_right_logical3A_357 : vector<16xi32>
      %swap3A_359 = arith.constant 16 : index
      %swap3A_360 = tpu.vector_load %arg15[%swap3A_359] {strides = array<i32>} : memref<80xi32, #tpu.memory_space<vmem>>, vector<16xi32>,
      %swap3A_361 = vector.shape_cast %swap3A_360 : vector<16xi32> to vector<16xi32>
      %swap3A_362 = vector.shape_cast %shift_right_logical3A_358 : vector<16xi32> to vector<16xi32>
      tpu.vector_store %arg15[%swap3A_359], %swap3A_362 {strides = array<i32>} : memref<80xi32, #tpu.memory_space<vmem>>, vector<16xi32>,
      %get3A_363 = arith.index_cast %add3A_326 : i32 to index
      %get3A_364 = arith.constant 32 : index
      %get3A_365 = tpu.vector_load %arg9[%get3A_363, %get3A_364] {strides = array<i32>} : memref<126x80xi32, #tpu.memory_space<vmem>>, vector<1x16xi32>,
      %get3A_366 = vector.shape_cast %get3A_365 : vector<1x16xi32> to vector<16xi32>
      %and3A_367 = arith.constant 16383 : i32
      %and3A_368 = vector.broadcast %and3A_367 : i32 to vector<16xi32>
      %and3A_369 = arith.andi %get3A_366, %and3A_368 : vector<16xi32>
      %swap3A_370 = arith.constant 32 : index
      %swap3A_371 = tpu.vector_load %arg12[%swap3A_370] {strides = array<i32>} : memref<80xi32, #tpu.memory_space<vmem>>, vector<16xi32>,
      %swap3A_372 = vector.shape_cast %swap3A_371 : vector<16xi32> to vector<16xi32>
      %swap3A_373 = vector.shape_cast %and3A_369 : vector<16xi32> to vector<16xi32>
      tpu.vector_store %arg12[%swap3A_370], %swap3A_373 {strides = array<i32>} : memref<80xi32, #tpu.memory_space<vmem>>, vector<16xi32>,
      %shift_right_logical3A_374 = arith.constant 14 : i32
      %shift_right_logical3A_375 = vector.broadcast %shift_right_logical3A_374 : i32 to vector<16xi32>
      %shift_right_logical3A_376 = arith.shrui %get3A_366, %shift_right_logical3A_375 : vector<16xi32>
      %swap3A_377 = arith.constant 32 : index
      %swap3A_378 = tpu.vector_load %arg15[%swap3A_377] {strides = array<i32>} : memref<80xi32, #tpu.memory_space<vmem>>, vector<16xi32>,
      %swap3A_379 = vector.shape_cast %swap3A_378 : vector<16xi32> to vector<16xi32>
      %swap3A_380 = vector.shape_cast %shift_right_logical3A_376 : vector<16xi32> to vector<16xi32>
      tpu.vector_store %arg15[%swap3A_377], %swap3A_380 {strides = array<i32>} : memref<80xi32, #tpu.memory_space<vmem>>, vector<16xi32>,
      %get3A_381 = arith.index_cast %add3A_326 : i32 to index
      %get3A_382 = arith.constant 48 : index
      %get3A_383 = tpu.vector_load %arg9[%get3A_381, %get3A_382] {strides = array<i32>} : memref<126x80xi32, #tpu.memory_space<vmem>>, vector<1x16xi32>,
      %get3A_384 = vector.shape_cast %get3A_383 : vector<1x16xi32> to vector<16xi32>
      %and3A_385 = arith.constant 16383 : i32
      %and3A_386 = vector.broadcast %and3A_385 : i32 to vector<16xi32>
      %and3A_387 = arith.andi %get3A_384, %and3A_386 : vector<16xi32>
      %swap3A_388 = arith.constant 48 : index
      %swap3A_389 = tpu.vector_load %arg12[%swap3A_388] {strides = array<i32>} : memref<80xi32, #tpu.memory_space<vmem>>, vector<16xi32>,
      %swap3A_390 = vector.shape_cast %swap3A_389 : vector<16xi32> to vector<16xi32>
      %swap3A_391 = vector.shape_cast %and3A_387 : vector<16xi32> to vector<16xi32>
      tpu.vector_store %arg12[%swap3A_388], %swap3A_391 {strides = array<i32>} : memref<80xi32, #tpu.memory_space<vmem>>, vector<16xi32>,
      %shift_right_logical3A_392 = arith.constant 14 : i32
      %shift_right_logical3A_393 = vector.broadcast %shift_right_logical3A_392 : i32 to vector<16xi32>
      %shift_right_logical3A_394 = arith.shrui %get3A_384, %shift_right_logical3A_393 : vector<16xi32>
      %swap3A_395 = arith.constant 48 : index
      %swap3A_396 = tpu.vector_load %arg15[%swap3A_395] {strides = array<i32>} : memref<80xi32, #tpu.memory_space<vmem>>, vector<16xi32>,
      %swap3A_397 = vector.shape_cast %swap3A_396 : vector<16xi32> to vector<16xi32>
      %swap3A_398 = vector.shape_cast %shift_right_logical3A_394 : vector<16xi32> to vector<16xi32>
      tpu.vector_store %arg15[%swap3A_395], %swap3A_398 {strides = array<i32>} : memref<80xi32, #tpu.memory_space<vmem>>, vector<16xi32>,
      %get3A_399 = arith.index_cast %add3A_326 : i32 to index
      %get3A_400 = arith.constant 64 : index
      %get3A_401 = tpu.vector_load %arg9[%get3A_399, %get3A_400] {strides = array<i32>} : memref<126x80xi32, #tpu.memory_space<vmem>>, vector<1x16xi32>,
      %get3A_402 = vector.shape_cast %get3A_401 : vector<1x16xi32> to vector<16xi32>
      %and3A_403 = arith.constant 16383 : i32
      %and3A_404 = vector.broadcast %and3A_403 : i32 to vector<16xi32>
      %and3A_405 = arith.andi %get3A_402, %and3A_404 : vector<16xi32>
      %swap3A_406 = arith.constant 64 : index
      %swap3A_407 = tpu.vector_load %arg12[%swap3A_406] {strides = array<i32>} : memref<80xi32, #tpu.memory_space<vmem>>, vector<16xi32>,
      %swap3A_408 = vector.shape_cast %swap3A_407 : vector<16xi32> to vector<16xi32>
      %swap3A_409 = vector.shape_cast %and3A_405 : vector<16xi32> to vector<16xi32>
      tpu.vector_store %arg12[%swap3A_406], %swap3A_409 {strides = array<i32>} : memref<80xi32, #tpu.memory_space<vmem>>, vector<16xi32>,
      %shift_right_logical3A_410 = arith.constant 14 : i32
      %shift_right_logical3A_411 = vector.broadcast %shift_right_logical3A_410 : i32 to vector<16xi32>
      %shift_right_logical3A_412 = arith.shrui %get3A_402, %shift_right_logical3A_411 : vector<16xi32>
      %swap3A_413 = arith.constant 64 : index
      %swap3A_414 = tpu.vector_load %arg15[%swap3A_413] {strides = array<i32>} : memref<80xi32, #tpu.memory_space<vmem>>, vector<16xi32>,
      %swap3A_415 = vector.shape_cast %swap3A_414 : vector<16xi32> to vector<16xi32>
      %swap3A_416 = vector.shape_cast %shift_right_logical3A_412 : vector<16xi32> to vector<16xi32>
      tpu.vector_store %arg15[%swap3A_413], %swap3A_416 {strides = array<i32>} : memref<80xi32, #tpu.memory_space<vmem>>, vector<16xi32>,
      %dma_start3A_417 = arith.constant 0 : i32
      %dma_start3A_418 = arith.constant 0 : i32
      %dma_start3A_419 = tpu.memref_slice %arg3[%dma_start3A_417, %dma_start3A_418] : memref<10240x128xf32, #tpu.memory_space<hbm>> -> memref<10240x128xf32, #tpu.memory_space<hbm>>
      tpu.enqueue_indirect_dma source(%dma_start3A_419 : memref<10240x128xf32, #tpu.memory_space<hbm>>) target(%arg18 : memref<80x128xf32, #tpu.memory_space<vmem>>) offsets(%arg12 : memref<80xi32, #tpu.memory_space<vmem>>) semaphore(%arg22 : memref<!tpu.dma_semaphore, #tpu.memory_space<semaphore_mem>>)
      "tpu.region"() ({
        %run_scoped3A = tpu.sem_alloc : memref<!tpu.dma_semaphore, #tpu.memory_space<semaphore_mem>>
        %dma_start3A_624 = arith.constant 0 : i32
        %dma_start3A_625 = arith.constant 0 : i32
        %dma_start3A_626 = tpu.memref_slice %arg19[%dma_start3A_624, %dma_start3A_625] : memref<10240x128xf32, #tpu.memory_space<vmem_shared>> -> memref<10240x128xf32, #tpu.memory_space<vmem_shared>>
        tpu.enqueue_indirect_dma source(%arg16 : memref<80x128xf32, #tpu.memory_space<vmem>>) target(%dma_start3A_626 : memref<10240x128xf32, #tpu.memory_space<vmem_shared>>) offsets(%arg13 : memref<80xi32, #tpu.memory_space<vmem>>) semaphore(%run_scoped3A : memref<!tpu.dma_semaphore, #tpu.memory_space<semaphore_mem>>) {add = true}
        %dma_wait3A_627 = arith.constant 0 : i32
        %dma_wait3A_628 = arith.constant 0 : i32
        %dma_wait3A_629 = tpu.memref_slice %arg19[%dma_wait3A_627, %dma_wait3A_628] : memref<10240x128xf32, #tpu.memory_space<vmem_shared>> -> memref<10240x128xf32, #tpu.memory_space<vmem_shared>>
        tpu.wait_indirect_dma semaphore(%run_scoped3A : memref<!tpu.dma_semaphore, #tpu.memory_space<semaphore_mem>>) src(%arg16 : memref<80x128xf32, #tpu.memory_space<vmem>>) dst(%dma_wait3A_629 : memref<10240x128xf32, #tpu.memory_space<vmem_shared>>)
        tpu.yield
      }) : () -> ()
      "tpu.region"() ({
        %run_scoped3A = tpu.sem_alloc : memref<!tpu.dma_semaphore, #tpu.memory_space<semaphore_mem>>
        %dma_start3A_624 = arith.constant 0 : i32
        %dma_start3A_625 = tpu.memref_slice %arg24[%dma_start3A_624] : memref<10240xf32, #tpu.memory_space<vmem_shared>> -> memref<10240xf32, #tpu.memory_space<vmem_shared>>
        tpu.enqueue_indirect_dma source(%arg23 : memref<80xf32, #tpu.memory_space<vmem>>) target(%dma_start3A_625 : memref<10240xf32, #tpu.memory_space<vmem_shared>>) offsets(%arg13 : memref<80xi32, #tpu.memory_space<vmem>>) semaphore(%run_scoped3A : memref<!tpu.dma_semaphore, #tpu.memory_space<semaphore_mem>>) {add = true}
        %dma_wait3A_626 = arith.constant 0 : i32
        %dma_wait3A_627 = tpu.memref_slice %arg24[%dma_wait3A_626] : memref<10240xf32, #tpu.memory_space<vmem_shared>> -> memref<10240xf32, #tpu.memory_space<vmem_shared>>
        tpu.wait_indirect_dma semaphore(%run_scoped3A : memref<!tpu.dma_semaphore, #tpu.memory_space<semaphore_mem>>) src(%arg23 : memref<80xf32, #tpu.memory_space<vmem>>) dst(%dma_wait3A_627 : memref<10240xf32, #tpu.memory_space<vmem_shared>>)
        tpu.yield
      }) : () -> ()
      %dma_wait3A_420 = arith.constant 0 : i32
      %dma_wait3A_421 = arith.constant 0 : i32
      %dma_wait3A_422 = tpu.memref_slice %arg3[%dma_wait3A_420, %dma_wait3A_421] : memref<10240x128xf32, #tpu.memory_space<hbm>> -> memref<10240x128xf32, #tpu.memory_space<hbm>>
      tpu.wait_indirect_dma semaphore(%arg21 : memref<!tpu.dma_semaphore, #tpu.memory_space<semaphore_mem>>) src(%dma_wait3A_422 : memref<10240x128xf32, #tpu.memory_space<hbm>>) dst(%arg17 : memref<80x128xf32, #tpu.memory_space<vmem>>)
      %add3A_423 = arith.constant 3 : i32
      %add3A_424 = arith.addi %mul3A_318, %add3A_423 : i32
      %sub3A_425 = arith.constant 1 : i32
      %sub3A_426 = arith.subi %add3A_424, %sub3A_425 : i32
      %add3A_427 = arith.constant 1 : i32
      %add3A_428 = arith.addi %sub3A_426, %add3A_427 : i32
      %get3A_429 = arith.index_cast %add3A_428 : i32 to index
      %get3A_430 = arith.constant 0 : index
      %get3A_431 = tpu.vector_load %arg9[%get3A_429, %get3A_430] {strides = array<i32>} : memref<126x80xi32, #tpu.memory_space<vmem>>, vector<1x16xi32>,
      %get3A_432 = vector.shape_cast %get3A_431 : vector<1x16xi32> to vector<16xi32>
      %and3A_433 = arith.constant 16383 : i32
      %and3A_434 = vector.broadcast %and3A_433 : i32 to vector<16xi32>
      %and3A_435 = arith.andi %get3A_432, %and3A_434 : vector<16xi32>
      %swap3A_436 = arith.constant 0 : index
      %swap3A_437 = tpu.vector_load %arg10[%swap3A_436] {strides = array<i32>} : memref<80xi32, #tpu.memory_space<vmem>>, vector<16xi32>,
      %swap3A_438 = vector.shape_cast %swap3A_437 : vector<16xi32> to vector<16xi32>
      %swap3A_439 = vector.shape_cast %and3A_435 : vector<16xi32> to vector<16xi32>
      tpu.vector_store %arg10[%swap3A_436], %swap3A_439 {strides = array<i32>} : memref<80xi32, #tpu.memory_space<vmem>>, vector<16xi32>,
      %shift_right_logical3A_440 = arith.constant 14 : i32
      %shift_right_logical3A_441 = vector.broadcast %shift_right_logical3A_440 : i32 to vector<16xi32>
      %shift_right_logical3A_442 = arith.shrui %get3A_432, %shift_right_logical3A_441 : vector<16xi32>
      %swap3A_443 = arith.constant 0 : index
      %swap3A_444 = tpu.vector_load %arg13[%swap3A_443] {strides = array<i32>} : memref<80xi32, #tpu.memory_space<vmem>>, vector<16xi32>,
      %swap3A_445 = vector.shape_cast %swap3A_444 : vector<16xi32> to vector<16xi32>
      %swap3A_446 = vector.shape_cast %shift_right_logical3A_442 : vector<16xi32> to vector<16xi32>
      tpu.vector_store %arg13[%swap3A_443], %swap3A_446 {strides = array<i32>} : memref<80xi32, #tpu.memory_space<vmem>>, vector<16xi32>,
      %get3A_447 = arith.index_cast %add3A_428 : i32 to index
      %get3A_448 = arith.constant 16 : index
      %get3A_449 = tpu.vector_load %arg9[%get3A_447, %get3A_448] {strides = array<i32>} : memref<126x80xi32, #tpu.memory_space<vmem>>, vector<1x16xi32>,
      %get3A_450 = vector.shape_cast %get3A_449 : vector<1x16xi32> to vector<16xi32>
      %and3A_451 = arith.constant 16383 : i32
      %and3A_452 = vector.broadcast %and3A_451 : i32 to vector<16xi32>
      %and3A_453 = arith.andi %get3A_450, %and3A_452 : vector<16xi32>
      %swap3A_454 = arith.constant 16 : index
      %swap3A_455 = tpu.vector_load %arg10[%swap3A_454] {strides = array<i32>} : memref<80xi32, #tpu.memory_space<vmem>>, vector<16xi32>,
      %swap3A_456 = vector.shape_cast %swap3A_455 : vector<16xi32> to vector<16xi32>
      %swap3A_457 = vector.shape_cast %and3A_453 : vector<16xi32> to vector<16xi32>
      tpu.vector_store %arg10[%swap3A_454], %swap3A_457 {strides = array<i32>} : memref<80xi32, #tpu.memory_space<vmem>>, vector<16xi32>,
      %shift_right_logical3A_458 = arith.constant 14 : i32
      %shift_right_logical3A_459 = vector.broadcast %shift_right_logical3A_458 : i32 to vector<16xi32>
      %shift_right_logical3A_460 = arith.shrui %get3A_450, %shift_right_logical3A_459 : vector<16xi32>
      %swap3A_461 = arith.constant 16 : index
      %swap3A_462 = tpu.vector_load %arg13[%swap3A_461] {strides = array<i32>} : memref<80xi32, #tpu.memory_space<vmem>>, vector<16xi32>,
      %swap3A_463 = vector.shape_cast %swap3A_462 : vector<16xi32> to vector<16xi32>
      %swap3A_464 = vector.shape_cast %shift_right_logical3A_460 : vector<16xi32> to vector<16xi32>
      tpu.vector_store %arg13[%swap3A_461], %swap3A_464 {strides = array<i32>} : memref<80xi32, #tpu.memory_space<vmem>>, vector<16xi32>,
      %get3A_465 = arith.index_cast %add3A_428 : i32 to index
      %get3A_466 = arith.constant 32 : index
      %get3A_467 = tpu.vector_load %arg9[%get3A_465, %get3A_466] {strides = array<i32>} : memref<126x80xi32, #tpu.memory_space<vmem>>, vector<1x16xi32>,
      %get3A_468 = vector.shape_cast %get3A_467 : vector<1x16xi32> to vector<16xi32>
      %and3A_469 = arith.constant 16383 : i32
      %and3A_470 = vector.broadcast %and3A_469 : i32 to vector<16xi32>
      %and3A_471 = arith.andi %get3A_468, %and3A_470 : vector<16xi32>
      %swap3A_472 = arith.constant 32 : index
      %swap3A_473 = tpu.vector_load %arg10[%swap3A_472] {strides = array<i32>} : memref<80xi32, #tpu.memory_space<vmem>>, vector<16xi32>,
      %swap3A_474 = vector.shape_cast %swap3A_473 : vector<16xi32> to vector<16xi32>
      %swap3A_475 = vector.shape_cast %and3A_471 : vector<16xi32> to vector<16xi32>
      tpu.vector_store %arg10[%swap3A_472], %swap3A_475 {strides = array<i32>} : memref<80xi32, #tpu.memory_space<vmem>>, vector<16xi32>,
      %shift_right_logical3A_476 = arith.constant 14 : i32
      %shift_right_logical3A_477 = vector.broadcast %shift_right_logical3A_476 : i32 to vector<16xi32>
      %shift_right_logical3A_478 = arith.shrui %get3A_468, %shift_right_logical3A_477 : vector<16xi32>
      %swap3A_479 = arith.constant 32 : index
      %swap3A_480 = tpu.vector_load %arg13[%swap3A_479] {strides = array<i32>} : memref<80xi32, #tpu.memory_space<vmem>>, vector<16xi32>,
      %swap3A_481 = vector.shape_cast %swap3A_480 : vector<16xi32> to vector<16xi32>
      %swap3A_482 = vector.shape_cast %shift_right_logical3A_478 : vector<16xi32> to vector<16xi32>
      tpu.vector_store %arg13[%swap3A_479], %swap3A_482 {strides = array<i32>} : memref<80xi32, #tpu.memory_space<vmem>>, vector<16xi32>,
      %get3A_483 = arith.index_cast %add3A_428 : i32 to index
      %get3A_484 = arith.constant 48 : index
      %get3A_485 = tpu.vector_load %arg9[%get3A_483, %get3A_484] {strides = array<i32>} : memref<126x80xi32, #tpu.memory_space<vmem>>, vector<1x16xi32>,
      %get3A_486 = vector.shape_cast %get3A_485 : vector<1x16xi32> to vector<16xi32>
      %and3A_487 = arith.constant 16383 : i32
      %and3A_488 = vector.broadcast %and3A_487 : i32 to vector<16xi32>
      %and3A_489 = arith.andi %get3A_486, %and3A_488 : vector<16xi32>
      %swap3A_490 = arith.constant 48 : index
      %swap3A_491 = tpu.vector_load %arg10[%swap3A_490] {strides = array<i32>} : memref<80xi32, #tpu.memory_space<vmem>>, vector<16xi32>,
      %swap3A_492 = vector.shape_cast %swap3A_491 : vector<16xi32> to vector<16xi32>
      %swap3A_493 = vector.shape_cast %and3A_489 : vector<16xi32> to vector<16xi32>
      tpu.vector_store %arg10[%swap3A_490], %swap3A_493 {strides = array<i32>} : memref<80xi32, #tpu.memory_space<vmem>>, vector<16xi32>,
      %shift_right_logical3A_494 = arith.constant 14 : i32
      %shift_right_logical3A_495 = vector.broadcast %shift_right_logical3A_494 : i32 to vector<16xi32>
      %shift_right_logical3A_496 = arith.shrui %get3A_486, %shift_right_logical3A_495 : vector<16xi32>
      %swap3A_497 = arith.constant 48 : index
      %swap3A_498 = tpu.vector_load %arg13[%swap3A_497] {strides = array<i32>} : memref<80xi32, #tpu.memory_space<vmem>>, vector<16xi32>,
      %swap3A_499 = vector.shape_cast %swap3A_498 : vector<16xi32> to vector<16xi32>
      %swap3A_500 = vector.shape_cast %shift_right_logical3A_496 : vector<16xi32> to vector<16xi32>
      tpu.vector_store %arg13[%swap3A_497], %swap3A_500 {strides = array<i32>} : memref<80xi32, #tpu.memory_space<vmem>>, vector<16xi32>,
      %get3A_501 = arith.index_cast %add3A_428 : i32 to index
      %get3A_502 = arith.constant 64 : index
      %get3A_503 = tpu.vector_load %arg9[%get3A_501, %get3A_502] {strides = array<i32>} : memref<126x80xi32, #tpu.memory_space<vmem>>, vector<1x16xi32>,
      %get3A_504 = vector.shape_cast %get3A_503 : vector<1x16xi32> to vector<16xi32>
      %and3A_505 = arith.constant 16383 : i32
      %and3A_506 = vector.broadcast %and3A_505 : i32 to vector<16xi32>
      %and3A_507 = arith.andi %get3A_504, %and3A_506 : vector<16xi32>
      %swap3A_508 = arith.constant 64 : index
      %swap3A_509 = tpu.vector_load %arg10[%swap3A_508] {strides = array<i32>} : memref<80xi32, #tpu.memory_space<vmem>>, vector<16xi32>,
      %swap3A_510 = vector.shape_cast %swap3A_509 : vector<16xi32> to vector<16xi32>
      %swap3A_511 = vector.shape_cast %and3A_507 : vector<16xi32> to vector<16xi32>
      tpu.vector_store %arg10[%swap3A_508], %swap3A_511 {strides = array<i32>} : memref<80xi32, #tpu.memory_space<vmem>>, vector<16xi32>,
      %shift_right_logical3A_512 = arith.constant 14 : i32
      %shift_right_logical3A_513 = vector.broadcast %shift_right_logical3A_512 : i32 to vector<16xi32>
      %shift_right_logical3A_514 = arith.shrui %get3A_504, %shift_right_logical3A_513 : vector<16xi32>
      %swap3A_515 = arith.constant 64 : index
      %swap3A_516 = tpu.vector_load %arg13[%swap3A_515] {strides = array<i32>} : memref<80xi32, #tpu.memory_space<vmem>>, vector<16xi32>,
      %swap3A_517 = vector.shape_cast %swap3A_516 : vector<16xi32> to vector<16xi32>
      %swap3A_518 = vector.shape_cast %shift_right_logical3A_514 : vector<16xi32> to vector<16xi32>
      tpu.vector_store %arg13[%swap3A_515], %swap3A_518 {strides = array<i32>} : memref<80xi32, #tpu.memory_space<vmem>>, vector<16xi32>,
      %dma_start3A_519 = arith.constant 0 : i32
      %dma_start3A_520 = arith.constant 0 : i32
      %dma_start3A_521 = tpu.memref_slice %arg3[%dma_start3A_519, %dma_start3A_520] : memref<10240x128xf32, #tpu.memory_space<hbm>> -> memref<10240x128xf32, #tpu.memory_space<hbm>>
      tpu.enqueue_indirect_dma source(%dma_start3A_521 : memref<10240x128xf32, #tpu.memory_space<hbm>>) target(%arg16 : memref<80x128xf32, #tpu.memory_space<vmem>>) offsets(%arg10 : memref<80xi32, #tpu.memory_space<vmem>>) semaphore(%arg20 : memref<!tpu.dma_semaphore, #tpu.memory_space<semaphore_mem>>)
      "tpu.region"() ({
        %run_scoped3A = tpu.sem_alloc : memref<!tpu.dma_semaphore, #tpu.memory_space<semaphore_mem>>
        %dma_start3A_624 = arith.constant 0 : i32
        %dma_start3A_625 = arith.constant 0 : i32
        %dma_start3A_626 = tpu.memref_slice %arg19[%dma_start3A_624, %dma_start3A_625] : memref<10240x128xf32, #tpu.memory_space<vmem_shared>> -> memref<10240x128xf32, #tpu.memory_space<vmem_shared>>
        tpu.enqueue_indirect_dma source(%arg17 : memref<80x128xf32, #tpu.memory_space<vmem>>) target(%dma_start3A_626 : memref<10240x128xf32, #tpu.memory_space<vmem_shared>>) offsets(%arg14 : memref<80xi32, #tpu.memory_space<vmem>>) semaphore(%run_scoped3A : memref<!tpu.dma_semaphore, #tpu.memory_space<semaphore_mem>>) {add = true}
        %dma_wait3A_627 = arith.constant 0 : i32
        %dma_wait3A_628 = arith.constant 0 : i32
        %dma_wait3A_629 = tpu.memref_slice %arg19[%dma_wait3A_627, %dma_wait3A_628] : memref<10240x128xf32, #tpu.memory_space<vmem_shared>> -> memref<10240x128xf32, #tpu.memory_space<vmem_shared>>
        tpu.wait_indirect_dma semaphore(%run_scoped3A : memref<!tpu.dma_semaphore, #tpu.memory_space<semaphore_mem>>) src(%arg17 : memref<80x128xf32, #tpu.memory_space<vmem>>) dst(%dma_wait3A_629 : memref<10240x128xf32, #tpu.memory_space<vmem_shared>>)
        tpu.yield
      }) : () -> ()
      "tpu.region"() ({
        %run_scoped3A = tpu.sem_alloc : memref<!tpu.dma_semaphore, #tpu.memory_space<semaphore_mem>>
        %dma_start3A_624 = arith.constant 0 : i32
        %dma_start3A_625 = tpu.memref_slice %arg24[%dma_start3A_624] : memref<10240xf32, #tpu.memory_space<vmem_shared>> -> memref<10240xf32, #tpu.memory_space<vmem_shared>>
        tpu.enqueue_indirect_dma source(%arg23 : memref<80xf32, #tpu.memory_space<vmem>>) target(%dma_start3A_625 : memref<10240xf32, #tpu.memory_space<vmem_shared>>) offsets(%arg14 : memref<80xi32, #tpu.memory_space<vmem>>) semaphore(%run_scoped3A : memref<!tpu.dma_semaphore, #tpu.memory_space<semaphore_mem>>) {add = true}
        %dma_wait3A_626 = arith.constant 0 : i32
        %dma_wait3A_627 = tpu.memref_slice %arg24[%dma_wait3A_626] : memref<10240xf32, #tpu.memory_space<vmem_shared>> -> memref<10240xf32, #tpu.memory_space<vmem_shared>>
        tpu.wait_indirect_dma semaphore(%run_scoped3A : memref<!tpu.dma_semaphore, #tpu.memory_space<semaphore_mem>>) src(%arg23 : memref<80xf32, #tpu.memory_space<vmem>>) dst(%dma_wait3A_627 : memref<10240xf32, #tpu.memory_space<vmem_shared>>)
        tpu.yield
      }) : () -> ()
      %dma_wait3A_522 = arith.constant 0 : i32
      %dma_wait3A_523 = arith.constant 0 : i32
      %dma_wait3A_524 = tpu.memref_slice %arg3[%dma_wait3A_522, %dma_wait3A_523] : memref<10240x128xf32, #tpu.memory_space<hbm>> -> memref<10240x128xf32, #tpu.memory_space<hbm>>
      tpu.wait_indirect_dma semaphore(%arg22 : memref<!tpu.dma_semaphore, #tpu.memory_space<semaphore_mem>>) src(%dma_wait3A_524 : memref<10240x128xf32, #tpu.memory_space<hbm>>) dst(%arg18 : memref<80x128xf32, #tpu.memory_space<vmem>>)
      %add3A_525 = arith.constant 3 : i32
      %add3A_526 = arith.addi %mul3A_318, %add3A_525 : i32
      %sub3A_527 = arith.constant 1 : i32
      %sub3A_528 = arith.subi %add3A_526, %sub3A_527 : i32
      %add3A_529 = arith.constant 2 : i32
      %add3A_530 = arith.addi %sub3A_528, %add3A_529 : i32
      %get3A_531 = arith.index_cast %add3A_530 : i32 to index
      %get3A_532 = arith.constant 0 : index
      %get3A_533 = tpu.vector_load %arg9[%get3A_531, %get3A_532] {strides = array<i32>} : memref<126x80xi32, #tpu.memory_space<vmem>>, vector<1x16xi32>,
      %get3A_534 = vector.shape_cast %get3A_533 : vector<1x16xi32> to vector<16xi32>
      %and3A_535 = arith.constant 16383 : i32
      %and3A_536 = vector.broadcast %and3A_535 : i32 to vector<16xi32>
      %and3A_537 = arith.andi %get3A_534, %and3A_536 : vector<16xi32>
      %swap3A_538 = arith.constant 0 : index
      %swap3A_539 = tpu.vector_load %arg11[%swap3A_538] {strides = array<i32>} : memref<80xi32, #tpu.memory_space<vmem>>, vector<16xi32>,
      %swap3A_540 = vector.shape_cast %swap3A_539 : vector<16xi32> to vector<16xi32>
      %swap3A_541 = vector.shape_cast %and3A_537 : vector<16xi32> to vector<16xi32>
      tpu.vector_store %arg11[%swap3A_538], %swap3A_541 {strides = array<i32>} : memref<80xi32, #tpu.memory_space<vmem>>, vector<16xi32>,
      %shift_right_logical3A_542 = arith.constant 14 : i32
      %shift_right_logical3A_543 = vector.broadcast %shift_right_logical3A_542 : i32 to vector<16xi32>
      %shift_right_logical3A_544 = arith.shrui %get3A_534, %shift_right_logical3A_543 : vector<16xi32>
      %swap3A_545 = arith.constant 0 : index
      %swap3A_546 = tpu.vector_load %arg14[%swap3A_545] {strides = array<i32>} : memref<80xi32, #tpu.memory_space<vmem>>, vector<16xi32>,
      %swap3A_547 = vector.shape_cast %swap3A_546 : vector<16xi32> to vector<16xi32>
      %swap3A_548 = vector.shape_cast %shift_right_logical3A_544 : vector<16xi32> to vector<16xi32>
      tpu.vector_store %arg14[%swap3A_545], %swap3A_548 {strides = array<i32>} : memref<80xi32, #tpu.memory_space<vmem>>, vector<16xi32>,
      %get3A_549 = arith.index_cast %add3A_530 : i32 to index
      %get3A_550 = arith.constant 16 : index
      %get3A_551 = tpu.vector_load %arg9[%get3A_549, %get3A_550] {strides = array<i32>} : memref<126x80xi32, #tpu.memory_space<vmem>>, vector<1x16xi32>,
      %get3A_552 = vector.shape_cast %get3A_551 : vector<1x16xi32> to vector<16xi32>
      %and3A_553 = arith.constant 16383 : i32
      %and3A_554 = vector.broadcast %and3A_553 : i32 to vector<16xi32>
      %and3A_555 = arith.andi %get3A_552, %and3A_554 : vector<16xi32>
      %swap3A_556 = arith.constant 16 : index
      %swap3A_557 = tpu.vector_load %arg11[%swap3A_556] {strides = array<i32>} : memref<80xi32, #tpu.memory_space<vmem>>, vector<16xi32>,
      %swap3A_558 = vector.shape_cast %swap3A_557 : vector<16xi32> to vector<16xi32>
      %swap3A_559 = vector.shape_cast %and3A_555 : vector<16xi32> to vector<16xi32>
      tpu.vector_store %arg11[%swap3A_556], %swap3A_559 {strides = array<i32>} : memref<80xi32, #tpu.memory_space<vmem>>, vector<16xi32>,
      %shift_right_logical3A_560 = arith.constant 14 : i32
      %shift_right_logical3A_561 = vector.broadcast %shift_right_logical3A_560 : i32 to vector<16xi32>
      %shift_right_logical3A_562 = arith.shrui %get3A_552, %shift_right_logical3A_561 : vector<16xi32>
      %swap3A_563 = arith.constant 16 : index
      %swap3A_564 = tpu.vector_load %arg14[%swap3A_563] {strides = array<i32>} : memref<80xi32, #tpu.memory_space<vmem>>, vector<16xi32>,
      %swap3A_565 = vector.shape_cast %swap3A_564 : vector<16xi32> to vector<16xi32>
      %swap3A_566 = vector.shape_cast %shift_right_logical3A_562 : vector<16xi32> to vector<16xi32>
      tpu.vector_store %arg14[%swap3A_563], %swap3A_566 {strides = array<i32>} : memref<80xi32, #tpu.memory_space<vmem>>, vector<16xi32>,
      %get3A_567 = arith.index_cast %add3A_530 : i32 to index
      %get3A_568 = arith.constant 32 : index
      %get3A_569 = tpu.vector_load %arg9[%get3A_567, %get3A_568] {strides = array<i32>} : memref<126x80xi32, #tpu.memory_space<vmem>>, vector<1x16xi32>,
      %get3A_570 = vector.shape_cast %get3A_569 : vector<1x16xi32> to vector<16xi32>
      %and3A_571 = arith.constant 16383 : i32
      %and3A_572 = vector.broadcast %and3A_571 : i32 to vector<16xi32>
      %and3A_573 = arith.andi %get3A_570, %and3A_572 : vector<16xi32>
      %swap3A_574 = arith.constant 32 : index
      %swap3A_575 = tpu.vector_load %arg11[%swap3A_574] {strides = array<i32>} : memref<80xi32, #tpu.memory_space<vmem>>, vector<16xi32>,
      %swap3A_576 = vector.shape_cast %swap3A_575 : vector<16xi32> to vector<16xi32>
      %swap3A_577 = vector.shape_cast %and3A_573 : vector<16xi32> to vector<16xi32>
      tpu.vector_store %arg11[%swap3A_574], %swap3A_577 {strides = array<i32>} : memref<80xi32, #tpu.memory_space<vmem>>, vector<16xi32>,
      %shift_right_logical3A_578 = arith.constant 14 : i32
      %shift_right_logical3A_579 = vector.broadcast %shift_right_logical3A_578 : i32 to vector<16xi32>
      %shift_right_logical3A_580 = arith.shrui %get3A_570, %shift_right_logical3A_579 : vector<16xi32>
      %swap3A_581 = arith.constant 32 : index
      %swap3A_582 = tpu.vector_load %arg14[%swap3A_581] {strides = array<i32>} : memref<80xi32, #tpu.memory_space<vmem>>, vector<16xi32>,
      %swap3A_583 = vector.shape_cast %swap3A_582 : vector<16xi32> to vector<16xi32>
      %swap3A_584 = vector.shape_cast %shift_right_logical3A_580 : vector<16xi32> to vector<16xi32>
      tpu.vector_store %arg14[%swap3A_581], %swap3A_584 {strides = array<i32>} : memref<80xi32, #tpu.memory_space<vmem>>, vector<16xi32>,
      %get3A_585 = arith.index_cast %add3A_530 : i32 to index
      %get3A_586 = arith.constant 48 : index
      %get3A_587 = tpu.vector_load %arg9[%get3A_585, %get3A_586] {strides = array<i32>} : memref<126x80xi32, #tpu.memory_space<vmem>>, vector<1x16xi32>,
      %get3A_588 = vector.shape_cast %get3A_587 : vector<1x16xi32> to vector<16xi32>
      %and3A_589 = arith.constant 16383 : i32
      %and3A_590 = vector.broadcast %and3A_589 : i32 to vector<16xi32>
      %and3A_591 = arith.andi %get3A_588, %and3A_590 : vector<16xi32>
      %swap3A_592 = arith.constant 48 : index
      %swap3A_593 = tpu.vector_load %arg11[%swap3A_592] {strides = array<i32>} : memref<80xi32, #tpu.memory_space<vmem>>, vector<16xi32>,
      %swap3A_594 = vector.shape_cast %swap3A_593 : vector<16xi32> to vector<16xi32>
      %swap3A_595 = vector.shape_cast %and3A_591 : vector<16xi32> to vector<16xi32>
      tpu.vector_store %arg11[%swap3A_592], %swap3A_595 {strides = array<i32>} : memref<80xi32, #tpu.memory_space<vmem>>, vector<16xi32>,
      %shift_right_logical3A_596 = arith.constant 14 : i32
      %shift_right_logical3A_597 = vector.broadcast %shift_right_logical3A_596 : i32 to vector<16xi32>
      %shift_right_logical3A_598 = arith.shrui %get3A_588, %shift_right_logical3A_597 : vector<16xi32>
      %swap3A_599 = arith.constant 48 : index
      %swap3A_600 = tpu.vector_load %arg14[%swap3A_599] {strides = array<i32>} : memref<80xi32, #tpu.memory_space<vmem>>, vector<16xi32>,
      %swap3A_601 = vector.shape_cast %swap3A_600 : vector<16xi32> to vector<16xi32>
      %swap3A_602 = vector.shape_cast %shift_right_logical3A_598 : vector<16xi32> to vector<16xi32>
      tpu.vector_store %arg14[%swap3A_599], %swap3A_602 {strides = array<i32>} : memref<80xi32, #tpu.memory_space<vmem>>, vector<16xi32>,
      %get3A_603 = arith.index_cast %add3A_530 : i32 to index
      %get3A_604 = arith.constant 64 : index
      %get3A_605 = tpu.vector_load %arg9[%get3A_603, %get3A_604] {strides = array<i32>} : memref<126x80xi32, #tpu.memory_space<vmem>>, vector<1x16xi32>,
      %get3A_606 = vector.shape_cast %get3A_605 : vector<1x16xi32> to vector<16xi32>
      %and3A_607 = arith.constant 16383 : i32
      %and3A_608 = vector.broadcast %and3A_607 : i32 to vector<16xi32>
      %and3A_609 = arith.andi %get3A_606, %and3A_608 : vector<16xi32>
      %swap3A_610 = arith.constant 64 : index
      %swap3A_611 = tpu.vector_load %arg11[%swap3A_610] {strides = array<i32>} : memref<80xi32, #tpu.memory_space<vmem>>, vector<16xi32>,
      %swap3A_612 = vector.shape_cast %swap3A_611 : vector<16xi32> to vector<16xi32>
      %swap3A_613 = vector.shape_cast %and3A_609 : vector<16xi32> to vector<16xi32>
      tpu.vector_store %arg11[%swap3A_610], %swap3A_613 {strides = array<i32>} : memref<80xi32, #tpu.memory_space<vmem>>, vector<16xi32>,
      %shift_right_logical3A_614 = arith.constant 14 : i32
      %shift_right_logical3A_615 = vector.broadcast %shift_right_logical3A_614 : i32 to vector<16xi32>
      %shift_right_logical3A_616 = arith.shrui %get3A_606, %shift_right_logical3A_615 : vector<16xi32>
      %swap3A_617 = arith.constant 64 : index
      %swap3A_618 = tpu.vector_load %arg14[%swap3A_617] {strides = array<i32>} : memref<80xi32, #tpu.memory_space<vmem>>, vector<16xi32>,
      %swap3A_619 = vector.shape_cast %swap3A_618 : vector<16xi32> to vector<16xi32>
      %swap3A_620 = vector.shape_cast %shift_right_logical3A_616 : vector<16xi32> to vector<16xi32>
      tpu.vector_store %arg14[%swap3A_617], %swap3A_620 {strides = array<i32>} : memref<80xi32, #tpu.memory_space<vmem>>, vector<16xi32>,
      %dma_start3A_621 = arith.constant 0 : i32
      %dma_start3A_622 = arith.constant 0 : i32
      %dma_start3A_623 = tpu.memref_slice %arg3[%dma_start3A_621, %dma_start3A_622] : memref<10240x128xf32, #tpu.memory_space<hbm>> -> memref<10240x128xf32, #tpu.memory_space<hbm>>
      tpu.enqueue_indirect_dma source(%dma_start3A_623 : memref<10240x128xf32, #tpu.memory_space<hbm>>) target(%arg17 : memref<80x128xf32, #tpu.memory_space<vmem>>) offsets(%arg11 : memref<80xi32, #tpu.memory_space<vmem>>) semaphore(%arg21 : memref<!tpu.dma_semaphore, #tpu.memory_space<semaphore_mem>>)
      "tpu.region"() ({
        %run_scoped3A = tpu.sem_alloc : memref<!tpu.dma_semaphore, #tpu.memory_space<semaphore_mem>>
        %dma_start3A_624 = arith.constant 0 : i32
        %dma_start3A_625 = arith.constant 0 : i32
        %dma_start3A_626 = tpu.memref_slice %arg19[%dma_start3A_624, %dma_start3A_625] : memref<10240x128xf32, #tpu.memory_space<vmem_shared>> -> memref<10240x128xf32, #tpu.memory_space<vmem_shared>>
        tpu.enqueue_indirect_dma source(%arg18 : memref<80x128xf32, #tpu.memory_space<vmem>>) target(%dma_start3A_626 : memref<10240x128xf32, #tpu.memory_space<vmem_shared>>) offsets(%arg15 : memref<80xi32, #tpu.memory_space<vmem>>) semaphore(%run_scoped3A : memref<!tpu.dma_semaphore, #tpu.memory_space<semaphore_mem>>) {add = true}
        %dma_wait3A_627 = arith.constant 0 : i32
        %dma_wait3A_628 = arith.constant 0 : i32
        %dma_wait3A_629 = tpu.memref_slice %arg19[%dma_wait3A_627, %dma_wait3A_628] : memref<10240x128xf32, #tpu.memory_space<vmem_shared>> -> memref<10240x128xf32, #tpu.memory_space<vmem_shared>>
        tpu.wait_indirect_dma semaphore(%run_scoped3A : memref<!tpu.dma_semaphore, #tpu.memory_space<semaphore_mem>>) src(%arg18 : memref<80x128xf32, #tpu.memory_space<vmem>>) dst(%dma_wait3A_629 : memref<10240x128xf32, #tpu.memory_space<vmem_shared>>)
        tpu.yield
      }) : () -> ()
      "tpu.region"() ({
        %run_scoped3A = tpu.sem_alloc : memref<!tpu.dma_semaphore, #tpu.memory_space<semaphore_mem>>
        %dma_start3A_624 = arith.constant 0 : i32
        %dma_start3A_625 = tpu.memref_slice %arg24[%dma_start3A_624] : memref<10240xf32, #tpu.memory_space<vmem_shared>> -> memref<10240xf32, #tpu.memory_space<vmem_shared>>
        tpu.enqueue_indirect_dma source(%arg23 : memref<80xf32, #tpu.memory_space<vmem>>) target(%dma_start3A_625 : memref<10240xf32, #tpu.memory_space<vmem_shared>>) offsets(%arg15 : memref<80xi32, #tpu.memory_space<vmem>>) semaphore(%run_scoped3A : memref<!tpu.dma_semaphore, #tpu.memory_space<semaphore_mem>>) {add = true}
        %dma_wait3A_626 = arith.constant 0 : i32
        %dma_wait3A_627 = tpu.memref_slice %arg24[%dma_wait3A_626] : memref<10240xf32, #tpu.memory_space<vmem_shared>> -> memref<10240xf32, #tpu.memory_space<vmem_shared>>
        tpu.wait_indirect_dma semaphore(%run_scoped3A : memref<!tpu.dma_semaphore, #tpu.memory_space<semaphore_mem>>) src(%arg23 : memref<80xf32, #tpu.memory_space<vmem>>) dst(%dma_wait3A_627 : memref<10240xf32, #tpu.memory_space<vmem_shared>>)
        tpu.yield
      }) : () -> ()
    }
    %scan3A_200 = arith.constant 41 : i32
    %dma_wait3A = arith.constant 0 : i32
    %dma_wait3A_201 = arith.constant 0 : i32
    %dma_wait3A_202 = tpu.memref_slice %arg3[%dma_wait3A, %dma_wait3A_201] : memref<10240x128xf32, #tpu.memory_space<hbm>> -> memref<10240x128xf32, #tpu.memory_space<hbm>>
    tpu.wait_indirect_dma semaphore(%arg20 : memref<!tpu.dma_semaphore, #tpu.memory_space<semaphore_mem>>) src(%dma_wait3A_202 : memref<10240x128xf32, #tpu.memory_space<hbm>>) dst(%arg16 : memref<80x128xf32, #tpu.memory_space<vmem>>)
    %get3A_203 = arith.constant 125 : i32
    %get3A_204 = arith.index_cast %get3A_203 : i32 to index
    %get3A_205 = arith.constant 0 : index
    %get3A_206 = tpu.vector_load %arg9[%get3A_204, %get3A_205] {strides = array<i32>} : memref<126x80xi32, #tpu.memory_space<vmem>>, vector<1x16xi32>,
    %get3A_207 = vector.shape_cast %get3A_206 : vector<1x16xi32> to vector<16xi32>
    %and3A_208 = arith.constant 16383 : i32
    %and3A_209 = vector.broadcast %and3A_208 : i32 to vector<16xi32>
    %and3A_210 = arith.andi %get3A_207, %and3A_209 : vector<16xi32>
    %swap3A_211 = arith.constant 0 : index
    %swap3A_212 = tpu.vector_load %arg12[%swap3A_211] {strides = array<i32>} : memref<80xi32, #tpu.memory_space<vmem>>, vector<16xi32>,
    %swap3A_213 = vector.shape_cast %swap3A_212 : vector<16xi32> to vector<16xi32>
    %swap3A_214 = vector.shape_cast %and3A_210 : vector<16xi32> to vector<16xi32>
    tpu.vector_store %arg12[%swap3A_211], %swap3A_214 {strides = array<i32>} : memref<80xi32, #tpu.memory_space<vmem>>, vector<16xi32>,
    %shift_right_logical3A_215 = arith.constant 14 : i32
    %shift_right_logical3A_216 = vector.broadcast %shift_right_logical3A_215 : i32 to vector<16xi32>
    %shift_right_logical3A_217 = arith.shrui %get3A_207, %shift_right_logical3A_216 : vector<16xi32>
    %swap3A_218 = arith.constant 0 : index
    %swap3A_219 = tpu.vector_load %arg15[%swap3A_218] {strides = array<i32>} : memref<80xi32, #tpu.memory_space<vmem>>, vector<16xi32>,
    %swap3A_220 = vector.shape_cast %swap3A_219 : vector<16xi32> to vector<16xi32>
    %swap3A_221 = vector.shape_cast %shift_right_logical3A_217 : vector<16xi32> to vector<16xi32>
    tpu.vector_store %arg15[%swap3A_218], %swap3A_221 {strides = array<i32>} : memref<80xi32, #tpu.memory_space<vmem>>, vector<16xi32>,
    %get3A_222 = arith.constant 125 : i32
    %get3A_223 = arith.index_cast %get3A_222 : i32 to index
    %get3A_224 = arith.constant 16 : index
    %get3A_225 = tpu.vector_load %arg9[%get3A_223, %get3A_224] {strides = array<i32>} : memref<126x80xi32, #tpu.memory_space<vmem>>, vector<1x16xi32>,
    %get3A_226 = vector.shape_cast %get3A_225 : vector<1x16xi32> to vector<16xi32>
    %and3A_227 = arith.constant 16383 : i32
    %and3A_228 = vector.broadcast %and3A_227 : i32 to vector<16xi32>
    %and3A_229 = arith.andi %get3A_226, %and3A_228 : vector<16xi32>
    %swap3A_230 = arith.constant 16 : index
    %swap3A_231 = tpu.vector_load %arg12[%swap3A_230] {strides = array<i32>} : memref<80xi32, #tpu.memory_space<vmem>>, vector<16xi32>,
    %swap3A_232 = vector.shape_cast %swap3A_231 : vector<16xi32> to vector<16xi32>
    %swap3A_233 = vector.shape_cast %and3A_229 : vector<16xi32> to vector<16xi32>
    tpu.vector_store %arg12[%swap3A_230], %swap3A_233 {strides = array<i32>} : memref<80xi32, #tpu.memory_space<vmem>>, vector<16xi32>,
    %shift_right_logical3A_234 = arith.constant 14 : i32
    %shift_right_logical3A_235 = vector.broadcast %shift_right_logical3A_234 : i32 to vector<16xi32>
    %shift_right_logical3A_236 = arith.shrui %get3A_226, %shift_right_logical3A_235 : vector<16xi32>
    %swap3A_237 = arith.constant 16 : index
    %swap3A_238 = tpu.vector_load %arg15[%swap3A_237] {strides = array<i32>} : memref<80xi32, #tpu.memory_space<vmem>>, vector<16xi32>,
    %swap3A_239 = vector.shape_cast %swap3A_238 : vector<16xi32> to vector<16xi32>
    %swap3A_240 = vector.shape_cast %shift_right_logical3A_236 : vector<16xi32> to vector<16xi32>
    tpu.vector_store %arg15[%swap3A_237], %swap3A_240 {strides = array<i32>} : memref<80xi32, #tpu.memory_space<vmem>>, vector<16xi32>,
    %get3A_241 = arith.constant 125 : i32
    %get3A_242 = arith.index_cast %get3A_241 : i32 to index
    %get3A_243 = arith.constant 32 : index
    %get3A_244 = tpu.vector_load %arg9[%get3A_242, %get3A_243] {strides = array<i32>} : memref<126x80xi32, #tpu.memory_space<vmem>>, vector<1x16xi32>,
    %get3A_245 = vector.shape_cast %get3A_244 : vector<1x16xi32> to vector<16xi32>
    %and3A_246 = arith.constant 16383 : i32
    %and3A_247 = vector.broadcast %and3A_246 : i32 to vector<16xi32>
    %and3A_248 = arith.andi %get3A_245, %and3A_247 : vector<16xi32>
    %swap3A_249 = arith.constant 32 : index
    %swap3A_250 = tpu.vector_load %arg12[%swap3A_249] {strides = array<i32>} : memref<80xi32, #tpu.memory_space<vmem>>, vector<16xi32>,
    %swap3A_251 = vector.shape_cast %swap3A_250 : vector<16xi32> to vector<16xi32>
    %swap3A_252 = vector.shape_cast %and3A_248 : vector<16xi32> to vector<16xi32>
    tpu.vector_store %arg12[%swap3A_249], %swap3A_252 {strides = array<i32>} : memref<80xi32, #tpu.memory_space<vmem>>, vector<16xi32>,
    %shift_right_logical3A_253 = arith.constant 14 : i32
    %shift_right_logical3A_254 = vector.broadcast %shift_right_logical3A_253 : i32 to vector<16xi32>
    %shift_right_logical3A_255 = arith.shrui %get3A_245, %shift_right_logical3A_254 : vector<16xi32>
    %swap3A_256 = arith.constant 32 : index
    %swap3A_257 = tpu.vector_load %arg15[%swap3A_256] {strides = array<i32>} : memref<80xi32, #tpu.memory_space<vmem>>, vector<16xi32>,
    %swap3A_258 = vector.shape_cast %swap3A_257 : vector<16xi32> to vector<16xi32>
    %swap3A_259 = vector.shape_cast %shift_right_logical3A_255 : vector<16xi32> to vector<16xi32>
    tpu.vector_store %arg15[%swap3A_256], %swap3A_259 {strides = array<i32>} : memref<80xi32, #tpu.memory_space<vmem>>, vector<16xi32>,
    %get3A_260 = arith.constant 125 : i32
    %get3A_261 = arith.index_cast %get3A_260 : i32 to index
    %get3A_262 = arith.constant 48 : index
    %get3A_263 = tpu.vector_load %arg9[%get3A_261, %get3A_262] {strides = array<i32>} : memref<126x80xi32, #tpu.memory_space<vmem>>, vector<1x16xi32>,
    %get3A_264 = vector.shape_cast %get3A_263 : vector<1x16xi32> to vector<16xi32>
    %and3A_265 = arith.constant 16383 : i32
    %and3A_266 = vector.broadcast %and3A_265 : i32 to vector<16xi32>
    %and3A_267 = arith.andi %get3A_264, %and3A_266 : vector<16xi32>
    %swap3A_268 = arith.constant 48 : index
    %swap3A_269 = tpu.vector_load %arg12[%swap3A_268] {strides = array<i32>} : memref<80xi32, #tpu.memory_space<vmem>>, vector<16xi32>,
    %swap3A_270 = vector.shape_cast %swap3A_269 : vector<16xi32> to vector<16xi32>
    %swap3A_271 = vector.shape_cast %and3A_267 : vector<16xi32> to vector<16xi32>
    tpu.vector_store %arg12[%swap3A_268], %swap3A_271 {strides = array<i32>} : memref<80xi32, #tpu.memory_space<vmem>>, vector<16xi32>,
    %shift_right_logical3A_272 = arith.constant 14 : i32
    %shift_right_logical3A_273 = vector.broadcast %shift_right_logical3A_272 : i32 to vector<16xi32>
    %shift_right_logical3A_274 = arith.shrui %get3A_264, %shift_right_logical3A_273 : vector<16xi32>
    %swap3A_275 = arith.constant 48 : index
    %swap3A_276 = tpu.vector_load %arg15[%swap3A_275] {strides = array<i32>} : memref<80xi32, #tpu.memory_space<vmem>>, vector<16xi32>,
    %swap3A_277 = vector.shape_cast %swap3A_276 : vector<16xi32> to vector<16xi32>
    %swap3A_278 = vector.shape_cast %shift_right_logical3A_274 : vector<16xi32> to vector<16xi32>
    tpu.vector_store %arg15[%swap3A_275], %swap3A_278 {strides = array<i32>} : memref<80xi32, #tpu.memory_space<vmem>>, vector<16xi32>,
    %get3A_279 = arith.constant 125 : i32
    %get3A_280 = arith.index_cast %get3A_279 : i32 to index
    %get3A_281 = arith.constant 64 : index
    %get3A_282 = tpu.vector_load %arg9[%get3A_280, %get3A_281] {strides = array<i32>} : memref<126x80xi32, #tpu.memory_space<vmem>>, vector<1x16xi32>,
    %get3A_283 = vector.shape_cast %get3A_282 : vector<1x16xi32> to vector<16xi32>
    %and3A_284 = arith.constant 16383 : i32
    %and3A_285 = vector.broadcast %and3A_284 : i32 to vector<16xi32>
    %and3A_286 = arith.andi %get3A_283, %and3A_285 : vector<16xi32>
    %swap3A_287 = arith.constant 64 : index
    %swap3A_288 = tpu.vector_load %arg12[%swap3A_287] {strides = array<i32>} : memref<80xi32, #tpu.memory_space<vmem>>, vector<16xi32>,
    %swap3A_289 = vector.shape_cast %swap3A_288 : vector<16xi32> to vector<16xi32>
    %swap3A_290 = vector.shape_cast %and3A_286 : vector<16xi32> to vector<16xi32>
    tpu.vector_store %arg12[%swap3A_287], %swap3A_290 {strides = array<i32>} : memref<80xi32, #tpu.memory_space<vmem>>, vector<16xi32>,
    %shift_right_logical3A_291 = arith.constant 14 : i32
    %shift_right_logical3A_292 = vector.broadcast %shift_right_logical3A_291 : i32 to vector<16xi32>
    %shift_right_logical3A_293 = arith.shrui %get3A_283, %shift_right_logical3A_292 : vector<16xi32>
    %swap3A_294 = arith.constant 64 : index
    %swap3A_295 = tpu.vector_load %arg15[%swap3A_294] {strides = array<i32>} : memref<80xi32, #tpu.memory_space<vmem>>, vector<16xi32>,
    %swap3A_296 = vector.shape_cast %swap3A_295 : vector<16xi32> to vector<16xi32>
    %swap3A_297 = vector.shape_cast %shift_right_logical3A_293 : vector<16xi32> to vector<16xi32>
    tpu.vector_store %arg15[%swap3A_294], %swap3A_297 {strides = array<i32>} : memref<80xi32, #tpu.memory_space<vmem>>, vector<16xi32>,
    %dma_start3A_298 = arith.constant 0 : i32
    %dma_start3A_299 = arith.constant 0 : i32
    %dma_start3A_300 = tpu.memref_slice %arg3[%dma_start3A_298, %dma_start3A_299] : memref<10240x128xf32, #tpu.memory_space<hbm>> -> memref<10240x128xf32, #tpu.memory_space<hbm>>
    tpu.enqueue_indirect_dma source(%dma_start3A_300 : memref<10240x128xf32, #tpu.memory_space<hbm>>) target(%arg18 : memref<80x128xf32, #tpu.memory_space<vmem>>) offsets(%arg12 : memref<80xi32, #tpu.memory_space<vmem>>) semaphore(%arg22 : memref<!tpu.dma_semaphore, #tpu.memory_space<semaphore_mem>>)
    "tpu.region"() ({
      %run_scoped3A = tpu.sem_alloc : memref<!tpu.dma_semaphore, #tpu.memory_space<semaphore_mem>>
      %dma_start3A_316 = arith.constant 0 : i32
      %dma_start3A_317 = arith.constant 0 : i32
      %dma_start3A_318 = tpu.memref_slice %arg19[%dma_start3A_316, %dma_start3A_317] : memref<10240x128xf32, #tpu.memory_space<vmem_shared>> -> memref<10240x128xf32, #tpu.memory_space<vmem_shared>>
      tpu.enqueue_indirect_dma source(%arg16 : memref<80x128xf32, #tpu.memory_space<vmem>>) target(%dma_start3A_318 : memref<10240x128xf32, #tpu.memory_space<vmem_shared>>) offsets(%arg13 : memref<80xi32, #tpu.memory_space<vmem>>) semaphore(%run_scoped3A : memref<!tpu.dma_semaphore, #tpu.memory_space<semaphore_mem>>) {add = true}
      %dma_wait3A_319 = arith.constant 0 : i32
      %dma_wait3A_320 = arith.constant 0 : i32
      %dma_wait3A_321 = tpu.memref_slice %arg19[%dma_wait3A_319, %dma_wait3A_320] : memref<10240x128xf32, #tpu.memory_space<vmem_shared>> -> memref<10240x128xf32, #tpu.memory_space<vmem_shared>>
      tpu.wait_indirect_dma semaphore(%run_scoped3A : memref<!tpu.dma_semaphore, #tpu.memory_space<semaphore_mem>>) src(%arg16 : memref<80x128xf32, #tpu.memory_space<vmem>>) dst(%dma_wait3A_321 : memref<10240x128xf32, #tpu.memory_space<vmem_shared>>)
      tpu.yield
    }) : () -> ()
    "tpu.region"() ({
      %run_scoped3A = tpu.sem_alloc : memref<!tpu.dma_semaphore, #tpu.memory_space<semaphore_mem>>
      %dma_start3A_316 = arith.constant 0 : i32
      %dma_start3A_317 = tpu.memref_slice %arg24[%dma_start3A_316] : memref<10240xf32, #tpu.memory_space<vmem_shared>> -> memref<10240xf32, #tpu.memory_space<vmem_shared>>
      tpu.enqueue_indirect_dma source(%arg23 : memref<80xf32, #tpu.memory_space<vmem>>) target(%dma_start3A_317 : memref<10240xf32, #tpu.memory_space<vmem_shared>>) offsets(%arg13 : memref<80xi32, #tpu.memory_space<vmem>>) semaphore(%run_scoped3A : memref<!tpu.dma_semaphore, #tpu.memory_space<semaphore_mem>>) {add = true}
      %dma_wait3A_318 = arith.constant 0 : i32
      %dma_wait3A_319 = tpu.memref_slice %arg24[%dma_wait3A_318] : memref<10240xf32, #tpu.memory_space<vmem_shared>> -> memref<10240xf32, #tpu.memory_space<vmem_shared>>
      tpu.wait_indirect_dma semaphore(%run_scoped3A : memref<!tpu.dma_semaphore, #tpu.memory_space<semaphore_mem>>) src(%arg23 : memref<80xf32, #tpu.memory_space<vmem>>) dst(%dma_wait3A_319 : memref<10240xf32, #tpu.memory_space<vmem_shared>>)
      tpu.yield
    }) : () -> ()
    %dma_wait3A_301 = arith.constant 0 : i32
    %dma_wait3A_302 = arith.constant 0 : i32
    %dma_wait3A_303 = tpu.memref_slice %arg3[%dma_wait3A_301, %dma_wait3A_302] : memref<10240x128xf32, #tpu.memory_space<hbm>> -> memref<10240x128xf32, #tpu.memory_space<hbm>>
    tpu.wait_indirect_dma semaphore(%arg21 : memref<!tpu.dma_semaphore, #tpu.memory_space<semaphore_mem>>) src(%dma_wait3A_303 : memref<10240x128xf32, #tpu.memory_space<hbm>>) dst(%arg17 : memref<80x128xf32, #tpu.memory_space<vmem>>)
    "tpu.region"() ({
      %run_scoped3A = tpu.sem_alloc : memref<!tpu.dma_semaphore, #tpu.memory_space<semaphore_mem>>
      %dma_start3A_316 = arith.constant 0 : i32
      %dma_start3A_317 = arith.constant 0 : i32
      %dma_start3A_318 = tpu.memref_slice %arg19[%dma_start3A_316, %dma_start3A_317] : memref<10240x128xf32, #tpu.memory_space<vmem_shared>> -> memref<10240x128xf32, #tpu.memory_space<vmem_shared>>
      tpu.enqueue_indirect_dma source(%arg17 : memref<80x128xf32, #tpu.memory_space<vmem>>) target(%dma_start3A_318 : memref<10240x128xf32, #tpu.memory_space<vmem_shared>>) offsets(%arg14 : memref<80xi32, #tpu.memory_space<vmem>>) semaphore(%run_scoped3A : memref<!tpu.dma_semaphore, #tpu.memory_space<semaphore_mem>>) {add = true}
      %dma_wait3A_319 = arith.constant 0 : i32
      %dma_wait3A_320 = arith.constant 0 : i32
      %dma_wait3A_321 = tpu.memref_slice %arg19[%dma_wait3A_319, %dma_wait3A_320] : memref<10240x128xf32, #tpu.memory_space<vmem_shared>> -> memref<10240x128xf32, #tpu.memory_space<vmem_shared>>
      tpu.wait_indirect_dma semaphore(%run_scoped3A : memref<!tpu.dma_semaphore, #tpu.memory_space<semaphore_mem>>) src(%arg17 : memref<80x128xf32, #tpu.memory_space<vmem>>) dst(%dma_wait3A_321 : memref<10240x128xf32, #tpu.memory_space<vmem_shared>>)
      tpu.yield
    }) : () -> ()
    "tpu.region"() ({
      %run_scoped3A = tpu.sem_alloc : memref<!tpu.dma_semaphore, #tpu.memory_space<semaphore_mem>>
      %dma_start3A_316 = arith.constant 0 : i32
      %dma_start3A_317 = tpu.memref_slice %arg24[%dma_start3A_316] : memref<10240xf32, #tpu.memory_space<vmem_shared>> -> memref<10240xf32, #tpu.memory_space<vmem_shared>>
      tpu.enqueue_indirect_dma source(%arg23 : memref<80xf32, #tpu.memory_space<vmem>>) target(%dma_start3A_317 : memref<10240xf32, #tpu.memory_space<vmem_shared>>) offsets(%arg14 : memref<80xi32, #tpu.memory_space<vmem>>) semaphore(%run_scoped3A : memref<!tpu.dma_semaphore, #tpu.memory_space<semaphore_mem>>) {add = true}
      %dma_wait3A_318 = arith.constant 0 : i32
      %dma_wait3A_319 = tpu.memref_slice %arg24[%dma_wait3A_318] : memref<10240xf32, #tpu.memory_space<vmem_shared>> -> memref<10240xf32, #tpu.memory_space<vmem_shared>>
      tpu.wait_indirect_dma semaphore(%run_scoped3A : memref<!tpu.dma_semaphore, #tpu.memory_space<semaphore_mem>>) src(%arg23 : memref<80xf32, #tpu.memory_space<vmem>>) dst(%dma_wait3A_319 : memref<10240xf32, #tpu.memory_space<vmem_shared>>)
      tpu.yield
    }) : () -> ()
    %dma_wait3A_304 = arith.constant 0 : i32
    %dma_wait3A_305 = arith.constant 0 : i32
    %dma_wait3A_306 = tpu.memref_slice %arg3[%dma_wait3A_304, %dma_wait3A_305] : memref<10240x128xf32, #tpu.memory_space<hbm>> -> memref<10240x128xf32, #tpu.memory_space<hbm>>
    tpu.wait_indirect_dma semaphore(%arg22 : memref<!tpu.dma_semaphore, #tpu.memory_space<semaphore_mem>>) src(%dma_wait3A_306 : memref<10240x128xf32, #tpu.memory_space<hbm>>) dst(%arg18 : memref<80x128xf32, #tpu.memory_space<vmem>>)
    "tpu.region"() ({
      %run_scoped3A = tpu.sem_alloc : memref<!tpu.dma_semaphore, #tpu.memory_space<semaphore_mem>>
      %dma_start3A_316 = arith.constant 0 : i32
      %dma_start3A_317 = arith.constant 0 : i32
      %dma_start3A_318 = tpu.memref_slice %arg19[%dma_start3A_316, %dma_start3A_317] : memref<10240x128xf32, #tpu.memory_space<vmem_shared>> -> memref<10240x128xf32, #tpu.memory_space<vmem_shared>>
      tpu.enqueue_indirect_dma source(%arg18 : memref<80x128xf32, #tpu.memory_space<vmem>>) target(%dma_start3A_318 : memref<10240x128xf32, #tpu.memory_space<vmem_shared>>) offsets(%arg15 : memref<80xi32, #tpu.memory_space<vmem>>) semaphore(%run_scoped3A : memref<!tpu.dma_semaphore, #tpu.memory_space<semaphore_mem>>) {add = true}
      %dma_wait3A_319 = arith.constant 0 : i32
      %dma_wait3A_320 = arith.constant 0 : i32
      %dma_wait3A_321 = tpu.memref_slice %arg19[%dma_wait3A_319, %dma_wait3A_320] : memref<10240x128xf32, #tpu.memory_space<vmem_shared>> -> memref<10240x128xf32, #tpu.memory_space<vmem_shared>>
      tpu.wait_indirect_dma semaphore(%run_scoped3A : memref<!tpu.dma_semaphore, #tpu.memory_space<semaphore_mem>>) src(%arg18 : memref<80x128xf32, #tpu.memory_space<vmem>>) dst(%dma_wait3A_321 : memref<10240x128xf32, #tpu.memory_space<vmem_shared>>)
      tpu.yield
    }) : () -> ()
    "tpu.region"() ({
      %run_scoped3A = tpu.sem_alloc : memref<!tpu.dma_semaphore, #tpu.memory_space<semaphore_mem>>
      %dma_start3A_316 = arith.constant 0 : i32
      %dma_start3A_317 = tpu.memref_slice %arg24[%dma_start3A_316] : memref<10240xf32, #tpu.memory_space<vmem_shared>> -> memref<10240xf32, #tpu.memory_space<vmem_shared>>
      tpu.enqueue_indirect_dma source(%arg23 : memref<80xf32, #tpu.memory_space<vmem>>) target(%dma_start3A_317 : memref<10240xf32, #tpu.memory_space<vmem_shared>>) offsets(%arg15 : memref<80xi32, #tpu.memory_space<vmem>>) semaphore(%run_scoped3A : memref<!tpu.dma_semaphore, #tpu.memory_space<semaphore_mem>>) {add = true}
      %dma_wait3A_318 = arith.constant 0 : i32
      %dma_wait3A_319 = tpu.memref_slice %arg24[%dma_wait3A_318] : memref<10240xf32, #tpu.memory_space<vmem_shared>> -> memref<10240xf32, #tpu.memory_space<vmem_shared>>
      tpu.wait_indirect_dma semaphore(%run_scoped3A : memref<!tpu.dma_semaphore, #tpu.memory_space<semaphore_mem>>) src(%arg23 : memref<80xf32, #tpu.memory_space<vmem>>) dst(%dma_wait3A_319 : memref<10240xf32, #tpu.memory_space<vmem_shared>>)
      tpu.yield
    }) : () -> ()
    %barrier3A_307 = arith.constant 0 : index
    tpu.barrier barrier_id(%barrier3A_307)
    %mul3A_308 = arith.constant 640 : i32
    %mul3A_309 = arith.muli %arg1, %mul3A_308 : i32
    %mul3A_310 = arith.constant 640 : i32
    %mul3A_311 = arith.muli %arg1, %mul3A_310 : i32
    "tpu.region"() ({
      %run_scoped3A = tpu.sem_alloc : memref<!tpu.dma_semaphore, #tpu.memory_space<semaphore_mem>>
      %dma_start3A_316 = arith.constant 0 : i32
      %dma_start3A_317 = tpu.memref_slice %arg7[%arg0, %mul3A_311, %dma_start3A_316] : memref<2x10240x128xf32, #tpu.memory_space<hbm>> -> memref<1x640x128xf32, #tpu.memory_space<hbm>>
      %dma_start3A_318 = tpu.memref_squeeze %dma_start3A_317 : memref<1x640x128xf32, #tpu.memory_space<hbm>> -> memref<640x128xf32, #tpu.memory_space<hbm>>
      %dma_start3A_319 = arith.constant 0 : i32
      %dma_start3A_320 = tpu.memref_slice %arg19[%mul3A_309, %dma_start3A_319] : memref<10240x128xf32, #tpu.memory_space<vmem_shared>> -> memref<640x128xf32, #tpu.memory_space<vmem_shared>>
      tpu.enqueue_dma source(%dma_start3A_320 : memref<640x128xf32, #tpu.memory_space<vmem_shared>>) target(%dma_start3A_318 : memref<640x128xf32, #tpu.memory_space<hbm>>) target_semaphore(%run_scoped3A : memref<!tpu.dma_semaphore, #tpu.memory_space<semaphore_mem>>)
      %dma_wait3A_321 = arith.constant 0 : i32
      %dma_wait3A_322 = tpu.memref_slice %arg7[%arg0, %mul3A_311, %dma_wait3A_321] : memref<2x10240x128xf32, #tpu.memory_space<hbm>> -> memref<1x640x128xf32, #tpu.memory_space<hbm>>
      %dma_wait3A_323 = tpu.memref_squeeze %dma_wait3A_322 : memref<1x640x128xf32, #tpu.memory_space<hbm>> -> memref<640x128xf32, #tpu.memory_space<hbm>>
      %dma_wait3A_324 = arith.constant 0 : i32
      %dma_wait3A_325 = tpu.memref_slice %arg19[%mul3A_309, %dma_wait3A_324] : memref<10240x128xf32, #tpu.memory_space<vmem_shared>> -> memref<640x128xf32, #tpu.memory_space<vmem_shared>>
      tpu.wait_dma2 semaphore(%run_scoped3A : memref<!tpu.dma_semaphore, #tpu.memory_space<semaphore_mem>>) src(%dma_wait3A_325 : memref<640x128xf32, #tpu.memory_space<vmem_shared>>) dst(%dma_wait3A_323 : memref<640x128xf32, #tpu.memory_space<hbm>>)
      tpu.yield
    }) : () -> ()
    %mul3A_312 = arith.constant 640 : i32
    %mul3A_313 = arith.muli %arg1, %mul3A_312 : i32
    %mul3A_314 = arith.constant 640 : i32
    %mul3A_315 = arith.muli %arg1, %mul3A_314 : i32
    "tpu.region"() ({
      %run_scoped3A = tpu.sem_alloc : memref<!tpu.dma_semaphore, #tpu.memory_space<semaphore_mem>>
      %dma_start3A_316 = tpu.memref_slice %arg8[%arg0, %mul3A_315] : memref<2x10240xf32, #tpu.memory_space<hbm>> -> memref<1x640xf32, #tpu.memory_space<hbm>>
      %dma_start3A_317 = tpu.memref_squeeze %dma_start3A_316 : memref<1x640xf32, #tpu.memory_space<hbm>> -> memref<640xf32, #tpu.memory_space<hbm>>
      %dma_start3A_318 = tpu.memref_slice %arg24[%mul3A_313] : memref<10240xf32, #tpu.memory_space<vmem_shared>> -> memref<640xf32, #tpu.memory_space<vmem_shared>>
      tpu.enqueue_dma source(%dma_start3A_318 : memref<640xf32, #tpu.memory_space<vmem_shared>>) target(%dma_start3A_317 : memref<640xf32, #tpu.memory_space<hbm>>) target_semaphore(%run_scoped3A : memref<!tpu.dma_semaphore, #tpu.memory_space<semaphore_mem>>)
      %dma_wait3A_319 = tpu.memref_slice %arg8[%arg0, %mul3A_315] : memref<2x10240xf32, #tpu.memory_space<hbm>> -> memref<1x640xf32, #tpu.memory_space<hbm>>
      %dma_wait3A_320 = tpu.memref_squeeze %dma_wait3A_319 : memref<1x640xf32, #tpu.memory_space<hbm>> -> memref<640xf32, #tpu.memory_space<hbm>>
      %dma_wait3A_321 = tpu.memref_slice %arg24[%mul3A_313] : memref<10240xf32, #tpu.memory_space<vmem_shared>> -> memref<640xf32, #tpu.memory_space<vmem_shared>>
      tpu.wait_dma2 semaphore(%run_scoped3A : memref<!tpu.dma_semaphore, #tpu.memory_space<semaphore_mem>>) src(%dma_wait3A_321 : memref<640xf32, #tpu.memory_space<vmem_shared>>) dst(%dma_wait3A_320 : memref<640xf32, #tpu.memory_space<hbm>>)
      tpu.yield
    }) : () -> ()
    return
  }
}

#map = affine_map<(d0, d1) -> (0, 0, 0)>
#map1 = affine_map<(d0, d1) -> (0, 0)>
module attributes {stable_mosaic.version = 14 : i64} {
  func.func @k(%arg0: i32, %arg1: i32, %arg2: memref<32x126x80xi32, #tpu.memory_space<hbm>>, %arg3: memref<10240x128xf32, #tpu.memory_space<hbm>>, %arg4: memref<640x128xf32, #tpu.memory_space<hbm>>, %arg5: memref<2x10240x128xf32, #tpu.memory_space<hbm>>, %arg6: memref<126x80xi32, #tpu.memory_space<vmem>>, %arg7: memref<80xi32, #tpu.memory_space<vmem>>, %arg8: memref<80xi32, #tpu.memory_space<vmem>>, %arg9: memref<80xi32, #tpu.memory_space<vmem>>, %arg10: memref<80xi32, #tpu.memory_space<vmem>>, %arg11: memref<80xi32, #tpu.memory_space<vmem>>, %arg12: memref<80xi32, #tpu.memory_space<vmem>>, %arg13: memref<80x128xf32, #tpu.memory_space<vmem>>, %arg14: memref<80x128xf32, #tpu.memory_space<vmem>>, %arg15: memref<80x128xf32, #tpu.memory_space<vmem>>, %arg16: memref<10240x128xf32, #tpu.memory_space<vmem_shared>>, %arg17: memref<!tpu.dma_semaphore, #tpu.memory_space<semaphore_mem>>, %arg18: memref<!tpu.dma_semaphore, #tpu.memory_space<semaphore_mem>>, %arg19: memref<!tpu.dma_semaphore, #tpu.memory_space<semaphore_mem>>) attributes {dimension_semantics = [#tpu.dimension_semantics<core_parallel>, #tpu.dimension_semantics<subcore_parallel>], iteration_bounds = array<i64: 2, 16>, scalar_prefetch = 0 : i64, scratch_operands = 14 : i64, tpu.core_type = #tpu.core_type<sc_vector_subcore>, window_params = [{transform_indices = #map}, {transform_indices = #map1}, {transform_indices = #map1}, {transform_indices = #map}]} {
    %mul3A = arith.constant 16 : i32
    %mul3A_0 = arith.muli %arg0, %mul3A : i32
    %add3A = arith.addi %mul3A_0, %arg1 : i32
    %mul3A_1 = arith.constant 640 : i32
    %mul3A_2 = arith.muli %arg1, %mul3A_1 : i32
    "tpu.region"() ({
      %run_scoped3A = tpu.sem_alloc : memref<!tpu.dma_semaphore, #tpu.memory_space<semaphore_mem>>
      %dma_start3A_310 = arith.constant 0 : i32
      %dma_start3A_311 = tpu.memref_slice %arg16[%mul3A_2, %dma_start3A_310] : memref<10240x128xf32, #tpu.memory_space<vmem_shared>> -> memref<640x128xf32, #tpu.memory_space<vmem_shared>>
      tpu.enqueue_dma source(%arg4 : memref<640x128xf32, #tpu.memory_space<hbm>>) target(%dma_start3A_311 : memref<640x128xf32, #tpu.memory_space<vmem_shared>>) target_semaphore(%run_scoped3A : memref<!tpu.dma_semaphore, #tpu.memory_space<semaphore_mem>>)
      %dma_wait3A_312 = arith.constant 0 : i32
      %dma_wait3A_313 = tpu.memref_slice %arg16[%mul3A_2, %dma_wait3A_312] : memref<10240x128xf32, #tpu.memory_space<vmem_shared>> -> memref<640x128xf32, #tpu.memory_space<vmem_shared>>
      tpu.wait_dma2 semaphore(%run_scoped3A : memref<!tpu.dma_semaphore, #tpu.memory_space<semaphore_mem>>) src(%arg4 : memref<640x128xf32, #tpu.memory_space<hbm>>) dst(%dma_wait3A_313 : memref<640x128xf32, #tpu.memory_space<vmem_shared>>)
      tpu.yield
    }) : () -> ()
    "tpu.region"() ({
      %run_scoped3A = tpu.sem_alloc : memref<!tpu.dma_semaphore, #tpu.memory_space<semaphore_mem>>
      %dma_start3A_310 = arith.constant 0 : i32
      %dma_start3A_311 = arith.constant 0 : i32
      %dma_start3A_312 = tpu.memref_slice %arg2[%add3A, %dma_start3A_310, %dma_start3A_311] : memref<32x126x80xi32, #tpu.memory_space<hbm>> -> memref<1x126x80xi32, #tpu.memory_space<hbm>>
      %dma_start3A_313 = tpu.memref_squeeze %dma_start3A_312 : memref<1x126x80xi32, #tpu.memory_space<hbm>> -> memref<126x80xi32, #tpu.memory_space<hbm>>
      %dma_start3A_314 = arith.constant 0 : i32
      %dma_start3A_315 = arith.constant 0 : i32
      %dma_start3A_316 = tpu.memref_slice %arg2[%add3A, %dma_start3A_314, %dma_start3A_315] : memref<32x126x80xi32, #tpu.memory_space<hbm>> -> memref<1x126x80xi32, #tpu.memory_space<hbm>>
      %dma_start3A_317 = tpu.memref_squeeze %dma_start3A_316 : memref<1x126x80xi32, #tpu.memory_space<hbm>> -> memref<126x80xi32, #tpu.memory_space<hbm>>
      tpu.enqueue_dma source(%dma_start3A_317 : memref<126x80xi32, #tpu.memory_space<hbm>>) target(%arg6 : memref<126x80xi32, #tpu.memory_space<vmem>>) target_semaphore(%run_scoped3A : memref<!tpu.dma_semaphore, #tpu.memory_space<semaphore_mem>>)
      %dma_wait3A_318 = arith.constant 0 : i32
      %dma_wait3A_319 = arith.constant 0 : i32
      %dma_wait3A_320 = tpu.memref_slice %arg2[%add3A, %dma_wait3A_318, %dma_wait3A_319] : memref<32x126x80xi32, #tpu.memory_space<hbm>> -> memref<1x126x80xi32, #tpu.memory_space<hbm>>
      %dma_wait3A_321 = tpu.memref_squeeze %dma_wait3A_320 : memref<1x126x80xi32, #tpu.memory_space<hbm>> -> memref<126x80xi32, #tpu.memory_space<hbm>>
      %dma_wait3A_322 = arith.constant 0 : i32
      %dma_wait3A_323 = arith.constant 0 : i32
      %dma_wait3A_324 = tpu.memref_slice %arg2[%add3A, %dma_wait3A_322, %dma_wait3A_323] : memref<32x126x80xi32, #tpu.memory_space<hbm>> -> memref<1x126x80xi32, #tpu.memory_space<hbm>>
      %dma_wait3A_325 = tpu.memref_squeeze %dma_wait3A_324 : memref<1x126x80xi32, #tpu.memory_space<hbm>> -> memref<126x80xi32, #tpu.memory_space<hbm>>
      tpu.wait_dma2 semaphore(%run_scoped3A : memref<!tpu.dma_semaphore, #tpu.memory_space<semaphore_mem>>) src(%dma_wait3A_325 : memref<126x80xi32, #tpu.memory_space<hbm>>) dst(%arg6 : memref<126x80xi32, #tpu.memory_space<vmem>>)
      tpu.yield
    }) : () -> ()
    %barrier3A = arith.constant 0 : index
    tpu.barrier barrier_id(%barrier3A)
    %get3A = arith.constant 0 : i32
    %get3A_3 = arith.index_cast %get3A : i32 to index
    %get3A_4 = arith.constant 0 : index
    %get3A_5 = tpu.vector_load %arg6[%get3A_3, %get3A_4] {strides = array<i32>} : memref<126x80xi32, #tpu.memory_space<vmem>>, vector<1x16xi32>,
    %get3A_6 = vector.shape_cast %get3A_5 : vector<1x16xi32> to vector<16xi32>
    %and3A = arith.constant 16383 : i32
    %and3A_7 = vector.broadcast %and3A : i32 to vector<16xi32>
    %and3A_8 = arith.andi %get3A_6, %and3A_7 : vector<16xi32>
    %swap3A = arith.constant 0 : index
    %swap3A_9 = tpu.vector_load %arg7[%swap3A] {strides = array<i32>} : memref<80xi32, #tpu.memory_space<vmem>>, vector<16xi32>,
    %swap3A_10 = vector.shape_cast %swap3A_9 : vector<16xi32> to vector<16xi32>
    %swap3A_11 = vector.shape_cast %and3A_8 : vector<16xi32> to vector<16xi32>
    tpu.vector_store %arg7[%swap3A], %swap3A_11 {strides = array<i32>} : memref<80xi32, #tpu.memory_space<vmem>>, vector<16xi32>,
    %shift_right_logical3A = arith.constant 14 : i32
    %shift_right_logical3A_12 = vector.broadcast %shift_right_logical3A : i32 to vector<16xi32>
    %shift_right_logical3A_13 = arith.shrui %get3A_6, %shift_right_logical3A_12 : vector<16xi32>
    %swap3A_14 = arith.constant 0 : index
    %swap3A_15 = tpu.vector_load %arg10[%swap3A_14] {strides = array<i32>} : memref<80xi32, #tpu.memory_space<vmem>>, vector<16xi32>,
    %swap3A_16 = vector.shape_cast %swap3A_15 : vector<16xi32> to vector<16xi32>
    %swap3A_17 = vector.shape_cast %shift_right_logical3A_13 : vector<16xi32> to vector<16xi32>
    tpu.vector_store %arg10[%swap3A_14], %swap3A_17 {strides = array<i32>} : memref<80xi32, #tpu.memory_space<vmem>>, vector<16xi32>,
    %get3A_18 = arith.constant 0 : i32
    %get3A_19 = arith.index_cast %get3A_18 : i32 to index
    %get3A_20 = arith.constant 16 : index
    %get3A_21 = tpu.vector_load %arg6[%get3A_19, %get3A_20] {strides = array<i32>} : memref<126x80xi32, #tpu.memory_space<vmem>>, vector<1x16xi32>,
    %get3A_22 = vector.shape_cast %get3A_21 : vector<1x16xi32> to vector<16xi32>
    %and3A_23 = arith.constant 16383 : i32
    %and3A_24 = vector.broadcast %and3A_23 : i32 to vector<16xi32>
    %and3A_25 = arith.andi %get3A_22, %and3A_24 : vector<16xi32>
    %swap3A_26 = arith.constant 16 : index
    %swap3A_27 = tpu.vector_load %arg7[%swap3A_26] {strides = array<i32>} : memref<80xi32, #tpu.memory_space<vmem>>, vector<16xi32>,
    %swap3A_28 = vector.shape_cast %swap3A_27 : vector<16xi32> to vector<16xi32>
    %swap3A_29 = vector.shape_cast %and3A_25 : vector<16xi32> to vector<16xi32>
    tpu.vector_store %arg7[%swap3A_26], %swap3A_29 {strides = array<i32>} : memref<80xi32, #tpu.memory_space<vmem>>, vector<16xi32>,
    %shift_right_logical3A_30 = arith.constant 14 : i32
    %shift_right_logical3A_31 = vector.broadcast %shift_right_logical3A_30 : i32 to vector<16xi32>
    %shift_right_logical3A_32 = arith.shrui %get3A_22, %shift_right_logical3A_31 : vector<16xi32>
    %swap3A_33 = arith.constant 16 : index
    %swap3A_34 = tpu.vector_load %arg10[%swap3A_33] {strides = array<i32>} : memref<80xi32, #tpu.memory_space<vmem>>, vector<16xi32>,
    %swap3A_35 = vector.shape_cast %swap3A_34 : vector<16xi32> to vector<16xi32>
    %swap3A_36 = vector.shape_cast %shift_right_logical3A_32 : vector<16xi32> to vector<16xi32>
    tpu.vector_store %arg10[%swap3A_33], %swap3A_36 {strides = array<i32>} : memref<80xi32, #tpu.memory_space<vmem>>, vector<16xi32>,
    %get3A_37 = arith.constant 0 : i32
    %get3A_38 = arith.index_cast %get3A_37 : i32 to index
    %get3A_39 = arith.constant 32 : index
    %get3A_40 = tpu.vector_load %arg6[%get3A_38, %get3A_39] {strides = array<i32>} : memref<126x80xi32, #tpu.memory_space<vmem>>, vector<1x16xi32>,
    %get3A_41 = vector.shape_cast %get3A_40 : vector<1x16xi32> to vector<16xi32>
    %and3A_42 = arith.constant 16383 : i32
    %and3A_43 = vector.broadcast %and3A_42 : i32 to vector<16xi32>
    %and3A_44 = arith.andi %get3A_41, %and3A_43 : vector<16xi32>
    %swap3A_45 = arith.constant 32 : index
    %swap3A_46 = tpu.vector_load %arg7[%swap3A_45] {strides = array<i32>} : memref<80xi32, #tpu.memory_space<vmem>>, vector<16xi32>,
    %swap3A_47 = vector.shape_cast %swap3A_46 : vector<16xi32> to vector<16xi32>
    %swap3A_48 = vector.shape_cast %and3A_44 : vector<16xi32> to vector<16xi32>
    tpu.vector_store %arg7[%swap3A_45], %swap3A_48 {strides = array<i32>} : memref<80xi32, #tpu.memory_space<vmem>>, vector<16xi32>,
    %shift_right_logical3A_49 = arith.constant 14 : i32
    %shift_right_logical3A_50 = vector.broadcast %shift_right_logical3A_49 : i32 to vector<16xi32>
    %shift_right_logical3A_51 = arith.shrui %get3A_41, %shift_right_logical3A_50 : vector<16xi32>
    %swap3A_52 = arith.constant 32 : index
    %swap3A_53 = tpu.vector_load %arg10[%swap3A_52] {strides = array<i32>} : memref<80xi32, #tpu.memory_space<vmem>>, vector<16xi32>,
    %swap3A_54 = vector.shape_cast %swap3A_53 : vector<16xi32> to vector<16xi32>
    %swap3A_55 = vector.shape_cast %shift_right_logical3A_51 : vector<16xi32> to vector<16xi32>
    tpu.vector_store %arg10[%swap3A_52], %swap3A_55 {strides = array<i32>} : memref<80xi32, #tpu.memory_space<vmem>>, vector<16xi32>,
    %get3A_56 = arith.constant 0 : i32
    %get3A_57 = arith.index_cast %get3A_56 : i32 to index
    %get3A_58 = arith.constant 48 : index
    %get3A_59 = tpu.vector_load %arg6[%get3A_57, %get3A_58] {strides = array<i32>} : memref<126x80xi32, #tpu.memory_space<vmem>>, vector<1x16xi32>,
    %get3A_60 = vector.shape_cast %get3A_59 : vector<1x16xi32> to vector<16xi32>
    %and3A_61 = arith.constant 16383 : i32
    %and3A_62 = vector.broadcast %and3A_61 : i32 to vector<16xi32>
    %and3A_63 = arith.andi %get3A_60, %and3A_62 : vector<16xi32>
    %swap3A_64 = arith.constant 48 : index
    %swap3A_65 = tpu.vector_load %arg7[%swap3A_64] {strides = array<i32>} : memref<80xi32, #tpu.memory_space<vmem>>, vector<16xi32>,
    %swap3A_66 = vector.shape_cast %swap3A_65 : vector<16xi32> to vector<16xi32>
    %swap3A_67 = vector.shape_cast %and3A_63 : vector<16xi32> to vector<16xi32>
    tpu.vector_store %arg7[%swap3A_64], %swap3A_67 {strides = array<i32>} : memref<80xi32, #tpu.memory_space<vmem>>, vector<16xi32>,
    %shift_right_logical3A_68 = arith.constant 14 : i32
    %shift_right_logical3A_69 = vector.broadcast %shift_right_logical3A_68 : i32 to vector<16xi32>
    %shift_right_logical3A_70 = arith.shrui %get3A_60, %shift_right_logical3A_69 : vector<16xi32>
    %swap3A_71 = arith.constant 48 : index
    %swap3A_72 = tpu.vector_load %arg10[%swap3A_71] {strides = array<i32>} : memref<80xi32, #tpu.memory_space<vmem>>, vector<16xi32>,
    %swap3A_73 = vector.shape_cast %swap3A_72 : vector<16xi32> to vector<16xi32>
    %swap3A_74 = vector.shape_cast %shift_right_logical3A_70 : vector<16xi32> to vector<16xi32>
    tpu.vector_store %arg10[%swap3A_71], %swap3A_74 {strides = array<i32>} : memref<80xi32, #tpu.memory_space<vmem>>, vector<16xi32>,
    %get3A_75 = arith.constant 0 : i32
    %get3A_76 = arith.index_cast %get3A_75 : i32 to index
    %get3A_77 = arith.constant 64 : index
    %get3A_78 = tpu.vector_load %arg6[%get3A_76, %get3A_77] {strides = array<i32>} : memref<126x80xi32, #tpu.memory_space<vmem>>, vector<1x16xi32>,
    %get3A_79 = vector.shape_cast %get3A_78 : vector<1x16xi32> to vector<16xi32>
    %and3A_80 = arith.constant 16383 : i32
    %and3A_81 = vector.broadcast %and3A_80 : i32 to vector<16xi32>
    %and3A_82 = arith.andi %get3A_79, %and3A_81 : vector<16xi32>
    %swap3A_83 = arith.constant 64 : index
    %swap3A_84 = tpu.vector_load %arg7[%swap3A_83] {strides = array<i32>} : memref<80xi32, #tpu.memory_space<vmem>>, vector<16xi32>,
    %swap3A_85 = vector.shape_cast %swap3A_84 : vector<16xi32> to vector<16xi32>
    %swap3A_86 = vector.shape_cast %and3A_82 : vector<16xi32> to vector<16xi32>
    tpu.vector_store %arg7[%swap3A_83], %swap3A_86 {strides = array<i32>} : memref<80xi32, #tpu.memory_space<vmem>>, vector<16xi32>,
    %shift_right_logical3A_87 = arith.constant 14 : i32
    %shift_right_logical3A_88 = vector.broadcast %shift_right_logical3A_87 : i32 to vector<16xi32>
    %shift_right_logical3A_89 = arith.shrui %get3A_79, %shift_right_logical3A_88 : vector<16xi32>
    %swap3A_90 = arith.constant 64 : index
    %swap3A_91 = tpu.vector_load %arg10[%swap3A_90] {strides = array<i32>} : memref<80xi32, #tpu.memory_space<vmem>>, vector<16xi32>,
    %swap3A_92 = vector.shape_cast %swap3A_91 : vector<16xi32> to vector<16xi32>
    %swap3A_93 = vector.shape_cast %shift_right_logical3A_89 : vector<16xi32> to vector<16xi32>
    tpu.vector_store %arg10[%swap3A_90], %swap3A_93 {strides = array<i32>} : memref<80xi32, #tpu.memory_space<vmem>>, vector<16xi32>,
    %dma_start3A = arith.constant 0 : i32
    %dma_start3A_94 = arith.constant 0 : i32
    %dma_start3A_95 = tpu.memref_slice %arg3[%dma_start3A, %dma_start3A_94] : memref<10240x128xf32, #tpu.memory_space<hbm>> -> memref<10240x128xf32, #tpu.memory_space<hbm>>
    tpu.enqueue_indirect_dma source(%dma_start3A_95 : memref<10240x128xf32, #tpu.memory_space<hbm>>) target(%arg13 : memref<80x128xf32, #tpu.memory_space<vmem>>) offsets(%arg7 : memref<80xi32, #tpu.memory_space<vmem>>) semaphore(%arg17 : memref<!tpu.dma_semaphore, #tpu.memory_space<semaphore_mem>>)
    %get3A_96 = arith.constant 1 : i32
    %get3A_97 = arith.index_cast %get3A_96 : i32 to index
    %get3A_98 = arith.constant 0 : index
    %get3A_99 = tpu.vector_load %arg6[%get3A_97, %get3A_98] {strides = array<i32>} : memref<126x80xi32, #tpu.memory_space<vmem>>, vector<1x16xi32>,
    %get3A_100 = vector.shape_cast %get3A_99 : vector<1x16xi32> to vector<16xi32>
    %and3A_101 = arith.constant 16383 : i32
    %and3A_102 = vector.broadcast %and3A_101 : i32 to vector<16xi32>
    %and3A_103 = arith.andi %get3A_100, %and3A_102 : vector<16xi32>
    %swap3A_104 = arith.constant 0 : index
    %swap3A_105 = tpu.vector_load %arg8[%swap3A_104] {strides = array<i32>} : memref<80xi32, #tpu.memory_space<vmem>>, vector<16xi32>,
    %swap3A_106 = vector.shape_cast %swap3A_105 : vector<16xi32> to vector<16xi32>
    %swap3A_107 = vector.shape_cast %and3A_103 : vector<16xi32> to vector<16xi32>
    tpu.vector_store %arg8[%swap3A_104], %swap3A_107 {strides = array<i32>} : memref<80xi32, #tpu.memory_space<vmem>>, vector<16xi32>,
    %shift_right_logical3A_108 = arith.constant 14 : i32
    %shift_right_logical3A_109 = vector.broadcast %shift_right_logical3A_108 : i32 to vector<16xi32>
    %shift_right_logical3A_110 = arith.shrui %get3A_100, %shift_right_logical3A_109 : vector<16xi32>
    %swap3A_111 = arith.constant 0 : index
    %swap3A_112 = tpu.vector_load %arg11[%swap3A_111] {strides = array<i32>} : memref<80xi32, #tpu.memory_space<vmem>>, vector<16xi32>,
    %swap3A_113 = vector.shape_cast %swap3A_112 : vector<16xi32> to vector<16xi32>
    %swap3A_114 = vector.shape_cast %shift_right_logical3A_110 : vector<16xi32> to vector<16xi32>
    tpu.vector_store %arg11[%swap3A_111], %swap3A_114 {strides = array<i32>} : memref<80xi32, #tpu.memory_space<vmem>>, vector<16xi32>,
    %get3A_115 = arith.constant 1 : i32
    %get3A_116 = arith.index_cast %get3A_115 : i32 to index
    %get3A_117 = arith.constant 16 : index
    %get3A_118 = tpu.vector_load %arg6[%get3A_116, %get3A_117] {strides = array<i32>} : memref<126x80xi32, #tpu.memory_space<vmem>>, vector<1x16xi32>,
    %get3A_119 = vector.shape_cast %get3A_118 : vector<1x16xi32> to vector<16xi32>
    %and3A_120 = arith.constant 16383 : i32
    %and3A_121 = vector.broadcast %and3A_120 : i32 to vector<16xi32>
    %and3A_122 = arith.andi %get3A_119, %and3A_121 : vector<16xi32>
    %swap3A_123 = arith.constant 16 : index
    %swap3A_124 = tpu.vector_load %arg8[%swap3A_123] {strides = array<i32>} : memref<80xi32, #tpu.memory_space<vmem>>, vector<16xi32>,
    %swap3A_125 = vector.shape_cast %swap3A_124 : vector<16xi32> to vector<16xi32>
    %swap3A_126 = vector.shape_cast %and3A_122 : vector<16xi32> to vector<16xi32>
    tpu.vector_store %arg8[%swap3A_123], %swap3A_126 {strides = array<i32>} : memref<80xi32, #tpu.memory_space<vmem>>, vector<16xi32>,
    %shift_right_logical3A_127 = arith.constant 14 : i32
    %shift_right_logical3A_128 = vector.broadcast %shift_right_logical3A_127 : i32 to vector<16xi32>
    %shift_right_logical3A_129 = arith.shrui %get3A_119, %shift_right_logical3A_128 : vector<16xi32>
    %swap3A_130 = arith.constant 16 : index
    %swap3A_131 = tpu.vector_load %arg11[%swap3A_130] {strides = array<i32>} : memref<80xi32, #tpu.memory_space<vmem>>, vector<16xi32>,
    %swap3A_132 = vector.shape_cast %swap3A_131 : vector<16xi32> to vector<16xi32>
    %swap3A_133 = vector.shape_cast %shift_right_logical3A_129 : vector<16xi32> to vector<16xi32>
    tpu.vector_store %arg11[%swap3A_130], %swap3A_133 {strides = array<i32>} : memref<80xi32, #tpu.memory_space<vmem>>, vector<16xi32>,
    %get3A_134 = arith.constant 1 : i32
    %get3A_135 = arith.index_cast %get3A_134 : i32 to index
    %get3A_136 = arith.constant 32 : index
    %get3A_137 = tpu.vector_load %arg6[%get3A_135, %get3A_136] {strides = array<i32>} : memref<126x80xi32, #tpu.memory_space<vmem>>, vector<1x16xi32>,
    %get3A_138 = vector.shape_cast %get3A_137 : vector<1x16xi32> to vector<16xi32>
    %and3A_139 = arith.constant 16383 : i32
    %and3A_140 = vector.broadcast %and3A_139 : i32 to vector<16xi32>
    %and3A_141 = arith.andi %get3A_138, %and3A_140 : vector<16xi32>
    %swap3A_142 = arith.constant 32 : index
    %swap3A_143 = tpu.vector_load %arg8[%swap3A_142] {strides = array<i32>} : memref<80xi32, #tpu.memory_space<vmem>>, vector<16xi32>,
    %swap3A_144 = vector.shape_cast %swap3A_143 : vector<16xi32> to vector<16xi32>
    %swap3A_145 = vector.shape_cast %and3A_141 : vector<16xi32> to vector<16xi32>
    tpu.vector_store %arg8[%swap3A_142], %swap3A_145 {strides = array<i32>} : memref<80xi32, #tpu.memory_space<vmem>>, vector<16xi32>,
    %shift_right_logical3A_146 = arith.constant 14 : i32
    %shift_right_logical3A_147 = vector.broadcast %shift_right_logical3A_146 : i32 to vector<16xi32>
    %shift_right_logical3A_148 = arith.shrui %get3A_138, %shift_right_logical3A_147 : vector<16xi32>
    %swap3A_149 = arith.constant 32 : index
    %swap3A_150 = tpu.vector_load %arg11[%swap3A_149] {strides = array<i32>} : memref<80xi32, #tpu.memory_space<vmem>>, vector<16xi32>,
    %swap3A_151 = vector.shape_cast %swap3A_150 : vector<16xi32> to vector<16xi32>
    %swap3A_152 = vector.shape_cast %shift_right_logical3A_148 : vector<16xi32> to vector<16xi32>
    tpu.vector_store %arg11[%swap3A_149], %swap3A_152 {strides = array<i32>} : memref<80xi32, #tpu.memory_space<vmem>>, vector<16xi32>,
    %get3A_153 = arith.constant 1 : i32
    %get3A_154 = arith.index_cast %get3A_153 : i32 to index
    %get3A_155 = arith.constant 48 : index
    %get3A_156 = tpu.vector_load %arg6[%get3A_154, %get3A_155] {strides = array<i32>} : memref<126x80xi32, #tpu.memory_space<vmem>>, vector<1x16xi32>,
    %get3A_157 = vector.shape_cast %get3A_156 : vector<1x16xi32> to vector<16xi32>
    %and3A_158 = arith.constant 16383 : i32
    %and3A_159 = vector.broadcast %and3A_158 : i32 to vector<16xi32>
    %and3A_160 = arith.andi %get3A_157, %and3A_159 : vector<16xi32>
    %swap3A_161 = arith.constant 48 : index
    %swap3A_162 = tpu.vector_load %arg8[%swap3A_161] {strides = array<i32>} : memref<80xi32, #tpu.memory_space<vmem>>, vector<16xi32>,
    %swap3A_163 = vector.shape_cast %swap3A_162 : vector<16xi32> to vector<16xi32>
    %swap3A_164 = vector.shape_cast %and3A_160 : vector<16xi32> to vector<16xi32>
    tpu.vector_store %arg8[%swap3A_161], %swap3A_164 {strides = array<i32>} : memref<80xi32, #tpu.memory_space<vmem>>, vector<16xi32>,
    %shift_right_logical3A_165 = arith.constant 14 : i32
    %shift_right_logical3A_166 = vector.broadcast %shift_right_logical3A_165 : i32 to vector<16xi32>
    %shift_right_logical3A_167 = arith.shrui %get3A_157, %shift_right_logical3A_166 : vector<16xi32>
    %swap3A_168 = arith.constant 48 : index
    %swap3A_169 = tpu.vector_load %arg11[%swap3A_168] {strides = array<i32>} : memref<80xi32, #tpu.memory_space<vmem>>, vector<16xi32>,
    %swap3A_170 = vector.shape_cast %swap3A_169 : vector<16xi32> to vector<16xi32>
    %swap3A_171 = vector.shape_cast %shift_right_logical3A_167 : vector<16xi32> to vector<16xi32>
    tpu.vector_store %arg11[%swap3A_168], %swap3A_171 {strides = array<i32>} : memref<80xi32, #tpu.memory_space<vmem>>, vector<16xi32>,
    %get3A_172 = arith.constant 1 : i32
    %get3A_173 = arith.index_cast %get3A_172 : i32 to index
    %get3A_174 = arith.constant 64 : index
    %get3A_175 = tpu.vector_load %arg6[%get3A_173, %get3A_174] {strides = array<i32>} : memref<126x80xi32, #tpu.memory_space<vmem>>, vector<1x16xi32>,
    %get3A_176 = vector.shape_cast %get3A_175 : vector<1x16xi32> to vector<16xi32>
    %and3A_177 = arith.constant 16383 : i32
    %and3A_178 = vector.broadcast %and3A_177 : i32 to vector<16xi32>
    %and3A_179 = arith.andi %get3A_176, %and3A_178 : vector<16xi32>
    %swap3A_180 = arith.constant 64 : index
    %swap3A_181 = tpu.vector_load %arg8[%swap3A_180] {strides = array<i32>} : memref<80xi32, #tpu.memory_space<vmem>>, vector<16xi32>,
    %swap3A_182 = vector.shape_cast %swap3A_181 : vector<16xi32> to vector<16xi32>
    %swap3A_183 = vector.shape_cast %and3A_179 : vector<16xi32> to vector<16xi32>
    tpu.vector_store %arg8[%swap3A_180], %swap3A_183 {strides = array<i32>} : memref<80xi32, #tpu.memory_space<vmem>>, vector<16xi32>,
    %shift_right_logical3A_184 = arith.constant 14 : i32
    %shift_right_logical3A_185 = vector.broadcast %shift_right_logical3A_184 : i32 to vector<16xi32>
    %shift_right_logical3A_186 = arith.shrui %get3A_176, %shift_right_logical3A_185 : vector<16xi32>
    %swap3A_187 = arith.constant 64 : index
    %swap3A_188 = tpu.vector_load %arg11[%swap3A_187] {strides = array<i32>} : memref<80xi32, #tpu.memory_space<vmem>>, vector<16xi32>,
    %swap3A_189 = vector.shape_cast %swap3A_188 : vector<16xi32> to vector<16xi32>
    %swap3A_190 = vector.shape_cast %shift_right_logical3A_186 : vector<16xi32> to vector<16xi32>
    tpu.vector_store %arg11[%swap3A_187], %swap3A_190 {strides = array<i32>} : memref<80xi32, #tpu.memory_space<vmem>>, vector<16xi32>,
    %dma_start3A_191 = arith.constant 0 : i32
    %dma_start3A_192 = arith.constant 0 : i32
    %dma_start3A_193 = tpu.memref_slice %arg3[%dma_start3A_191, %dma_start3A_192] : memref<10240x128xf32, #tpu.memory_space<hbm>> -> memref<10240x128xf32, #tpu.memory_space<hbm>>
    tpu.enqueue_indirect_dma source(%dma_start3A_193 : memref<10240x128xf32, #tpu.memory_space<hbm>>) target(%arg14 : memref<80x128xf32, #tpu.memory_space<vmem>>) offsets(%arg8 : memref<80xi32, #tpu.memory_space<vmem>>) semaphore(%arg18 : memref<!tpu.dma_semaphore, #tpu.memory_space<semaphore_mem>>)
    %scan3A = arith.constant 0 : i32
    %scan3A_194 = arith.constant 0 : i32
    %scan3A_195 = arith.constant 41 : i32
    %scan3A_196 = arith.addi %scan3A_194, %scan3A_195 : i32
    %scan3A_197 = arith.constant 1 : i32
    scf.for %scan3A_310 = %scan3A_194 to %scan3A_196 step %scan3A_197  : i32 {
      %mul3A_311 = arith.constant 3 : i32
      %mul3A_312 = arith.muli %mul3A_311, %scan3A_310 : i32
      %dma_wait3A_313 = arith.constant 0 : i32
      %dma_wait3A_314 = arith.constant 0 : i32
      %dma_wait3A_315 = tpu.memref_slice %arg3[%dma_wait3A_313, %dma_wait3A_314] : memref<10240x128xf32, #tpu.memory_space<hbm>> -> memref<10240x128xf32, #tpu.memory_space<hbm>>
      tpu.wait_indirect_dma semaphore(%arg17 : memref<!tpu.dma_semaphore, #tpu.memory_space<semaphore_mem>>) src(%dma_wait3A_315 : memref<10240x128xf32, #tpu.memory_space<hbm>>) dst(%arg13 : memref<80x128xf32, #tpu.memory_space<vmem>>)
      %add3A_316 = arith.constant 3 : i32
      %add3A_317 = arith.addi %mul3A_312, %add3A_316 : i32
      %sub3A = arith.constant 1 : i32
      %sub3A_318 = arith.subi %add3A_317, %sub3A : i32
      %add3A_319 = arith.constant 0 : i32
      %add3A_320 = arith.addi %sub3A_318, %add3A_319 : i32
      %get3A_321 = arith.index_cast %add3A_320 : i32 to index
      %get3A_322 = arith.constant 0 : index
      %get3A_323 = tpu.vector_load %arg6[%get3A_321, %get3A_322] {strides = array<i32>} : memref<126x80xi32, #tpu.memory_space<vmem>>, vector<1x16xi32>,
      %get3A_324 = vector.shape_cast %get3A_323 : vector<1x16xi32> to vector<16xi32>
      %and3A_325 = arith.constant 16383 : i32
      %and3A_326 = vector.broadcast %and3A_325 : i32 to vector<16xi32>
      %and3A_327 = arith.andi %get3A_324, %and3A_326 : vector<16xi32>
      %swap3A_328 = arith.constant 0 : index
      %swap3A_329 = tpu.vector_load %arg9[%swap3A_328] {strides = array<i32>} : memref<80xi32, #tpu.memory_space<vmem>>, vector<16xi32>,
      %swap3A_330 = vector.shape_cast %swap3A_329 : vector<16xi32> to vector<16xi32>
      %swap3A_331 = vector.shape_cast %and3A_327 : vector<16xi32> to vector<16xi32>
      tpu.vector_store %arg9[%swap3A_328], %swap3A_331 {strides = array<i32>} : memref<80xi32, #tpu.memory_space<vmem>>, vector<16xi32>,
      %shift_right_logical3A_332 = arith.constant 14 : i32
      %shift_right_logical3A_333 = vector.broadcast %shift_right_logical3A_332 : i32 to vector<16xi32>
      %shift_right_logical3A_334 = arith.shrui %get3A_324, %shift_right_logical3A_333 : vector<16xi32>
      %swap3A_335 = arith.constant 0 : index
      %swap3A_336 = tpu.vector_load %arg12[%swap3A_335] {strides = array<i32>} : memref<80xi32, #tpu.memory_space<vmem>>, vector<16xi32>,
      %swap3A_337 = vector.shape_cast %swap3A_336 : vector<16xi32> to vector<16xi32>
      %swap3A_338 = vector.shape_cast %shift_right_logical3A_334 : vector<16xi32> to vector<16xi32>
      tpu.vector_store %arg12[%swap3A_335], %swap3A_338 {strides = array<i32>} : memref<80xi32, #tpu.memory_space<vmem>>, vector<16xi32>,
      %get3A_339 = arith.index_cast %add3A_320 : i32 to index
      %get3A_340 = arith.constant 16 : index
      %get3A_341 = tpu.vector_load %arg6[%get3A_339, %get3A_340] {strides = array<i32>} : memref<126x80xi32, #tpu.memory_space<vmem>>, vector<1x16xi32>,
      %get3A_342 = vector.shape_cast %get3A_341 : vector<1x16xi32> to vector<16xi32>
      %and3A_343 = arith.constant 16383 : i32
      %and3A_344 = vector.broadcast %and3A_343 : i32 to vector<16xi32>
      %and3A_345 = arith.andi %get3A_342, %and3A_344 : vector<16xi32>
      %swap3A_346 = arith.constant 16 : index
      %swap3A_347 = tpu.vector_load %arg9[%swap3A_346] {strides = array<i32>} : memref<80xi32, #tpu.memory_space<vmem>>, vector<16xi32>,
      %swap3A_348 = vector.shape_cast %swap3A_347 : vector<16xi32> to vector<16xi32>
      %swap3A_349 = vector.shape_cast %and3A_345 : vector<16xi32> to vector<16xi32>
      tpu.vector_store %arg9[%swap3A_346], %swap3A_349 {strides = array<i32>} : memref<80xi32, #tpu.memory_space<vmem>>, vector<16xi32>,
      %shift_right_logical3A_350 = arith.constant 14 : i32
      %shift_right_logical3A_351 = vector.broadcast %shift_right_logical3A_350 : i32 to vector<16xi32>
      %shift_right_logical3A_352 = arith.shrui %get3A_342, %shift_right_logical3A_351 : vector<16xi32>
      %swap3A_353 = arith.constant 16 : index
      %swap3A_354 = tpu.vector_load %arg12[%swap3A_353] {strides = array<i32>} : memref<80xi32, #tpu.memory_space<vmem>>, vector<16xi32>,
      %swap3A_355 = vector.shape_cast %swap3A_354 : vector<16xi32> to vector<16xi32>
      %swap3A_356 = vector.shape_cast %shift_right_logical3A_352 : vector<16xi32> to vector<16xi32>
      tpu.vector_store %arg12[%swap3A_353], %swap3A_356 {strides = array<i32>} : memref<80xi32, #tpu.memory_space<vmem>>, vector<16xi32>,
      %get3A_357 = arith.index_cast %add3A_320 : i32 to index
      %get3A_358 = arith.constant 32 : index
      %get3A_359 = tpu.vector_load %arg6[%get3A_357, %get3A_358] {strides = array<i32>} : memref<126x80xi32, #tpu.memory_space<vmem>>, vector<1x16xi32>,
      %get3A_360 = vector.shape_cast %get3A_359 : vector<1x16xi32> to vector<16xi32>
      %and3A_361 = arith.constant 16383 : i32
      %and3A_362 = vector.broadcast %and3A_361 : i32 to vector<16xi32>
      %and3A_363 = arith.andi %get3A_360, %and3A_362 : vector<16xi32>
      %swap3A_364 = arith.constant 32 : index
      %swap3A_365 = tpu.vector_load %arg9[%swap3A_364] {strides = array<i32>} : memref<80xi32, #tpu.memory_space<vmem>>, vector<16xi32>,
      %swap3A_366 = vector.shape_cast %swap3A_365 : vector<16xi32> to vector<16xi32>
      %swap3A_367 = vector.shape_cast %and3A_363 : vector<16xi32> to vector<16xi32>
      tpu.vector_store %arg9[%swap3A_364], %swap3A_367 {strides = array<i32>} : memref<80xi32, #tpu.memory_space<vmem>>, vector<16xi32>,
      %shift_right_logical3A_368 = arith.constant 14 : i32
      %shift_right_logical3A_369 = vector.broadcast %shift_right_logical3A_368 : i32 to vector<16xi32>
      %shift_right_logical3A_370 = arith.shrui %get3A_360, %shift_right_logical3A_369 : vector<16xi32>
      %swap3A_371 = arith.constant 32 : index
      %swap3A_372 = tpu.vector_load %arg12[%swap3A_371] {strides = array<i32>} : memref<80xi32, #tpu.memory_space<vmem>>, vector<16xi32>,
      %swap3A_373 = vector.shape_cast %swap3A_372 : vector<16xi32> to vector<16xi32>
      %swap3A_374 = vector.shape_cast %shift_right_logical3A_370 : vector<16xi32> to vector<16xi32>
      tpu.vector_store %arg12[%swap3A_371], %swap3A_374 {strides = array<i32>} : memref<80xi32, #tpu.memory_space<vmem>>, vector<16xi32>,
      %get3A_375 = arith.index_cast %add3A_320 : i32 to index
      %get3A_376 = arith.constant 48 : index
      %get3A_377 = tpu.vector_load %arg6[%get3A_375, %get3A_376] {strides = array<i32>} : memref<126x80xi32, #tpu.memory_space<vmem>>, vector<1x16xi32>,
      %get3A_378 = vector.shape_cast %get3A_377 : vector<1x16xi32> to vector<16xi32>
      %and3A_379 = arith.constant 16383 : i32
      %and3A_380 = vector.broadcast %and3A_379 : i32 to vector<16xi32>
      %and3A_381 = arith.andi %get3A_378, %and3A_380 : vector<16xi32>
      %swap3A_382 = arith.constant 48 : index
      %swap3A_383 = tpu.vector_load %arg9[%swap3A_382] {strides = array<i32>} : memref<80xi32, #tpu.memory_space<vmem>>, vector<16xi32>,
      %swap3A_384 = vector.shape_cast %swap3A_383 : vector<16xi32> to vector<16xi32>
      %swap3A_385 = vector.shape_cast %and3A_381 : vector<16xi32> to vector<16xi32>
      tpu.vector_store %arg9[%swap3A_382], %swap3A_385 {strides = array<i32>} : memref<80xi32, #tpu.memory_space<vmem>>, vector<16xi32>,
      %shift_right_logical3A_386 = arith.constant 14 : i32
      %shift_right_logical3A_387 = vector.broadcast %shift_right_logical3A_386 : i32 to vector<16xi32>
      %shift_right_logical3A_388 = arith.shrui %get3A_378, %shift_right_logical3A_387 : vector<16xi32>
      %swap3A_389 = arith.constant 48 : index
      %swap3A_390 = tpu.vector_load %arg12[%swap3A_389] {strides = array<i32>} : memref<80xi32, #tpu.memory_space<vmem>>, vector<16xi32>,
      %swap3A_391 = vector.shape_cast %swap3A_390 : vector<16xi32> to vector<16xi32>
      %swap3A_392 = vector.shape_cast %shift_right_logical3A_388 : vector<16xi32> to vector<16xi32>
      tpu.vector_store %arg12[%swap3A_389], %swap3A_392 {strides = array<i32>} : memref<80xi32, #tpu.memory_space<vmem>>, vector<16xi32>,
      %get3A_393 = arith.index_cast %add3A_320 : i32 to index
      %get3A_394 = arith.constant 64 : index
      %get3A_395 = tpu.vector_load %arg6[%get3A_393, %get3A_394] {strides = array<i32>} : memref<126x80xi32, #tpu.memory_space<vmem>>, vector<1x16xi32>,
      %get3A_396 = vector.shape_cast %get3A_395 : vector<1x16xi32> to vector<16xi32>
      %and3A_397 = arith.constant 16383 : i32
      %and3A_398 = vector.broadcast %and3A_397 : i32 to vector<16xi32>
      %and3A_399 = arith.andi %get3A_396, %and3A_398 : vector<16xi32>
      %swap3A_400 = arith.constant 64 : index
      %swap3A_401 = tpu.vector_load %arg9[%swap3A_400] {strides = array<i32>} : memref<80xi32, #tpu.memory_space<vmem>>, vector<16xi32>,
      %swap3A_402 = vector.shape_cast %swap3A_401 : vector<16xi32> to vector<16xi32>
      %swap3A_403 = vector.shape_cast %and3A_399 : vector<16xi32> to vector<16xi32>
      tpu.vector_store %arg9[%swap3A_400], %swap3A_403 {strides = array<i32>} : memref<80xi32, #tpu.memory_space<vmem>>, vector<16xi32>,
      %shift_right_logical3A_404 = arith.constant 14 : i32
      %shift_right_logical3A_405 = vector.broadcast %shift_right_logical3A_404 : i32 to vector<16xi32>
      %shift_right_logical3A_406 = arith.shrui %get3A_396, %shift_right_logical3A_405 : vector<16xi32>
      %swap3A_407 = arith.constant 64 : index
      %swap3A_408 = tpu.vector_load %arg12[%swap3A_407] {strides = array<i32>} : memref<80xi32, #tpu.memory_space<vmem>>, vector<16xi32>,
      %swap3A_409 = vector.shape_cast %swap3A_408 : vector<16xi32> to vector<16xi32>
      %swap3A_410 = vector.shape_cast %shift_right_logical3A_406 : vector<16xi32> to vector<16xi32>
      tpu.vector_store %arg12[%swap3A_407], %swap3A_410 {strides = array<i32>} : memref<80xi32, #tpu.memory_space<vmem>>, vector<16xi32>,
      %dma_start3A_411 = arith.constant 0 : i32
      %dma_start3A_412 = arith.constant 0 : i32
      %dma_start3A_413 = tpu.memref_slice %arg3[%dma_start3A_411, %dma_start3A_412] : memref<10240x128xf32, #tpu.memory_space<hbm>> -> memref<10240x128xf32, #tpu.memory_space<hbm>>
      tpu.enqueue_indirect_dma source(%dma_start3A_413 : memref<10240x128xf32, #tpu.memory_space<hbm>>) target(%arg15 : memref<80x128xf32, #tpu.memory_space<vmem>>) offsets(%arg9 : memref<80xi32, #tpu.memory_space<vmem>>) semaphore(%arg19 : memref<!tpu.dma_semaphore, #tpu.memory_space<semaphore_mem>>)
      "tpu.region"() ({
        %run_scoped3A = tpu.sem_alloc : memref<!tpu.dma_semaphore, #tpu.memory_space<semaphore_mem>>
        %dma_start3A_618 = arith.constant 0 : i32
        %dma_start3A_619 = arith.constant 0 : i32
        %dma_start3A_620 = tpu.memref_slice %arg16[%dma_start3A_618, %dma_start3A_619] : memref<10240x128xf32, #tpu.memory_space<vmem_shared>> -> memref<10240x128xf32, #tpu.memory_space<vmem_shared>>
        tpu.enqueue_indirect_dma source(%arg13 : memref<80x128xf32, #tpu.memory_space<vmem>>) target(%dma_start3A_620 : memref<10240x128xf32, #tpu.memory_space<vmem_shared>>) offsets(%arg10 : memref<80xi32, #tpu.memory_space<vmem>>) semaphore(%run_scoped3A : memref<!tpu.dma_semaphore, #tpu.memory_space<semaphore_mem>>) {add = true}
        %dma_wait3A_621 = arith.constant 0 : i32
        %dma_wait3A_622 = arith.constant 0 : i32
        %dma_wait3A_623 = tpu.memref_slice %arg16[%dma_wait3A_621, %dma_wait3A_622] : memref<10240x128xf32, #tpu.memory_space<vmem_shared>> -> memref<10240x128xf32, #tpu.memory_space<vmem_shared>>
        tpu.wait_indirect_dma semaphore(%run_scoped3A : memref<!tpu.dma_semaphore, #tpu.memory_space<semaphore_mem>>) src(%arg13 : memref<80x128xf32, #tpu.memory_space<vmem>>) dst(%dma_wait3A_623 : memref<10240x128xf32, #tpu.memory_space<vmem_shared>>)
        tpu.yield
      }) : () -> ()
      %dma_wait3A_414 = arith.constant 0 : i32
      %dma_wait3A_415 = arith.constant 0 : i32
      %dma_wait3A_416 = tpu.memref_slice %arg3[%dma_wait3A_414, %dma_wait3A_415] : memref<10240x128xf32, #tpu.memory_space<hbm>> -> memref<10240x128xf32, #tpu.memory_space<hbm>>
      tpu.wait_indirect_dma semaphore(%arg18 : memref<!tpu.dma_semaphore, #tpu.memory_space<semaphore_mem>>) src(%dma_wait3A_416 : memref<10240x128xf32, #tpu.memory_space<hbm>>) dst(%arg14 : memref<80x128xf32, #tpu.memory_space<vmem>>)
      %add3A_417 = arith.constant 3 : i32
      %add3A_418 = arith.addi %mul3A_312, %add3A_417 : i32
      %sub3A_419 = arith.constant 1 : i32
      %sub3A_420 = arith.subi %add3A_418, %sub3A_419 : i32
      %add3A_421 = arith.constant 1 : i32
      %add3A_422 = arith.addi %sub3A_420, %add3A_421 : i32
      %get3A_423 = arith.index_cast %add3A_422 : i32 to index
      %get3A_424 = arith.constant 0 : index
      %get3A_425 = tpu.vector_load %arg6[%get3A_423, %get3A_424] {strides = array<i32>} : memref<126x80xi32, #tpu.memory_space<vmem>>, vector<1x16xi32>,
      %get3A_426 = vector.shape_cast %get3A_425 : vector<1x16xi32> to vector<16xi32>
      %and3A_427 = arith.constant 16383 : i32
      %and3A_428 = vector.broadcast %and3A_427 : i32 to vector<16xi32>
      %and3A_429 = arith.andi %get3A_426, %and3A_428 : vector<16xi32>
      %swap3A_430 = arith.constant 0 : index
      %swap3A_431 = tpu.vector_load %arg7[%swap3A_430] {strides = array<i32>} : memref<80xi32, #tpu.memory_space<vmem>>, vector<16xi32>,
      %swap3A_432 = vector.shape_cast %swap3A_431 : vector<16xi32> to vector<16xi32>
      %swap3A_433 = vector.shape_cast %and3A_429 : vector<16xi32> to vector<16xi32>
      tpu.vector_store %arg7[%swap3A_430], %swap3A_433 {strides = array<i32>} : memref<80xi32, #tpu.memory_space<vmem>>, vector<16xi32>,
      %shift_right_logical3A_434 = arith.constant 14 : i32
      %shift_right_logical3A_435 = vector.broadcast %shift_right_logical3A_434 : i32 to vector<16xi32>
      %shift_right_logical3A_436 = arith.shrui %get3A_426, %shift_right_logical3A_435 : vector<16xi32>
      %swap3A_437 = arith.constant 0 : index
      %swap3A_438 = tpu.vector_load %arg10[%swap3A_437] {strides = array<i32>} : memref<80xi32, #tpu.memory_space<vmem>>, vector<16xi32>,
      %swap3A_439 = vector.shape_cast %swap3A_438 : vector<16xi32> to vector<16xi32>
      %swap3A_440 = vector.shape_cast %shift_right_logical3A_436 : vector<16xi32> to vector<16xi32>
      tpu.vector_store %arg10[%swap3A_437], %swap3A_440 {strides = array<i32>} : memref<80xi32, #tpu.memory_space<vmem>>, vector<16xi32>,
      %get3A_441 = arith.index_cast %add3A_422 : i32 to index
      %get3A_442 = arith.constant 16 : index
      %get3A_443 = tpu.vector_load %arg6[%get3A_441, %get3A_442] {strides = array<i32>} : memref<126x80xi32, #tpu.memory_space<vmem>>, vector<1x16xi32>,
      %get3A_444 = vector.shape_cast %get3A_443 : vector<1x16xi32> to vector<16xi32>
      %and3A_445 = arith.constant 16383 : i32
      %and3A_446 = vector.broadcast %and3A_445 : i32 to vector<16xi32>
      %and3A_447 = arith.andi %get3A_444, %and3A_446 : vector<16xi32>
      %swap3A_448 = arith.constant 16 : index
      %swap3A_449 = tpu.vector_load %arg7[%swap3A_448] {strides = array<i32>} : memref<80xi32, #tpu.memory_space<vmem>>, vector<16xi32>,
      %swap3A_450 = vector.shape_cast %swap3A_449 : vector<16xi32> to vector<16xi32>
      %swap3A_451 = vector.shape_cast %and3A_447 : vector<16xi32> to vector<16xi32>
      tpu.vector_store %arg7[%swap3A_448], %swap3A_451 {strides = array<i32>} : memref<80xi32, #tpu.memory_space<vmem>>, vector<16xi32>,
      %shift_right_logical3A_452 = arith.constant 14 : i32
      %shift_right_logical3A_453 = vector.broadcast %shift_right_logical3A_452 : i32 to vector<16xi32>
      %shift_right_logical3A_454 = arith.shrui %get3A_444, %shift_right_logical3A_453 : vector<16xi32>
      %swap3A_455 = arith.constant 16 : index
      %swap3A_456 = tpu.vector_load %arg10[%swap3A_455] {strides = array<i32>} : memref<80xi32, #tpu.memory_space<vmem>>, vector<16xi32>,
      %swap3A_457 = vector.shape_cast %swap3A_456 : vector<16xi32> to vector<16xi32>
      %swap3A_458 = vector.shape_cast %shift_right_logical3A_454 : vector<16xi32> to vector<16xi32>
      tpu.vector_store %arg10[%swap3A_455], %swap3A_458 {strides = array<i32>} : memref<80xi32, #tpu.memory_space<vmem>>, vector<16xi32>,
      %get3A_459 = arith.index_cast %add3A_422 : i32 to index
      %get3A_460 = arith.constant 32 : index
      %get3A_461 = tpu.vector_load %arg6[%get3A_459, %get3A_460] {strides = array<i32>} : memref<126x80xi32, #tpu.memory_space<vmem>>, vector<1x16xi32>,
      %get3A_462 = vector.shape_cast %get3A_461 : vector<1x16xi32> to vector<16xi32>
      %and3A_463 = arith.constant 16383 : i32
      %and3A_464 = vector.broadcast %and3A_463 : i32 to vector<16xi32>
      %and3A_465 = arith.andi %get3A_462, %and3A_464 : vector<16xi32>
      %swap3A_466 = arith.constant 32 : index
      %swap3A_467 = tpu.vector_load %arg7[%swap3A_466] {strides = array<i32>} : memref<80xi32, #tpu.memory_space<vmem>>, vector<16xi32>,
      %swap3A_468 = vector.shape_cast %swap3A_467 : vector<16xi32> to vector<16xi32>
      %swap3A_469 = vector.shape_cast %and3A_465 : vector<16xi32> to vector<16xi32>
      tpu.vector_store %arg7[%swap3A_466], %swap3A_469 {strides = array<i32>} : memref<80xi32, #tpu.memory_space<vmem>>, vector<16xi32>,
      %shift_right_logical3A_470 = arith.constant 14 : i32
      %shift_right_logical3A_471 = vector.broadcast %shift_right_logical3A_470 : i32 to vector<16xi32>
      %shift_right_logical3A_472 = arith.shrui %get3A_462, %shift_right_logical3A_471 : vector<16xi32>
      %swap3A_473 = arith.constant 32 : index
      %swap3A_474 = tpu.vector_load %arg10[%swap3A_473] {strides = array<i32>} : memref<80xi32, #tpu.memory_space<vmem>>, vector<16xi32>,
      %swap3A_475 = vector.shape_cast %swap3A_474 : vector<16xi32> to vector<16xi32>
      %swap3A_476 = vector.shape_cast %shift_right_logical3A_472 : vector<16xi32> to vector<16xi32>
      tpu.vector_store %arg10[%swap3A_473], %swap3A_476 {strides = array<i32>} : memref<80xi32, #tpu.memory_space<vmem>>, vector<16xi32>,
      %get3A_477 = arith.index_cast %add3A_422 : i32 to index
      %get3A_478 = arith.constant 48 : index
      %get3A_479 = tpu.vector_load %arg6[%get3A_477, %get3A_478] {strides = array<i32>} : memref<126x80xi32, #tpu.memory_space<vmem>>, vector<1x16xi32>,
      %get3A_480 = vector.shape_cast %get3A_479 : vector<1x16xi32> to vector<16xi32>
      %and3A_481 = arith.constant 16383 : i32
      %and3A_482 = vector.broadcast %and3A_481 : i32 to vector<16xi32>
      %and3A_483 = arith.andi %get3A_480, %and3A_482 : vector<16xi32>
      %swap3A_484 = arith.constant 48 : index
      %swap3A_485 = tpu.vector_load %arg7[%swap3A_484] {strides = array<i32>} : memref<80xi32, #tpu.memory_space<vmem>>, vector<16xi32>,
      %swap3A_486 = vector.shape_cast %swap3A_485 : vector<16xi32> to vector<16xi32>
      %swap3A_487 = vector.shape_cast %and3A_483 : vector<16xi32> to vector<16xi32>
      tpu.vector_store %arg7[%swap3A_484], %swap3A_487 {strides = array<i32>} : memref<80xi32, #tpu.memory_space<vmem>>, vector<16xi32>,
      %shift_right_logical3A_488 = arith.constant 14 : i32
      %shift_right_logical3A_489 = vector.broadcast %shift_right_logical3A_488 : i32 to vector<16xi32>
      %shift_right_logical3A_490 = arith.shrui %get3A_480, %shift_right_logical3A_489 : vector<16xi32>
      %swap3A_491 = arith.constant 48 : index
      %swap3A_492 = tpu.vector_load %arg10[%swap3A_491] {strides = array<i32>} : memref<80xi32, #tpu.memory_space<vmem>>, vector<16xi32>,
      %swap3A_493 = vector.shape_cast %swap3A_492 : vector<16xi32> to vector<16xi32>
      %swap3A_494 = vector.shape_cast %shift_right_logical3A_490 : vector<16xi32> to vector<16xi32>
      tpu.vector_store %arg10[%swap3A_491], %swap3A_494 {strides = array<i32>} : memref<80xi32, #tpu.memory_space<vmem>>, vector<16xi32>,
      %get3A_495 = arith.index_cast %add3A_422 : i32 to index
      %get3A_496 = arith.constant 64 : index
      %get3A_497 = tpu.vector_load %arg6[%get3A_495, %get3A_496] {strides = array<i32>} : memref<126x80xi32, #tpu.memory_space<vmem>>, vector<1x16xi32>,
      %get3A_498 = vector.shape_cast %get3A_497 : vector<1x16xi32> to vector<16xi32>
      %and3A_499 = arith.constant 16383 : i32
      %and3A_500 = vector.broadcast %and3A_499 : i32 to vector<16xi32>
      %and3A_501 = arith.andi %get3A_498, %and3A_500 : vector<16xi32>
      %swap3A_502 = arith.constant 64 : index
      %swap3A_503 = tpu.vector_load %arg7[%swap3A_502] {strides = array<i32>} : memref<80xi32, #tpu.memory_space<vmem>>, vector<16xi32>,
      %swap3A_504 = vector.shape_cast %swap3A_503 : vector<16xi32> to vector<16xi32>
      %swap3A_505 = vector.shape_cast %and3A_501 : vector<16xi32> to vector<16xi32>
      tpu.vector_store %arg7[%swap3A_502], %swap3A_505 {strides = array<i32>} : memref<80xi32, #tpu.memory_space<vmem>>, vector<16xi32>,
      %shift_right_logical3A_506 = arith.constant 14 : i32
      %shift_right_logical3A_507 = vector.broadcast %shift_right_logical3A_506 : i32 to vector<16xi32>
      %shift_right_logical3A_508 = arith.shrui %get3A_498, %shift_right_logical3A_507 : vector<16xi32>
      %swap3A_509 = arith.constant 64 : index
      %swap3A_510 = tpu.vector_load %arg10[%swap3A_509] {strides = array<i32>} : memref<80xi32, #tpu.memory_space<vmem>>, vector<16xi32>,
      %swap3A_511 = vector.shape_cast %swap3A_510 : vector<16xi32> to vector<16xi32>
      %swap3A_512 = vector.shape_cast %shift_right_logical3A_508 : vector<16xi32> to vector<16xi32>
      tpu.vector_store %arg10[%swap3A_509], %swap3A_512 {strides = array<i32>} : memref<80xi32, #tpu.memory_space<vmem>>, vector<16xi32>,
      %dma_start3A_513 = arith.constant 0 : i32
      %dma_start3A_514 = arith.constant 0 : i32
      %dma_start3A_515 = tpu.memref_slice %arg3[%dma_start3A_513, %dma_start3A_514] : memref<10240x128xf32, #tpu.memory_space<hbm>> -> memref<10240x128xf32, #tpu.memory_space<hbm>>
      tpu.enqueue_indirect_dma source(%dma_start3A_515 : memref<10240x128xf32, #tpu.memory_space<hbm>>) target(%arg13 : memref<80x128xf32, #tpu.memory_space<vmem>>) offsets(%arg7 : memref<80xi32, #tpu.memory_space<vmem>>) semaphore(%arg17 : memref<!tpu.dma_semaphore, #tpu.memory_space<semaphore_mem>>)
      "tpu.region"() ({
        %run_scoped3A = tpu.sem_alloc : memref<!tpu.dma_semaphore, #tpu.memory_space<semaphore_mem>>
        %dma_start3A_618 = arith.constant 0 : i32
        %dma_start3A_619 = arith.constant 0 : i32
        %dma_start3A_620 = tpu.memref_slice %arg16[%dma_start3A_618, %dma_start3A_619] : memref<10240x128xf32, #tpu.memory_space<vmem_shared>> -> memref<10240x128xf32, #tpu.memory_space<vmem_shared>>
        tpu.enqueue_indirect_dma source(%arg14 : memref<80x128xf32, #tpu.memory_space<vmem>>) target(%dma_start3A_620 : memref<10240x128xf32, #tpu.memory_space<vmem_shared>>) offsets(%arg11 : memref<80xi32, #tpu.memory_space<vmem>>) semaphore(%run_scoped3A : memref<!tpu.dma_semaphore, #tpu.memory_space<semaphore_mem>>) {add = true}
        %dma_wait3A_621 = arith.constant 0 : i32
        %dma_wait3A_622 = arith.constant 0 : i32
        %dma_wait3A_623 = tpu.memref_slice %arg16[%dma_wait3A_621, %dma_wait3A_622] : memref<10240x128xf32, #tpu.memory_space<vmem_shared>> -> memref<10240x128xf32, #tpu.memory_space<vmem_shared>>
        tpu.wait_indirect_dma semaphore(%run_scoped3A : memref<!tpu.dma_semaphore, #tpu.memory_space<semaphore_mem>>) src(%arg14 : memref<80x128xf32, #tpu.memory_space<vmem>>) dst(%dma_wait3A_623 : memref<10240x128xf32, #tpu.memory_space<vmem_shared>>)
        tpu.yield
      }) : () -> ()
      %dma_wait3A_516 = arith.constant 0 : i32
      %dma_wait3A_517 = arith.constant 0 : i32
      %dma_wait3A_518 = tpu.memref_slice %arg3[%dma_wait3A_516, %dma_wait3A_517] : memref<10240x128xf32, #tpu.memory_space<hbm>> -> memref<10240x128xf32, #tpu.memory_space<hbm>>
      tpu.wait_indirect_dma semaphore(%arg19 : memref<!tpu.dma_semaphore, #tpu.memory_space<semaphore_mem>>) src(%dma_wait3A_518 : memref<10240x128xf32, #tpu.memory_space<hbm>>) dst(%arg15 : memref<80x128xf32, #tpu.memory_space<vmem>>)
      %add3A_519 = arith.constant 3 : i32
      %add3A_520 = arith.addi %mul3A_312, %add3A_519 : i32
      %sub3A_521 = arith.constant 1 : i32
      %sub3A_522 = arith.subi %add3A_520, %sub3A_521 : i32
      %add3A_523 = arith.constant 2 : i32
      %add3A_524 = arith.addi %sub3A_522, %add3A_523 : i32
      %get3A_525 = arith.index_cast %add3A_524 : i32 to index
      %get3A_526 = arith.constant 0 : index
      %get3A_527 = tpu.vector_load %arg6[%get3A_525, %get3A_526] {strides = array<i32>} : memref<126x80xi32, #tpu.memory_space<vmem>>, vector<1x16xi32>,
      %get3A_528 = vector.shape_cast %get3A_527 : vector<1x16xi32> to vector<16xi32>
      %and3A_529 = arith.constant 16383 : i32
      %and3A_530 = vector.broadcast %and3A_529 : i32 to vector<16xi32>
      %and3A_531 = arith.andi %get3A_528, %and3A_530 : vector<16xi32>
      %swap3A_532 = arith.constant 0 : index
      %swap3A_533 = tpu.vector_load %arg8[%swap3A_532] {strides = array<i32>} : memref<80xi32, #tpu.memory_space<vmem>>, vector<16xi32>,
      %swap3A_534 = vector.shape_cast %swap3A_533 : vector<16xi32> to vector<16xi32>
      %swap3A_535 = vector.shape_cast %and3A_531 : vector<16xi32> to vector<16xi32>
      tpu.vector_store %arg8[%swap3A_532], %swap3A_535 {strides = array<i32>} : memref<80xi32, #tpu.memory_space<vmem>>, vector<16xi32>,
      %shift_right_logical3A_536 = arith.constant 14 : i32
      %shift_right_logical3A_537 = vector.broadcast %shift_right_logical3A_536 : i32 to vector<16xi32>
      %shift_right_logical3A_538 = arith.shrui %get3A_528, %shift_right_logical3A_537 : vector<16xi32>
      %swap3A_539 = arith.constant 0 : index
      %swap3A_540 = tpu.vector_load %arg11[%swap3A_539] {strides = array<i32>} : memref<80xi32, #tpu.memory_space<vmem>>, vector<16xi32>,
      %swap3A_541 = vector.shape_cast %swap3A_540 : vector<16xi32> to vector<16xi32>
      %swap3A_542 = vector.shape_cast %shift_right_logical3A_538 : vector<16xi32> to vector<16xi32>
      tpu.vector_store %arg11[%swap3A_539], %swap3A_542 {strides = array<i32>} : memref<80xi32, #tpu.memory_space<vmem>>, vector<16xi32>,
      %get3A_543 = arith.index_cast %add3A_524 : i32 to index
      %get3A_544 = arith.constant 16 : index
      %get3A_545 = tpu.vector_load %arg6[%get3A_543, %get3A_544] {strides = array<i32>} : memref<126x80xi32, #tpu.memory_space<vmem>>, vector<1x16xi32>,
      %get3A_546 = vector.shape_cast %get3A_545 : vector<1x16xi32> to vector<16xi32>
      %and3A_547 = arith.constant 16383 : i32
      %and3A_548 = vector.broadcast %and3A_547 : i32 to vector<16xi32>
      %and3A_549 = arith.andi %get3A_546, %and3A_548 : vector<16xi32>
      %swap3A_550 = arith.constant 16 : index
      %swap3A_551 = tpu.vector_load %arg8[%swap3A_550] {strides = array<i32>} : memref<80xi32, #tpu.memory_space<vmem>>, vector<16xi32>,
      %swap3A_552 = vector.shape_cast %swap3A_551 : vector<16xi32> to vector<16xi32>
      %swap3A_553 = vector.shape_cast %and3A_549 : vector<16xi32> to vector<16xi32>
      tpu.vector_store %arg8[%swap3A_550], %swap3A_553 {strides = array<i32>} : memref<80xi32, #tpu.memory_space<vmem>>, vector<16xi32>,
      %shift_right_logical3A_554 = arith.constant 14 : i32
      %shift_right_logical3A_555 = vector.broadcast %shift_right_logical3A_554 : i32 to vector<16xi32>
      %shift_right_logical3A_556 = arith.shrui %get3A_546, %shift_right_logical3A_555 : vector<16xi32>
      %swap3A_557 = arith.constant 16 : index
      %swap3A_558 = tpu.vector_load %arg11[%swap3A_557] {strides = array<i32>} : memref<80xi32, #tpu.memory_space<vmem>>, vector<16xi32>,
      %swap3A_559 = vector.shape_cast %swap3A_558 : vector<16xi32> to vector<16xi32>
      %swap3A_560 = vector.shape_cast %shift_right_logical3A_556 : vector<16xi32> to vector<16xi32>
      tpu.vector_store %arg11[%swap3A_557], %swap3A_560 {strides = array<i32>} : memref<80xi32, #tpu.memory_space<vmem>>, vector<16xi32>,
      %get3A_561 = arith.index_cast %add3A_524 : i32 to index
      %get3A_562 = arith.constant 32 : index
      %get3A_563 = tpu.vector_load %arg6[%get3A_561, %get3A_562] {strides = array<i32>} : memref<126x80xi32, #tpu.memory_space<vmem>>, vector<1x16xi32>,
      %get3A_564 = vector.shape_cast %get3A_563 : vector<1x16xi32> to vector<16xi32>
      %and3A_565 = arith.constant 16383 : i32
      %and3A_566 = vector.broadcast %and3A_565 : i32 to vector<16xi32>
      %and3A_567 = arith.andi %get3A_564, %and3A_566 : vector<16xi32>
      %swap3A_568 = arith.constant 32 : index
      %swap3A_569 = tpu.vector_load %arg8[%swap3A_568] {strides = array<i32>} : memref<80xi32, #tpu.memory_space<vmem>>, vector<16xi32>,
      %swap3A_570 = vector.shape_cast %swap3A_569 : vector<16xi32> to vector<16xi32>
      %swap3A_571 = vector.shape_cast %and3A_567 : vector<16xi32> to vector<16xi32>
      tpu.vector_store %arg8[%swap3A_568], %swap3A_571 {strides = array<i32>} : memref<80xi32, #tpu.memory_space<vmem>>, vector<16xi32>,
      %shift_right_logical3A_572 = arith.constant 14 : i32
      %shift_right_logical3A_573 = vector.broadcast %shift_right_logical3A_572 : i32 to vector<16xi32>
      %shift_right_logical3A_574 = arith.shrui %get3A_564, %shift_right_logical3A_573 : vector<16xi32>
      %swap3A_575 = arith.constant 32 : index
      %swap3A_576 = tpu.vector_load %arg11[%swap3A_575] {strides = array<i32>} : memref<80xi32, #tpu.memory_space<vmem>>, vector<16xi32>,
      %swap3A_577 = vector.shape_cast %swap3A_576 : vector<16xi32> to vector<16xi32>
      %swap3A_578 = vector.shape_cast %shift_right_logical3A_574 : vector<16xi32> to vector<16xi32>
      tpu.vector_store %arg11[%swap3A_575], %swap3A_578 {strides = array<i32>} : memref<80xi32, #tpu.memory_space<vmem>>, vector<16xi32>,
      %get3A_579 = arith.index_cast %add3A_524 : i32 to index
      %get3A_580 = arith.constant 48 : index
      %get3A_581 = tpu.vector_load %arg6[%get3A_579, %get3A_580] {strides = array<i32>} : memref<126x80xi32, #tpu.memory_space<vmem>>, vector<1x16xi32>,
      %get3A_582 = vector.shape_cast %get3A_581 : vector<1x16xi32> to vector<16xi32>
      %and3A_583 = arith.constant 16383 : i32
      %and3A_584 = vector.broadcast %and3A_583 : i32 to vector<16xi32>
      %and3A_585 = arith.andi %get3A_582, %and3A_584 : vector<16xi32>
      %swap3A_586 = arith.constant 48 : index
      %swap3A_587 = tpu.vector_load %arg8[%swap3A_586] {strides = array<i32>} : memref<80xi32, #tpu.memory_space<vmem>>, vector<16xi32>,
      %swap3A_588 = vector.shape_cast %swap3A_587 : vector<16xi32> to vector<16xi32>
      %swap3A_589 = vector.shape_cast %and3A_585 : vector<16xi32> to vector<16xi32>
      tpu.vector_store %arg8[%swap3A_586], %swap3A_589 {strides = array<i32>} : memref<80xi32, #tpu.memory_space<vmem>>, vector<16xi32>,
      %shift_right_logical3A_590 = arith.constant 14 : i32
      %shift_right_logical3A_591 = vector.broadcast %shift_right_logical3A_590 : i32 to vector<16xi32>
      %shift_right_logical3A_592 = arith.shrui %get3A_582, %shift_right_logical3A_591 : vector<16xi32>
      %swap3A_593 = arith.constant 48 : index
      %swap3A_594 = tpu.vector_load %arg11[%swap3A_593] {strides = array<i32>} : memref<80xi32, #tpu.memory_space<vmem>>, vector<16xi32>,
      %swap3A_595 = vector.shape_cast %swap3A_594 : vector<16xi32> to vector<16xi32>
      %swap3A_596 = vector.shape_cast %shift_right_logical3A_592 : vector<16xi32> to vector<16xi32>
      tpu.vector_store %arg11[%swap3A_593], %swap3A_596 {strides = array<i32>} : memref<80xi32, #tpu.memory_space<vmem>>, vector<16xi32>,
      %get3A_597 = arith.index_cast %add3A_524 : i32 to index
      %get3A_598 = arith.constant 64 : index
      %get3A_599 = tpu.vector_load %arg6[%get3A_597, %get3A_598] {strides = array<i32>} : memref<126x80xi32, #tpu.memory_space<vmem>>, vector<1x16xi32>,
      %get3A_600 = vector.shape_cast %get3A_599 : vector<1x16xi32> to vector<16xi32>
      %and3A_601 = arith.constant 16383 : i32
      %and3A_602 = vector.broadcast %and3A_601 : i32 to vector<16xi32>
      %and3A_603 = arith.andi %get3A_600, %and3A_602 : vector<16xi32>
      %swap3A_604 = arith.constant 64 : index
      %swap3A_605 = tpu.vector_load %arg8[%swap3A_604] {strides = array<i32>} : memref<80xi32, #tpu.memory_space<vmem>>, vector<16xi32>,
      %swap3A_606 = vector.shape_cast %swap3A_605 : vector<16xi32> to vector<16xi32>
      %swap3A_607 = vector.shape_cast %and3A_603 : vector<16xi32> to vector<16xi32>
      tpu.vector_store %arg8[%swap3A_604], %swap3A_607 {strides = array<i32>} : memref<80xi32, #tpu.memory_space<vmem>>, vector<16xi32>,
      %shift_right_logical3A_608 = arith.constant 14 : i32
      %shift_right_logical3A_609 = vector.broadcast %shift_right_logical3A_608 : i32 to vector<16xi32>
      %shift_right_logical3A_610 = arith.shrui %get3A_600, %shift_right_logical3A_609 : vector<16xi32>
      %swap3A_611 = arith.constant 64 : index
      %swap3A_612 = tpu.vector_load %arg11[%swap3A_611] {strides = array<i32>} : memref<80xi32, #tpu.memory_space<vmem>>, vector<16xi32>,
      %swap3A_613 = vector.shape_cast %swap3A_612 : vector<16xi32> to vector<16xi32>
      %swap3A_614 = vector.shape_cast %shift_right_logical3A_610 : vector<16xi32> to vector<16xi32>
      tpu.vector_store %arg11[%swap3A_611], %swap3A_614 {strides = array<i32>} : memref<80xi32, #tpu.memory_space<vmem>>, vector<16xi32>,
      %dma_start3A_615 = arith.constant 0 : i32
      %dma_start3A_616 = arith.constant 0 : i32
      %dma_start3A_617 = tpu.memref_slice %arg3[%dma_start3A_615, %dma_start3A_616] : memref<10240x128xf32, #tpu.memory_space<hbm>> -> memref<10240x128xf32, #tpu.memory_space<hbm>>
      tpu.enqueue_indirect_dma source(%dma_start3A_617 : memref<10240x128xf32, #tpu.memory_space<hbm>>) target(%arg14 : memref<80x128xf32, #tpu.memory_space<vmem>>) offsets(%arg8 : memref<80xi32, #tpu.memory_space<vmem>>) semaphore(%arg18 : memref<!tpu.dma_semaphore, #tpu.memory_space<semaphore_mem>>)
      "tpu.region"() ({
        %run_scoped3A = tpu.sem_alloc : memref<!tpu.dma_semaphore, #tpu.memory_space<semaphore_mem>>
        %dma_start3A_618 = arith.constant 0 : i32
        %dma_start3A_619 = arith.constant 0 : i32
        %dma_start3A_620 = tpu.memref_slice %arg16[%dma_start3A_618, %dma_start3A_619] : memref<10240x128xf32, #tpu.memory_space<vmem_shared>> -> memref<10240x128xf32, #tpu.memory_space<vmem_shared>>
        tpu.enqueue_indirect_dma source(%arg15 : memref<80x128xf32, #tpu.memory_space<vmem>>) target(%dma_start3A_620 : memref<10240x128xf32, #tpu.memory_space<vmem_shared>>) offsets(%arg12 : memref<80xi32, #tpu.memory_space<vmem>>) semaphore(%run_scoped3A : memref<!tpu.dma_semaphore, #tpu.memory_space<semaphore_mem>>) {add = true}
        %dma_wait3A_621 = arith.constant 0 : i32
        %dma_wait3A_622 = arith.constant 0 : i32
        %dma_wait3A_623 = tpu.memref_slice %arg16[%dma_wait3A_621, %dma_wait3A_622] : memref<10240x128xf32, #tpu.memory_space<vmem_shared>> -> memref<10240x128xf32, #tpu.memory_space<vmem_shared>>
        tpu.wait_indirect_dma semaphore(%run_scoped3A : memref<!tpu.dma_semaphore, #tpu.memory_space<semaphore_mem>>) src(%arg15 : memref<80x128xf32, #tpu.memory_space<vmem>>) dst(%dma_wait3A_623 : memref<10240x128xf32, #tpu.memory_space<vmem_shared>>)
        tpu.yield
      }) : () -> ()
    }
    %scan3A_198 = arith.constant 41 : i32
    %dma_wait3A = arith.constant 0 : i32
    %dma_wait3A_199 = arith.constant 0 : i32
    %dma_wait3A_200 = tpu.memref_slice %arg3[%dma_wait3A, %dma_wait3A_199] : memref<10240x128xf32, #tpu.memory_space<hbm>> -> memref<10240x128xf32, #tpu.memory_space<hbm>>
    tpu.wait_indirect_dma semaphore(%arg17 : memref<!tpu.dma_semaphore, #tpu.memory_space<semaphore_mem>>) src(%dma_wait3A_200 : memref<10240x128xf32, #tpu.memory_space<hbm>>) dst(%arg13 : memref<80x128xf32, #tpu.memory_space<vmem>>)
    %get3A_201 = arith.constant 125 : i32
    %get3A_202 = arith.index_cast %get3A_201 : i32 to index
    %get3A_203 = arith.constant 0 : index
    %get3A_204 = tpu.vector_load %arg6[%get3A_202, %get3A_203] {strides = array<i32>} : memref<126x80xi32, #tpu.memory_space<vmem>>, vector<1x16xi32>,
    %get3A_205 = vector.shape_cast %get3A_204 : vector<1x16xi32> to vector<16xi32>
    %and3A_206 = arith.constant 16383 : i32
    %and3A_207 = vector.broadcast %and3A_206 : i32 to vector<16xi32>
    %and3A_208 = arith.andi %get3A_205, %and3A_207 : vector<16xi32>
    %swap3A_209 = arith.constant 0 : index
    %swap3A_210 = tpu.vector_load %arg9[%swap3A_209] {strides = array<i32>} : memref<80xi32, #tpu.memory_space<vmem>>, vector<16xi32>,
    %swap3A_211 = vector.shape_cast %swap3A_210 : vector<16xi32> to vector<16xi32>
    %swap3A_212 = vector.shape_cast %and3A_208 : vector<16xi32> to vector<16xi32>
    tpu.vector_store %arg9[%swap3A_209], %swap3A_212 {strides = array<i32>} : memref<80xi32, #tpu.memory_space<vmem>>, vector<16xi32>,
    %shift_right_logical3A_213 = arith.constant 14 : i32
    %shift_right_logical3A_214 = vector.broadcast %shift_right_logical3A_213 : i32 to vector<16xi32>
    %shift_right_logical3A_215 = arith.shrui %get3A_205, %shift_right_logical3A_214 : vector<16xi32>
    %swap3A_216 = arith.constant 0 : index
    %swap3A_217 = tpu.vector_load %arg12[%swap3A_216] {strides = array<i32>} : memref<80xi32, #tpu.memory_space<vmem>>, vector<16xi32>,
    %swap3A_218 = vector.shape_cast %swap3A_217 : vector<16xi32> to vector<16xi32>
    %swap3A_219 = vector.shape_cast %shift_right_logical3A_215 : vector<16xi32> to vector<16xi32>
    tpu.vector_store %arg12[%swap3A_216], %swap3A_219 {strides = array<i32>} : memref<80xi32, #tpu.memory_space<vmem>>, vector<16xi32>,
    %get3A_220 = arith.constant 125 : i32
    %get3A_221 = arith.index_cast %get3A_220 : i32 to index
    %get3A_222 = arith.constant 16 : index
    %get3A_223 = tpu.vector_load %arg6[%get3A_221, %get3A_222] {strides = array<i32>} : memref<126x80xi32, #tpu.memory_space<vmem>>, vector<1x16xi32>,
    %get3A_224 = vector.shape_cast %get3A_223 : vector<1x16xi32> to vector<16xi32>
    %and3A_225 = arith.constant 16383 : i32
    %and3A_226 = vector.broadcast %and3A_225 : i32 to vector<16xi32>
    %and3A_227 = arith.andi %get3A_224, %and3A_226 : vector<16xi32>
    %swap3A_228 = arith.constant 16 : index
    %swap3A_229 = tpu.vector_load %arg9[%swap3A_228] {strides = array<i32>} : memref<80xi32, #tpu.memory_space<vmem>>, vector<16xi32>,
    %swap3A_230 = vector.shape_cast %swap3A_229 : vector<16xi32> to vector<16xi32>
    %swap3A_231 = vector.shape_cast %and3A_227 : vector<16xi32> to vector<16xi32>
    tpu.vector_store %arg9[%swap3A_228], %swap3A_231 {strides = array<i32>} : memref<80xi32, #tpu.memory_space<vmem>>, vector<16xi32>,
    %shift_right_logical3A_232 = arith.constant 14 : i32
    %shift_right_logical3A_233 = vector.broadcast %shift_right_logical3A_232 : i32 to vector<16xi32>
    %shift_right_logical3A_234 = arith.shrui %get3A_224, %shift_right_logical3A_233 : vector<16xi32>
    %swap3A_235 = arith.constant 16 : index
    %swap3A_236 = tpu.vector_load %arg12[%swap3A_235] {strides = array<i32>} : memref<80xi32, #tpu.memory_space<vmem>>, vector<16xi32>,
    %swap3A_237 = vector.shape_cast %swap3A_236 : vector<16xi32> to vector<16xi32>
    %swap3A_238 = vector.shape_cast %shift_right_logical3A_234 : vector<16xi32> to vector<16xi32>
    tpu.vector_store %arg12[%swap3A_235], %swap3A_238 {strides = array<i32>} : memref<80xi32, #tpu.memory_space<vmem>>, vector<16xi32>,
    %get3A_239 = arith.constant 125 : i32
    %get3A_240 = arith.index_cast %get3A_239 : i32 to index
    %get3A_241 = arith.constant 32 : index
    %get3A_242 = tpu.vector_load %arg6[%get3A_240, %get3A_241] {strides = array<i32>} : memref<126x80xi32, #tpu.memory_space<vmem>>, vector<1x16xi32>,
    %get3A_243 = vector.shape_cast %get3A_242 : vector<1x16xi32> to vector<16xi32>
    %and3A_244 = arith.constant 16383 : i32
    %and3A_245 = vector.broadcast %and3A_244 : i32 to vector<16xi32>
    %and3A_246 = arith.andi %get3A_243, %and3A_245 : vector<16xi32>
    %swap3A_247 = arith.constant 32 : index
    %swap3A_248 = tpu.vector_load %arg9[%swap3A_247] {strides = array<i32>} : memref<80xi32, #tpu.memory_space<vmem>>, vector<16xi32>,
    %swap3A_249 = vector.shape_cast %swap3A_248 : vector<16xi32> to vector<16xi32>
    %swap3A_250 = vector.shape_cast %and3A_246 : vector<16xi32> to vector<16xi32>
    tpu.vector_store %arg9[%swap3A_247], %swap3A_250 {strides = array<i32>} : memref<80xi32, #tpu.memory_space<vmem>>, vector<16xi32>,
    %shift_right_logical3A_251 = arith.constant 14 : i32
    %shift_right_logical3A_252 = vector.broadcast %shift_right_logical3A_251 : i32 to vector<16xi32>
    %shift_right_logical3A_253 = arith.shrui %get3A_243, %shift_right_logical3A_252 : vector<16xi32>
    %swap3A_254 = arith.constant 32 : index
    %swap3A_255 = tpu.vector_load %arg12[%swap3A_254] {strides = array<i32>} : memref<80xi32, #tpu.memory_space<vmem>>, vector<16xi32>,
    %swap3A_256 = vector.shape_cast %swap3A_255 : vector<16xi32> to vector<16xi32>
    %swap3A_257 = vector.shape_cast %shift_right_logical3A_253 : vector<16xi32> to vector<16xi32>
    tpu.vector_store %arg12[%swap3A_254], %swap3A_257 {strides = array<i32>} : memref<80xi32, #tpu.memory_space<vmem>>, vector<16xi32>,
    %get3A_258 = arith.constant 125 : i32
    %get3A_259 = arith.index_cast %get3A_258 : i32 to index
    %get3A_260 = arith.constant 48 : index
    %get3A_261 = tpu.vector_load %arg6[%get3A_259, %get3A_260] {strides = array<i32>} : memref<126x80xi32, #tpu.memory_space<vmem>>, vector<1x16xi32>,
    %get3A_262 = vector.shape_cast %get3A_261 : vector<1x16xi32> to vector<16xi32>
    %and3A_263 = arith.constant 16383 : i32
    %and3A_264 = vector.broadcast %and3A_263 : i32 to vector<16xi32>
    %and3A_265 = arith.andi %get3A_262, %and3A_264 : vector<16xi32>
    %swap3A_266 = arith.constant 48 : index
    %swap3A_267 = tpu.vector_load %arg9[%swap3A_266] {strides = array<i32>} : memref<80xi32, #tpu.memory_space<vmem>>, vector<16xi32>,
    %swap3A_268 = vector.shape_cast %swap3A_267 : vector<16xi32> to vector<16xi32>
    %swap3A_269 = vector.shape_cast %and3A_265 : vector<16xi32> to vector<16xi32>
    tpu.vector_store %arg9[%swap3A_266], %swap3A_269 {strides = array<i32>} : memref<80xi32, #tpu.memory_space<vmem>>, vector<16xi32>,
    %shift_right_logical3A_270 = arith.constant 14 : i32
    %shift_right_logical3A_271 = vector.broadcast %shift_right_logical3A_270 : i32 to vector<16xi32>
    %shift_right_logical3A_272 = arith.shrui %get3A_262, %shift_right_logical3A_271 : vector<16xi32>
    %swap3A_273 = arith.constant 48 : index
    %swap3A_274 = tpu.vector_load %arg12[%swap3A_273] {strides = array<i32>} : memref<80xi32, #tpu.memory_space<vmem>>, vector<16xi32>,
    %swap3A_275 = vector.shape_cast %swap3A_274 : vector<16xi32> to vector<16xi32>
    %swap3A_276 = vector.shape_cast %shift_right_logical3A_272 : vector<16xi32> to vector<16xi32>
    tpu.vector_store %arg12[%swap3A_273], %swap3A_276 {strides = array<i32>} : memref<80xi32, #tpu.memory_space<vmem>>, vector<16xi32>,
    %get3A_277 = arith.constant 125 : i32
    %get3A_278 = arith.index_cast %get3A_277 : i32 to index
    %get3A_279 = arith.constant 64 : index
    %get3A_280 = tpu.vector_load %arg6[%get3A_278, %get3A_279] {strides = array<i32>} : memref<126x80xi32, #tpu.memory_space<vmem>>, vector<1x16xi32>,
    %get3A_281 = vector.shape_cast %get3A_280 : vector<1x16xi32> to vector<16xi32>
    %and3A_282 = arith.constant 16383 : i32
    %and3A_283 = vector.broadcast %and3A_282 : i32 to vector<16xi32>
    %and3A_284 = arith.andi %get3A_281, %and3A_283 : vector<16xi32>
    %swap3A_285 = arith.constant 64 : index
    %swap3A_286 = tpu.vector_load %arg9[%swap3A_285] {strides = array<i32>} : memref<80xi32, #tpu.memory_space<vmem>>, vector<16xi32>,
    %swap3A_287 = vector.shape_cast %swap3A_286 : vector<16xi32> to vector<16xi32>
    %swap3A_288 = vector.shape_cast %and3A_284 : vector<16xi32> to vector<16xi32>
    tpu.vector_store %arg9[%swap3A_285], %swap3A_288 {strides = array<i32>} : memref<80xi32, #tpu.memory_space<vmem>>, vector<16xi32>,
    %shift_right_logical3A_289 = arith.constant 14 : i32
    %shift_right_logical3A_290 = vector.broadcast %shift_right_logical3A_289 : i32 to vector<16xi32>
    %shift_right_logical3A_291 = arith.shrui %get3A_281, %shift_right_logical3A_290 : vector<16xi32>
    %swap3A_292 = arith.constant 64 : index
    %swap3A_293 = tpu.vector_load %arg12[%swap3A_292] {strides = array<i32>} : memref<80xi32, #tpu.memory_space<vmem>>, vector<16xi32>,
    %swap3A_294 = vector.shape_cast %swap3A_293 : vector<16xi32> to vector<16xi32>
    %swap3A_295 = vector.shape_cast %shift_right_logical3A_291 : vector<16xi32> to vector<16xi32>
    tpu.vector_store %arg12[%swap3A_292], %swap3A_295 {strides = array<i32>} : memref<80xi32, #tpu.memory_space<vmem>>, vector<16xi32>,
    %dma_start3A_296 = arith.constant 0 : i32
    %dma_start3A_297 = arith.constant 0 : i32
    %dma_start3A_298 = tpu.memref_slice %arg3[%dma_start3A_296, %dma_start3A_297] : memref<10240x128xf32, #tpu.memory_space<hbm>> -> memref<10240x128xf32, #tpu.memory_space<hbm>>
    tpu.enqueue_indirect_dma source(%dma_start3A_298 : memref<10240x128xf32, #tpu.memory_space<hbm>>) target(%arg15 : memref<80x128xf32, #tpu.memory_space<vmem>>) offsets(%arg9 : memref<80xi32, #tpu.memory_space<vmem>>) semaphore(%arg19 : memref<!tpu.dma_semaphore, #tpu.memory_space<semaphore_mem>>)
    "tpu.region"() ({
      %run_scoped3A = tpu.sem_alloc : memref<!tpu.dma_semaphore, #tpu.memory_space<semaphore_mem>>
      %dma_start3A_310 = arith.constant 0 : i32
      %dma_start3A_311 = arith.constant 0 : i32
      %dma_start3A_312 = tpu.memref_slice %arg16[%dma_start3A_310, %dma_start3A_311] : memref<10240x128xf32, #tpu.memory_space<vmem_shared>> -> memref<10240x128xf32, #tpu.memory_space<vmem_shared>>
      tpu.enqueue_indirect_dma source(%arg13 : memref<80x128xf32, #tpu.memory_space<vmem>>) target(%dma_start3A_312 : memref<10240x128xf32, #tpu.memory_space<vmem_shared>>) offsets(%arg10 : memref<80xi32, #tpu.memory_space<vmem>>) semaphore(%run_scoped3A : memref<!tpu.dma_semaphore, #tpu.memory_space<semaphore_mem>>) {add = true}
      %dma_wait3A_313 = arith.constant 0 : i32
      %dma_wait3A_314 = arith.constant 0 : i32
      %dma_wait3A_315 = tpu.memref_slice %arg16[%dma_wait3A_313, %dma_wait3A_314] : memref<10240x128xf32, #tpu.memory_space<vmem_shared>> -> memref<10240x128xf32, #tpu.memory_space<vmem_shared>>
      tpu.wait_indirect_dma semaphore(%run_scoped3A : memref<!tpu.dma_semaphore, #tpu.memory_space<semaphore_mem>>) src(%arg13 : memref<80x128xf32, #tpu.memory_space<vmem>>) dst(%dma_wait3A_315 : memref<10240x128xf32, #tpu.memory_space<vmem_shared>>)
      tpu.yield
    }) : () -> ()
    %dma_wait3A_299 = arith.constant 0 : i32
    %dma_wait3A_300 = arith.constant 0 : i32
    %dma_wait3A_301 = tpu.memref_slice %arg3[%dma_wait3A_299, %dma_wait3A_300] : memref<10240x128xf32, #tpu.memory_space<hbm>> -> memref<10240x128xf32, #tpu.memory_space<hbm>>
    tpu.wait_indirect_dma semaphore(%arg18 : memref<!tpu.dma_semaphore, #tpu.memory_space<semaphore_mem>>) src(%dma_wait3A_301 : memref<10240x128xf32, #tpu.memory_space<hbm>>) dst(%arg14 : memref<80x128xf32, #tpu.memory_space<vmem>>)
    "tpu.region"() ({
      %run_scoped3A = tpu.sem_alloc : memref<!tpu.dma_semaphore, #tpu.memory_space<semaphore_mem>>
      %dma_start3A_310 = arith.constant 0 : i32
      %dma_start3A_311 = arith.constant 0 : i32
      %dma_start3A_312 = tpu.memref_slice %arg16[%dma_start3A_310, %dma_start3A_311] : memref<10240x128xf32, #tpu.memory_space<vmem_shared>> -> memref<10240x128xf32, #tpu.memory_space<vmem_shared>>
      tpu.enqueue_indirect_dma source(%arg14 : memref<80x128xf32, #tpu.memory_space<vmem>>) target(%dma_start3A_312 : memref<10240x128xf32, #tpu.memory_space<vmem_shared>>) offsets(%arg11 : memref<80xi32, #tpu.memory_space<vmem>>) semaphore(%run_scoped3A : memref<!tpu.dma_semaphore, #tpu.memory_space<semaphore_mem>>) {add = true}
      %dma_wait3A_313 = arith.constant 0 : i32
      %dma_wait3A_314 = arith.constant 0 : i32
      %dma_wait3A_315 = tpu.memref_slice %arg16[%dma_wait3A_313, %dma_wait3A_314] : memref<10240x128xf32, #tpu.memory_space<vmem_shared>> -> memref<10240x128xf32, #tpu.memory_space<vmem_shared>>
      tpu.wait_indirect_dma semaphore(%run_scoped3A : memref<!tpu.dma_semaphore, #tpu.memory_space<semaphore_mem>>) src(%arg14 : memref<80x128xf32, #tpu.memory_space<vmem>>) dst(%dma_wait3A_315 : memref<10240x128xf32, #tpu.memory_space<vmem_shared>>)
      tpu.yield
    }) : () -> ()
    %dma_wait3A_302 = arith.constant 0 : i32
    %dma_wait3A_303 = arith.constant 0 : i32
    %dma_wait3A_304 = tpu.memref_slice %arg3[%dma_wait3A_302, %dma_wait3A_303] : memref<10240x128xf32, #tpu.memory_space<hbm>> -> memref<10240x128xf32, #tpu.memory_space<hbm>>
    tpu.wait_indirect_dma semaphore(%arg19 : memref<!tpu.dma_semaphore, #tpu.memory_space<semaphore_mem>>) src(%dma_wait3A_304 : memref<10240x128xf32, #tpu.memory_space<hbm>>) dst(%arg15 : memref<80x128xf32, #tpu.memory_space<vmem>>)
    "tpu.region"() ({
      %run_scoped3A = tpu.sem_alloc : memref<!tpu.dma_semaphore, #tpu.memory_space<semaphore_mem>>
      %dma_start3A_310 = arith.constant 0 : i32
      %dma_start3A_311 = arith.constant 0 : i32
      %dma_start3A_312 = tpu.memref_slice %arg16[%dma_start3A_310, %dma_start3A_311] : memref<10240x128xf32, #tpu.memory_space<vmem_shared>> -> memref<10240x128xf32, #tpu.memory_space<vmem_shared>>
      tpu.enqueue_indirect_dma source(%arg15 : memref<80x128xf32, #tpu.memory_space<vmem>>) target(%dma_start3A_312 : memref<10240x128xf32, #tpu.memory_space<vmem_shared>>) offsets(%arg12 : memref<80xi32, #tpu.memory_space<vmem>>) semaphore(%run_scoped3A : memref<!tpu.dma_semaphore, #tpu.memory_space<semaphore_mem>>) {add = true}
      %dma_wait3A_313 = arith.constant 0 : i32
      %dma_wait3A_314 = arith.constant 0 : i32
      %dma_wait3A_315 = tpu.memref_slice %arg16[%dma_wait3A_313, %dma_wait3A_314] : memref<10240x128xf32, #tpu.memory_space<vmem_shared>> -> memref<10240x128xf32, #tpu.memory_space<vmem_shared>>
      tpu.wait_indirect_dma semaphore(%run_scoped3A : memref<!tpu.dma_semaphore, #tpu.memory_space<semaphore_mem>>) src(%arg15 : memref<80x128xf32, #tpu.memory_space<vmem>>) dst(%dma_wait3A_315 : memref<10240x128xf32, #tpu.memory_space<vmem_shared>>)
      tpu.yield
    }) : () -> ()
    %barrier3A_305 = arith.constant 0 : index
    tpu.barrier barrier_id(%barrier3A_305)
    %mul3A_306 = arith.constant 640 : i32
    %mul3A_307 = arith.muli %arg1, %mul3A_306 : i32
    %mul3A_308 = arith.constant 640 : i32
    %mul3A_309 = arith.muli %arg1, %mul3A_308 : i32
    "tpu.region"() ({
      %run_scoped3A = tpu.sem_alloc : memref<!tpu.dma_semaphore, #tpu.memory_space<semaphore_mem>>
      %dma_start3A_310 = arith.constant 0 : i32
      %dma_start3A_311 = tpu.memref_slice %arg5[%arg0, %mul3A_309, %dma_start3A_310] : memref<2x10240x128xf32, #tpu.memory_space<hbm>> -> memref<1x640x128xf32, #tpu.memory_space<hbm>>
      %dma_start3A_312 = tpu.memref_squeeze %dma_start3A_311 : memref<1x640x128xf32, #tpu.memory_space<hbm>> -> memref<640x128xf32, #tpu.memory_space<hbm>>
      %dma_start3A_313 = arith.constant 0 : i32
      %dma_start3A_314 = tpu.memref_slice %arg16[%mul3A_307, %dma_start3A_313] : memref<10240x128xf32, #tpu.memory_space<vmem_shared>> -> memref<640x128xf32, #tpu.memory_space<vmem_shared>>
      tpu.enqueue_dma source(%dma_start3A_314 : memref<640x128xf32, #tpu.memory_space<vmem_shared>>) target(%dma_start3A_312 : memref<640x128xf32, #tpu.memory_space<hbm>>) target_semaphore(%run_scoped3A : memref<!tpu.dma_semaphore, #tpu.memory_space<semaphore_mem>>)
      %dma_wait3A_315 = arith.constant 0 : i32
      %dma_wait3A_316 = tpu.memref_slice %arg5[%arg0, %mul3A_309, %dma_wait3A_315] : memref<2x10240x128xf32, #tpu.memory_space<hbm>> -> memref<1x640x128xf32, #tpu.memory_space<hbm>>
      %dma_wait3A_317 = tpu.memref_squeeze %dma_wait3A_316 : memref<1x640x128xf32, #tpu.memory_space<hbm>> -> memref<640x128xf32, #tpu.memory_space<hbm>>
      %dma_wait3A_318 = arith.constant 0 : i32
      %dma_wait3A_319 = tpu.memref_slice %arg16[%mul3A_307, %dma_wait3A_318] : memref<10240x128xf32, #tpu.memory_space<vmem_shared>> -> memref<640x128xf32, #tpu.memory_space<vmem_shared>>
      tpu.wait_dma2 semaphore(%run_scoped3A : memref<!tpu.dma_semaphore, #tpu.memory_space<semaphore_mem>>) src(%dma_wait3A_319 : memref<640x128xf32, #tpu.memory_space<vmem_shared>>) dst(%dma_wait3A_317 : memref<640x128xf32, #tpu.memory_space<hbm>>)
      tpu.yield
    }) : () -> ()
    return
  }
}

module attributes {stable_mosaic.version = 14 : i64} {
  func.func @_dense1_body(%arg0: i32, %arg1: memref<1024x128xf32, #tpu.memory_space<vmem>>, %arg2: memref<1024x128xf32, #tpu.memory_space<vmem>>, %arg3: memref<1024x128xf32, #tpu.memory_space<vmem>>, %arg4: memref<1024x1xf32, #tpu.memory_space<vmem>>, %arg5: memref<1024x1xf32, #tpu.memory_space<vmem>>, %arg6: memref<128x128xf32, #tpu.memory_space<vmem>>, %arg7: memref<128x128xf32, #tpu.memory_space<vmem>>, %arg8: memref<1x128xf32, #tpu.memory_space<vmem>>, %arg9: memref<1024x128xf32, #tpu.memory_space<vmem>>) attributes {dimension_semantics = [#tpu.dimension_semantics<arbitrary>], iteration_bounds = array<i64: 10>, scalar_prefetch = 0 : i64, scratch_operands = 0 : i64, tpu.core_type = #tpu.core_type<tc>, window_params = [{transform_indices = @transform_0, window_bounds = array<i64: 1024, 128>}, {transform_indices = @transform_1, window_bounds = array<i64: 1024, 128>}, {transform_indices = @transform_2, window_bounds = array<i64: 1024, 128>}, {transform_indices = @transform_3, window_bounds = array<i64: 1024, 1>}, {transform_indices = @transform_4, window_bounds = array<i64: 1024, 1>}, {pipeline_mode = #tpu.pipeline_mode<synchronous>, transform_indices = @transform_5, window_bounds = array<i64: 128, 128>}, {pipeline_mode = #tpu.pipeline_mode<synchronous>, transform_indices = @transform_6, window_bounds = array<i64: 128, 128>}, {pipeline_mode = #tpu.pipeline_mode<synchronous>, transform_indices = @transform_7, window_bounds = array<i64: 1, 128>}, {transform_indices = @transform_8, window_bounds = array<i64: 1024, 128>}]} {
    %get3A = arith.constant 0 : index
    %get3A_0 = arith.constant 0 : index
    %get3A_1 = vector.load %arg4[%get3A, %get3A_0] : memref<1024x1xf32, #tpu.memory_space<vmem>>, vector<1024x1xf32>
    %get3A_2 = arith.constant 0 : index
    %get3A_3 = arith.constant 0 : index
    %get3A_4 = vector.load %arg5[%get3A_2, %get3A_3] : memref<1024x1xf32, #tpu.memory_space<vmem>>, vector<1024x1xf32>
    %add3A = arith.addf %get3A_1, %get3A_4 : vector<1024x1xf32>
    %max3A = arith.constant 1.000000e+00 : f32
    %max3A_5 = vector.broadcast %max3A : f32 to vector<1024x1xf32>
    %max3A_6 = arith.maximumf %add3A, %max3A_5 : vector<1024x1xf32>
    %div3A = arith.constant 1.000000e+00 : f32
    %div3A_7 = vector.broadcast %div3A : f32 to vector<1024x1xf32>
    %div3A_8 = arith.divf %div3A_7, %max3A_6 : vector<1024x1xf32>
    %get3A_9 = arith.constant 0 : index
    %get3A_10 = arith.constant 0 : index
    %get3A_11 = vector.load %arg2[%get3A_9, %get3A_10] : memref<1024x128xf32, #tpu.memory_space<vmem>>, vector<1024x128xf32>
    %get3A_12 = arith.constant 0 : index
    %get3A_13 = arith.constant 0 : index
    %get3A_14 = vector.load %arg3[%get3A_12, %get3A_13] : memref<1024x128xf32, #tpu.memory_space<vmem>>, vector<1024x128xf32>
    %add3A_15 = arith.addf %get3A_11, %get3A_14 : vector<1024x128xf32>
    %mul3A = vector.broadcast %div3A_8 : vector<1024x1xf32> to vector<1024x128xf32>
    %mul3A_16 = arith.mulf %add3A_15, %mul3A : vector<1024x128xf32>
    %get3A_17 = arith.constant 0 : index
    %get3A_18 = arith.constant 0 : index
    %get3A_19 = vector.load %arg1[%get3A_17, %get3A_18] : memref<1024x128xf32, #tpu.memory_space<vmem>>, vector<1024x128xf32>
    %get3A_20 = arith.constant 0 : index
    %get3A_21 = arith.constant 0 : index
    %get3A_22 = vector.load %arg6[%get3A_20, %get3A_21] : memref<128x128xf32, #tpu.memory_space<vmem>>, vector<128x128xf32>
    %dot_general3A = arith.constant dense<0.000000e+00> : vector<1024x128xf32>
    %dot_general3A_23 = tpu.matmul %get3A_19, %get3A_22, %dot_general3A {dimension_numbers = #tpu.dot_dimension_numbers<[1], [0], [0], [1], [0, 0, 1, 1], [], []>, transpose_lhs_hint = false} : vector<1024x128xf32>, vector<128x128xf32>, vector<1024x128xf32> -> vector<1024x128xf32>
    %get3A_24 = arith.constant 0 : index
    %get3A_25 = arith.constant 0 : index
    %get3A_26 = vector.load %arg7[%get3A_24, %get3A_25] : memref<128x128xf32, #tpu.memory_space<vmem>>, vector<128x128xf32>
    %dot_general3A_27 = arith.constant dense<0.000000e+00> : vector<1024x128xf32>
    %dot_general3A_28 = tpu.matmul %mul3A_16, %get3A_26, %dot_general3A_27 {dimension_numbers = #tpu.dot_dimension_numbers<[1], [0], [0], [1], [0, 0, 1, 1], [], []>, transpose_lhs_hint = false} : vector<1024x128xf32>, vector<128x128xf32>, vector<1024x128xf32> -> vector<1024x128xf32>
    %add3A_29 = arith.addf %dot_general3A_23, %dot_general3A_28 : vector<1024x128xf32>
    %get3A_30 = arith.constant 0 : index
    %get3A_31 = arith.constant 0 : index
    %get3A_32 = vector.load %arg8[%get3A_30, %get3A_31] : memref<1x128xf32, #tpu.memory_space<vmem>>, vector<1x128xf32>
    %add3A_33 = vector.broadcast %get3A_32 : vector<1x128xf32> to vector<1024x128xf32>
    %add3A_34 = arith.addf %add3A_29, %add3A_33 : vector<1024x128xf32>
    %max3A_35 = arith.constant 0.000000e+00 : f32
    %max3A_36 = vector.broadcast %max3A_35 : f32 to vector<1024x128xf32>
    %max3A_37 = arith.maximumf %add3A_34, %max3A_36 : vector<1024x128xf32>
    %mul3A_38 = arith.mulf %max3A_37, %max3A_37 : vector<1024x128xf32>
    %reduce_sum3A = arith.constant dense<0.000000e+00> : vector<1024xf32>
    %reduce_sum3A_39 = vector.multi_reduction <add>, %mul3A_38, %reduce_sum3A [1] : vector<1024x128xf32> to vector<1024xf32>
    %broadcast_in_dim3A = vector.shape_cast %reduce_sum3A_39 : vector<1024xf32> to vector<1024x1xf32>
    %sqrt3A = math.sqrt %broadcast_in_dim3A : vector<1024x1xf32>
    %add3A_40 = arith.constant 9.99999996E-13 : f32
    %add3A_41 = vector.broadcast %add3A_40 : f32 to vector<1024x1xf32>
    %add3A_42 = arith.addf %sqrt3A, %add3A_41 : vector<1024x1xf32>
    %div3A_43 = vector.broadcast %add3A_42 : vector<1024x1xf32> to vector<1024x128xf32>
    %div3A_44 = arith.divf %max3A_37, %div3A_43 : vector<1024x128xf32>
    %swap3A = arith.constant 0 : index
    %swap3A_45 = arith.constant 0 : index
    %swap3A_46 = vector.load %arg9[%swap3A, %swap3A_45] : memref<1024x128xf32, #tpu.memory_space<vmem>>, vector<1024x128xf32>
    tpu.vector_store %arg9[%swap3A, %swap3A_45], %div3A_44 {strides = array<i32>} : memref<1024x128xf32, #tpu.memory_space<vmem>>, vector<1024x128xf32>,
    return
  }
  func.func @transform_0(%arg0: i32) -> (i32, i32) {
    %c0_i32 = arith.constant 0 : i32
    %c0_i32_0 = arith.constant 0 : i32
    return %arg0, %c0_i32 : i32, i32
  }
  func.func @transform_1(%arg0: i32) -> (i32, i32) {
    %c0_i32 = arith.constant 0 : i32
    %c0_i32_0 = arith.constant 0 : i32
    return %arg0, %c0_i32 : i32, i32
  }
  func.func @transform_2(%arg0: i32) -> (i32, i32) {
    %c0_i32 = arith.constant 0 : i32
    %c0_i32_0 = arith.constant 0 : i32
    return %arg0, %c0_i32 : i32, i32
  }
  func.func @transform_3(%arg0: i32) -> (i32, i32) {
    %c0_i32 = arith.constant 0 : i32
    %c0_i32_0 = arith.constant 0 : i32
    return %arg0, %c0_i32 : i32, i32
  }
  func.func @transform_4(%arg0: i32) -> (i32, i32) {
    %c0_i32 = arith.constant 0 : i32
    %c0_i32_0 = arith.constant 0 : i32
    return %arg0, %c0_i32 : i32, i32
  }
  func.func @transform_5(%arg0: i32) -> (i32, i32) {
    %c0_i32 = arith.constant 0 : i32
    %c0_i32_0 = arith.constant 0 : i32
    %c0_i32_1 = arith.constant 0 : i32
    return %c0_i32, %c0_i32_0 : i32, i32
  }
  func.func @transform_6(%arg0: i32) -> (i32, i32) {
    %c0_i32 = arith.constant 0 : i32
    %c0_i32_0 = arith.constant 0 : i32
    %c0_i32_1 = arith.constant 0 : i32
    return %c0_i32, %c0_i32_0 : i32, i32
  }
  func.func @transform_7(%arg0: i32) -> (i32, i32) {
    %c0_i32 = arith.constant 0 : i32
    %c0_i32_0 = arith.constant 0 : i32
    %c0_i32_1 = arith.constant 0 : i32
    return %c0_i32, %c0_i32_0 : i32, i32
  }
  func.func @transform_8(%arg0: i32) -> (i32, i32) {
    %c0_i32 = arith.constant 0 : i32
    %c0_i32_0 = arith.constant 0 : i32
    return %arg0, %c0_i32 : i32, i32
  }
}

module attributes {stable_mosaic.version = 14 : i64} {
  func.func @_dense2_body(%arg0: i32, %arg1: memref<1024x128xf32, #tpu.memory_space<vmem>>, %arg2: memref<1024x128xf32, #tpu.memory_space<vmem>>, %arg3: memref<1024x128xf32, #tpu.memory_space<vmem>>, %arg4: memref<1024x1xf32, #tpu.memory_space<vmem>>, %arg5: memref<1024x1xf32, #tpu.memory_space<vmem>>, %arg6: memref<128x128xf32, #tpu.memory_space<vmem>>, %arg7: memref<128x128xf32, #tpu.memory_space<vmem>>, %arg8: memref<1x128xf32, #tpu.memory_space<vmem>>, %arg9: memref<128x32xf32, #tpu.memory_space<vmem>>, %arg10: memref<1x32xf32, #tpu.memory_space<vmem>>, %arg11: memref<1024x32xf32, #tpu.memory_space<vmem>>, %arg12: memref<1024x128xf32, #tpu.memory_space<vmem>>) attributes {dimension_semantics = [#tpu.dimension_semantics<arbitrary>], iteration_bounds = array<i64: 10>, scalar_prefetch = 0 : i64, scratch_operands = 0 : i64, tpu.core_type = #tpu.core_type<tc>, window_params = [{transform_indices = @transform_0, window_bounds = array<i64: 1024, 128>}, {transform_indices = @transform_1, window_bounds = array<i64: 1024, 128>}, {transform_indices = @transform_2, window_bounds = array<i64: 1024, 128>}, {transform_indices = @transform_3, window_bounds = array<i64: 1024, 1>}, {transform_indices = @transform_4, window_bounds = array<i64: 1024, 1>}, {pipeline_mode = #tpu.pipeline_mode<synchronous>, transform_indices = @transform_5, window_bounds = array<i64: 128, 128>}, {pipeline_mode = #tpu.pipeline_mode<synchronous>, transform_indices = @transform_6, window_bounds = array<i64: 128, 128>}, {pipeline_mode = #tpu.pipeline_mode<synchronous>, transform_indices = @transform_7, window_bounds = array<i64: 1, 128>}, {pipeline_mode = #tpu.pipeline_mode<synchronous>, transform_indices = @transform_8, window_bounds = array<i64: 128, 32>}, {pipeline_mode = #tpu.pipeline_mode<synchronous>, transform_indices = @transform_9, window_bounds = array<i64: 1, 32>}, {transform_indices = @transform_10, window_bounds = array<i64: 1024, 32>}, {transform_indices = @transform_11, window_bounds = array<i64: 1024, 128>}]} {
    %get3A = arith.constant 0 : index
    %get3A_0 = arith.constant 0 : index
    %get3A_1 = vector.load %arg4[%get3A, %get3A_0] : memref<1024x1xf32, #tpu.memory_space<vmem>>, vector<1024x1xf32>
    %get3A_2 = arith.constant 0 : index
    %get3A_3 = arith.constant 0 : index
    %get3A_4 = vector.load %arg5[%get3A_2, %get3A_3] : memref<1024x1xf32, #tpu.memory_space<vmem>>, vector<1024x1xf32>
    %add3A = arith.addf %get3A_1, %get3A_4 : vector<1024x1xf32>
    %max3A = arith.constant 1.000000e+00 : f32
    %max3A_5 = vector.broadcast %max3A : f32 to vector<1024x1xf32>
    %max3A_6 = arith.maximumf %add3A, %max3A_5 : vector<1024x1xf32>
    %div3A = arith.constant 1.000000e+00 : f32
    %div3A_7 = vector.broadcast %div3A : f32 to vector<1024x1xf32>
    %div3A_8 = arith.divf %div3A_7, %max3A_6 : vector<1024x1xf32>
    %get3A_9 = arith.constant 0 : index
    %get3A_10 = arith.constant 0 : index
    %get3A_11 = vector.load %arg2[%get3A_9, %get3A_10] : memref<1024x128xf32, #tpu.memory_space<vmem>>, vector<1024x128xf32>
    %get3A_12 = arith.constant 0 : index
    %get3A_13 = arith.constant 0 : index
    %get3A_14 = vector.load %arg3[%get3A_12, %get3A_13] : memref<1024x128xf32, #tpu.memory_space<vmem>>, vector<1024x128xf32>
    %add3A_15 = arith.addf %get3A_11, %get3A_14 : vector<1024x128xf32>
    %mul3A = vector.broadcast %div3A_8 : vector<1024x1xf32> to vector<1024x128xf32>
    %mul3A_16 = arith.mulf %add3A_15, %mul3A : vector<1024x128xf32>
    %get3A_17 = arith.constant 0 : index
    %get3A_18 = arith.constant 0 : index
    %get3A_19 = vector.load %arg1[%get3A_17, %get3A_18] : memref<1024x128xf32, #tpu.memory_space<vmem>>, vector<1024x128xf32>
    %get3A_20 = arith.constant 0 : index
    %get3A_21 = arith.constant 0 : index
    %get3A_22 = vector.load %arg6[%get3A_20, %get3A_21] : memref<128x128xf32, #tpu.memory_space<vmem>>, vector<128x128xf32>
    %dot_general3A = arith.constant dense<0.000000e+00> : vector<1024x128xf32>
    %dot_general3A_23 = tpu.matmul %get3A_19, %get3A_22, %dot_general3A {dimension_numbers = #tpu.dot_dimension_numbers<[1], [0], [0], [1], [0, 0, 1, 1], [], []>, transpose_lhs_hint = false} : vector<1024x128xf32>, vector<128x128xf32>, vector<1024x128xf32> -> vector<1024x128xf32>
    %get3A_24 = arith.constant 0 : index
    %get3A_25 = arith.constant 0 : index
    %get3A_26 = vector.load %arg7[%get3A_24, %get3A_25] : memref<128x128xf32, #tpu.memory_space<vmem>>, vector<128x128xf32>
    %dot_general3A_27 = arith.constant dense<0.000000e+00> : vector<1024x128xf32>
    %dot_general3A_28 = tpu.matmul %mul3A_16, %get3A_26, %dot_general3A_27 {dimension_numbers = #tpu.dot_dimension_numbers<[1], [0], [0], [1], [0, 0, 1, 1], [], []>, transpose_lhs_hint = false} : vector<1024x128xf32>, vector<128x128xf32>, vector<1024x128xf32> -> vector<1024x128xf32>
    %add3A_29 = arith.addf %dot_general3A_23, %dot_general3A_28 : vector<1024x128xf32>
    %get3A_30 = arith.constant 0 : index
    %get3A_31 = arith.constant 0 : index
    %get3A_32 = vector.load %arg8[%get3A_30, %get3A_31] : memref<1x128xf32, #tpu.memory_space<vmem>>, vector<1x128xf32>
    %add3A_33 = vector.broadcast %get3A_32 : vector<1x128xf32> to vector<1024x128xf32>
    %add3A_34 = arith.addf %add3A_29, %add3A_33 : vector<1024x128xf32>
    %max3A_35 = arith.constant 0.000000e+00 : f32
    %max3A_36 = vector.broadcast %max3A_35 : f32 to vector<1024x128xf32>
    %max3A_37 = arith.maximumf %add3A_34, %max3A_36 : vector<1024x128xf32>
    %mul3A_38 = arith.mulf %max3A_37, %max3A_37 : vector<1024x128xf32>
    %reduce_sum3A = arith.constant dense<0.000000e+00> : vector<1024xf32>
    %reduce_sum3A_39 = vector.multi_reduction <add>, %mul3A_38, %reduce_sum3A [1] : vector<1024x128xf32> to vector<1024xf32>
    %broadcast_in_dim3A = vector.shape_cast %reduce_sum3A_39 : vector<1024xf32> to vector<1024x1xf32>
    %sqrt3A = math.sqrt %broadcast_in_dim3A : vector<1024x1xf32>
    %add3A_40 = arith.constant 9.99999996E-13 : f32
    %add3A_41 = vector.broadcast %add3A_40 : f32 to vector<1024x1xf32>
    %add3A_42 = arith.addf %sqrt3A, %add3A_41 : vector<1024x1xf32>
    %div3A_43 = vector.broadcast %add3A_42 : vector<1024x1xf32> to vector<1024x128xf32>
    %div3A_44 = arith.divf %max3A_37, %div3A_43 : vector<1024x128xf32>
    %get3A_45 = arith.constant 0 : index
    %get3A_46 = arith.constant 0 : index
    %get3A_47 = vector.load %arg9[%get3A_45, %get3A_46] : memref<128x32xf32, #tpu.memory_space<vmem>>, vector<128x32xf32>
    %dot_general3A_48 = arith.constant dense<0.000000e+00> : vector<1024x32xf32>
    %dot_general3A_49 = tpu.matmul %div3A_44, %get3A_47, %dot_general3A_48 {dimension_numbers = #tpu.dot_dimension_numbers<[1], [0], [0], [1], [0, 0, 1, 1], [], []>, transpose_lhs_hint = false} : vector<1024x128xf32>, vector<128x32xf32>, vector<1024x32xf32> -> vector<1024x32xf32>
    %get3A_50 = arith.constant 0 : index
    %get3A_51 = arith.constant 0 : index
    %get3A_52 = vector.load %arg10[%get3A_50, %get3A_51] : memref<1x32xf32, #tpu.memory_space<vmem>>, vector<1x32xf32>
    %add3A_53 = vector.broadcast %get3A_52 : vector<1x32xf32> to vector<1024x32xf32>
    %add3A_54 = arith.addf %dot_general3A_49, %add3A_53 : vector<1024x32xf32>
    %swap3A = arith.constant 0 : index
    %swap3A_55 = arith.constant 0 : index
    %swap3A_56 = vector.load %arg11[%swap3A, %swap3A_55] : memref<1024x32xf32, #tpu.memory_space<vmem>>, vector<1024x32xf32>
    tpu.vector_store %arg11[%swap3A, %swap3A_55], %add3A_54 {strides = array<i32>} : memref<1024x32xf32, #tpu.memory_space<vmem>>, vector<1024x32xf32>,
    %swap3A_57 = arith.constant 0 : index
    %swap3A_58 = arith.constant 0 : index
    %swap3A_59 = vector.load %arg12[%swap3A_57, %swap3A_58] : memref<1024x128xf32, #tpu.memory_space<vmem>>, vector<1024x128xf32>
    tpu.vector_store %arg12[%swap3A_57, %swap3A_58], %div3A_44 {strides = array<i32>} : memref<1024x128xf32, #tpu.memory_space<vmem>>, vector<1024x128xf32>,
    return
  }
  func.func @transform_0(%arg0: i32) -> (i32, i32) {
    %c0_i32 = arith.constant 0 : i32
    %c0_i32_0 = arith.constant 0 : i32
    return %arg0, %c0_i32 : i32, i32
  }
  func.func @transform_1(%arg0: i32) -> (i32, i32) {
    %c0_i32 = arith.constant 0 : i32
    %c0_i32_0 = arith.constant 0 : i32
    return %arg0, %c0_i32 : i32, i32
  }
  func.func @transform_2(%arg0: i32) -> (i32, i32) {
    %c0_i32 = arith.constant 0 : i32
    %c0_i32_0 = arith.constant 0 : i32
    return %arg0, %c0_i32 : i32, i32
  }
  func.func @transform_3(%arg0: i32) -> (i32, i32) {
    %c0_i32 = arith.constant 0 : i32
    %c0_i32_0 = arith.constant 0 : i32
    return %arg0, %c0_i32 : i32, i32
  }
  func.func @transform_4(%arg0: i32) -> (i32, i32) {
    %c0_i32 = arith.constant 0 : i32
    %c0_i32_0 = arith.constant 0 : i32
    return %arg0, %c0_i32 : i32, i32
  }
  func.func @transform_5(%arg0: i32) -> (i32, i32) {
    %c0_i32 = arith.constant 0 : i32
    %c0_i32_0 = arith.constant 0 : i32
    %c0_i32_1 = arith.constant 0 : i32
    return %c0_i32, %c0_i32_0 : i32, i32
  }
  func.func @transform_6(%arg0: i32) -> (i32, i32) {
    %c0_i32 = arith.constant 0 : i32
    %c0_i32_0 = arith.constant 0 : i32
    %c0_i32_1 = arith.constant 0 : i32
    return %c0_i32, %c0_i32_0 : i32, i32
  }
  func.func @transform_7(%arg0: i32) -> (i32, i32) {
    %c0_i32 = arith.constant 0 : i32
    %c0_i32_0 = arith.constant 0 : i32
    %c0_i32_1 = arith.constant 0 : i32
    return %c0_i32, %c0_i32_0 : i32, i32
  }
  func.func @transform_8(%arg0: i32) -> (i32, i32) {
    %c0_i32 = arith.constant 0 : i32
    %c0_i32_0 = arith.constant 0 : i32
    %c0_i32_1 = arith.constant 0 : i32
    return %c0_i32, %c0_i32_0 : i32, i32
  }
  func.func @transform_9(%arg0: i32) -> (i32, i32) {
    %c0_i32 = arith.constant 0 : i32
    %c0_i32_0 = arith.constant 0 : i32
    %c0_i32_1 = arith.constant 0 : i32
    return %c0_i32, %c0_i32_0 : i32, i32
  }
  func.func @transform_10(%arg0: i32) -> (i32, i32) {
    %c0_i32 = arith.constant 0 : i32
    %c0_i32_0 = arith.constant 0 : i32
    return %arg0, %c0_i32 : i32, i32
  }
  func.func @transform_11(%arg0: i32) -> (i32, i32) {
    %c0_i32 = arith.constant 0 : i32
    %c0_i32_0 = arith.constant 0 : i32
    return %arg0, %c0_i32 : i32, i32
  }
}

module attributes {stable_mosaic.version = 14 : i64} {
  func.func @_post3_body(%arg0: i32, %arg1: memref<1024x32xf32, #tpu.memory_space<vmem>>, %arg2: memref<1024x128xf32, #tpu.memory_space<vmem>>, %arg3: memref<1024x128xf32, #tpu.memory_space<vmem>>, %arg4: memref<1024x1xf32, #tpu.memory_space<vmem>>, %arg5: memref<1024x1xf32, #tpu.memory_space<vmem>>, %arg6: memref<128x32xf32, #tpu.memory_space<vmem>>, %arg7: memref<1024x32xf32, #tpu.memory_space<vmem>>) attributes {dimension_semantics = [#tpu.dimension_semantics<arbitrary>], iteration_bounds = array<i64: 10>, scalar_prefetch = 0 : i64, scratch_operands = 0 : i64, tpu.core_type = #tpu.core_type<tc>, window_params = [{transform_indices = @transform_0, window_bounds = array<i64: 1024, 32>}, {transform_indices = @transform_1, window_bounds = array<i64: 1024, 128>}, {transform_indices = @transform_2, window_bounds = array<i64: 1024, 128>}, {transform_indices = @transform_3, window_bounds = array<i64: 1024, 1>}, {transform_indices = @transform_4, window_bounds = array<i64: 1024, 1>}, {pipeline_mode = #tpu.pipeline_mode<synchronous>, transform_indices = @transform_5, window_bounds = array<i64: 128, 32>}, {transform_indices = @transform_6, window_bounds = array<i64: 1024, 32>}]} {
    %get3A = arith.constant 0 : index
    %get3A_0 = arith.constant 0 : index
    %get3A_1 = vector.load %arg4[%get3A, %get3A_0] : memref<1024x1xf32, #tpu.memory_space<vmem>>, vector<1024x1xf32>
    %get3A_2 = arith.constant 0 : index
    %get3A_3 = arith.constant 0 : index
    %get3A_4 = vector.load %arg5[%get3A_2, %get3A_3] : memref<1024x1xf32, #tpu.memory_space<vmem>>, vector<1024x1xf32>
    %add3A = arith.addf %get3A_1, %get3A_4 : vector<1024x1xf32>
    %max3A = arith.constant 1.000000e+00 : f32
    %max3A_5 = vector.broadcast %max3A : f32 to vector<1024x1xf32>
    %max3A_6 = arith.maximumf %add3A, %max3A_5 : vector<1024x1xf32>
    %div3A = arith.constant 1.000000e+00 : f32
    %div3A_7 = vector.broadcast %div3A : f32 to vector<1024x1xf32>
    %div3A_8 = arith.divf %div3A_7, %max3A_6 : vector<1024x1xf32>
    %get3A_9 = arith.constant 0 : index
    %get3A_10 = arith.constant 0 : index
    %get3A_11 = vector.load %arg2[%get3A_9, %get3A_10] : memref<1024x128xf32, #tpu.memory_space<vmem>>, vector<1024x128xf32>
    %get3A_12 = arith.constant 0 : index
    %get3A_13 = arith.constant 0 : index
    %get3A_14 = vector.load %arg3[%get3A_12, %get3A_13] : memref<1024x128xf32, #tpu.memory_space<vmem>>, vector<1024x128xf32>
    %add3A_15 = arith.addf %get3A_11, %get3A_14 : vector<1024x128xf32>
    %mul3A = vector.broadcast %div3A_8 : vector<1024x1xf32> to vector<1024x128xf32>
    %mul3A_16 = arith.mulf %add3A_15, %mul3A : vector<1024x128xf32>
    %get3A_17 = arith.constant 0 : index
    %get3A_18 = arith.constant 0 : index
    %get3A_19 = vector.load %arg1[%get3A_17, %get3A_18] : memref<1024x32xf32, #tpu.memory_space<vmem>>, vector<1024x32xf32>
    %get3A_20 = arith.constant 0 : index
    %get3A_21 = arith.constant 0 : index
    %get3A_22 = vector.load %arg6[%get3A_20, %get3A_21] : memref<128x32xf32, #tpu.memory_space<vmem>>, vector<128x32xf32>
    %dot_general3A = arith.constant dense<0.000000e+00> : vector<1024x32xf32>
    %dot_general3A_23 = tpu.matmul %mul3A_16, %get3A_22, %dot_general3A {dimension_numbers = #tpu.dot_dimension_numbers<[1], [0], [0], [1], [0, 0, 1, 1], [], []>, transpose_lhs_hint = false} : vector<1024x128xf32>, vector<128x32xf32>, vector<1024x32xf32> -> vector<1024x32xf32>
    %add3A_24 = arith.addf %get3A_19, %dot_general3A_23 : vector<1024x32xf32>
    %reduce_max3A = arith.constant dense<0xFF800000> : vector<1024xf32>
    %reduce_max3A_25 = vector.multi_reduction <maximumf>, %add3A_24, %reduce_max3A [1] : vector<1024x32xf32> to vector<1024xf32>
    %broadcast_in_dim3A = vector.shape_cast %reduce_max3A_25 : vector<1024xf32> to vector<1024x1xf32>
    %sub3A = vector.broadcast %broadcast_in_dim3A : vector<1024x1xf32> to vector<1024x32xf32>
    %sub3A_26 = arith.subf %add3A_24, %sub3A : vector<1024x32xf32>
    %exp3A = math.exp %sub3A_26 : vector<1024x32xf32>
    %reduce_sum3A = arith.constant dense<0.000000e+00> : vector<1024xf32>
    %reduce_sum3A_27 = vector.multi_reduction <add>, %exp3A, %reduce_sum3A [1] : vector<1024x32xf32> to vector<1024xf32>
    %broadcast_in_dim3A_28 = vector.shape_cast %reduce_sum3A_27 : vector<1024xf32> to vector<1024x1xf32>
    %div3A_29 = vector.broadcast %broadcast_in_dim3A_28 : vector<1024x1xf32> to vector<1024x32xf32>
    %div3A_30 = arith.divf %exp3A, %div3A_29 : vector<1024x32xf32>
    %swap3A = arith.constant 0 : index
    %swap3A_31 = arith.constant 0 : index
    %swap3A_32 = vector.load %arg7[%swap3A, %swap3A_31] : memref<1024x32xf32, #tpu.memory_space<vmem>>, vector<1024x32xf32>
    tpu.vector_store %arg7[%swap3A, %swap3A_31], %div3A_30 {strides = array<i32>} : memref<1024x32xf32, #tpu.memory_space<vmem>>, vector<1024x32xf32>,
    return
  }
  func.func @transform_0(%arg0: i32) -> (i32, i32) {
    %c0_i32 = arith.constant 0 : i32
    %c0_i32_0 = arith.constant 0 : i32
    return %arg0, %c0_i32 : i32, i32
  }
  func.func @transform_1(%arg0: i32) -> (i32, i32) {
    %c0_i32 = arith.constant 0 : i32
    %c0_i32_0 = arith.constant 0 : i32
    return %arg0, %c0_i32 : i32, i32
  }
  func.func @transform_2(%arg0: i32) -> (i32, i32) {
    %c0_i32 = arith.constant 0 : i32
    %c0_i32_0 = arith.constant 0 : i32
    return %arg0, %c0_i32 : i32, i32
  }
  func.func @transform_3(%arg0: i32) -> (i32, i32) {
    %c0_i32 = arith.constant 0 : i32
    %c0_i32_0 = arith.constant 0 : i32
    return %arg0, %c0_i32 : i32, i32
  }
  func.func @transform_4(%arg0: i32) -> (i32, i32) {
    %c0_i32 = arith.constant 0 : i32
    %c0_i32_0 = arith.constant 0 : i32
    return %arg0, %c0_i32 : i32, i32
  }
  func.func @transform_5(%arg0: i32) -> (i32, i32) {
    %c0_i32 = arith.constant 0 : i32
    %c0_i32_0 = arith.constant 0 : i32
    %c0_i32_1 = arith.constant 0 : i32
    return %c0_i32, %c0_i32_0 : i32, i32
  }
  func.func @transform_6(%arg0: i32) -> (i32, i32) {
    %c0_i32 = arith.constant 0 : i32
    %c0_i32_0 = arith.constant 0 : i32
    return %arg0, %c0_i32 : i32, i32
  }
}

</mosaic_0001>

<sc_bundles>
// kernel: kernel.11.cloned.1.call-start
scs
__scs_entry_jumppad:
0x0: {  	(pc) =	sbr.rel $0x88, $3  }
0x1: {  	(tag) =	ssettag $0x0;
	lr =	simm.s32 $0x1  }
0x2: {  	[smem:$0x3F96] =	sst lr;
	_ =	strace $0xD0000000  }
0x3: {  	_ = 	snop  }
0x4: {  	_ = 	snop  }
0x5: {  	_ = 	snop  }
0x6: {  	_ = 	snop  }
0x7: {  	_ = 	snop  }
__scs_overlays_trampoline_lowered:
0x8: {  	[smem:$0x3FA5] =	sst s0  }
0x9: {  	[smem:$0x3FA6] =	sst s1  }
0xa: {  	[smem:$0x3FA7] =	sst s2  }
0xb: {  	[smem:$0x3FA8] =	sst s3  }
0xc: {  	[smem:$0x3FA9] =	sst s4  }
0xd: {  	[smem:$0x3FAA] =	sst s5  }
0xe: {  	[smem:$0x3FAB] =	sst s6  }
0xf: {  	[smem:$0x3FAC] =	sst s7  }
0x10: {  	[smem:$0x3FAD] =	sst s8  }
0x11: {  	[smem:$0x3FAE] =	sst s9;
	s0 =	simm.s32 @!p0 $0x0  }
0x12: {  	s1 =	sld [smem:$0x3F94];
	s0 =	simm.s32 @p0 $0x1  }
0x13: {  	[smem:$0x3FAF] =	sst s0;
	s0 =	simm.s32 @!p1 $0x0  }
0x14: {  	s2 =	sld [smem:$0x3F93];
	s0 =	simm.s32 @p1 $0x1  }
0x15: {  	[smem:$0x3FB0] =	sst s0;
	s0 =	simm.s32 @!p2 $0x0  }
0x16: {  	s3 =	sld [smem:$0x3FDB];
	s0 =	simm.s32 @p2 $0x1  }
0x17: {  	s4 =	simm.s32 $0x1BF5;
	[smem:$0x3FB2] =	sst s0  }
0x18: {  	s0 =	sld [smem:$0x3F95];
	_ =	swait.ge [sflag:s4], $0x0  }
0x19: {  	s7 =	sld [smem:$0x3F96]  }
0x1a: {  	s8 =	sadd.s32 $0xFFFFE003, lr  }
0x1b: {  	s9 =	sadd.s32 $0xFFFFFEF7, lr;
	s5 =	simm.s32 $0xFFFFFFFF;
	p2 =	slt.u32 s8, $0xFFFFF086  }
0x1c: {  	p1 =	slt.u32 s9, $0xF7A;
	s5 =	simm.s32 @!p2 $0x0  }
0x1d: {  	s5 =	simm.s32 @p1 $0x1;
	p0 =	seq.s32 s7, s2  }
0x1e: {  	s7 =	smul.u32 @!p0 $0xF7A, s2;
	p2 =	seq.s32 @!p0 s5, $0x0  }
0x1f: {  	s9 =	smul.u32 $0xF7A, s1;
	s8 =	simm.s32 @!p0 $0x1BF5;
	p2 =	por !p2, p0  }
0x20: {  	[sflag:s8] =	ssyncset.s32 @!p0 $0xFFFFF086;
	s6 =	sadd.s32 @!p0 s3, s7;
	s7 =	simm.s32 @!p0 $0x108  }
0x21: {  	s3 =	sadd.s32 s3, s9;
	s6 =	sadd.s32 @!p0 $0x88, s6;
	s7 =	simm.s32 @p2 $0x1082  }
0x22: {  	[simem:s7], [sflag:s8] =	dma.local @!p0 [hbm:s6], $0xF7A  }
0x23: {  	s9 =	sor.u32 $0xD0000000, s2;
	s6 =	simm.s32 $0x108;
	_ =	swait.ge @!p0 [sflag:s8], $0x0  }
0x24: {  	s3 =	sadd.s32 $0x88, s3;
	s6 =	simm.s32 @!p1 $0x1082;
	[sflag:s4] =	ssyncset.s32 $0xFFFFF086  }
0x25: {  	[simem:s6], [sflag:s4] =	dma.local [hbm:s3], $0xF7A  }
0x26: {  	[smem:$0x3F96] =	sst s1;
	(tag) =	ssettag s2;
	_ =	strace s9  }
0x27: {  	s1 =	sld [smem:$0x3FA6]  }
0x28: {  	s2 =	sld [smem:$0x3FA7]  }
0x29: {  	s4 =	sld [smem:$0x3FA9]  }
0x2a: {  	p0 =	seq.s32 s5, $0x0;
	s5 =	sld [smem:$0x3FAA]  }
0x2b: {  	s6 =	sld [smem:$0x3FAB]  }
0x2c: {  	s7 =	sld [smem:$0x3FAC]  }
0x2d: {  	s3 =	simm.s32 $0x108;
	s8 =	sld [smem:$0x3FAD]  }
0x2e: {  	s3 =	simm.s32 @!p0 $0x1082;
	s9 =	sld [smem:$0x3FAE]  }
0x2f: {  	lr =	sadd.s32 s0, s3;
	s0 =	sld [smem:$0x3FA5]  }
0x30: {  	s3 =	sld [smem:$0x3FA8]  }
0x31: {  	[smem:$0x3FB1] =	sst s10  }
0x32: {  	s10 =	sld [smem:$0x3FAF];
	_ =	sdelay $0x3  }
0x33: {  	p0 =	seq.s32 s10, $0x1;
	s10 =	sld [smem:$0x3FB1];
	_ =	sdelay $0x3  }
0x34: {  	[smem:$0x3FB1] =	sst s10  }
0x35: {  	s10 =	sld [smem:$0x3FB0];
	_ =	sdelay $0x3  }
0x36: {  	p1 =	seq.s32 s10, $0x1;
	s10 =	sld [smem:$0x3FB1];
	_ =	sdelay $0x3  }
0x37: {  	[smem:$0x3FB1] =	sst s10  }
0x38: {  	s10 =	sld [smem:$0x3FB2]  }
0x39: {  	_ = 	snop;
	(pc) =	sbr.ind lr, $3  }
0x3a: {  	_ = 	snop  }
0x3b: {  	_ = 	snop  }
0x3c: {  	p2 =	seq.s32 s10, $0x1;
	s10 =	sld [smem:$0x3FB1]  }
0x3d: {  	_ =	shalt  }
0x3e: {  	_ =	shalt  }
0x3f: {  	_ =	shalt  }
0x40: {  	_ =	shalt  }
0x41: {  	_ =	shalt  }
0x42: {  	_ =	shalt  }
0x43: {  	_ =	shalt  }
0x44: {  	_ =	shalt  }
0x45: {  	_ =	shalt  }
0x46: {  	_ =	shalt  }
0x47: {  	_ =	shalt  }
0x48: {  	_ =	shalt  }
0x49: {  	_ =	shalt  }
0x4a: {  	_ =	shalt  }
0x4b: {  	_ =	shalt  }
0x4c: {  	_ =	shalt  }
0x4d: {  	_ =	shalt  }
0x4e: {  	_ =	shalt  }
0x4f: {  	_ =	shalt  }
0x50: {  	_ =	shalt  }
0x51: {  	_ =	shalt  }
0x52: {  	_ =	shalt  }
0x53: {  	_ =	shalt  }
0x54: {  	_ =	shalt  }
0x55: {  	_ =	shalt  }
0x56: {  	_ =	shalt  }
0x57: {  	_ =	shalt  }
0x58: {  	_ =	shalt  }
0x59: {  	_ =	shalt  }
0x5a: {  	_ =	shalt  }
0x5b: {  	_ =	shalt  }
0x5c: {  	_ =	shalt  }
0x5d: {  	_ =	shalt  }
0x5e: {  	_ =	shalt  }
0x5f: {  	_ =	shalt  }
0x60: {  	_ =	shalt  }
0x61: {  	_ =	shalt  }
0x62: {  	_ =	shalt  }
0x63: {  	_ =	shalt  }
0x64: {  	_ =	shalt  }
0x65: {  	_ =	shalt  }
0x66: {  	_ =	shalt  }
0x67: {  	_ =	shalt  }
0x68: {  	_ =	shalt  }
0x69: {  	_ =	shalt  }
0x6a: {  	_ =	shalt  }
0x6b: {  	_ =	shalt  }
0x6c: {  	_ =	shalt  }
0x6d: {  	_ =	shalt  }
0x6e: {  	_ =	shalt  }
0x6f: {  	_ =	shalt  }
0x70: {  	_ =	shalt  }
0x71: {  	_ =	shalt  }
0x72: {  	_ =	shalt  }
0x73: {  	_ =	shalt  }
0x74: {  	_ =	shalt  }
0x75: {  	_ =	shalt  }
0x76: {  	_ =	shalt  }
0x77: {  	_ =	shalt  }
0x78: {  	_ =	shalt  }
0x79: {  	_ =	shalt  }
0x7a: {  	_ =	shalt  }
0x7b: {  	_ =	shalt  }
0x7c: {  	_ =	shalt  }
0x7d: {  	_ =	shalt  }
0x7e: {  	_ =	shalt  }
0x7f: {  	_ =	shalt  }
0x80: {  	_ =	shalt  }
0x81: {  	_ =	shalt  }
0x82: {  	_ =	shalt  }
0x83: {  	_ =	shalt  }
0x84: {  	_ =	shalt  }
0x85: {  	_ =	shalt  }
0x86: {  	_ =	shalt  }
0x87: {  	_ =	shalt  }
.Lfunc_end0:
.L_simem_size_0:
called_computation.1_lowered:
.L_overlay_start_0:
0x88: {  	s2 =	sld [smem:$0x3FD9]  }
0x89: {  	s3 =	sld [smem:$0x3FFE];
	_ =	sdelay $0x1  }
0x8a: {  	s1 =	srdreg.scid  }
0x8b: {  	s0 =	sand.u32 $0x1, s1  }
0x8c: {  	s17 =	sshll.u32 s0, $0xA;
	s2 =	sadd.s32 s3, s2  }
0x8d: {  	s2 =	sadd.s32 s2, s17  }
0x8e: {  	[smem:$0x3FBD] =	sst s2  }
0x8f: {  	_ = 	snop  }
0x90: {  	s2 =	sld [smem:$0x3FD0];
	(tm) =	ssettm $0x1  }
0x91: {  	s18 =	sld [smem:$0x3FFB];
	_ =	sdelay $0x3  }
0x92: {  	_ =	strace s18  }
0x93: {  	s3 =	sld [smem:$0x3FFC];
	_ =	sdelay $0x3  }
0x94: {  	_ =	strace s3  }
0x95: {  	s3 =	sld [smem:$0x3FFD];
	_ =	sdelay $0x3  }
0x96: {  	_ =	strace s3  }
0x97: {  	_ =	strace $0x8FFFFFFF  }
0x98: {  	s19 =	sld [smem:$0x3FDB];
	_ =	sdelay $0x1  }
0x99: {  	s4 =	simm.s32 $_scs_section_size  }
0x9a: {  	s5 =	simm.s32 $_size__tile_overlayer_lowered;
	s6 =	simm.s32 $_tile_overlayer_lowered  }
0x9b: {  	s22 =	simm.s32 $0x1BFF;
	s21 =	sshll.u32 s6, $0x1;
	s3 =	sadd.s32 s4, s19  }
0x9c: {  	s7 =	simm.s32 $0x0;
	s20 =	sshll.u32 s5, $0x1;
	s5 =	sadd.s32 s21, s3  }
0x9d: {  	[timem:s7], [sflag:s22] =	dma.local [hbm:s5], s20  }
0x9e: {  	_ =	swait.ge [sflag:s22], s20  }
0x9f: {  	s4 =	ssub.s32 $0x0, s20;
	[sflag:s22] =	ssyncset.done $0x0  }
0xa0: {  	[sflag:s22] =	ssyncadd.s32 s4;
	_ =	sdelay $0x1  }
0xa1: {  	s23 =	simm.s32 $0x1B8B  }
0xa2: {  	_ =	swait.ge [sflag:s23], $0x1  }
0xa3: {  	[sflag:s23] =	ssyncset.done $0x0  }
0xa4: {  	s25 =	simm.s32 $0x1B8E;
	s24 =	sld [smem:$0x3FFE];
	[sflag:s23] =	ssyncadd.s32 $0xFFFFFFFF  }
0xa5: {  	s26 =	simm.s32 $execute0_lowered;
	[smem:$0x3FD2] =	sst s25  }
0xa6: {  	s5 =	sshll.u32 s26, $0x1;
	_ =	strace $0x80000049;
	[dreg:$0x1] =	wrdreg $0xFFFFFFFF  }
0xa7: {  	s28 =	simm.s32 $_size_execute0_lowered;
	s3 =	sadd.s32 s3, s5;
	[dreg:$0x0] =	wrdreg $0x0  }
0xa8: {  	s5 =	sshll.u32 s28, $0x1;
	[dreg:$0x2] =	wrdreg s3  }
0xa9: {  	[dreg:$0x3] =	wrdreg s5  }
0xaa: {  	[dreg:$0x4] =	wrdreg $0xC0  }
0xab: {  	_ =	task [dreg:s7], $0x5FFFF  }
0xac: {  	[dreg:$0x1] =	wrdreg $0xFFFFFFFF  }
0xad: {  	[dreg:$0x0] =	wrdreg $0x60  }
0xae: {  	[dreg:$0x2] =	wrdreg s24  }
0xaf: {  	[dreg:$0x3] =	wrdreg s2  }
0xb0: {  	[dreg:$0x4] =	wrdreg $0xBB000  }
0xb1: {  	[dreg:$0x5] =	wrdreg $0x9  }
0xb2: {  	_ =	task.clear_ibuf [dreg:s7], $0x6FFFF;
	_ =	strace $0x90000049  }
0xb3: {  	s29 =	simm.s32 $0x9;
	_ =	strace $0x8000004B  }
0xb4: {  	_ =	swait.ge [sflag:s29], $0x1  }
0xb5: {  	[sflag:s29] =	ssyncadd.s32 $0xFFFFFFFF  }
0xb6: {  	_ =	strace $0x9000004B  }
0xb7: {  	_ =	sfence  }
0xb8: {  	s30 =	sld [smem:$0x0];
	_ =	sdelay $0x2  }
0xb9: {  	s31 =	sshll.u32 s1, $0xD;
	s1 =	sshrl.u32 s1, $0x2  }
0xba: {  	s3 =	sand.u32 $0x4000, s31;
	s1 =	sadd.s32 s1, s30  }
0xbb: {  	s0 =	sor.u32 s3, s0;
	s1 =	sshll.u32 s1, $0x11  }
0xbc: {  	s0 =	sor.u32 s1, s0  }
0xbd: {  	s0 =	sadd.s32 $0x8F2B, s0  }
0xbe: {  	[sflag:s0] =	ssyncadd.remote.s32 $0x1  }
0xbf: {  	_ =	sfence.sel $0xFFFF  }
0xc0: {  	[dreg:$0x0] =	wrdreg $0xFFFFFFFF;
	(pc) =	sbr.abs _section_cstart, $3  }
0xc1: {  	[dreg:$0x1] =	wrdreg $0xFFFFFFFF  }
0xc2: {  	_ =	task.clear_ibuf [dreg:s7], $0x2FFFF;
	_ =	strace $0x9FFFFFFF  }
0xc3: {  	(tm) =	ssettm $0x7FFFFFFF  }
tec
execute0_lowered:
.L_overlay_start_1:
0x0: {  	(tag) =	ssettag $0x1  }
0x1: {  	s6 =	rddreg [dreg:$0x0]  }
0x2: {  	s1 =	rddreg [dreg:$0x1]  }
0x3: {  	s2 =	rddreg [dreg:$0x2]  }
0x4: {  	s3 =	srdreg.scid;
	s0 =	rddreg [dreg:$0x3]  }
0x5: {  	s4 =	simm.s32 $0x0;
	s13 =	simm.s32 $0x4000;
	s14 =	simm.s32 $0x4300  }
0x6: {  	s15 =	simm.s32 $0x4080;
	s16 =	simm.s32 $0x6B00;
	s17 =	simm.s32 $0x1  }
0x7: {  	s18 =	simm.s32 $0x4100;
	s19 =	simm.s32 $0x9300;
	s20 =	simm.s32 $0x4180  }
0x8: {  	s21 =	simm.s32 $0x2;
	s22 =	simm.s32 $0x4200;
	s23 =	simm.s32 $0x3  }
0x9: {  	s24 =	simm.s32 $0x4280;
	s7 =	sand.u32 $0x1, s3;
	s3 =	stileid.u32  }
0xa: {  	s25 =	simm.s32 $0x0;
	[smem:$0x7FF] =	sst s4;
	s8 =	smul.u32 $0x140000, s7  }
0xb: {  	s5 =	sshll.u32 s3, $0xB;
	s9 =	smul.u32 $0x14000, s3;
	_ =	strace $0x8000004A  }
0xc: {  	s28 =	ssub.s32 $0x2, s7;
	s12 =	smul.u32 $0x50000, s3;
	s29 =	sshll.u32 s7, $0xF  }
0xd: {  	s31 =	sshll.u32 s3, $0x6;
	s10 =	sadd.s32 s5, s6;
	s11 =	sshrl.u32 s28, $0x1  }
0xe: {  	s5 =	sadd.s32 $0x14000, s6;
	s8 =	sadd.s32 s9, s8;
	s9 =	ssub.s32 s28, s11  }
0xf: {  	s30 =	sshrl.u32 s12, $0x2;
	s10 =	sadd.s32 s29, s10;
	s11 =	simm.s32 $0x4  }
0x10: {  	s8 =	sshrl.u32 s8, $0x3;
	s12 =	sadd.s32 s30, s2;
	s7 =	sadd.s32 $0x4000, s10  }
0x11: {  	s9 =	smax.u32 s9, $0x1;
	s8 =	sadd.s32 s8, s6;
	s6 =	sor.u32 $0x1C04, s31  }
0x12: {  	s10 =	sshrl.u32 s12, $0x3;
	s12 =	simm.s32 $0x50;
	s8 =	sadd.s32 $0x3C000, s8  }
.LBB2_1:
0x13: {  	[spmem:s10], [sflag:s6] =	dma.local [hbm:s1], $0x2800  }
0x14: {  	_ =	swait.ge [sflag:s11], $0x2800  }
0x15: {  	[sflag:s11] =	ssyncset.done $0x0  }
0x16: {  	[sflag:s11] =	ssyncadd.s32 $0xFFFFD800  }
0x17: {  	[tilespmem:s4], [sflag:$0x4] =	stream.linear.gather [hbm4b:s7+s4], $0x3F00, $0x38;
	[tilespmem:$0x1FB00] =	vst v63  }
0x18: {  	_ =	swait.ge [sflag:s11], $0x3F00  }
0x19: {  	[sflag:s11] =	ssyncset.done $0x0  }
0x1a: {  	[sflag:s11] =	ssyncadd.s32 $0xFFFFC100  }
0x1b: {  	[bflag:$0x0] =	sbarrier.arrive $0xFFFF  }
0x1c: {  	v0 =	vld [tilespmem:$0x0];
	_ =	sdelay $0x1  }
0x1d: {  	v1 =	vld [tilespmem:$0x10];
	_ =	sdelay $0x1  }
0x1e: {  	v2 =	vld [tilespmem:$0x20]  }
0x1f: {  	v3 =	vand.u32 $0x3FFF, v0  }
0x20: {  	v0 =	vshrl.u32 v0, $0xE;
	[tilespmem:$0x4000] =	vst v3;
	v3 =	vld [tilespmem:$0x30]  }
0x21: {  	[tilespmem:$0x4180] =	vst v0;
	v0 =	vand.u32 $0x3FFF, v1  }
0x22: {  	[tilespmem:$0x4010] =	vst v0;
	v0 =	vshrl.u32 v1, $0xE;
	v1 =	vld [tilespmem:$0x40]  }
0x23: {  	[tilespmem:$0x4190] =	vst v0;
	v0 =	vand.u32 $0x3FFF, v2  }
0x24: {  	[tilespmem:$0x4020] =	vst v0;
	v0 =	vshrl.u32 v2, $0xE  }
0x25: {  	[tilespmem:$0x41A0] =	vst v0;
	v0 =	vand.u32 $0x3FFF, v3  }
0x26: {  	[tilespmem:$0x4030] =	vst v0;
	v0 =	vshrl.u32 v3, $0xE  }
0x27: {  	[tilespmem:$0x41B0] =	vst v0;
	v0 =	vand.u32 $0x3FFF, v1  }
0x28: {  	[tilespmem:$0x4040] =	vst v0;
	v0 =	vshrl.u32 v1, $0xE  }
0x29: {  	[tilespmem:$0x41C0] =	vst v0  }
0x2a: {  	[tilespmem:s14], [sflag:$0x1] =	stream.indirect.gather [hbm4b:s5+s12], $0x80, s13, s12, $0xb8;
	[tilespmem:$0x1FB00] =	vst v63  }
0x2b: {  	v0 =	vld [tilespmem:$0x80];
	_ =	sdelay $0x1  }
0x2c: {  	v1 =	vld [tilespmem:$0x90];
	_ =	sdelay $0x1  }
0x2d: {  	v2 =	vld [tilespmem:$0xA0]  }
0x2e: {  	v3 =	vand.u32 $0x3FFF, v0  }
0x2f: {  	v0 =	vshrl.u32 v0, $0xE;
	[tilespmem:$0x4080] =	vst v3;
	v3 =	vld [tilespmem:$0xB0]  }
0x30: {  	[tilespmem:$0x4200] =	vst v0;
	v0 =	vand.u32 $0x3FFF, v1  }
0x31: {  	[tilespmem:$0x4090] =	vst v0;
	v0 =	vshrl.u32 v1, $0xE;
	v1 =	vld [tilespmem:$0xC0]  }
0x32: {  	[tilespmem:$0x4210] =	vst v0;
	v0 =	vand.u32 $0x3FFF, v2  }
0x33: {  	[tilespmem:$0x40A0] =	vst v0;
	v0 =	vshrl.u32 v2, $0xE  }
0x34: {  	[tilespmem:$0x4220] =	vst v0;
	v0 =	vand.u32 $0x3FFF, v3  }
0x35: {  	[tilespmem:$0x40B0] =	vst v0;
	v0 =	vshrl.u32 v3, $0xE  }
0x36: {  	[tilespmem:$0x4230] =	vst v0;
	v0 =	vand.u32 $0x3FFF, v1  }
0x37: {  	[tilespmem:$0x40C0] =	vst v0;
	v0 =	vshrl.u32 v1, $0xE  }
0x38: {  	[tilespmem:$0x4240] =	vst v0  }
0x39: {  	[tilespmem:s16], [sflag:$0x2] =	stream.indirect.gather [hbm4b:s5+s12], $0x80, s15, s12, $0xb8;
	[tilespmem:$0x1FB00] =	vst v63  }
0x3a: {  	_ =	swait.ge [sflag:s17], $0x2800  }
0x3b: {  	[sflag:s17] =	ssyncset.done $0x0  }
0x3c: {  	s26 =	simm.s32 $0x0;
	[sflag:s17] =	ssyncadd.s32 $0xFFFFD800  }
0x3d: {  	v0 =	vld [tilespmem:s26+$0x100];
	_ =	sdelay $0x4  }
0x3e: {  	v1 =	vand.u32 $0x3FFF, v0  }
0x3f: {  	v0 =	vshrl.u32 v0, $0xE;
	[tilespmem:$0x4100] =	vst v1  }
0x40: {  	[tilespmem:$0x4280] =	vst v0  }
0x41: {  	v0 =	vld [tilespmem:s26+$0x110];
	_ =	sdelay $0x4  }
0x42: {  	v1 =	vand.u32 $0x3FFF, v0  }
0x43: {  	v0 =	vshrl.u32 v0, $0xE;
	[tilespmem:$0x4110] =	vst v1  }
0x44: {  	[tilespmem:$0x4290] =	vst v0  }
0x45: {  	v0 =	vld [tilespmem:s26+$0x120];
	_ =	sdelay $0x4  }
0x46: {  	v1 =	vand.u32 $0x3FFF, v0  }
0x47: {  	v0 =	vshrl.u32 v0, $0xE;
	[tilespmem:$0x4120] =	vst v1  }
0x48: {  	[tilespmem:$0x42A0] =	vst v0  }
0x49: {  	v0 =	vld [tilespmem:s26+$0x130];
	_ =	sdelay $0x4  }
0x4a: {  	v1 =	vand.u32 $0x3FFF, v0  }
0x4b: {  	v0 =	vshrl.u32 v0, $0xE;
	[tilespmem:$0x4130] =	vst v1  }
0x4c: {  	[tilespmem:$0x42B0] =	vst v0  }
0x4d: {  	v0 =	vld [tilespmem:s26+$0x140];
	_ =	sdelay $0x4  }
0x4e: {  	v1 =	vand.u32 $0x3FFF, v0  }
0x4f: {  	v0 =	vshrl.u32 v0, $0xE;
	[tilespmem:$0x4140] =	vst v1  }
0x50: {  	[tilespmem:$0x42C0] =	vst v0  }
0x51: {  	[tilespmem:s19], [sflag:$0x3] =	stream.indirect.gather [hbm4b:s5+s12], $0x80, s18, s12, $0xb8;
	[tilespmem:$0x1FB00] =	vst v63  }
0x52: {  	_ = 	snop  }
0x53: {  	[spmem:s2] =	stream.indirect.scatter.add.f32 [tilespmem:s14], [sflag:$0x4], $0x80, s20, s12, $0xb8;
	[tilespmem:$0x1FB00] =	vst v63  }
0x54: {  	_ =	swait.ge [sflag:s11], $0x2800  }
0x55: {  	[sflag:s11] =	ssyncset.done $0x0  }
0x56: {  	[sflag:s11] =	ssyncadd.s32 $0xFFFFD800  }
0x57: {  	_ =	swait.ge [sflag:s21], $0x2800  }
0x58: {  	[sflag:s21] =	ssyncset.done $0x0  }
0x59: {  	[sflag:s21] =	ssyncadd.s32 $0xFFFFD800  }
0x5a: {  	v0 =	vld [tilespmem:s26+$0x180];
	_ =	sdelay $0x4  }
0x5b: {  	v1 =	vand.u32 $0x3FFF, v0  }
0x5c: {  	v0 =	vshrl.u32 v0, $0xE;
	[tilespmem:$0x4000] =	vst v1  }
0x5d: {  	[tilespmem:$0x4180] =	vst v0  }
0x5e: {  	v0 =	vld [tilespmem:s26+$0x190];
	_ =	sdelay $0x4  }
0x5f: {  	v1 =	vand.u32 $0x3FFF, v0  }
0x60: {  	v0 =	vshrl.u32 v0, $0xE;
	[tilespmem:$0x4010] =	vst v1  }
0x61: {  	[tilespmem:$0x4190] =	vst v0  }
0x62: {  	v0 =	vld [tilespmem:s26+$0x1A0];
	_ =	sdelay $0x4  }
0x63: {  	v1 =	vand.u32 $0x3FFF, v0  }
0x64: {  	v0 =	vshrl.u32 v0, $0xE;
	[tilespmem:$0x4020] =	vst v1  }
0x65: {  	[tilespmem:$0x41A0] =	vst v0  }
0x66: {  	v0 =	vld [tilespmem:s26+$0x1B0];
	_ =	sdelay $0x4  }
0x67: {  	v1 =	vand.u32 $0x3FFF, v0  }
0x68: {  	v0 =	vshrl.u32 v0, $0xE;
	[tilespmem:$0x4030] =	vst v1  }
0x69: {  	[tilespmem:$0x41B0] =	vst v0  }
0x6a: {  	v0 =	vld [tilespmem:s26+$0x1C0];
	_ =	sdelay $0x4  }
0x6b: {  	v1 =	vand.u32 $0x3FFF, v0  }
0x6c: {  	v0 =	vshrl.u32 v0, $0xE;
	[tilespmem:$0x4040] =	vst v1  }
0x6d: {  	[tilespmem:$0x41C0] =	vst v0  }
0x6e: {  	[tilespmem:s14], [sflag:$0x1] =	stream.indirect.gather [hbm4b:s5+s12], $0x80, s13, s12, $0xb8;
	[tilespmem:$0x1FB00] =	vst v63  }
0x6f: {  	_ = 	snop  }
0x70: {  	[spmem:s2] =	stream.indirect.scatter.add.f32 [tilespmem:s16], [sflag:$0x4], $0x80, s22, s12, $0xb8;
	[tilespmem:$0x1FB00] =	vst v63  }
0x71: {  	_ =	swait.ge [sflag:s11], $0x2800  }
0x72: {  	[sflag:s11] =	ssyncset.done $0x0  }
0x73: {  	[sflag:s11] =	ssyncadd.s32 $0xFFFFD800  }
0x74: {  	_ =	swait.ge [sflag:s23], $0x2800  }
0x75: {  	[sflag:s23] =	ssyncset.done $0x0  }
0x76: {  	[sflag:s23] =	ssyncadd.s32 $0xFFFFD800  }
0x77: {  	v0 =	vld [tilespmem:s26+$0x200];
	_ =	sdelay $0x4  }
0x78: {  	v1 =	vand.u32 $0x3FFF, v0  }
0x79: {  	v0 =	vshrl.u32 v0, $0xE;
	[tilespmem:$0x4080] =	vst v1  }
0x7a: {  	[tilespmem:$0x4200] =	vst v0  }
0x7b: {  	v0 =	vld [tilespmem:s26+$0x210];
	_ =	sdelay $0x4  }
0x7c: {  	v1 =	vand.u32 $0x3FFF, v0  }
0x7d: {  	v0 =	vshrl.u32 v0, $0xE;
	[tilespmem:$0x4090] =	vst v1  }
0x7e: {  	[tilespmem:$0x4210] =	vst v0  }
0x7f: {  	v0 =	vld [tilespmem:s26+$0x220];
	_ =	sdelay $0x4  }
0x80: {  	v1 =	vand.u32 $0x3FFF, v0  }
0x81: {  	v0 =	vshrl.u32 v0, $0xE;
	[tilespmem:$0x40A0] =	vst v1  }
0x82: {  	[tilespmem:$0x4220] =	vst v0  }
0x83: {  	v0 =	vld [tilespmem:s26+$0x230];
	_ =	sdelay $0x4  }
0x84: {  	s28 =	simm.s32 $0x600;
	v1 =	vand.u32 $0x3FFF, v0;
	v0 =	vshrl.u32 v0, $0xE  }
.LBB2_2:
0x85: {  	p0 =	sne.s32 s28, $0xF000;
	[tilespmem:$0x40B0] =	vst v1;
	s29 =	smov.u32 s28;
	s28 =	sadd.s32 $0x600, s28  }
0x86: {  	[tilespmem:$0x4230] =	vst v0  }
0x87: {  	v0 =	vld [tilespmem:s26+$0x240];
	_ =	sdelay $0x4  }
0x88: {  	v1 =	vand.u32 $0x3FFF, v0;
	v0 =	vshrl.u32 v0, $0xE  }
0x89: {  	[tilespmem:$0x40C0] =	vst v1  }
0x8a: {  	[tilespmem:$0x4240] =	vst v0  }
0x8b: {  	[tilespmem:s16], [sflag:$0x2] =	stream.indirect.gather [hbm4b:s5+s12], $0x80, s15, s12, $0xb8;
	[tilespmem:$0x1FB00] =	vst v63  }
0x8c: {  	_ = 	snop  }
0x8d: {  	[spmem:s2] =	stream.indirect.scatter.add.f32 [tilespmem:s19], [sflag:$0x4], $0x80, s24, s12, $0xb8;
	[tilespmem:$0x1FB00] =	vst v63  }
0x8e: {  	_ =	swait.ge [sflag:s11], $0x2800  }
0x8f: {  	[sflag:s11] =	ssyncset.done $0x0  }
0x90: {  	[sflag:s11] =	ssyncadd.s32 $0xFFFFD800  }
0x91: {  	_ =	swait.ge [sflag:s17], $0x2800  }
0x92: {  	[sflag:s17] =	ssyncset.done $0x0  }
0x93: {  	s26 =	sshra.s32 s29, $0x2;
	[sflag:s17] =	ssyncadd.s32 $0xFFFFD800  }
0x94: {  	v0 =	vld [tilespmem:s26+$0x100];
	_ =	sdelay $0x4  }
0x95: {  	v1 =	vand.u32 $0x3FFF, v0;
	v0 =	vshrl.u32 v0, $0xE  }
0x96: {  	[tilespmem:$0x4100] =	vst v1  }
0x97: {  	[tilespmem:$0x4280] =	vst v0  }
0x98: {  	v0 =	vld [tilespmem:s26+$0x110];
	_ =	sdelay $0x4  }
0x99: {  	v1 =	vand.u32 $0x3FFF, v0;
	v0 =	vshrl.u32 v0, $0xE  }
0x9a: {  	[tilespmem:$0x4110] =	vst v1  }
0x9b: {  	[tilespmem:$0x4290] =	vst v0  }
0x9c: {  	v0 =	vld [tilespmem:s26+$0x120];
	_ =	sdelay $0x4  }
0x9d: {  	v1 =	vand.u32 $0x3FFF, v0;
	v0 =	vshrl.u32 v0, $0xE  }
0x9e: {  	[tilespmem:$0x4120] =	vst v1  }
0x9f: {  	[tilespmem:$0x42A0] =	vst v0  }
0xa0: {  	v0 =	vld [tilespmem:s26+$0x130];
	_ =	sdelay $0x4  }
0xa1: {  	v1 =	vand.u32 $0x3FFF, v0;
	v0 =	vshrl.u32 v0, $0xE  }
0xa2: {  	[tilespmem:$0x4130] =	vst v1  }
0xa3: {  	[tilespmem:$0x42B0] =	vst v0  }
0xa4: {  	v0 =	vld [tilespmem:s26+$0x140];
	_ =	sdelay $0x4  }
0xa5: {  	v1 =	vand.u32 $0x3FFF, v0;
	v0 =	vshrl.u32 v0, $0xE  }
0xa6: {  	[tilespmem:$0x4140] =	vst v1  }
0xa7: {  	[tilespmem:$0x42C0] =	vst v0  }
0xa8: {  	[tilespmem:s19], [sflag:$0x3] =	stream.indirect.gather [hbm4b:s5+s12], $0x80, s18, s12, $0xb8;
	[tilespmem:$0x1FB00] =	vst v63  }
0xa9: {  	_ = 	snop  }
0xaa: {  	[spmem:s2] =	stream.indirect.scatter.add.f32 [tilespmem:s14], [sflag:$0x4], $0x80, s20, s12, $0xb8;
	[tilespmem:$0x1FB00] =	vst v63  }
0xab: {  	_ =	swait.ge [sflag:s11], $0x2800  }
0xac: {  	[sflag:s11] =	ssyncset.done $0x0  }
0xad: {  	[sflag:s11] =	ssyncadd.s32 $0xFFFFD800  }
0xae: {  	_ =	swait.ge [sflag:s21], $0x2800  }
0xaf: {  	[sflag:s21] =	ssyncset.done $0x0  }
0xb0: {  	[sflag:s21] =	ssyncadd.s32 $0xFFFFD800  }
0xb1: {  	v0 =	vld [tilespmem:s26+$0x180];
	_ =	sdelay $0x4  }
0xb2: {  	v1 =	vand.u32 $0x3FFF, v0;
	v0 =	vshrl.u32 v0, $0xE  }
0xb3: {  	[tilespmem:$0x4000] =	vst v1  }
0xb4: {  	[tilespmem:$0x4180] =	vst v0  }
0xb5: {  	v0 =	vld [tilespmem:s26+$0x190];
	_ =	sdelay $0x4  }
0xb6: {  	v1 =	vand.u32 $0x3FFF, v0;
	v0 =	vshrl.u32 v0, $0xE  }
0xb7: {  	[tilespmem:$0x4010] =	vst v1  }
0xb8: {  	[tilespmem:$0x4190] =	vst v0  }
0xb9: {  	v0 =	vld [tilespmem:s26+$0x1A0];
	_ =	sdelay $0x4  }
0xba: {  	v1 =	vand.u32 $0x3FFF, v0;
	v0 =	vshrl.u32 v0, $0xE  }
0xbb: {  	[tilespmem:$0x4020] =	vst v1  }
0xbc: {  	[tilespmem:$0x41A0] =	vst v0  }
0xbd: {  	v0 =	vld [tilespmem:s26+$0x1B0];
	_ =	sdelay $0x4  }
0xbe: {  	v1 =	vand.u32 $0x3FFF, v0;
	v0 =	vshrl.u32 v0, $0xE  }
0xbf: {  	[tilespmem:$0x4030] =	vst v1  }
0xc0: {  	[tilespmem:$0x41B0] =	vst v0  }
0xc1: {  	v0 =	vld [tilespmem:s26+$0x1C0];
	_ =	sdelay $0x4  }
0xc2: {  	v1 =	vand.u32 $0x3FFF, v0;
	v0 =	vshrl.u32 v0, $0xE  }
0xc3: {  	[tilespmem:$0x4040] =	vst v1  }
0xc4: {  	[tilespmem:$0x41C0] =	vst v0  }
0xc5: {  	[tilespmem:s14], [sflag:$0x1] =	stream.indirect.gather [hbm4b:s5+s12], $0x80, s13, s12, $0xb8;
	[tilespmem:$0x1FB00] =	vst v63  }
0xc6: {  	_ = 	snop  }
0xc7: {  	[spmem:s2] =	stream.indirect.scatter.add.f32 [tilespmem:s16], [sflag:$0x4], $0x80, s22, s12, $0xb8;
	[tilespmem:$0x1FB00] =	vst v63  }
0xc8: {  	_ =	swait.ge [sflag:s11], $0x2800  }
0xc9: {  	[sflag:s11] =	ssyncset.done $0x0  }
0xca: {  	[sflag:s11] =	ssyncadd.s32 $0xFFFFD800  }
0xcb: {  	_ =	swait.ge [sflag:s23], $0x2800  }
0xcc: {  	[sflag:s23] =	ssyncset.done $0x0  }
0xcd: {  	[sflag:s23] =	ssyncadd.s32 $0xFFFFD800  }
0xce: {  	v0 =	vld [tilespmem:s26+$0x200];
	_ =	sdelay $0x4  }
0xcf: {  	v1 =	vand.u32 $0x3FFF, v0;
	v0 =	vshrl.u32 v0, $0xE  }
0xd0: {  	[tilespmem:$0x4080] =	vst v1  }
0xd1: {  	[tilespmem:$0x4200] =	vst v0  }
0xd2: {  	v0 =	vld [tilespmem:s26+$0x210];
	_ =	sdelay $0x4  }
0xd3: {  	v1 =	vand.u32 $0x3FFF, v0;
	v0 =	vshrl.u32 v0, $0xE  }
0xd4: {  	[tilespmem:$0x4090] =	vst v1  }
0xd5: {  	[tilespmem:$0x4210] =	vst v0  }
0xd6: {  	v0 =	vld [tilespmem:s26+$0x220];
	_ =	sdelay $0x4  }
0xd7: {  	v1 =	vand.u32 $0x3FFF, v0;
	v0 =	vshrl.u32 v0, $0xE  }
0xd8: {  	[tilespmem:$0x40A0] =	vst v1  }
0xd9: {  	[tilespmem:$0x4220] =	vst v0  }
0xda: {  	v0 =	vld [tilespmem:s26+$0x230]  }
.Ltmp0:
0xdb: {  	(pc) =	sbr.rel @p0 .LBB2_2-.Ltmp0, $2  }
0xdc: {  	_ =	sdelay $0x2  }
0xdd: {  	v1 =	vand.u32 $0x3FFF, v0;
	v0 =	vshrl.u32 v0, $0xE  }
0xde: {  	[tilespmem:$0x40B0] =	vst v1  }
0xdf: {  	[tilespmem:$0x4230] =	vst v0  }
0xe0: {  	v0 =	vld [tilespmem:s26+$0x240];
	_ =	sdelay $0x4  }
0xe1: {  	v51 =	vand.u32 $0x3FFF, v0  }
0xe2: {  	v0 =	vshrl.u32 v0, $0xE;
	[tilespmem:$0x40C0] =	vst v51  }
0xe3: {  	[tilespmem:$0x4240] =	vst v0  }
0xe4: {  	[tilespmem:s16], [sflag:$0x2] =	stream.indirect.gather [hbm4b:s5+s12], $0x80, s15, s12, $0xb8;
	[tilespmem:$0x1FB00] =	vst v63  }
0xe5: {  	_ = 	snop  }
0xe6: {  	[spmem:s2] =	stream.indirect.scatter.add.f32 [tilespmem:s19], [sflag:$0x4], $0x80, s24, s12, $0xb8;
	[tilespmem:$0x1FB00] =	vst v63  }
0xe7: {  	_ =	swait.ge [sflag:s11], $0x2800  }
0xe8: {  	[sflag:s11] =	ssyncset.done $0x0  }
0xe9: {  	[sflag:s11] =	ssyncadd.s32 $0xFFFFD800  }
0xea: {  	_ =	swait.ge [sflag:s17], $0x2800  }
0xeb: {  	[sflag:s17] =	ssyncset.done $0x0  }
0xec: {  	[sflag:s17] =	ssyncadd.s32 $0xFFFFD800  }
0xed: {  	v52 =	vld [tilespmem:$0x3E80];
	_ =	sdelay $0x1  }
0xee: {  	v53 =	vld [tilespmem:$0x3E90];
	_ =	sdelay $0x1  }
0xef: {  	v2 =	vld [tilespmem:$0x3EA0]  }
0xf0: {  	v3 =	vand.u32 $0x3FFF, v52  }
0xf1: {  	v54 =	vld [tilespmem:$0x3EB0];
	v0 =	vshrl.u32 v52, $0xE;
	[tilespmem:$0x4100] =	vst v3  }
0xf2: {  	v55 =	vand.u32 $0x3FFF, v53;
	[tilespmem:$0x4280] =	vst v0  }
0xf3: {  	v57 =	vld [tilespmem:$0x3EC0];
	v56 =	vshrl.u32 v53, $0xE;
	[tilespmem:$0x4110] =	vst v55  }
0xf4: {  	v58 =	vand.u32 $0x3FFF, v2;
	[tilespmem:$0x4290] =	vst v56  }
0xf5: {  	v59 =	vshrl.u32 v2, $0xE;
	[tilespmem:$0x4120] =	vst v58  }
0xf6: {  	v60 =	vand.u32 $0x3FFF, v54;
	[tilespmem:$0x42A0] =	vst v59  }
0xf7: {  	v61 =	vshrl.u32 v54, $0xE;
	[tilespmem:$0x4130] =	vst v60  }
0xf8: {  	v62 =	vand.u32 $0x3FFF, v57;
	[tilespmem:$0x42B0] =	vst v61  }
0xf9: {  	v63 =	vshrl.u32 v57, $0xE;
	[tilespmem:$0x4140] =	vst v62  }
0xfa: {  	[tilespmem:$0x42C0] =	vst v63  }
0xfb: {  	[tilespmem:s19], [sflag:$0x3] =	stream.indirect.gather [hbm4b:s5+s12], $0x80, s18, s12, $0xb8;
	[tilespmem:$0x1FB00] =	vst v63  }
0xfc: {  	_ = 	snop  }
0xfd: {  	[spmem:s2] =	stream.indirect.scatter.add.f32 [tilespmem:s14], [sflag:$0x4], $0x80, s20, s12, $0xb8;
	[tilespmem:$0x1FB00] =	vst v63  }
0xfe: {  	_ =	swait.ge [sflag:s11], $0x2800  }
0xff: {  	[sflag:s11] =	ssyncset.done $0x0  }
0x100: {  	[sflag:s11] =	ssyncadd.s32 $0xFFFFD800  }
0x101: {  	_ =	swait.ge [sflag:s21], $0x2800  }
0x102: {  	[sflag:s21] =	ssyncset.done $0x0  }
0x103: {  	[sflag:s21] =	ssyncadd.s32 $0xFFFFD800  }
0x104: {  	[spmem:s2] =	stream.indirect.scatter.add.f32 [tilespmem:s16], [sflag:$0x4], $0x80, s22, s12, $0xb8;
	[tilespmem:$0x1FB00] =	vst v63  }
0x105: {  	_ =	swait.ge [sflag:s11], $0x2800  }
0x106: {  	[sflag:s11] =	ssyncset.done $0x0  }
0x107: {  	[sflag:s11] =	ssyncadd.s32 $0xFFFFD800  }
0x108: {  	_ =	swait.ge [sflag:s23], $0x2800  }
0x109: {  	[sflag:s23] =	ssyncset.done $0x0  }
0x10a: {  	[sflag:s23] =	ssyncadd.s32 $0xFFFFD800  }
0x10b: {  	[spmem:s2] =	stream.indirect.scatter.add.f32 [tilespmem:s19], [sflag:$0x4], $0x80, s24, s12, $0xb8;
	[tilespmem:$0x1FB00] =	vst v63  }
0x10c: {  	_ =	swait.ge [sflag:s11], $0x2800  }
0x10d: {  	s25 =	sadd.s32 $0x1, s25;
	[sflag:s11] =	ssyncset.done $0x0  }
0x10e: {  	p0 =	sne.s32 s25, s9;
	[sflag:s11] =	ssyncadd.s32 $0xFFFFD800  }
.Ltmp1:
0x10f: {  	[bflag:$0x0] =	sbarrier.arrive $0xFFFF;
	(pc) =	sbr.rel @p0 .LBB2_1-.Ltmp1, $4  }
0x110: {  	[hbm:s8], [sflag:s6] =	dma.local [spmem:s10], $0x2800  }
0x111: {  	_ =	swait.ge [sflag:s11], $0x2800  }
0x112: {  	[sflag:s11] =	ssyncset.done $0x0  }
0x113: {  	[sflag:s11] =	ssyncadd.s32 $0xFFFFD800  }
0x114: {  	_ =	sfence.sel $0x180000  }
0x115: {  	[bflag:$0x0] =	sbarrier.arrive $0xFFFF  }
0x116: {  	p0 =	sne.s32 s3, $0x0;
	_ =	strace $0x9000004A  }
0x117: {  	s0 =	sadd.s32 @!p0 $0x100000, s0;
	[bflag:$0x2] =	sbarrier.arrive $0xFFFF  }
0x118: {  	[sflag:s0] =	ssyncadd.tile.s32 @!p0 $0x1;
	_ =	shalt  }
.Lfunc_end2:
_tile_overlayer_lowered:
.L_overlay_start_2:
0x119: {  	(tag) =	ssettag $0x2  }
0x11a: {  	s0 =	rddreg [dreg:$0x0];
	s2 =	stileid.u32  }
0x11b: {  	s1 =	rddreg [dreg:$0x1];
	p0 =	sne.s32 s2, $0x0  }
0x11c: {  	s3 =	rddreg [dreg:$0x2];
	[bflag:$0x3] =	sbarrier.arrive $0xFFFF;
	s2 =	simm.s32 @!p0 $0x1C04  }
0x11d: {  	[timem:s3], [sflag:s2] =	dma.local @!p0 [hbm:s0], s1  }
0x11e: {  	s0 =	simm.s32 @!p0 $0x4  }
0x11f: {  	_ =	swait.ge @!p0 [sflag:s0], s1  }
0x120: {  	s1 =	ssub.s32 @!p0 $0x0, s1;
	[sflag:s0] =	ssyncset.done @!p0 $0x0  }
0x121: {  	[sflag:s0] =	ssyncadd.s32 @!p0 s1  }
0x122: {  	[bflag:$0x3] =	sbarrier.arrive $0xFFFF  }
0x123: {  	_ =	shalt  }

// kernel: kernel.14.cloned.1.call-start
scs
__scs_entry_jumppad:
0x0: {  	(pc) =	sbr.rel $0x88, $3  }
0x1: {  	(tag) =	ssettag $0x0;
	lr =	simm.s32 $0x1  }
0x2: {  	[smem:$0x3F96] =	sst lr;
	_ =	strace $0xD0000000  }
0x3: {  	_ = 	snop  }
0x4: {  	_ = 	snop  }
0x5: {  	_ = 	snop  }
0x6: {  	_ = 	snop  }
0x7: {  	_ = 	snop  }
__scs_overlays_trampoline_lowered:
0x8: {  	[smem:$0x3FA5] =	sst s0  }
0x9: {  	[smem:$0x3FA6] =	sst s1  }
0xa: {  	[smem:$0x3FA7] =	sst s2  }
0xb: {  	[smem:$0x3FA8] =	sst s3  }
0xc: {  	[smem:$0x3FA9] =	sst s4  }
0xd: {  	[smem:$0x3FAA] =	sst s5  }
0xe: {  	[smem:$0x3FAB] =	sst s6  }
0xf: {  	[smem:$0x3FAC] =	sst s7  }
0x10: {  	[smem:$0x3FAD] =	sst s8  }
0x11: {  	[smem:$0x3FAE] =	sst s9;
	s0 =	simm.s32 @!p0 $0x0  }
0x12: {  	s1 =	sld [smem:$0x3F94];
	s0 =	simm.s32 @p0 $0x1  }
0x13: {  	[smem:$0x3FAF] =	sst s0;
	s0 =	simm.s32 @!p1 $0x0  }
0x14: {  	s2 =	sld [smem:$0x3F93];
	s0 =	simm.s32 @p1 $0x1  }
0x15: {  	[smem:$0x3FB0] =	sst s0;
	s0 =	simm.s32 @!p2 $0x0  }
0x16: {  	s3 =	sld [smem:$0x3FDB];
	s0 =	simm.s32 @p2 $0x1  }
0x17: {  	s4 =	simm.s32 $0x1BF5;
	[smem:$0x3FB2] =	sst s0  }
0x18: {  	s0 =	sld [smem:$0x3F95];
	_ =	swait.ge [sflag:s4], $0x0  }
0x19: {  	s7 =	sld [smem:$0x3F96]  }
0x1a: {  	s8 =	sadd.s32 $0xFFFFE003, lr  }
0x1b: {  	s9 =	sadd.s32 $0xFFFFFEF7, lr;
	s5 =	simm.s32 $0xFFFFFFFF;
	p2 =	slt.u32 s8, $0xFFFFF086  }
0x1c: {  	p1 =	slt.u32 s9, $0xF7A;
	s5 =	simm.s32 @!p2 $0x0  }
0x1d: {  	s5 =	simm.s32 @p1 $0x1;
	p0 =	seq.s32 s7, s2  }
0x1e: {  	s7 =	smul.u32 @!p0 $0xF7A, s2;
	p2 =	seq.s32 @!p0 s5, $0x0  }
0x1f: {  	s9 =	smul.u32 $0xF7A, s1;
	s8 =	simm.s32 @!p0 $0x1BF5;
	p2 =	por !p2, p0  }
0x20: {  	[sflag:s8] =	ssyncset.s32 @!p0 $0xFFFFF086;
	s6 =	sadd.s32 @!p0 s3, s7;
	s7 =	simm.s32 @!p0 $0x108  }
0x21: {  	s3 =	sadd.s32 s3, s9;
	s6 =	sadd.s32 @!p0 $0x88, s6;
	s7 =	simm.s32 @p2 $0x1082  }
0x22: {  	[simem:s7], [sflag:s8] =	dma.local @!p0 [hbm:s6], $0xF7A  }
0x23: {  	s9 =	sor.u32 $0xD0000000, s2;
	s6 =	simm.s32 $0x108;
	_ =	swait.ge @!p0 [sflag:s8], $0x0  }
0x24: {  	s3 =	sadd.s32 $0x88, s3;
	s6 =	simm.s32 @!p1 $0x1082;
	[sflag:s4] =	ssyncset.s32 $0xFFFFF086  }
0x25: {  	[simem:s6], [sflag:s4] =	dma.local [hbm:s3], $0xF7A  }
0x26: {  	[smem:$0x3F96] =	sst s1;
	(tag) =	ssettag s2;
	_ =	strace s9  }
0x27: {  	s1 =	sld [smem:$0x3FA6]  }
0x28: {  	s2 =	sld [smem:$0x3FA7]  }
0x29: {  	s4 =	sld [smem:$0x3FA9]  }
0x2a: {  	p0 =	seq.s32 s5, $0x0;
	s5 =	sld [smem:$0x3FAA]  }
0x2b: {  	s6 =	sld [smem:$0x3FAB]  }
0x2c: {  	s7 =	sld [smem:$0x3FAC]  }
0x2d: {  	s3 =	simm.s32 $0x108;
	s8 =	sld [smem:$0x3FAD]  }
0x2e: {  	s3 =	simm.s32 @!p0 $0x1082;
	s9 =	sld [smem:$0x3FAE]  }
0x2f: {  	lr =	sadd.s32 s0, s3;
	s0 =	sld [smem:$0x3FA5]  }
0x30: {  	s3 =	sld [smem:$0x3FA8]  }
0x31: {  	[smem:$0x3FB1] =	sst s10  }
0x32: {  	s10 =	sld [smem:$0x3FAF];
	_ =	sdelay $0x3  }
0x33: {  	p0 =	seq.s32 s10, $0x1;
	s10 =	sld [smem:$0x3FB1];
	_ =	sdelay $0x3  }
0x34: {  	[smem:$0x3FB1] =	sst s10  }
0x35: {  	s10 =	sld [smem:$0x3FB0];
	_ =	sdelay $0x3  }
0x36: {  	p1 =	seq.s32 s10, $0x1;
	s10 =	sld [smem:$0x3FB1];
	_ =	sdelay $0x3  }
0x37: {  	[smem:$0x3FB1] =	sst s10  }
0x38: {  	s10 =	sld [smem:$0x3FB2]  }
0x39: {  	_ = 	snop;
	(pc) =	sbr.ind lr, $3  }
0x3a: {  	_ = 	snop  }
0x3b: {  	_ = 	snop  }
0x3c: {  	p2 =	seq.s32 s10, $0x1;
	s10 =	sld [smem:$0x3FB1]  }
0x3d: {  	_ =	shalt  }
0x3e: {  	_ =	shalt  }
0x3f: {  	_ =	shalt  }
0x40: {  	_ =	shalt  }
0x41: {  	_ =	shalt  }
0x42: {  	_ =	shalt  }
0x43: {  	_ =	shalt  }
0x44: {  	_ =	shalt  }
0x45: {  	_ =	shalt  }
0x46: {  	_ =	shalt  }
0x47: {  	_ =	shalt  }
0x48: {  	_ =	shalt  }
0x49: {  	_ =	shalt  }
0x4a: {  	_ =	shalt  }
0x4b: {  	_ =	shalt  }
0x4c: {  	_ =	shalt  }
0x4d: {  	_ =	shalt  }
0x4e: {  	_ =	shalt  }
0x4f: {  	_ =	shalt  }
0x50: {  	_ =	shalt  }
0x51: {  	_ =	shalt  }
0x52: {  	_ =	shalt  }
0x53: {  	_ =	shalt  }
0x54: {  	_ =	shalt  }
0x55: {  	_ =	shalt  }
0x56: {  	_ =	shalt  }
0x57: {  	_ =	shalt  }
0x58: {  	_ =	shalt  }
0x59: {  	_ =	shalt  }
0x5a: {  	_ =	shalt  }
0x5b: {  	_ =	shalt  }
0x5c: {  	_ =	shalt  }
0x5d: {  	_ =	shalt  }
0x5e: {  	_ =	shalt  }
0x5f: {  	_ =	shalt  }
0x60: {  	_ =	shalt  }
0x61: {  	_ =	shalt  }
0x62: {  	_ =	shalt  }
0x63: {  	_ =	shalt  }
0x64: {  	_ =	shalt  }
0x65: {  	_ =	shalt  }
0x66: {  	_ =	shalt  }
0x67: {  	_ =	shalt  }
0x68: {  	_ =	shalt  }
0x69: {  	_ =	shalt  }
0x6a: {  	_ =	shalt  }
0x6b: {  	_ =	shalt  }
0x6c: {  	_ =	shalt  }
0x6d: {  	_ =	shalt  }
0x6e: {  	_ =	shalt  }
0x6f: {  	_ =	shalt  }
0x70: {  	_ =	shalt  }
0x71: {  	_ =	shalt  }
0x72: {  	_ =	shalt  }
0x73: {  	_ =	shalt  }
0x74: {  	_ =	shalt  }
0x75: {  	_ =	shalt  }
0x76: {  	_ =	shalt  }
0x77: {  	_ =	shalt  }
0x78: {  	_ =	shalt  }
0x79: {  	_ =	shalt  }
0x7a: {  	_ =	shalt  }
0x7b: {  	_ =	shalt  }
0x7c: {  	_ =	shalt  }
0x7d: {  	_ =	shalt  }
0x7e: {  	_ =	shalt  }
0x7f: {  	_ =	shalt  }
0x80: {  	_ =	shalt  }
0x81: {  	_ =	shalt  }
0x82: {  	_ =	shalt  }
0x83: {  	_ =	shalt  }
0x84: {  	_ =	shalt  }
0x85: {  	_ =	shalt  }
0x86: {  	_ =	shalt  }
0x87: {  	_ =	shalt  }
.Lfunc_end0:
.L_simem_size_0:
called_computation.2_lowered:
.L_overlay_start_0:
0x88: {  	s2 =	sld [smem:$0x3FD9]  }
0x89: {  	s3 =	sld [smem:$0x3FFE];
	_ =	sdelay $0x1  }
0x8a: {  	s1 =	srdreg.scid  }
0x8b: {  	s0 =	sand.u32 $0x1, s1  }
0x8c: {  	s17 =	sshll.u32 s0, $0xA;
	s2 =	sadd.s32 s3, s2  }
0x8d: {  	s2 =	sadd.s32 s2, s17  }
0x8e: {  	[smem:$0x3FBD] =	sst s2  }
0x8f: {  	_ = 	snop  }
0x90: {  	s2 =	sld [smem:$0x3FD0];
	(tm) =	ssettm $0x1  }
0x91: {  	s18 =	sld [smem:$0x3FFB];
	_ =	sdelay $0x3  }
0x92: {  	_ =	strace s18  }
0x93: {  	s3 =	sld [smem:$0x3FFC];
	_ =	sdelay $0x3  }
0x94: {  	_ =	strace s3  }
0x95: {  	s3 =	sld [smem:$0x3FFD];
	_ =	sdelay $0x3  }
0x96: {  	_ =	strace s3  }
0x97: {  	_ =	strace $0x8FFFFFFF  }
0x98: {  	s19 =	sld [smem:$0x3FDB];
	_ =	sdelay $0x1  }
0x99: {  	s4 =	simm.s32 $_scs_section_size  }
0x9a: {  	s5 =	simm.s32 $_size__tile_overlayer_lowered;
	s6 =	simm.s32 $_tile_overlayer_lowered  }
0x9b: {  	s22 =	simm.s32 $0x1BFF;
	s21 =	sshll.u32 s6, $0x1;
	s3 =	sadd.s32 s4, s19  }
0x9c: {  	s7 =	simm.s32 $0x0;
	s20 =	sshll.u32 s5, $0x1;
	s5 =	sadd.s32 s21, s3  }
0x9d: {  	[timem:s7], [sflag:s22] =	dma.local [hbm:s5], s20  }
0x9e: {  	_ =	swait.ge [sflag:s22], s20  }
0x9f: {  	s4 =	ssub.s32 $0x0, s20;
	[sflag:s22] =	ssyncset.done $0x0  }
0xa0: {  	[sflag:s22] =	ssyncadd.s32 s4;
	_ =	sdelay $0x1  }
0xa1: {  	s23 =	simm.s32 $0x1B8B  }
0xa2: {  	_ =	swait.ge [sflag:s23], $0x1  }
0xa3: {  	[sflag:s23] =	ssyncset.done $0x0  }
0xa4: {  	s25 =	simm.s32 $0x1B8E;
	s24 =	sld [smem:$0x3FFE];
	[sflag:s23] =	ssyncadd.s32 $0xFFFFFFFF  }
0xa5: {  	s26 =	simm.s32 $execute0_lowered;
	[smem:$0x3FD2] =	sst s25  }
0xa6: {  	s5 =	sshll.u32 s26, $0x1;
	_ =	strace $0x8000004C;
	[dreg:$0x1] =	wrdreg $0xFFFFFFFF  }
0xa7: {  	s28 =	simm.s32 $_size_execute0_lowered;
	s3 =	sadd.s32 s3, s5;
	[dreg:$0x0] =	wrdreg $0x0  }
0xa8: {  	s5 =	sshll.u32 s28, $0x1;
	[dreg:$0x2] =	wrdreg s3  }
0xa9: {  	[dreg:$0x3] =	wrdreg s5  }
0xaa: {  	[dreg:$0x4] =	wrdreg $0xC0  }
0xab: {  	_ =	task [dreg:s7], $0x5FFFF  }
0xac: {  	[dreg:$0x1] =	wrdreg $0xFFFFFFFF  }
0xad: {  	[dreg:$0x0] =	wrdreg $0x60  }
0xae: {  	[dreg:$0x2] =	wrdreg s24  }
0xaf: {  	[dreg:$0x3] =	wrdreg s2  }
0xb0: {  	[dreg:$0x4] =	wrdreg $0xBB000  }
0xb1: {  	[dreg:$0x5] =	wrdreg $0x9  }
0xb2: {  	_ =	task.clear_ibuf [dreg:s7], $0x6FFFF;
	_ =	strace $0x9000004C  }
0xb3: {  	s29 =	simm.s32 $0x9;
	_ =	strace $0x8000004E  }
0xb4: {  	_ =	swait.ge [sflag:s29], $0x1  }
0xb5: {  	[sflag:s29] =	ssyncadd.s32 $0xFFFFFFFF  }
0xb6: {  	_ =	strace $0x9000004E  }
0xb7: {  	_ =	sfence  }
0xb8: {  	s30 =	sld [smem:$0x0];
	_ =	sdelay $0x2  }
0xb9: {  	s31 =	sshll.u32 s1, $0xD;
	s1 =	sshrl.u32 s1, $0x2  }
0xba: {  	s3 =	sand.u32 $0x4000, s31;
	s1 =	sadd.s32 s1, s30  }
0xbb: {  	s0 =	sor.u32 s3, s0;
	s1 =	sshll.u32 s1, $0x11  }
0xbc: {  	s0 =	sor.u32 s1, s0  }
0xbd: {  	s0 =	sadd.s32 $0x8F2B, s0  }
0xbe: {  	[sflag:s0] =	ssyncadd.remote.s32 $0x1  }
0xbf: {  	_ =	sfence.sel $0xFFFF  }
0xc0: {  	[dreg:$0x0] =	wrdreg $0xFFFFFFFF;
	(pc) =	sbr.abs _section_cstart, $3  }
0xc1: {  	[dreg:$0x1] =	wrdreg $0xFFFFFFFF  }
0xc2: {  	_ =	task.clear_ibuf [dreg:s7], $0x2FFFF;
	_ =	strace $0x9FFFFFFF  }
0xc3: {  	(tm) =	ssettm $0x7FFFFFFF  }
tec
execute0_lowered:
.L_overlay_start_1:
0x0: {  	(tag) =	ssettag $0x1  }
0x1: {  	s6 =	rddreg [dreg:$0x0]  }
0x2: {  	s1 =	rddreg [dreg:$0x1]  }
0x3: {  	s2 =	rddreg [dreg:$0x2]  }
0x4: {  	s3 =	srdreg.scid;
	s0 =	rddreg [dreg:$0x3]  }
0x5: {  	s4 =	simm.s32 $0x0;
	s13 =	simm.s32 $0x4000;
	s14 =	simm.s32 $0x4300  }
0x6: {  	s15 =	simm.s32 $0x4080;
	s16 =	simm.s32 $0x6B00;
	s17 =	simm.s32 $0x1  }
0x7: {  	s18 =	simm.s32 $0x4100;
	s19 =	simm.s32 $0x9300;
	s20 =	simm.s32 $0x4180  }
0x8: {  	s21 =	simm.s32 $0x2;
	s22 =	simm.s32 $0x4200;
	s23 =	simm.s32 $0x3  }
0x9: {  	s24 =	simm.s32 $0x4280;
	s7 =	sand.u32 $0x1, s3;
	s3 =	stileid.u32  }
0xa: {  	s25 =	simm.s32 $0x0;
	[smem:$0x7FF] =	sst s4;
	s8 =	smul.u32 $0x140000, s7  }
0xb: {  	s5 =	sshll.u32 s3, $0xB;
	s9 =	smul.u32 $0x14000, s3;
	_ =	strace $0x8000004D  }
0xc: {  	s28 =	ssub.s32 $0x2, s7;
	s12 =	smul.u32 $0x50000, s3;
	s29 =	sshll.u32 s7, $0xF  }
0xd: {  	s31 =	sshll.u32 s3, $0x6;
	s10 =	sadd.s32 s5, s6;
	s11 =	sshrl.u32 s28, $0x1  }
0xe: {  	s5 =	sadd.s32 $0x14000, s6;
	s8 =	sadd.s32 s9, s8;
	s9 =	ssub.s32 s28, s11  }
0xf: {  	s30 =	sshrl.u32 s12, $0x2;
	s10 =	sadd.s32 s29, s10;
	s11 =	simm.s32 $0x4  }
0x10: {  	s8 =	sshrl.u32 s8, $0x3;
	s12 =	sadd.s32 s30, s2;
	s7 =	sadd.s32 $0x4000, s10  }
0x11: {  	s9 =	smax.u32 s9, $0x1;
	s8 =	sadd.s32 s8, s6;
	s6 =	sor.u32 $0x1C04, s31  }
0x12: {  	s10 =	sshrl.u32 s12, $0x3;
	s12 =	simm.s32 $0x50;
	s8 =	sadd.s32 $0x3C000, s8  }
.LBB2_1:
0x13: {  	[spmem:s10], [sflag:s6] =	dma.local [hbm:s1], $0x2800  }
0x14: {  	_ =	swait.ge [sflag:s11], $0x2800  }
0x15: {  	[sflag:s11] =	ssyncset.done $0x0  }
0x16: {  	[sflag:s11] =	ssyncadd.s32 $0xFFFFD800  }
0x17: {  	[tilespmem:s4], [sflag:$0x4] =	stream.linear.gather [hbm4b:s7+s4], $0x3F00, $0x38;
	[tilespmem:$0x1FB00] =	vst v63  }
0x18: {  	_ =	swait.ge [sflag:s11], $0x3F00  }
0x19: {  	[sflag:s11] =	ssyncset.done $0x0  }
0x1a: {  	[sflag:s11] =	ssyncadd.s32 $0xFFFFC100  }
0x1b: {  	[bflag:$0x0] =	sbarrier.arrive $0xFFFF  }
0x1c: {  	v0 =	vld [tilespmem:$0x0];
	_ =	sdelay $0x1  }
0x1d: {  	v1 =	vld [tilespmem:$0x10];
	_ =	sdelay $0x1  }
0x1e: {  	v2 =	vld [tilespmem:$0x20]  }
0x1f: {  	v3 =	vand.u32 $0x3FFF, v0  }
0x20: {  	v0 =	vshrl.u32 v0, $0xE;
	[tilespmem:$0x4000] =	vst v3;
	v3 =	vld [tilespmem:$0x30]  }
0x21: {  	[tilespmem:$0x4180] =	vst v0;
	v0 =	vand.u32 $0x3FFF, v1  }
0x22: {  	[tilespmem:$0x4010] =	vst v0;
	v0 =	vshrl.u32 v1, $0xE;
	v1 =	vld [tilespmem:$0x40]  }
0x23: {  	[tilespmem:$0x4190] =	vst v0;
	v0 =	vand.u32 $0x3FFF, v2  }
0x24: {  	[tilespmem:$0x4020] =	vst v0;
	v0 =	vshrl.u32 v2, $0xE  }
0x25: {  	[tilespmem:$0x41A0] =	vst v0;
	v0 =	vand.u32 $0x3FFF, v3  }
0x26: {  	[tilespmem:$0x4030] =	vst v0;
	v0 =	vshrl.u32 v3, $0xE  }
0x27: {  	[tilespmem:$0x41B0] =	vst v0;
	v0 =	vand.u32 $0x3FFF, v1  }
0x28: {  	[tilespmem:$0x4040] =	vst v0;
	v0 =	vshrl.u32 v1, $0xE  }
0x29: {  	[tilespmem:$0x41C0] =	vst v0  }
0x2a: {  	[tilespmem:s14], [sflag:$0x1] =	stream.indirect.gather [hbm4b:s5+s12], $0x80, s13, s12, $0xb8;
	[tilespmem:$0x1FB00] =	vst v63  }
0x2b: {  	v0 =	vld [tilespmem:$0x80];
	_ =	sdelay $0x1  }
0x2c: {  	v1 =	vld [tilespmem:$0x90];
	_ =	sdelay $0x1  }
0x2d: {  	v2 =	vld [tilespmem:$0xA0]  }
0x2e: {  	v3 =	vand.u32 $0x3FFF, v0  }
0x2f: {  	v0 =	vshrl.u32 v0, $0xE;
	[tilespmem:$0x4080] =	vst v3;
	v3 =	vld [tilespmem:$0xB0]  }
0x30: {  	[tilespmem:$0x4200] =	vst v0;
	v0 =	vand.u32 $0x3FFF, v1  }
0x31: {  	[tilespmem:$0x4090] =	vst v0;
	v0 =	vshrl.u32 v1, $0xE;
	v1 =	vld [tilespmem:$0xC0]  }
0x32: {  	[tilespmem:$0x4210] =	vst v0;
	v0 =	vand.u32 $0x3FFF, v2  }
0x33: {  	[tilespmem:$0x40A0] =	vst v0;
	v0 =	vshrl.u32 v2, $0xE  }
0x34: {  	[tilespmem:$0x4220] =	vst v0;
	v0 =	vand.u32 $0x3FFF, v3  }
0x35: {  	[tilespmem:$0x40B0] =	vst v0;
	v0 =	vshrl.u32 v3, $0xE  }
0x36: {  	[tilespmem:$0x4230] =	vst v0;
	v0 =	vand.u32 $0x3FFF, v1  }
0x37: {  	[tilespmem:$0x40C0] =	vst v0;
	v0 =	vshrl.u32 v1, $0xE  }
0x38: {  	[tilespmem:$0x4240] =	vst v0  }
0x39: {  	[tilespmem:s16], [sflag:$0x2] =	stream.indirect.gather [hbm4b:s5+s12], $0x80, s15, s12, $0xb8;
	[tilespmem:$0x1FB00] =	vst v63  }
0x3a: {  	_ =	swait.ge [sflag:s17], $0x2800  }
0x3b: {  	[sflag:s17] =	ssyncset.done $0x0  }
0x3c: {  	s26 =	simm.s32 $0x0;
	[sflag:s17] =	ssyncadd.s32 $0xFFFFD800  }
0x3d: {  	v0 =	vld [tilespmem:s26+$0x100];
	_ =	sdelay $0x4  }
0x3e: {  	v1 =	vand.u32 $0x3FFF, v0  }
0x3f: {  	v0 =	vshrl.u32 v0, $0xE;
	[tilespmem:$0x4100] =	vst v1  }
0x40: {  	[tilespmem:$0x4280] =	vst v0  }
0x41: {  	v0 =	vld [tilespmem:s26+$0x110];
	_ =	sdelay $0x4  }
0x42: {  	v1 =	vand.u32 $0x3FFF, v0  }
0x43: {  	v0 =	vshrl.u32 v0, $0xE;
	[tilespmem:$0x4110] =	vst v1  }
0x44: {  	[tilespmem:$0x4290] =	vst v0  }
0x45: {  	v0 =	vld [tilespmem:s26+$0x120];
	_ =	sdelay $0x4  }
0x46: {  	v1 =	vand.u32 $0x3FFF, v0  }
0x47: {  	v0 =	vshrl.u32 v0, $0xE;
	[tilespmem:$0x4120] =	vst v1  }
0x48: {  	[tilespmem:$0x42A0] =	vst v0  }
0x49: {  	v0 =	vld [tilespmem:s26+$0x130];
	_ =	sdelay $0x4  }
0x4a: {  	v1 =	vand.u32 $0x3FFF, v0  }
0x4b: {  	v0 =	vshrl.u32 v0, $0xE;
	[tilespmem:$0x4130] =	vst v1  }
0x4c: {  	[tilespmem:$0x42B0] =	vst v0  }
0x4d: {  	v0 =	vld [tilespmem:s26+$0x140];
	_ =	sdelay $0x4  }
0x4e: {  	v1 =	vand.u32 $0x3FFF, v0  }
0x4f: {  	v0 =	vshrl.u32 v0, $0xE;
	[tilespmem:$0x4140] =	vst v1  }
0x50: {  	[tilespmem:$0x42C0] =	vst v0  }
0x51: {  	[tilespmem:s19], [sflag:$0x3] =	stream.indirect.gather [hbm4b:s5+s12], $0x80, s18, s12, $0xb8;
	[tilespmem:$0x1FB00] =	vst v63  }
0x52: {  	_ = 	snop  }
0x53: {  	[spmem:s2] =	stream.indirect.scatter.add.f32 [tilespmem:s14], [sflag:$0x4], $0x80, s20, s12, $0xb8;
	[tilespmem:$0x1FB00] =	vst v63  }
0x54: {  	_ =	swait.ge [sflag:s11], $0x2800  }
0x55: {  	[sflag:s11] =	ssyncset.done $0x0  }
0x56: {  	[sflag:s11] =	ssyncadd.s32 $0xFFFFD800  }
0x57: {  	_ =	swait.ge [sflag:s21], $0x2800  }
0x58: {  	[sflag:s21] =	ssyncset.done $0x0  }
0x59: {  	[sflag:s21] =	ssyncadd.s32 $0xFFFFD800  }
0x5a: {  	v0 =	vld [tilespmem:s26+$0x180];
	_ =	sdelay $0x4  }
0x5b: {  	v1 =	vand.u32 $0x3FFF, v0  }
0x5c: {  	v0 =	vshrl.u32 v0, $0xE;
	[tilespmem:$0x4000] =	vst v1  }
0x5d: {  	[tilespmem:$0x4180] =	vst v0  }
0x5e: {  	v0 =	vld [tilespmem:s26+$0x190];
	_ =	sdelay $0x4  }
0x5f: {  	v1 =	vand.u32 $0x3FFF, v0  }
0x60: {  	v0 =	vshrl.u32 v0, $0xE;
	[tilespmem:$0x4010] =	vst v1  }
0x61: {  	[tilespmem:$0x4190] =	vst v0  }
0x62: {  	v0 =	vld [tilespmem:s26+$0x1A0];
	_ =	sdelay $0x4  }
0x63: {  	v1 =	vand.u32 $0x3FFF, v0  }
0x64: {  	v0 =	vshrl.u32 v0, $0xE;
	[tilespmem:$0x4020] =	vst v1  }
0x65: {  	[tilespmem:$0x41A0] =	vst v0  }
0x66: {  	v0 =	vld [tilespmem:s26+$0x1B0];
	_ =	sdelay $0x4  }
0x67: {  	v1 =	vand.u32 $0x3FFF, v0  }
0x68: {  	v0 =	vshrl.u32 v0, $0xE;
	[tilespmem:$0x4030] =	vst v1  }
0x69: {  	[tilespmem:$0x41B0] =	vst v0  }
0x6a: {  	v0 =	vld [tilespmem:s26+$0x1C0];
	_ =	sdelay $0x4  }
0x6b: {  	v1 =	vand.u32 $0x3FFF, v0  }
0x6c: {  	v0 =	vshrl.u32 v0, $0xE;
	[tilespmem:$0x4040] =	vst v1  }
0x6d: {  	[tilespmem:$0x41C0] =	vst v0  }
0x6e: {  	[tilespmem:s14], [sflag:$0x1] =	stream.indirect.gather [hbm4b:s5+s12], $0x80, s13, s12, $0xb8;
	[tilespmem:$0x1FB00] =	vst v63  }
0x6f: {  	_ = 	snop  }
0x70: {  	[spmem:s2] =	stream.indirect.scatter.add.f32 [tilespmem:s16], [sflag:$0x4], $0x80, s22, s12, $0xb8;
	[tilespmem:$0x1FB00] =	vst v63  }
0x71: {  	_ =	swait.ge [sflag:s11], $0x2800  }
0x72: {  	[sflag:s11] =	ssyncset.done $0x0  }
0x73: {  	[sflag:s11] =	ssyncadd.s32 $0xFFFFD800  }
0x74: {  	_ =	swait.ge [sflag:s23], $0x2800  }
0x75: {  	[sflag:s23] =	ssyncset.done $0x0  }
0x76: {  	[sflag:s23] =	ssyncadd.s32 $0xFFFFD800  }
0x77: {  	v0 =	vld [tilespmem:s26+$0x200];
	_ =	sdelay $0x4  }
0x78: {  	v1 =	vand.u32 $0x3FFF, v0  }
0x79: {  	v0 =	vshrl.u32 v0, $0xE;
	[tilespmem:$0x4080] =	vst v1  }
0x7a: {  	[tilespmem:$0x4200] =	vst v0  }
0x7b: {  	v0 =	vld [tilespmem:s26+$0x210];
	_ =	sdelay $0x4  }
0x7c: {  	v1 =	vand.u32 $0x3FFF, v0  }
0x7d: {  	v0 =	vshrl.u32 v0, $0xE;
	[tilespmem:$0x4090] =	vst v1  }
0x7e: {  	[tilespmem:$0x4210] =	vst v0  }
0x7f: {  	v0 =	vld [tilespmem:s26+$0x220];
	_ =	sdelay $0x4  }
0x80: {  	v1 =	vand.u32 $0x3FFF, v0  }
0x81: {  	v0 =	vshrl.u32 v0, $0xE;
	[tilespmem:$0x40A0] =	vst v1  }
0x82: {  	[tilespmem:$0x4220] =	vst v0  }
0x83: {  	v0 =	vld [tilespmem:s26+$0x230];
	_ =	sdelay $0x4  }
0x84: {  	s28 =	simm.s32 $0x600;
	v1 =	vand.u32 $0x3FFF, v0;
	v0 =	vshrl.u32 v0, $0xE  }
.LBB2_2:
0x85: {  	p0 =	sne.s32 s28, $0xF000;
	[tilespmem:$0x40B0] =	vst v1;
	s29 =	smov.u32 s28;
	s28 =	sadd.s32 $0x600, s28  }
0x86: {  	[tilespmem:$0x4230] =	vst v0  }
0x87: {  	v0 =	vld [tilespmem:s26+$0x240];
	_ =	sdelay $0x4  }
0x88: {  	v1 =	vand.u32 $0x3FFF, v0;
	v0 =	vshrl.u32 v0, $0xE  }
0x89: {  	[tilespmem:$0x40C0] =	vst v1  }
0x8a: {  	[tilespmem:$0x4240] =	vst v0  }
0x8b: {  	[tilespmem:s16], [sflag:$0x2] =	stream.indirect.gather [hbm4b:s5+s12], $0x80, s15, s12, $0xb8;
	[tilespmem:$0x1FB00] =	vst v63  }
0x8c: {  	_ = 	snop  }
0x8d: {  	[spmem:s2] =	stream.indirect.scatter.add.f32 [tilespmem:s19], [sflag:$0x4], $0x80, s24, s12, $0xb8;
	[tilespmem:$0x1FB00] =	vst v63  }
0x8e: {  	_ =	swait.ge [sflag:s11], $0x2800  }
0x8f: {  	[sflag:s11] =	ssyncset.done $0x0  }
0x90: {  	[sflag:s11] =	ssyncadd.s32 $0xFFFFD800  }
0x91: {  	_ =	swait.ge [sflag:s17], $0x2800  }
0x92: {  	[sflag:s17] =	ssyncset.done $0x0  }
0x93: {  	s26 =	sshra.s32 s29, $0x2;
	[sflag:s17] =	ssyncadd.s32 $0xFFFFD800  }
0x94: {  	v0 =	vld [tilespmem:s26+$0x100];
	_ =	sdelay $0x4  }
0x95: {  	v1 =	vand.u32 $0x3FFF, v0;
	v0 =	vshrl.u32 v0, $0xE  }
0x96: {  	[tilespmem:$0x4100] =	vst v1  }
0x97: {  	[tilespmem:$0x4280] =	vst v0  }
0x98: {  	v0 =	vld [tilespmem:s26+$0x110];
	_ =	sdelay $0x4  }
0x99: {  	v1 =	vand.u32 $0x3FFF, v0;
	v0 =	vshrl.u32 v0, $0xE  }
0x9a: {  	[tilespmem:$0x4110] =	vst v1  }
0x9b: {  	[tilespmem:$0x4290] =	vst v0  }
0x9c: {  	v0 =	vld [tilespmem:s26+$0x120];
	_ =	sdelay $0x4  }
0x9d: {  	v1 =	vand.u32 $0x3FFF, v0;
	v0 =	vshrl.u32 v0, $0xE  }
0x9e: {  	[tilespmem:$0x4120] =	vst v1  }
0x9f: {  	[tilespmem:$0x42A0] =	vst v0  }
0xa0: {  	v0 =	vld [tilespmem:s26+$0x130];
	_ =	sdelay $0x4  }
0xa1: {  	v1 =	vand.u32 $0x3FFF, v0;
	v0 =	vshrl.u32 v0, $0xE  }
0xa2: {  	[tilespmem:$0x4130] =	vst v1  }
0xa3: {  	[tilespmem:$0x42B0] =	vst v0  }
0xa4: {  	v0 =	vld [tilespmem:s26+$0x140];
	_ =	sdelay $0x4  }
0xa5: {  	v1 =	vand.u32 $0x3FFF, v0;
	v0 =	vshrl.u32 v0, $0xE  }
0xa6: {  	[tilespmem:$0x4140] =	vst v1  }
0xa7: {  	[tilespmem:$0x42C0] =	vst v0  }
0xa8: {  	[tilespmem:s19], [sflag:$0x3] =	stream.indirect.gather [hbm4b:s5+s12], $0x80, s18, s12, $0xb8;
	[tilespmem:$0x1FB00] =	vst v63  }
0xa9: {  	_ = 	snop  }
0xaa: {  	[spmem:s2] =	stream.indirect.scatter.add.f32 [tilespmem:s14], [sflag:$0x4], $0x80, s20, s12, $0xb8;
	[tilespmem:$0x1FB00] =	vst v63  }
0xab: {  	_ =	swait.ge [sflag:s11], $0x2800  }
0xac: {  	[sflag:s11] =	ssyncset.done $0x0  }
0xad: {  	[sflag:s11] =	ssyncadd.s32 $0xFFFFD800  }
0xae: {  	_ =	swait.ge [sflag:s21], $0x2800  }
0xaf: {  	[sflag:s21] =	ssyncset.done $0x0  }
0xb0: {  	[sflag:s21] =	ssyncadd.s32 $0xFFFFD800  }
0xb1: {  	v0 =	vld [tilespmem:s26+$0x180];
	_ =	sdelay $0x4  }
0xb2: {  	v1 =	vand.u32 $0x3FFF, v0;
	v0 =	vshrl.u32 v0, $0xE  }
0xb3: {  	[tilespmem:$0x4000] =	vst v1  }
0xb4: {  	[tilespmem:$0x4180] =	vst v0  }
0xb5: {  	v0 =	vld [tilespmem:s26+$0x190];
	_ =	sdelay $0x4  }
0xb6: {  	v1 =	vand.u32 $0x3FFF, v0;
	v0 =	vshrl.u32 v0, $0xE  }
0xb7: {  	[tilespmem:$0x4010] =	vst v1  }
0xb8: {  	[tilespmem:$0x4190] =	vst v0  }
0xb9: {  	v0 =	vld [tilespmem:s26+$0x1A0];
	_ =	sdelay $0x4  }
0xba: {  	v1 =	vand.u32 $0x3FFF, v0;
	v0 =	vshrl.u32 v0, $0xE  }
0xbb: {  	[tilespmem:$0x4020] =	vst v1  }
0xbc: {  	[tilespmem:$0x41A0] =	vst v0  }
0xbd: {  	v0 =	vld [tilespmem:s26+$0x1B0];
	_ =	sdelay $0x4  }
0xbe: {  	v1 =	vand.u32 $0x3FFF, v0;
	v0 =	vshrl.u32 v0, $0xE  }
0xbf: {  	[tilespmem:$0x4030] =	vst v1  }
0xc0: {  	[tilespmem:$0x41B0] =	vst v0  }
0xc1: {  	v0 =	vld [tilespmem:s26+$0x1C0];
	_ =	sdelay $0x4  }
0xc2: {  	v1 =	vand.u32 $0x3FFF, v0;
	v0 =	vshrl.u32 v0, $0xE  }
0xc3: {  	[tilespmem:$0x4040] =	vst v1  }
0xc4: {  	[tilespmem:$0x41C0] =	vst v0  }
0xc5: {  	[tilespmem:s14], [sflag:$0x1] =	stream.indirect.gather [hbm4b:s5+s12], $0x80, s13, s12, $0xb8;
	[tilespmem:$0x1FB00] =	vst v63  }
0xc6: {  	_ = 	snop  }
0xc7: {  	[spmem:s2] =	stream.indirect.scatter.add.f32 [tilespmem:s16], [sflag:$0x4], $0x80, s22, s12, $0xb8;
	[tilespmem:$0x1FB00] =	vst v63  }
0xc8: {  	_ =	swait.ge [sflag:s11], $0x2800  }
0xc9: {  	[sflag:s11] =	ssyncset.done $0x0  }
0xca: {  	[sflag:s11] =	ssyncadd.s32 $0xFFFFD800  }
0xcb: {  	_ =	swait.ge [sflag:s23], $0x2800  }
0xcc: {  	[sflag:s23] =	ssyncset.done $0x0  }
0xcd: {  	[sflag:s23] =	ssyncadd.s32 $0xFFFFD800  }
0xce: {  	v0 =	vld [tilespmem:s26+$0x200];
	_ =	sdelay $0x4  }
0xcf: {  	v1 =	vand.u32 $0x3FFF, v0;
	v0 =	vshrl.u32 v0, $0xE  }
0xd0: {  	[tilespmem:$0x4080] =	vst v1  }
0xd1: {  	[tilespmem:$0x4200] =	vst v0  }
0xd2: {  	v0 =	vld [tilespmem:s26+$0x210];
	_ =	sdelay $0x4  }
0xd3: {  	v1 =	vand.u32 $0x3FFF, v0;
	v0 =	vshrl.u32 v0, $0xE  }
0xd4: {  	[tilespmem:$0x4090] =	vst v1  }
0xd5: {  	[tilespmem:$0x4210] =	vst v0  }
0xd6: {  	v0 =	vld [tilespmem:s26+$0x220];
	_ =	sdelay $0x4  }
0xd7: {  	v1 =	vand.u32 $0x3FFF, v0;
	v0 =	vshrl.u32 v0, $0xE  }
0xd8: {  	[tilespmem:$0x40A0] =	vst v1  }
0xd9: {  	[tilespmem:$0x4220] =	vst v0  }
0xda: {  	v0 =	vld [tilespmem:s26+$0x230]  }
.Ltmp0:
0xdb: {  	(pc) =	sbr.rel @p0 .LBB2_2-.Ltmp0, $2  }
0xdc: {  	_ =	sdelay $0x2  }
0xdd: {  	v1 =	vand.u32 $0x3FFF, v0;
	v0 =	vshrl.u32 v0, $0xE  }
0xde: {  	[tilespmem:$0x40B0] =	vst v1  }
0xdf: {  	[tilespmem:$0x4230] =	vst v0  }
0xe0: {  	v0 =	vld [tilespmem:s26+$0x240];
	_ =	sdelay $0x4  }
0xe1: {  	v51 =	vand.u32 $0x3FFF, v0  }
0xe2: {  	v0 =	vshrl.u32 v0, $0xE;
	[tilespmem:$0x40C0] =	vst v51  }
0xe3: {  	[tilespmem:$0x4240] =	vst v0  }
0xe4: {  	[tilespmem:s16], [sflag:$0x2] =	stream.indirect.gather [hbm4b:s5+s12], $0x80, s15, s12, $0xb8;
	[tilespmem:$0x1FB00] =	vst v63  }
0xe5: {  	_ = 	snop  }
0xe6: {  	[spmem:s2] =	stream.indirect.scatter.add.f32 [tilespmem:s19], [sflag:$0x4], $0x80, s24, s12, $0xb8;
	[tilespmem:$0x1FB00] =	vst v63  }
0xe7: {  	_ =	swait.ge [sflag:s11], $0x2800  }
0xe8: {  	[sflag:s11] =	ssyncset.done $0x0  }
0xe9: {  	[sflag:s11] =	ssyncadd.s32 $0xFFFFD800  }
0xea: {  	_ =	swait.ge [sflag:s17], $0x2800  }
0xeb: {  	[sflag:s17] =	ssyncset.done $0x0  }
0xec: {  	[sflag:s17] =	ssyncadd.s32 $0xFFFFD800  }
0xed: {  	v52 =	vld [tilespmem:$0x3E80];
	_ =	sdelay $0x1  }
0xee: {  	v53 =	vld [tilespmem:$0x3E90];
	_ =	sdelay $0x1  }
0xef: {  	v2 =	vld [tilespmem:$0x3EA0]  }
0xf0: {  	v3 =	vand.u32 $0x3FFF, v52  }
0xf1: {  	v54 =	vld [tilespmem:$0x3EB0];
	v0 =	vshrl.u32 v52, $0xE;
	[tilespmem:$0x4100] =	vst v3  }
0xf2: {  	v55 =	vand.u32 $0x3FFF, v53;
	[tilespmem:$0x4280] =	vst v0  }
0xf3: {  	v57 =	vld [tilespmem:$0x3EC0];
	v56 =	vshrl.u32 v53, $0xE;
	[tilespmem:$0x4110] =	vst v55  }
0xf4: {  	v58 =	vand.u32 $0x3FFF, v2;
	[tilespmem:$0x4290] =	vst v56  }
0xf5: {  	v59 =	vshrl.u32 v2, $0xE;
	[tilespmem:$0x4120] =	vst v58  }
0xf6: {  	v60 =	vand.u32 $0x3FFF, v54;
	[tilespmem:$0x42A0] =	vst v59  }
0xf7: {  	v61 =	vshrl.u32 v54, $0xE;
	[tilespmem:$0x4130] =	vst v60  }
0xf8: {  	v62 =	vand.u32 $0x3FFF, v57;
	[tilespmem:$0x42B0] =	vst v61  }
0xf9: {  	v63 =	vshrl.u32 v57, $0xE;
	[tilespmem:$0x4140] =	vst v62  }
0xfa: {  	[tilespmem:$0x42C0] =	vst v63  }
0xfb: {  	[tilespmem:s19], [sflag:$0x3] =	stream.indirect.gather [hbm4b:s5+s12], $0x80, s18, s12, $0xb8;
	[tilespmem:$0x1FB00] =	vst v63  }
0xfc: {  	_ = 	snop  }
0xfd: {  	[spmem:s2] =	stream.indirect.scatter.add.f32 [tilespmem:s14], [sflag:$0x4], $0x80, s20, s12, $0xb8;
	[tilespmem:$0x1FB00] =	vst v63  }
0xfe: {  	_ =	swait.ge [sflag:s11], $0x2800  }
0xff: {  	[sflag:s11] =	ssyncset.done $0x0  }
0x100: {  	[sflag:s11] =	ssyncadd.s32 $0xFFFFD800  }
0x101: {  	_ =	swait.ge [sflag:s21], $0x2800  }
0x102: {  	[sflag:s21] =	ssyncset.done $0x0  }
0x103: {  	[sflag:s21] =	ssyncadd.s32 $0xFFFFD800  }
0x104: {  	[spmem:s2] =	stream.indirect.scatter.add.f32 [tilespmem:s16], [sflag:$0x4], $0x80, s22, s12, $0xb8;
	[tilespmem:$0x1FB00] =	vst v63  }
0x105: {  	_ =	swait.ge [sflag:s11], $0x2800  }
0x106: {  	[sflag:s11] =	ssyncset.done $0x0  }
0x107: {  	[sflag:s11] =	ssyncadd.s32 $0xFFFFD800  }
0x108: {  	_ =	swait.ge [sflag:s23], $0x2800  }
0x109: {  	[sflag:s23] =	ssyncset.done $0x0  }
0x10a: {  	[sflag:s23] =	ssyncadd.s32 $0xFFFFD800  }
0x10b: {  	[spmem:s2] =	stream.indirect.scatter.add.f32 [tilespmem:s19], [sflag:$0x4], $0x80, s24, s12, $0xb8;
	[tilespmem:$0x1FB00] =	vst v63  }
0x10c: {  	_ =	swait.ge [sflag:s11], $0x2800  }
0x10d: {  	s25 =	sadd.s32 $0x1, s25;
	[sflag:s11] =	ssyncset.done $0x0  }
0x10e: {  	p0 =	sne.s32 s25, s9;
	[sflag:s11] =	ssyncadd.s32 $0xFFFFD800  }
.Ltmp1:
0x10f: {  	[bflag:$0x0] =	sbarrier.arrive $0xFFFF;
	(pc) =	sbr.rel @p0 .LBB2_1-.Ltmp1, $4  }
0x110: {  	[hbm:s8], [sflag:s6] =	dma.local [spmem:s10], $0x2800  }
0x111: {  	_ =	swait.ge [sflag:s11], $0x2800  }
0x112: {  	[sflag:s11] =	ssyncset.done $0x0  }
0x113: {  	[sflag:s11] =	ssyncadd.s32 $0xFFFFD800  }
0x114: {  	_ =	sfence.sel $0x180000  }
0x115: {  	[bflag:$0x0] =	sbarrier.arrive $0xFFFF  }
0x116: {  	p0 =	sne.s32 s3, $0x0;
	_ =	strace $0x9000004D  }
0x117: {  	s0 =	sadd.s32 @!p0 $0x100000, s0;
	[bflag:$0x2] =	sbarrier.arrive $0xFFFF  }
0x118: {  	[sflag:s0] =	ssyncadd.tile.s32 @!p0 $0x1;
	_ =	shalt  }
.Lfunc_end2:
_tile_overlayer_lowered:
.L_overlay_start_2:
0x119: {  	(tag) =	ssettag $0x2  }
0x11a: {  	s0 =	rddreg [dreg:$0x0];
	s2 =	stileid.u32  }
0x11b: {  	s1 =	rddreg [dreg:$0x1];
	p0 =	sne.s32 s2, $0x0  }
0x11c: {  	s3 =	rddreg [dreg:$0x2];
	[bflag:$0x3] =	sbarrier.arrive $0xFFFF;
	s2 =	simm.s32 @!p0 $0x1C04  }
0x11d: {  	[timem:s3], [sflag:s2] =	dma.local @!p0 [hbm:s0], s1  }
0x11e: {  	s0 =	simm.s32 @!p0 $0x4  }
0x11f: {  	_ =	swait.ge @!p0 [sflag:s0], s1  }
0x120: {  	s1 =	ssub.s32 @!p0 $0x0, s1;
	[sflag:s0] =	ssyncset.done @!p0 $0x0  }
0x121: {  	[sflag:s0] =	ssyncadd.s32 @!p0 s1  }
0x122: {  	[bflag:$0x3] =	sbarrier.arrive $0xFFFF  }
0x123: {  	_ =	shalt  }

// kernel: kernel.8.cloned.1.call-start
scs
__scs_entry_jumppad:
0x0: {  	(pc) =	sbr.rel $0x88, $3  }
0x1: {  	(tag) =	ssettag $0x0;
	lr =	simm.s32 $0x1  }
0x2: {  	[smem:$0x3F96] =	sst lr;
	_ =	strace $0xD0000000  }
0x3: {  	_ = 	snop  }
0x4: {  	_ = 	snop  }
0x5: {  	_ = 	snop  }
0x6: {  	_ = 	snop  }
0x7: {  	_ = 	snop  }
__scs_overlays_trampoline_lowered:
0x8: {  	[smem:$0x3FA5] =	sst s0  }
0x9: {  	[smem:$0x3FA6] =	sst s1  }
0xa: {  	[smem:$0x3FA7] =	sst s2  }
0xb: {  	[smem:$0x3FA8] =	sst s3  }
0xc: {  	[smem:$0x3FA9] =	sst s4  }
0xd: {  	[smem:$0x3FAA] =	sst s5  }
0xe: {  	[smem:$0x3FAB] =	sst s6  }
0xf: {  	[smem:$0x3FAC] =	sst s7  }
0x10: {  	[smem:$0x3FAD] =	sst s8  }
0x11: {  	[smem:$0x3FAE] =	sst s9;
	s0 =	simm.s32 @!p0 $0x0  }
0x12: {  	s1 =	sld [smem:$0x3F94];
	s0 =	simm.s32 @p0 $0x1  }
0x13: {  	[smem:$0x3FAF] =	sst s0;
	s0 =	simm.s32 @!p1 $0x0  }
0x14: {  	s2 =	sld [smem:$0x3F93];
	s0 =	simm.s32 @p1 $0x1  }
0x15: {  	[smem:$0x3FB0] =	sst s0;
	s0 =	simm.s32 @!p2 $0x0  }
0x16: {  	s3 =	sld [smem:$0x3FDB];
	s0 =	simm.s32 @p2 $0x1  }
0x17: {  	s4 =	simm.s32 $0x1BF5;
	[smem:$0x3FB2] =	sst s0  }
0x18: {  	s0 =	sld [smem:$0x3F95];
	_ =	swait.ge [sflag:s4], $0x0  }
0x19: {  	s7 =	sld [smem:$0x3F96]  }
0x1a: {  	s8 =	sadd.s32 $0xFFFFE003, lr  }
0x1b: {  	s9 =	sadd.s32 $0xFFFFFEF7, lr;
	s5 =	simm.s32 $0xFFFFFFFF;
	p2 =	slt.u32 s8, $0xFFFFF086  }
0x1c: {  	p1 =	slt.u32 s9, $0xF7A;
	s5 =	simm.s32 @!p2 $0x0  }
0x1d: {  	s5 =	simm.s32 @p1 $0x1;
	p0 =	seq.s32 s7, s2  }
0x1e: {  	s7 =	smul.u32 @!p0 $0xF7A, s2;
	p2 =	seq.s32 @!p0 s5, $0x0  }
0x1f: {  	s9 =	smul.u32 $0xF7A, s1;
	s8 =	simm.s32 @!p0 $0x1BF5;
	p2 =	por !p2, p0  }
0x20: {  	[sflag:s8] =	ssyncset.s32 @!p0 $0xFFFFF086;
	s6 =	sadd.s32 @!p0 s3, s7;
	s7 =	simm.s32 @!p0 $0x108  }
0x21: {  	s3 =	sadd.s32 s3, s9;
	s6 =	sadd.s32 @!p0 $0x88, s6;
	s7 =	simm.s32 @p2 $0x1082  }
0x22: {  	[simem:s7], [sflag:s8] =	dma.local @!p0 [hbm:s6], $0xF7A  }
0x23: {  	s9 =	sor.u32 $0xD0000000, s2;
	s6 =	simm.s32 $0x108;
	_ =	swait.ge @!p0 [sflag:s8], $0x0  }
0x24: {  	s3 =	sadd.s32 $0x88, s3;
	s6 =	simm.s32 @!p1 $0x1082;
	[sflag:s4] =	ssyncset.s32 $0xFFFFF086  }
0x25: {  	[simem:s6], [sflag:s4] =	dma.local [hbm:s3], $0xF7A  }
0x26: {  	[smem:$0x3F96] =	sst s1;
	(tag) =	ssettag s2;
	_ =	strace s9  }
0x27: {  	s1 =	sld [smem:$0x3FA6]  }
0x28: {  	s2 =	sld [smem:$0x3FA7]  }
0x29: {  	s4 =	sld [smem:$0x3FA9]  }
0x2a: {  	p0 =	seq.s32 s5, $0x0;
	s5 =	sld [smem:$0x3FAA]  }
0x2b: {  	s6 =	sld [smem:$0x3FAB]  }
0x2c: {  	s7 =	sld [smem:$0x3FAC]  }
0x2d: {  	s3 =	simm.s32 $0x108;
	s8 =	sld [smem:$0x3FAD]  }
0x2e: {  	s3 =	simm.s32 @!p0 $0x1082;
	s9 =	sld [smem:$0x3FAE]  }
0x2f: {  	lr =	sadd.s32 s0, s3;
	s0 =	sld [smem:$0x3FA5]  }
0x30: {  	s3 =	sld [smem:$0x3FA8]  }
0x31: {  	[smem:$0x3FB1] =	sst s10  }
0x32: {  	s10 =	sld [smem:$0x3FAF];
	_ =	sdelay $0x3  }
0x33: {  	p0 =	seq.s32 s10, $0x1;
	s10 =	sld [smem:$0x3FB1];
	_ =	sdelay $0x3  }
0x34: {  	[smem:$0x3FB1] =	sst s10  }
0x35: {  	s10 =	sld [smem:$0x3FB0];
	_ =	sdelay $0x3  }
0x36: {  	p1 =	seq.s32 s10, $0x1;
	s10 =	sld [smem:$0x3FB1];
	_ =	sdelay $0x3  }
0x37: {  	[smem:$0x3FB1] =	sst s10  }
0x38: {  	s10 =	sld [smem:$0x3FB2]  }
0x39: {  	_ = 	snop;
	(pc) =	sbr.ind lr, $3  }
0x3a: {  	_ = 	snop  }
0x3b: {  	_ = 	snop  }
0x3c: {  	p2 =	seq.s32 s10, $0x1;
	s10 =	sld [smem:$0x3FB1]  }
0x3d: {  	_ =	shalt  }
0x3e: {  	_ =	shalt  }
0x3f: {  	_ =	shalt  }
0x40: {  	_ =	shalt  }
0x41: {  	_ =	shalt  }
0x42: {  	_ =	shalt  }
0x43: {  	_ =	shalt  }
0x44: {  	_ =	shalt  }
0x45: {  	_ =	shalt  }
0x46: {  	_ =	shalt  }
0x47: {  	_ =	shalt  }
0x48: {  	_ =	shalt  }
0x49: {  	_ =	shalt  }
0x4a: {  	_ =	shalt  }
0x4b: {  	_ =	shalt  }
0x4c: {  	_ =	shalt  }
0x4d: {  	_ =	shalt  }
0x4e: {  	_ =	shalt  }
0x4f: {  	_ =	shalt  }
0x50: {  	_ =	shalt  }
0x51: {  	_ =	shalt  }
0x52: {  	_ =	shalt  }
0x53: {  	_ =	shalt  }
0x54: {  	_ =	shalt  }
0x55: {  	_ =	shalt  }
0x56: {  	_ =	shalt  }
0x57: {  	_ =	shalt  }
0x58: {  	_ =	shalt  }
0x59: {  	_ =	shalt  }
0x5a: {  	_ =	shalt  }
0x5b: {  	_ =	shalt  }
0x5c: {  	_ =	shalt  }
0x5d: {  	_ =	shalt  }
0x5e: {  	_ =	shalt  }
0x5f: {  	_ =	shalt  }
0x60: {  	_ =	shalt  }
0x61: {  	_ =	shalt  }
0x62: {  	_ =	shalt  }
0x63: {  	_ =	shalt  }
0x64: {  	_ =	shalt  }
0x65: {  	_ =	shalt  }
0x66: {  	_ =	shalt  }
0x67: {  	_ =	shalt  }
0x68: {  	_ =	shalt  }
0x69: {  	_ =	shalt  }
0x6a: {  	_ =	shalt  }
0x6b: {  	_ =	shalt  }
0x6c: {  	_ =	shalt  }
0x6d: {  	_ =	shalt  }
0x6e: {  	_ =	shalt  }
0x6f: {  	_ =	shalt  }
0x70: {  	_ =	shalt  }
0x71: {  	_ =	shalt  }
0x72: {  	_ =	shalt  }
0x73: {  	_ =	shalt  }
0x74: {  	_ =	shalt  }
0x75: {  	_ =	shalt  }
0x76: {  	_ =	shalt  }
0x77: {  	_ =	shalt  }
0x78: {  	_ =	shalt  }
0x79: {  	_ =	shalt  }
0x7a: {  	_ =	shalt  }
0x7b: {  	_ =	shalt  }
0x7c: {  	_ =	shalt  }
0x7d: {  	_ =	shalt  }
0x7e: {  	_ =	shalt  }
0x7f: {  	_ =	shalt  }
0x80: {  	_ =	shalt  }
0x81: {  	_ =	shalt  }
0x82: {  	_ =	shalt  }
0x83: {  	_ =	shalt  }
0x84: {  	_ =	shalt  }
0x85: {  	_ =	shalt  }
0x86: {  	_ =	shalt  }
0x87: {  	_ =	shalt  }
.Lfunc_end0:
.L_simem_size_0:
called_computation_lowered:
.L_overlay_start_0:
0x88: {  	s2 =	sld [smem:$0x3FD9]  }
0x89: {  	s3 =	sld [smem:$0x3FFE];
	_ =	sdelay $0x1  }
0x8a: {  	s1 =	srdreg.scid  }
0x8b: {  	s0 =	sand.u32 $0x1, s1  }
0x8c: {  	s17 =	sshll.u32 s0, $0xA;
	s2 =	sadd.s32 s3, s2  }
0x8d: {  	s2 =	sadd.s32 s2, s17  }
0x8e: {  	[smem:$0x3FBD] =	sst s2  }
0x8f: {  	_ = 	snop  }
0x90: {  	s2 =	sld [smem:$0x3FD0];
	(tm) =	ssettm $0x1  }
0x91: {  	s18 =	sld [smem:$0x3FFB];
	_ =	sdelay $0x3  }
0x92: {  	_ =	strace s18  }
0x93: {  	s3 =	sld [smem:$0x3FFC];
	_ =	sdelay $0x3  }
0x94: {  	_ =	strace s3  }
0x95: {  	s3 =	sld [smem:$0x3FFD];
	_ =	sdelay $0x3  }
0x96: {  	_ =	strace s3  }
0x97: {  	_ =	strace $0x8FFFFFFF  }
0x98: {  	s19 =	sld [smem:$0x3FDB];
	_ =	sdelay $0x1  }
0x99: {  	s4 =	simm.s32 $_scs_section_size  }
0x9a: {  	s5 =	simm.s32 $_size__tile_overlayer_lowered;
	s6 =	simm.s32 $_tile_overlayer_lowered  }
0x9b: {  	s22 =	simm.s32 $0x1BFF;
	s21 =	sshll.u32 s6, $0x1;
	s3 =	sadd.s32 s4, s19  }
0x9c: {  	s7 =	simm.s32 $0x0;
	s20 =	sshll.u32 s5, $0x1;
	s5 =	sadd.s32 s21, s3  }
0x9d: {  	[timem:s7], [sflag:s22] =	dma.local [hbm:s5], s20  }
0x9e: {  	_ =	swait.ge [sflag:s22], s20  }
0x9f: {  	s4 =	ssub.s32 $0x0, s20;
	[sflag:s22] =	ssyncset.done $0x0  }
0xa0: {  	[sflag:s22] =	ssyncadd.s32 s4;
	_ =	sdelay $0x1  }
0xa1: {  	s23 =	simm.s32 $0x1B8B  }
0xa2: {  	_ =	swait.ge [sflag:s23], $0x1  }
0xa3: {  	[sflag:s23] =	ssyncset.done $0x0  }
0xa4: {  	s25 =	simm.s32 $0x1B8E;
	s24 =	sld [smem:$0x3FFE];
	[sflag:s23] =	ssyncadd.s32 $0xFFFFFFFF  }
0xa5: {  	s26 =	simm.s32 $execute0_lowered;
	[smem:$0x3FD2] =	sst s25  }
0xa6: {  	s5 =	sshll.u32 s26, $0x1;
	_ =	strace $0x80000046;
	[dreg:$0x1] =	wrdreg $0xFFFFFFFF  }
0xa7: {  	s28 =	simm.s32 $_size_execute0_lowered;
	s3 =	sadd.s32 s3, s5;
	[dreg:$0x0] =	wrdreg $0x0  }
0xa8: {  	s5 =	sshll.u32 s28, $0x1;
	[dreg:$0x2] =	wrdreg s3  }
0xa9: {  	[dreg:$0x3] =	wrdreg s5  }
0xaa: {  	[dreg:$0x4] =	wrdreg $0xC0  }
0xab: {  	_ =	task [dreg:s7], $0x5FFFF  }
0xac: {  	[dreg:$0x1] =	wrdreg $0xFFFFFFFF  }
0xad: {  	[dreg:$0x0] =	wrdreg $0x60  }
0xae: {  	[dreg:$0x2] =	wrdreg s24  }
0xaf: {  	[dreg:$0x3] =	wrdreg s2  }
0xb0: {  	[dreg:$0x4] =	wrdreg $0xBB000  }
0xb1: {  	[dreg:$0x5] =	wrdreg $0x1FB800  }
0xb2: {  	[dreg:$0x6] =	wrdreg $0x9  }
0xb3: {  	_ =	task.clear_ibuf [dreg:s7], $0x7FFFF;
	_ =	strace $0x90000046  }
0xb4: {  	s29 =	simm.s32 $0x9;
	_ =	strace $0x80000048  }
0xb5: {  	_ =	swait.ge [sflag:s29], $0x1  }
0xb6: {  	[sflag:s29] =	ssyncadd.s32 $0xFFFFFFFF  }
0xb7: {  	_ =	strace $0x90000048  }
0xb8: {  	_ =	sfence  }
0xb9: {  	s30 =	sld [smem:$0x0];
	_ =	sdelay $0x2  }
0xba: {  	s31 =	sshll.u32 s1, $0xD;
	s1 =	sshrl.u32 s1, $0x2  }
0xbb: {  	s3 =	sand.u32 $0x4000, s31;
	s1 =	sadd.s32 s1, s30  }
0xbc: {  	s0 =	sor.u32 s3, s0;
	s1 =	sshll.u32 s1, $0x11  }
0xbd: {  	s0 =	sor.u32 s1, s0  }
0xbe: {  	s0 =	sadd.s32 $0x8F2B, s0  }
0xbf: {  	[sflag:s0] =	ssyncadd.remote.s32 $0x1  }
0xc0: {  	_ =	sfence.sel $0xFFFF  }
0xc1: {  	[dreg:$0x0] =	wrdreg $0xFFFFFFFF;
	(pc) =	sbr.abs _section_cstart, $3  }
0xc2: {  	[dreg:$0x1] =	wrdreg $0xFFFFFFFF  }
0xc3: {  	_ =	task.clear_ibuf [dreg:s7], $0x2FFFF;
	_ =	strace $0x9FFFFFFF  }
0xc4: {  	(tm) =	ssettm $0x7FFFFFFF  }
0xc5: {  	_ =	shalt  }
tec
execute0_lowered:
.L_overlay_start_1:
0x0: {  	(tag) =	ssettag $0x1  }
0x1: {  	s0 =	rddreg [dreg:$0x0]  }
0x2: {  	s2 =	rddreg [dreg:$0x2]  }
0x3: {  	s4 =	rddreg [dreg:$0x3];
	s1 =	srdreg.scid;
	s5 =	simm.s32 $0x0  }
0x4: {  	s16 =	stileid.u32;
	s18 =	simm.s32 $0x50;
	s19 =	simm.s32 $0x4000  }
0x5: {  	s20 =	simm.s32 $0x4300;
	s28 =	simm.s32 $0x2;
	s29 =	simm.s32 $0x4200  }
0x6: {  	s30 =	simm.s32 $0x3;
	s31 =	simm.s32 $0x4280;
	s10 =	smul.u32 $0x14000, s16  }
0x7: {  	s1 =	sand.u32 $0x1, s1;
	[smem:$0x7FF] =	sst s5;
	s11 =	smul.u32 $0x500, s16  }
0x8: {  	s3 =	sshll.u32 s16, $0xB;
	s6 =	sadd.s32 $0x14000, s0;
	s22 =	smul.u32 $0x50000, s16  }
0x9: {  	s7 =	sadd.s32 $0x3C000, s0;
	s8 =	sadd.s32 $0x3C200, s0;
	s14 =	smul.u32 $0xA00, s16  }
0xa: {  	s25 =	sshll.u32 s16, $0x6;
	s16 =	simm.s32 $0x1FB00;
	s9 =	smul.u32 $0x140000, s1  }
0xb: {  	_ =	strace $0x80000047;
	s3 =	sadd.s32 s3, s0;
	s24 =	ssub.s32 $0x2, s1  }
0xc: {  	s21 =	sshll.u32 s1, $0x7;
	s1 =	sshll.u32 s1, $0xF;
	s13 =	sshrl.u32 s24, $0x1  }
0xd: {  	s26 =	sshrl.u32 s14, $0x2;
	s1 =	sadd.s32 s1, s3;
	s9 =	sadd.s32 s10, s9  }
0xe: {  	s10 =	sor.u32 s21, s11;
	s11 =	sshrl.u32 s22, $0x2;
	s13 =	ssub.s32 s24, s13  }
0xf: {  	s17 =	sadd.s32 s26, s4;
	s21 =	simm.s32 $0x4080;
	s22 =	simm.s32 $0x6B00  }
0x10: {  	s24 =	simm.s32 $0x4100;
	s26 =	simm.s32 $0x4180;
	s9 =	sshrl.u32 s9, $0x3  }
0x11: {  	s23 =	sshrl.u32 s10, $0x3;
	s15 =	sadd.s32 s11, s2;
	s10 =	sadd.s32 $0x4000, s1  }
0x12: {  	s13 =	smax.u32 s13, $0x1;
	s17 =	sshrl.u32 s17, $0x3;
	s1 =	simm.s32 $0x0  }
0x13: {  	s12 =	sadd.s32 s9, s0;
	s0 =	sadd.s32 s23, s0;
	s9 =	sor.u32 $0x1C04, s25  }
0x14: {  	s14 =	sshrl.u32 s15, $0x3;
	s15 =	simm.s32 $0x4;
	s23 =	simm.s32 $0x1  }
0x15: {  	s25 =	simm.s32 $0x9300;
	s11 =	sadd.s32 $0x3CE00, s12;
	s12 =	sadd.s32 $0x3C400, s0  }
.LBB2_1:
0x16: {  	s0 =	rddreg [dreg:$0x1]  }
0x17: {  	[spmem:s14], [sflag:s9] =	dma.local [hbm:s0], $0x2800  }
0x18: {  	_ =	swait.ge [sflag:s15], $0x2800  }
0x19: {  	[sflag:s15] =	ssyncset.done $0x0  }
0x1a: {  	[sflag:s15] =	ssyncadd.s32 $0xFFFFD800  }
0x1b: {  	[tilespmem:s16], [sflag:$0x4] =	stream.linear.gather [hbm4b:s8+s5], $0x80, $0x38;
	[tilespmem:$0x1FE00] =	vst v63  }
0x1c: {  	_ =	swait.ge [sflag:s15], $0x80  }
0x1d: {  	[sflag:s15] =	ssyncset.done $0x0  }
0x1e: {  	[sflag:s15] =	ssyncadd.s32 $0xFFFFFF80  }
0x1f: {  	[spmem:s17], [sflag:s9] =	dma.local [hbm:s7], $0x50  }
0x20: {  	_ =	swait.ge [sflag:s15], $0x50  }
0x21: {  	[sflag:s15] =	ssyncset.done $0x0  }
0x22: {  	[sflag:s15] =	ssyncadd.s32 $0xFFFFFFB0  }
0x23: {  	[tilespmem:s5], [sflag:$0x4] =	stream.linear.gather [hbm4b:s10+s5], $0x3F00, $0x38;
	[tilespmem:$0x1FE00] =	vst v63  }
0x24: {  	_ =	swait.ge [sflag:s15], $0x3F00  }
0x25: {  	[sflag:s15] =	ssyncset.done $0x0  }
0x26: {  	[sflag:s15] =	ssyncadd.s32 $0xFFFFC100  }
0x27: {  	[bflag:$0x0] =	sbarrier.arrive $0xFFFF  }
0x28: {  	v0 =	vld [tilespmem:$0x0];
	_ =	sdelay $0x1  }
0x29: {  	v1 =	vld [tilespmem:$0x10];
	_ =	sdelay $0x1  }
0x2a: {  	v2 =	vld [tilespmem:$0x20]  }
0x2b: {  	v3 =	vand.u32 $0x3FFF, v0  }
0x2c: {  	v0 =	vshrl.u32 v0, $0xE;
	[tilespmem:$0x4000] =	vst v3;
	v3 =	vld [tilespmem:$0x30]  }
0x2d: {  	[tilespmem:$0x4180] =	vst v0;
	v0 =	vand.u32 $0x3FFF, v1  }
0x2e: {  	[tilespmem:$0x4010] =	vst v0;
	v0 =	vshrl.u32 v1, $0xE;
	v1 =	vld [tilespmem:$0x40]  }
0x2f: {  	[tilespmem:$0x4190] =	vst v0;
	v0 =	vand.u32 $0x3FFF, v2  }
0x30: {  	[tilespmem:$0x4020] =	vst v0;
	v0 =	vshrl.u32 v2, $0xE  }
0x31: {  	[tilespmem:$0x41A0] =	vst v0;
	v0 =	vand.u32 $0x3FFF, v3  }
0x32: {  	[tilespmem:$0x4030] =	vst v0;
	v0 =	vshrl.u32 v3, $0xE  }
0x33: {  	[tilespmem:$0x41B0] =	vst v0;
	v0 =	vand.u32 $0x3FFF, v1  }
0x34: {  	[tilespmem:$0x4040] =	vst v0;
	v0 =	vshrl.u32 v1, $0xE  }
0x35: {  	[tilespmem:$0x41C0] =	vst v0  }
0x36: {  	[tilespmem:s20], [sflag:$0x1] =	stream.indirect.gather [hbm4b:s6+s18], $0x80, s19, s18, $0xb8;
	[tilespmem:$0x1FE00] =	vst v63  }
0x37: {  	v0 =	vld [tilespmem:$0x80];
	_ =	sdelay $0x1  }
0x38: {  	v1 =	vld [tilespmem:$0x90];
	_ =	sdelay $0x1  }
0x39: {  	v2 =	vld [tilespmem:$0xA0]  }
0x3a: {  	v3 =	vand.u32 $0x3FFF, v0  }
0x3b: {  	v0 =	vshrl.u32 v0, $0xE;
	[tilespmem:$0x4080] =	vst v3;
	v3 =	vld [tilespmem:$0xB0]  }
0x3c: {  	[tilespmem:$0x4200] =	vst v0;
	v0 =	vand.u32 $0x3FFF, v1  }
0x3d: {  	[tilespmem:$0x4090] =	vst v0;
	v0 =	vshrl.u32 v1, $0xE;
	v1 =	vld [tilespmem:$0xC0]  }
0x3e: {  	[tilespmem:$0x4210] =	vst v0;
	v0 =	vand.u32 $0x3FFF, v2  }
0x3f: {  	[tilespmem:$0x40A0] =	vst v0;
	v0 =	vshrl.u32 v2, $0xE  }
0x40: {  	[tilespmem:$0x4220] =	vst v0;
	v0 =	vand.u32 $0x3FFF, v3  }
0x41: {  	[tilespmem:$0x40B0] =	vst v0;
	v0 =	vshrl.u32 v3, $0xE  }
0x42: {  	[tilespmem:$0x4230] =	vst v0;
	v0 =	vand.u32 $0x3FFF, v1  }
0x43: {  	[tilespmem:$0x40C0] =	vst v0;
	v0 =	vshrl.u32 v1, $0xE  }
0x44: {  	[tilespmem:$0x4240] =	vst v0  }
0x45: {  	[tilespmem:s22], [sflag:$0x2] =	stream.indirect.gather [hbm4b:s6+s18], $0x80, s21, s18, $0xb8;
	[tilespmem:$0x1FE00] =	vst v63  }
0x46: {  	_ =	swait.ge [sflag:s23], $0x2800  }
0x47: {  	[sflag:s23] =	ssyncset.done $0x0  }
0x48: {  	s3 =	simm.s32 $0x0;
	[sflag:s23] =	ssyncadd.s32 $0xFFFFD800  }
0x49: {  	v0 =	vld [tilespmem:s3+$0x100];
	_ =	sdelay $0x4  }
0x4a: {  	v1 =	vand.u32 $0x3FFF, v0  }
0x4b: {  	v0 =	vshrl.u32 v0, $0xE;
	[tilespmem:$0x4100] =	vst v1  }
0x4c: {  	[tilespmem:$0x4280] =	vst v0  }
0x4d: {  	v0 =	vld [tilespmem:s3+$0x110];
	_ =	sdelay $0x4  }
0x4e: {  	v1 =	vand.u32 $0x3FFF, v0  }
0x4f: {  	v0 =	vshrl.u32 v0, $0xE;
	[tilespmem:$0x4110] =	vst v1  }
0x50: {  	[tilespmem:$0x4290] =	vst v0  }
0x51: {  	v0 =	vld [tilespmem:s3+$0x120];
	_ =	sdelay $0x4  }
0x52: {  	v1 =	vand.u32 $0x3FFF, v0  }
0x53: {  	v0 =	vshrl.u32 v0, $0xE;
	[tilespmem:$0x4120] =	vst v1  }
0x54: {  	[tilespmem:$0x42A0] =	vst v0  }
0x55: {  	v0 =	vld [tilespmem:s3+$0x130];
	_ =	sdelay $0x4  }
0x56: {  	v1 =	vand.u32 $0x3FFF, v0  }
0x57: {  	v0 =	vshrl.u32 v0, $0xE;
	[tilespmem:$0x4130] =	vst v1  }
0x58: {  	[tilespmem:$0x42B0] =	vst v0  }
0x59: {  	v0 =	vld [tilespmem:s3+$0x140];
	_ =	sdelay $0x4  }
0x5a: {  	v1 =	vand.u32 $0x3FFF, v0  }
0x5b: {  	v0 =	vshrl.u32 v0, $0xE;
	[tilespmem:$0x4140] =	vst v1  }
0x5c: {  	[tilespmem:$0x42C0] =	vst v0  }
0x5d: {  	[tilespmem:s25], [sflag:$0x3] =	stream.indirect.gather [hbm4b:s6+s18], $0x80, s24, s18, $0xb8;
	[tilespmem:$0x1FE00] =	vst v63  }
0x5e: {  	_ = 	snop  }
0x5f: {  	[spmem:s2] =	stream.indirect.scatter.add.f32 [tilespmem:s20], [sflag:$0x4], $0x80, s26, s18, $0xb8;
	[tilespmem:$0x1FE00] =	vst v63  }
0x60: {  	_ =	swait.ge [sflag:s15], $0x2800  }
0x61: {  	[sflag:s15] =	ssyncset.done $0x0  }
0x62: {  	[sflag:s15] =	ssyncadd.s32 $0xFFFFD800  }
0x63: {  	[spmem:s4] =	stream.indirect.scatter.add.f32 [tilespmem:s16], [sflag:$0x4], $0x1, s26, s18, $0xb8;
	[tilespmem:$0x1FE00] =	vst v63  }
0x64: {  	_ =	swait.ge [sflag:s15], $0x50  }
0x65: {  	[sflag:s15] =	ssyncset.done $0x0  }
0x66: {  	[sflag:s15] =	ssyncadd.s32 $0xFFFFFFB0  }
0x67: {  	_ =	swait.ge [sflag:s28], $0x2800  }
0x68: {  	[sflag:s28] =	ssyncset.done $0x0  }
0x69: {  	[sflag:s28] =	ssyncadd.s32 $0xFFFFD800  }
0x6a: {  	v0 =	vld [tilespmem:s3+$0x180];
	_ =	sdelay $0x4  }
0x6b: {  	v1 =	vand.u32 $0x3FFF, v0  }
0x6c: {  	v0 =	vshrl.u32 v0, $0xE;
	[tilespmem:$0x4000] =	vst v1  }
0x6d: {  	[tilespmem:$0x4180] =	vst v0  }
0x6e: {  	v0 =	vld [tilespmem:s3+$0x190];
	_ =	sdelay $0x4  }
0x6f: {  	v1 =	vand.u32 $0x3FFF, v0  }
0x70: {  	v0 =	vshrl.u32 v0, $0xE;
	[tilespmem:$0x4010] =	vst v1  }
0x71: {  	[tilespmem:$0x4190] =	vst v0  }
0x72: {  	v0 =	vld [tilespmem:s3+$0x1A0];
	_ =	sdelay $0x4  }
0x73: {  	v1 =	vand.u32 $0x3FFF, v0  }
0x74: {  	v0 =	vshrl.u32 v0, $0xE;
	[tilespmem:$0x4020] =	vst v1  }
0x75: {  	[tilespmem:$0x41A0] =	vst v0  }
0x76: {  	v0 =	vld [tilespmem:s3+$0x1B0];
	_ =	sdelay $0x4  }
0x77: {  	v1 =	vand.u32 $0x3FFF, v0  }
0x78: {  	v0 =	vshrl.u32 v0, $0xE;
	[tilespmem:$0x4030] =	vst v1  }
0x79: {  	[tilespmem:$0x41B0] =	vst v0  }
0x7a: {  	v0 =	vld [tilespmem:s3+$0x1C0];
	_ =	sdelay $0x4  }
0x7b: {  	v1 =	vand.u32 $0x3FFF, v0  }
0x7c: {  	v0 =	vshrl.u32 v0, $0xE;
	[tilespmem:$0x4040] =	vst v1  }
0x7d: {  	[tilespmem:$0x41C0] =	vst v0  }
0x7e: {  	[tilespmem:s20], [sflag:$0x1] =	stream.indirect.gather [hbm4b:s6+s18], $0x80, s19, s18, $0xb8;
	[tilespmem:$0x1FE00] =	vst v63  }
0x7f: {  	_ = 	snop  }
0x80: {  	[spmem:s2] =	stream.indirect.scatter.add.f32 [tilespmem:s22], [sflag:$0x4], $0x80, s29, s18, $0xb8;
	[tilespmem:$0x1FE00] =	vst v63  }
0x81: {  	_ =	swait.ge [sflag:s15], $0x2800  }
0x82: {  	[sflag:s15] =	ssyncset.done $0x0  }
0x83: {  	[sflag:s15] =	ssyncadd.s32 $0xFFFFD800  }
0x84: {  	[spmem:s4] =	stream.indirect.scatter.add.f32 [tilespmem:s16], [sflag:$0x4], $0x1, s29, s18, $0xb8;
	[tilespmem:$0x1FE00] =	vst v63  }
0x85: {  	_ =	swait.ge [sflag:s15], $0x50  }
0x86: {  	[sflag:s15] =	ssyncset.done $0x0  }
0x87: {  	[sflag:s15] =	ssyncadd.s32 $0xFFFFFFB0  }
0x88: {  	_ =	swait.ge [sflag:s30], $0x2800  }
0x89: {  	[sflag:s30] =	ssyncset.done $0x0  }
0x8a: {  	[sflag:s30] =	ssyncadd.s32 $0xFFFFD800  }
0x8b: {  	v0 =	vld [tilespmem:s3+$0x200];
	_ =	sdelay $0x4  }
0x8c: {  	v1 =	vand.u32 $0x3FFF, v0  }
0x8d: {  	v0 =	vshrl.u32 v0, $0xE;
	[tilespmem:$0x4080] =	vst v1  }
0x8e: {  	[tilespmem:$0x4200] =	vst v0  }
0x8f: {  	v0 =	vld [tilespmem:s3+$0x210];
	_ =	sdelay $0x4  }
0x90: {  	v1 =	vand.u32 $0x3FFF, v0  }
0x91: {  	v0 =	vshrl.u32 v0, $0xE;
	[tilespmem:$0x4090] =	vst v1  }
0x92: {  	[tilespmem:$0x4210] =	vst v0  }
0x93: {  	v0 =	vld [tilespmem:s3+$0x220];
	_ =	sdelay $0x4  }
0x94: {  	v1 =	vand.u32 $0x3FFF, v0  }
0x95: {  	v0 =	vshrl.u32 v0, $0xE;
	[tilespmem:$0x40A0] =	vst v1  }
0x96: {  	[tilespmem:$0x4220] =	vst v0  }
0x97: {  	v0 =	vld [tilespmem:s3+$0x230];
	_ =	sdelay $0x4  }
0x98: {  	v1 =	vand.u32 $0x3FFF, v0  }
0x99: {  	v0 =	vshrl.u32 v0, $0xE;
	[tilespmem:$0x40B0] =	vst v1  }
0x9a: {  	[tilespmem:$0x4230] =	vst v0  }
0x9b: {  	s0 =	simm.s32 $0x600;
	v0 =	vld [tilespmem:s3+$0x240]  }
.LBB2_2:
0x9c: {  	_ = 	snop  }
0x9d: {  	p0 =	sne.s32 s0, $0xF000;
	s3 =	smov.u32 s0;
	s0 =	sadd.s32 $0x600, s0  }
0x9e: {  	_ =	sdelay $0x1  }
0x9f: {  	v1 =	vand.u32 $0x3FFF, v0;
	v0 =	vshrl.u32 v0, $0xE  }
0xa0: {  	[tilespmem:$0x40C0] =	vst v1  }
0xa1: {  	[tilespmem:$0x4240] =	vst v0  }
0xa2: {  	[tilespmem:s22], [sflag:$0x2] =	stream.indirect.gather [hbm4b:s6+s18], $0x80, s21, s18, $0xb8;
	[tilespmem:$0x1FE00] =	vst v63  }
0xa3: {  	_ = 	snop  }
0xa4: {  	[spmem:s2] =	stream.indirect.scatter.add.f32 [tilespmem:s25], [sflag:$0x4], $0x80, s31, s18, $0xb8;
	[tilespmem:$0x1FE00] =	vst v63  }
0xa5: {  	_ =	swait.ge [sflag:s15], $0x2800  }
0xa6: {  	[sflag:s15] =	ssyncset.done $0x0  }
0xa7: {  	[sflag:s15] =	ssyncadd.s32 $0xFFFFD800  }
0xa8: {  	[spmem:s4] =	stream.indirect.scatter.add.f32 [tilespmem:s16], [sflag:$0x4], $0x1, s31, s18, $0xb8;
	[tilespmem:$0x1FE00] =	vst v63  }
0xa9: {  	_ =	swait.ge [sflag:s15], $0x50  }
0xaa: {  	[sflag:s15] =	ssyncset.done $0x0  }
0xab: {  	[sflag:s15] =	ssyncadd.s32 $0xFFFFFFB0  }
0xac: {  	_ =	swait.ge [sflag:s23], $0x2800  }
0xad: {  	[sflag:s23] =	ssyncset.done $0x0  }
0xae: {  	s3 =	sshra.s32 s3, $0x2;
	[sflag:s23] =	ssyncadd.s32 $0xFFFFD800  }
0xaf: {  	v0 =	vld [tilespmem:s3+$0x100];
	_ =	sdelay $0x4  }
0xb0: {  	v1 =	vand.u32 $0x3FFF, v0;
	v0 =	vshrl.u32 v0, $0xE  }
0xb1: {  	[tilespmem:$0x4100] =	vst v1  }
0xb2: {  	[tilespmem:$0x4280] =	vst v0  }
0xb3: {  	v0 =	vld [tilespmem:s3+$0x110];
	_ =	sdelay $0x4  }
0xb4: {  	v1 =	vand.u32 $0x3FFF, v0;
	v0 =	vshrl.u32 v0, $0xE  }
0xb5: {  	[tilespmem:$0x4110] =	vst v1  }
0xb6: {  	[tilespmem:$0x4290] =	vst v0  }
0xb7: {  	v0 =	vld [tilespmem:s3+$0x120];
	_ =	sdelay $0x4  }
0xb8: {  	v1 =	vand.u32 $0x3FFF, v0;
	v0 =	vshrl.u32 v0, $0xE  }
0xb9: {  	[tilespmem:$0x4120] =	vst v1  }
0xba: {  	[tilespmem:$0x42A0] =	vst v0  }
0xbb: {  	v0 =	vld [tilespmem:s3+$0x130];
	_ =	sdelay $0x4  }
0xbc: {  	v1 =	vand.u32 $0x3FFF, v0;
	v0 =	vshrl.u32 v0, $0xE  }
0xbd: {  	[tilespmem:$0x4130] =	vst v1  }
0xbe: {  	[tilespmem:$0x42B0] =	vst v0  }
0xbf: {  	v0 =	vld [tilespmem:s3+$0x140];
	_ =	sdelay $0x4  }
0xc0: {  	v1 =	vand.u32 $0x3FFF, v0;
	v0 =	vshrl.u32 v0, $0xE  }
0xc1: {  	[tilespmem:$0x4140] =	vst v1  }
0xc2: {  	[tilespmem:$0x42C0] =	vst v0  }
0xc3: {  	[tilespmem:s25], [sflag:$0x3] =	stream.indirect.gather [hbm4b:s6+s18], $0x80, s24, s18, $0xb8;
	[tilespmem:$0x1FE00] =	vst v63  }
0xc4: {  	_ = 	snop  }
0xc5: {  	[spmem:s2] =	stream.indirect.scatter.add.f32 [tilespmem:s20], [sflag:$0x4], $0x80, s26, s18, $0xb8;
	[tilespmem:$0x1FE00] =	vst v63  }
0xc6: {  	_ =	swait.ge [sflag:s15], $0x2800  }
0xc7: {  	[sflag:s15] =	ssyncset.done $0x0  }
0xc8: {  	[sflag:s15] =	ssyncadd.s32 $0xFFFFD800  }
0xc9: {  	[spmem:s4] =	stream.indirect.scatter.add.f32 [tilespmem:s16], [sflag:$0x4], $0x1, s26, s18, $0xb8;
	[tilespmem:$0x1FE00] =	vst v63  }
0xca: {  	_ =	swait.ge [sflag:s15], $0x50  }
0xcb: {  	[sflag:s15] =	ssyncset.done $0x0  }
0xcc: {  	[sflag:s15] =	ssyncadd.s32 $0xFFFFFFB0  }
0xcd: {  	_ =	swait.ge [sflag:s28], $0x2800  }
0xce: {  	[sflag:s28] =	ssyncset.done $0x0  }
0xcf: {  	[sflag:s28] =	ssyncadd.s32 $0xFFFFD800  }
0xd0: {  	v0 =	vld [tilespmem:s3+$0x180];
	_ =	sdelay $0x4  }
0xd1: {  	v1 =	vand.u32 $0x3FFF, v0;
	v0 =	vshrl.u32 v0, $0xE  }
0xd2: {  	[tilespmem:$0x4000] =	vst v1  }
0xd3: {  	[tilespmem:$0x4180] =	vst v0  }
0xd4: {  	v0 =	vld [tilespmem:s3+$0x190];
	_ =	sdelay $0x4  }
0xd5: {  	v1 =	vand.u32 $0x3FFF, v0;
	v0 =	vshrl.u32 v0, $0xE  }
0xd6: {  	[tilespmem:$0x4010] =	vst v1  }
0xd7: {  	[tilespmem:$0x4190] =	vst v0  }
0xd8: {  	v0 =	vld [tilespmem:s3+$0x1A0];
	_ =	sdelay $0x4  }
0xd9: {  	v1 =	vand.u32 $0x3FFF, v0;
	v0 =	vshrl.u32 v0, $0xE  }
0xda: {  	[tilespmem:$0x4020] =	vst v1  }
0xdb: {  	[tilespmem:$0x41A0] =	vst v0  }
0xdc: {  	v0 =	vld [tilespmem:s3+$0x1B0];
	_ =	sdelay $0x4  }
0xdd: {  	v1 =	vand.u32 $0x3FFF, v0;
	v0 =	vshrl.u32 v0, $0xE  }
0xde: {  	[tilespmem:$0x4030] =	vst v1  }
0xdf: {  	[tilespmem:$0x41B0] =	vst v0  }
0xe0: {  	v0 =	vld [tilespmem:s3+$0x1C0];
	_ =	sdelay $0x4  }
0xe1: {  	v1 =	vand.u32 $0x3FFF, v0;
	v0 =	vshrl.u32 v0, $0xE  }
0xe2: {  	[tilespmem:$0x4040] =	vst v1  }
0xe3: {  	[tilespmem:$0x41C0] =	vst v0  }
0xe4: {  	[tilespmem:s20], [sflag:$0x1] =	stream.indirect.gather [hbm4b:s6+s18], $0x80, s19, s18, $0xb8;
	[tilespmem:$0x1FE00] =	vst v63  }
0xe5: {  	_ = 	snop  }
0xe6: {  	[spmem:s2] =	stream.indirect.scatter.add.f32 [tilespmem:s22], [sflag:$0x4], $0x80, s29, s18, $0xb8;
	[tilespmem:$0x1FE00] =	vst v63  }
0xe7: {  	_ =	swait.ge [sflag:s15], $0x2800  }
0xe8: {  	[sflag:s15] =	ssyncset.done $0x0  }
0xe9: {  	[sflag:s15] =	ssyncadd.s32 $0xFFFFD800  }
0xea: {  	[spmem:s4] =	stream.indirect.scatter.add.f32 [tilespmem:s16], [sflag:$0x4], $0x1, s29, s18, $0xb8;
	[tilespmem:$0x1FE00] =	vst v63  }
0xeb: {  	_ =	swait.ge [sflag:s15], $0x50  }
0xec: {  	[sflag:s15] =	ssyncset.done $0x0  }
0xed: {  	[sflag:s15] =	ssyncadd.s32 $0xFFFFFFB0  }
0xee: {  	_ =	swait.ge [sflag:s30], $0x2800  }
0xef: {  	[sflag:s30] =	ssyncset.done $0x0  }
0xf0: {  	[sflag:s30] =	ssyncadd.s32 $0xFFFFD800  }
0xf1: {  	v0 =	vld [tilespmem:s3+$0x200];
	_ =	sdelay $0x4  }
0xf2: {  	v1 =	vand.u32 $0x3FFF, v0;
	v0 =	vshrl.u32 v0, $0xE  }
0xf3: {  	[tilespmem:$0x4080] =	vst v1  }
0xf4: {  	[tilespmem:$0x4200] =	vst v0  }
0xf5: {  	v0 =	vld [tilespmem:s3+$0x210];
	_ =	sdelay $0x4  }
0xf6: {  	v1 =	vand.u32 $0x3FFF, v0;
	v0 =	vshrl.u32 v0, $0xE  }
0xf7: {  	[tilespmem:$0x4090] =	vst v1  }
0xf8: {  	[tilespmem:$0x4210] =	vst v0  }
0xf9: {  	v0 =	vld [tilespmem:s3+$0x220];
	_ =	sdelay $0x4  }
0xfa: {  	v1 =	vand.u32 $0x3FFF, v0;
	v0 =	vshrl.u32 v0, $0xE  }
0xfb: {  	[tilespmem:$0x40A0] =	vst v1  }
0xfc: {  	[tilespmem:$0x4220] =	vst v0  }
0xfd: {  	v0 =	vld [tilespmem:s3+$0x230];
	_ =	sdelay $0x3  }
.Ltmp0:
0xfe: {  	(pc) =	sbr.rel @p0 .LBB2_2-.Ltmp0, $4  }
0xff: {  	v1 =	vand.u32 $0x3FFF, v0;
	v0 =	vshrl.u32 v0, $0xE  }
0x100: {  	[tilespmem:$0x40B0] =	vst v1  }
0x101: {  	[tilespmem:$0x4230] =	vst v0  }
0x102: {  	v0 =	vld [tilespmem:s3+$0x240]  }
0x103: {  	_ =	sdelay $0x3  }
0x104: {  	v1 =	vand.u32 $0x3FFF, v0  }
0x105: {  	v51 =	vshrl.u32 v0, $0xE;
	[tilespmem:$0x40C0] =	vst v1  }
0x106: {  	[tilespmem:$0x4240] =	vst v51  }
0x107: {  	[tilespmem:s22], [sflag:$0x2] =	stream.indirect.gather [hbm4b:s6+s18], $0x80, s21, s18, $0xb8;
	[tilespmem:$0x1FE00] =	vst v63  }
0x108: {  	_ = 	snop  }
0x109: {  	[spmem:s2] =	stream.indirect.scatter.add.f32 [tilespmem:s25], [sflag:$0x4], $0x80, s31, s18, $0xb8;
	[tilespmem:$0x1FE00] =	vst v63  }
0x10a: {  	_ =	swait.ge [sflag:s15], $0x2800  }
0x10b: {  	[sflag:s15] =	ssyncset.done $0x0  }
0x10c: {  	[sflag:s15] =	ssyncadd.s32 $0xFFFFD800  }
0x10d: {  	[spmem:s4] =	stream.indirect.scatter.add.f32 [tilespmem:s16], [sflag:$0x4], $0x1, s31, s18, $0xb8;
	[tilespmem:$0x1FE00] =	vst v63  }
0x10e: {  	_ =	swait.ge [sflag:s15], $0x50  }
0x10f: {  	[sflag:s15] =	ssyncset.done $0x0  }
0x110: {  	[sflag:s15] =	ssyncadd.s32 $0xFFFFFFB0  }
0x111: {  	_ =	swait.ge [sflag:s23], $0x2800  }
0x112: {  	[sflag:s23] =	ssyncset.done $0x0  }
0x113: {  	[sflag:s23] =	ssyncadd.s32 $0xFFFFD800  }
0x114: {  	v52 =	vld [tilespmem:$0x3E80];
	_ =	sdelay $0x1  }
0x115: {  	v53 =	vld [tilespmem:$0x3E90];
	_ =	sdelay $0x1  }
0x116: {  	v2 =	vld [tilespmem:$0x3EA0]  }
0x117: {  	v3 =	vand.u32 $0x3FFF, v52  }
0x118: {  	v54 =	vld [tilespmem:$0x3EB0];
	v0 =	vshrl.u32 v52, $0xE;
	[tilespmem:$0x4100] =	vst v3  }
0x119: {  	v55 =	vand.u32 $0x3FFF, v53;
	[tilespmem:$0x4280] =	vst v0  }
0x11a: {  	v57 =	vld [tilespmem:$0x3EC0];
	v56 =	vshrl.u32 v53, $0xE;
	[tilespmem:$0x4110] =	vst v55  }
0x11b: {  	v58 =	vand.u32 $0x3FFF, v2;
	[tilespmem:$0x4290] =	vst v56  }
0x11c: {  	v59 =	vshrl.u32 v2, $0xE;
	[tilespmem:$0x4120] =	vst v58  }
0x11d: {  	v60 =	vand.u32 $0x3FFF, v54;
	[tilespmem:$0x42A0] =	vst v59  }
0x11e: {  	v61 =	vshrl.u32 v54, $0xE;
	[tilespmem:$0x4130] =	vst v60  }
0x11f: {  	v62 =	vand.u32 $0x3FFF, v57;
	[tilespmem:$0x42B0] =	vst v61  }
0x120: {  	v63 =	vshrl.u32 v57, $0xE;
	[tilespmem:$0x4140] =	vst v62  }
0x121: {  	[tilespmem:$0x42C0] =	vst v63  }
0x122: {  	[tilespmem:s25], [sflag:$0x3] =	stream.indirect.gather [hbm4b:s6+s18], $0x80, s24, s18, $0xb8;
	[tilespmem:$0x1FE00] =	vst v63  }
0x123: {  	_ = 	snop  }
0x124: {  	[spmem:s2] =	stream.indirect.scatter.add.f32 [tilespmem:s20], [sflag:$0x4], $0x80, s26, s18, $0xb8;
	[tilespmem:$0x1FE00] =	vst v63  }
0x125: {  	_ =	swait.ge [sflag:s15], $0x2800  }
0x126: {  	[sflag:s15] =	ssyncset.done $0x0  }
0x127: {  	[sflag:s15] =	ssyncadd.s32 $0xFFFFD800  }
0x128: {  	[spmem:s4] =	stream.indirect.scatter.add.f32 [tilespmem:s16], [sflag:$0x4], $0x1, s26, s18, $0xb8;
	[tilespmem:$0x1FE00] =	vst v63  }
0x129: {  	_ =	swait.ge [sflag:s15], $0x50  }
0x12a: {  	[sflag:s15] =	ssyncset.done $0x0  }
0x12b: {  	[sflag:s15] =	ssyncadd.s32 $0xFFFFFFB0  }
0x12c: {  	_ =	swait.ge [sflag:s28], $0x2800  }
0x12d: {  	[sflag:s28] =	ssyncset.done $0x0  }
0x12e: {  	[sflag:s28] =	ssyncadd.s32 $0xFFFFD800  }
0x12f: {  	[spmem:s2] =	stream.indirect.scatter.add.f32 [tilespmem:s22], [sflag:$0x4], $0x80, s29, s18, $0xb8;
	[tilespmem:$0x1FE00] =	vst v63  }
0x130: {  	_ =	swait.ge [sflag:s15], $0x2800  }
0x131: {  	[sflag:s15] =	ssyncset.done $0x0  }
0x132: {  	[sflag:s15] =	ssyncadd.s32 $0xFFFFD800  }
0x133: {  	[spmem:s4] =	stream.indirect.scatter.add.f32 [tilespmem:s16], [sflag:$0x4], $0x1, s29, s18, $0xb8;
	[tilespmem:$0x1FE00] =	vst v63  }
0x134: {  	_ =	swait.ge [sflag:s15], $0x50  }
0x135: {  	[sflag:s15] =	ssyncset.done $0x0  }
0x136: {  	[sflag:s15] =	ssyncadd.s32 $0xFFFFFFB0  }
0x137: {  	_ =	swait.ge [sflag:s30], $0x2800  }
0x138: {  	[sflag:s30] =	ssyncset.done $0x0  }
0x139: {  	[sflag:s30] =	ssyncadd.s32 $0xFFFFD800  }
0x13a: {  	[spmem:s2] =	stream.indirect.scatter.add.f32 [tilespmem:s25], [sflag:$0x4], $0x80, s31, s18, $0xb8;
	[tilespmem:$0x1FE00] =	vst v63  }
0x13b: {  	_ =	swait.ge [sflag:s15], $0x2800  }
0x13c: {  	[sflag:s15] =	ssyncset.done $0x0  }
0x13d: {  	[sflag:s15] =	ssyncadd.s32 $0xFFFFD800  }
0x13e: {  	[spmem:s4] =	stream.indirect.scatter.add.f32 [tilespmem:s16], [sflag:$0x4], $0x1, s31, s18, $0xb8;
	[tilespmem:$0x1FE00] =	vst v63  }
0x13f: {  	_ =	swait.ge [sflag:s15], $0x50  }
0x140: {  	[sflag:s15] =	ssyncset.done $0x0  }
0x141: {  	[sflag:s15] =	ssyncadd.s32 $0xFFFFFFB0  }
0x142: {  	[bflag:$0x0] =	sbarrier.arrive $0xFFFF  }
0x143: {  	[hbm:s11], [sflag:s9] =	dma.local [spmem:s14], $0x2800  }
0x144: {  	s1 =	sadd.s32 $0x1, s1;
	_ =	swait.ge [sflag:s15], $0x2800  }
0x145: {  	s0 =	simm.s32 $0x20;
	p0 =	sne.s32 s1, s13;
	[sflag:s15] =	ssyncset.done $0x0  }
.Ltmp1:
0x146: {  	s3 =	simm.s32 $0x10;
	[sflag:s15] =	ssyncadd.s32 $0xFFFFD800;
	(pc) =	sbr.rel @p0 .LBB2_1-.Ltmp1, $4  }
0x147: {  	[hbm:s12@s0], [sflag:s9] =	dma.strided [spmem:s17@s3], $0x50, s23, $0x10   }
0x148: {  	_ =	swait.ge [sflag:s15], $0x50  }
0x149: {  	[sflag:s15] =	ssyncset.done $0x0  }
0x14a: {  	[sflag:s15] =	ssyncadd.s32 $0xFFFFFFB0  }
0x14b: {  	_ =	sfence.sel $0x180000  }
0x14c: {  	[bflag:$0x0] =	sbarrier.arrive $0xFFFF  }
0x14d: {  	_ =	strace $0x90000047  }
0x14e: {  	s0 =	stileid.u32;
	[bflag:$0x2] =	sbarrier.arrive $0xFFFF  }
0x14f: {  	p0 =	sne.s32 s0, $0x0;
	s0 =	rddreg [dreg:$0x4]  }
0x150: {  	s0 =	sadd.s32 @!p0 $0x100000, s0  }
0x151: {  	[sflag:s0] =	ssyncadd.tile.s32 @!p0 $0x1;
	_ =	shalt  }
.Lfunc_end2:
_tile_overlayer_lowered:
.L_overlay_start_2:
0x152: {  	(tag) =	ssettag $0x2  }
0x153: {  	s0 =	rddreg [dreg:$0x0];
	s2 =	stileid.u32  }
0x154: {  	s1 =	rddreg [dreg:$0x1];
	p0 =	sne.s32 s2, $0x0  }
0x155: {  	s3 =	rddreg [dreg:$0x2];
	[bflag:$0x3] =	sbarrier.arrive $0xFFFF;
	s2 =	simm.s32 @!p0 $0x1C04  }
0x156: {  	[timem:s3], [sflag:s2] =	dma.local @!p0 [hbm:s0], s1  }
0x157: {  	s0 =	simm.s32 @!p0 $0x4  }
0x158: {  	_ =	swait.ge @!p0 [sflag:s0], s1  }
0x159: {  	s1 =	ssub.s32 @!p0 $0x0, s1;
	[sflag:s0] =	ssyncset.done @!p0 $0x0  }
0x15a: {  	[sflag:s0] =	ssyncadd.s32 @!p0 s1  }
0x15b: {  	[bflag:$0x3] =	sbarrier.arrive $0xFFFF  }
0x15c: {  	_ =	shalt  }

</sc_bundles>
